<compile_context>
chip_gen: v7x
topology: tpu7x:2x2x1
jax: 0.10.2.dev20260603
libtpu: 0.0.44.dev20260713+nightly
codegen_flags: <defaults>
</compile_context>

<pallas_src>
import functools

import jax
import jax.numpy as jnp
from jax import lax
from jax.experimental import pallas as pl
from jax.experimental.pallas import tpu as pltpu
from jax.experimental.pallas import tpu_sc as plsc

EMBEDDING_DIM = 64
PAD_DIM = 128
BATCH = 16384
HIST = 50
HIST_PAD = 56
NUM_EMB = 1000000
NUM_CORES = 2
NUM_SUBCORES = 16
NUM_WORKERS = NUM_CORES * NUM_SUBCORES
BLOCK = BATCH // NUM_WORKERS

VB = 384
V16 = VB // 16
NFULL = NUM_EMB // VB
BASE_TRIPS = NFULL // NUM_WORKERS
EXTRA = NFULL % NUM_WORKERS
TAIL_V0 = NFULL * VB
TAIL_W = NUM_EMB - TAIL_V0

_mesh = plsc.VectorSubcoreMesh(core_axis_name="c", subcore_axis_name="s")


@functools.partial(
    pl.kernel,
    mesh=_mesh,
    out_type=jax.ShapeDtypeStruct((NUM_EMB * EMBEDDING_DIM,), jnp.float32),
    scratch_types=[
        pltpu.VMEM((EMBEDDING_DIM, VB), jnp.float32),
        pltpu.VMEM((EMBEDDING_DIM, VB), jnp.float32),
        pltpu.VMEM((VB * EMBEDDING_DIM,), jnp.float32),
        pltpu.VMEM((VB * EMBEDDING_DIM,), jnp.float32),
        pltpu.SemaphoreType.DMA,
        pltpu.SemaphoreType.DMA,
        pltpu.SemaphoreType.DMA,
        pltpu.SemaphoreType.DMA,
    ],
    compiler_params=pltpu.CompilerParams(needs_layout_passes=False),
)
def _detile(src_hbm, tail_hbm, out_hbm, s0, s1, d0, d1, l0, l1, t0, t1):
    wid = lax.axis_index("s") * NUM_CORES + lax.axis_index("c")
    src = (s0, s1)
    dst = (d0, d1)
    lsem = (l0, l1)
    ssem = (t0, t1)
    trips = BASE_TRIPS + jnp.where(wid < EXTRA, 1, 0)
    start = BASE_TRIPS * wid + jnp.minimum(wid, EXTRA)
    iota = lax.iota(jnp.int32, 16)
    cpat = [jnp.where(iota < 16 - r, iota + r, iota + r - 16) for r in range(16)]
    dpat = [cpat[r] * EMBEDDING_DIM + iota for r in range(16)]

    def start_load(i, b):
        pltpu.async_copy(src_hbm.at[:, pl.ds((start + i) * VB, VB)], src[b], lsem[b])

    def wait_load(b):
        pltpu.make_async_copy(src_hbm.at[:, pl.ds(0, VB)], src[b], lsem[b]).wait()

    def start_store(i, b):
        pltpu.async_copy(
            dst[b], out_hbm.at[pl.ds((start + i) * (VB * EMBEDDING_DIM), VB * EMBEDDING_DIM)], ssem[b]
        )

    def wait_store(b):
        pltpu.make_async_copy(
            dst[b], out_hbm.at[pl.ds(0, VB * EMBEDDING_DIM)], ssem[b]
        ).wait()

    def transpose(b, ngroups):
        def tb(v16, carry):
            v0 = v16 * 16
            for d0 in range(0, EMBEDDING_DIM, 16):
                rowv = d0 + iota
                dbase = v0 * EMBEDDING_DIM + d0
                for r0 in range(0, 16, 4):
                    vals = [
                        plsc.load_gather(src[b], [rowv, v0 + cpat[r]])
                        for r in range(r0, r0 + 4)
                    ]
                    for j, r in enumerate(range(r0, r0 + 4)):
                        plsc.store_scatter(dst[b], [dpat[r] + dbase], vals[j])
            return carry

        lax.fori_loop(0, ngroups, tb, 0, unroll=False)

    start_load(0, 0)

    @pl.when(trips > 1)
    def _():
        start_load(1, 1)

    def body(i, carry):
        def do(b):
            wait_load(b)

            @pl.when(i >= 2)
            def _():
                wait_store(b)

            transpose(b, V16)
            start_store(i, b)

            @pl.when(i + 2 < trips)
            def _():
                start_load(i + 2, b)

        @pl.when(i % 2 == 0)
        def _():
            do(0)

        @pl.when(i % 2 == 1)
        def _():
            do(1)

        return carry

    lax.fori_loop(0, trips, body, 0, unroll=False)
    wait_store(0)

    @pl.when(trips > 1)
    def _():
        wait_store(1)

    @pl.when(wid == NUM_WORKERS - 1)
    def _():
        n = TAIL_W * EMBEDDING_DIM
        pltpu.sync_copy(tail_hbm, d0.at[pl.ds(0, n)])
        pltpu.sync_copy(
            d0.at[pl.ds(0, n)],
            out_hbm.at[pl.ds(TAIL_V0 * EMBEDDING_DIM, n)],
        )


@functools.partial(
    pl.kernel,
    mesh=_mesh,
    out_type=jax.ShapeDtypeStruct((BATCH, HIST_PAD, PAD_DIM), jnp.float32),
    scratch_types=[
        pltpu.VMEM((HIST, BLOCK), jnp.int32),
        pltpu.VMEM((BLOCK, EMBEDDING_DIM), jnp.float32),
        pltpu.VMEM((BLOCK, EMBEDDING_DIM), jnp.float32),
        pltpu.SemaphoreType.DMA,
        pltpu.SemaphoreType.DMA,
        pltpu.SemaphoreType.DMA,
        pltpu.SemaphoreType.DMA,
    ],
    compiler_params=pltpu.CompilerParams(use_tc_tiling_on_sc=False),
)
def _gather(idx_hbm, table_hbm, out_hbm, idx_v, rows0, rows1, g0, g1, s0, s1):
    wid = lax.axis_index("s") * NUM_CORES + lax.axis_index("c")
    b0 = wid * BLOCK
    rows = (rows0, rows1)
    gsem = (g0, g1)
    ssem = (s0, s1)

    pltpu.sync_copy(idx_hbm.at[:, pl.ds(b0, BLOCK)], idx_v)

    def start_gather(h, b):
        pltpu.async_copy(table_hbm.at[idx_v.at[h]], rows[b], gsem[b])

    def wait_gather(b):
        pltpu.make_async_copy(table_hbm.at[idx_v.at[0]], rows[b], gsem[b]).wait()

    def start_store(h, b):
        pltpu.async_copy(
            rows[b], out_hbm.at[pl.ds(b0, BLOCK), h, pl.ds(0, EMBEDDING_DIM)], ssem[b]
        )

    def wait_store(b):
        pltpu.make_async_copy(
            rows[b], out_hbm.at[pl.ds(b0, BLOCK), 0, pl.ds(0, EMBEDDING_DIM)], ssem[b]
        ).wait()

    start_gather(0, 0)
    start_gather(1, 1)

    def body(k, carry):
        wait_gather(0)
        start_store(k, 0)
        wait_store(0)
        start_gather(k + 2, 0)
        wait_gather(1)
        start_store(k + 1, 1)
        wait_store(1)
        start_gather(k + 3, 1)
        return carry

    lax.fori_loop(0, (HIST - 2) // 2, lambda i, c: body(2 * i, c), 0, unroll=False)

    wait_gather(0)
    start_store(HIST - 2, 0)
    wait_gather(1)
    start_store(HIST - 1, 1)
    wait_store(0)
    wait_store(1)


def kernel(token_ids, embeddings):
    tail_flat = embeddings[TAIL_V0:].reshape(TAIL_W * EMBEDDING_DIM)
    table_flat = _detile(embeddings.T, tail_flat)
    table = table_flat.reshape(NUM_EMB, EMBEDDING_DIM)
    out = _gather(token_ids.astype(jnp.int32).T, table)
    return out[:, :HIST, :EMBEDDING_DIM]

# --- scband reference (transcript-rebuilt; emitter-appended) ---
"""Pipeline reference for scband-embedding-37606733644105 (READ-ONLY COPY).

The authoritative reference and input builder live on the scoring server;
editing this copy changes nothing except your own understanding.
"""

import jax, jax.numpy as jnp
import numpy as np

NUM_EMBEDDINGS = 1000000
EMBEDDING_DIM = 64
BATCH = 16384
HIST = 50

def setup_inputs(seed: int = 0) -> dict:
    key = jax.random.key(seed)
    k_idx, k_tab = jax.random.split(key)
    token_ids = jax.random.randint(k_idx, (BATCH, HIST), 0, NUM_EMBEDDINGS, dtype=jnp.int64 if jax.config.jax_enable_x64 else jnp.int32)
    embeddings = jax.random.normal(k_tab, (NUM_EMBEDDINGS, EMBEDDING_DIM), dtype=jnp.float32)
    return {"token_ids": token_ids, "embeddings": embeddings}

def reference(token_ids, embeddings):
    # Faithful translation of: return self.embeddings[token_ids]
    return jnp.take(embeddings, token_ids, axis=0)

if __name__ == "__main__":
    import jax
    _d = setup_inputs()
    print(jax.jit(kernel)(*tuple(_d.values())))

</pallas_src>

<mosaic_0001>
#map = affine_map<(d0, d1) -> (0, 0)>
#map1 = affine_map<(d0, d1) -> (0)>
module attributes {stable_mosaic.version = 14 : i64} {
  func.func @_detile(%arg0: i32, %arg1: i32, %arg2: memref<64x1000000xf32, #tpu.memory_space<hbm>>, %arg3: memref<4096xf32, #tpu.memory_space<hbm>>, %arg4: memref<64000000xf32, #tpu.memory_space<hbm>>, %arg5: memref<64x384xf32, #tpu.memory_space<vmem>>, %arg6: memref<64x384xf32, #tpu.memory_space<vmem>>, %arg7: memref<24576xf32, #tpu.memory_space<vmem>>, %arg8: memref<24576xf32, #tpu.memory_space<vmem>>, %arg9: memref<!tpu.dma_semaphore, #tpu.memory_space<semaphore_mem>>, %arg10: memref<!tpu.dma_semaphore, #tpu.memory_space<semaphore_mem>>, %arg11: memref<!tpu.dma_semaphore, #tpu.memory_space<semaphore_mem>>, %arg12: memref<!tpu.dma_semaphore, #tpu.memory_space<semaphore_mem>>) attributes {dimension_semantics = [#tpu.dimension_semantics<core_parallel>, #tpu.dimension_semantics<subcore_parallel>], iteration_bounds = array<i64: 2, 16>, scalar_prefetch = 0 : i64, scratch_operands = 8 : i64, tpu.core_type = #tpu.core_type<sc_vector_subcore>, window_params = [{transform_indices = #map}, {transform_indices = #map1}, {transform_indices = #map1}]} {
    %mul3A = arith.constant 2 : i32
    %mul3A_0 = arith.muli %arg1, %mul3A : i32
    %add3A = arith.addi %mul3A_0, %arg0 : i32
    %lt3A = arith.constant 12 : i32
    %lt3A_1 = arith.cmpi slt, %add3A, %lt3A : i32
    %jit3A = arith.constant 1 : i32
    %jit3A_2 = arith.constant 0 : i32
    %select_n3A = arith.select %lt3A_1, %jit3A, %jit3A_2 : i32
    %add3A_3 = arith.constant 81 : i32
    %add3A_4 = arith.addi %add3A_3, %select_n3A : i32
    %mul3A_5 = arith.constant 81 : i32
    %mul3A_6 = arith.muli %mul3A_5, %add3A : i32
    %min3A = arith.constant 12 : i32
    %min3A_7 = arith.minsi %add3A, %min3A : i32
    %add3A_8 = arith.addi %mul3A_6, %min3A_7 : i32
    %iota3A = tpu.iota {dimensions = array<i32: 0>} : vector<16xi32>
    %lt3A_9 = arith.constant 16 : i32
    %lt3A_10 = vector.broadcast %lt3A_9 : i32 to vector<16xi32>
    %lt3A_11 = arith.cmpi slt, %iota3A, %lt3A_10 : vector<16xi32>
    %add3A_12 = arith.constant 0 : i32
    %add3A_13 = vector.broadcast %add3A_12 : i32 to vector<16xi32>
    %add3A_14 = arith.addi %iota3A, %add3A_13 : vector<16xi32>
    %add3A_15 = arith.constant 0 : i32
    %add3A_16 = vector.broadcast %add3A_15 : i32 to vector<16xi32>
    %add3A_17 = arith.addi %iota3A, %add3A_16 : vector<16xi32>
    %sub3A = arith.constant 16 : i32
    %sub3A_18 = vector.broadcast %sub3A : i32 to vector<16xi32>
    %sub3A_19 = arith.subi %add3A_17, %sub3A_18 : vector<16xi32>
    %select_n3A_20 = arith.select %lt3A_11, %add3A_14, %sub3A_19 : vector<16xi1>, vector<16xi32>
    %lt3A_21 = arith.constant 15 : i32
    %lt3A_22 = vector.broadcast %lt3A_21 : i32 to vector<16xi32>
    %lt3A_23 = arith.cmpi slt, %iota3A, %lt3A_22 : vector<16xi32>
    %add3A_24 = arith.constant 1 : i32
    %add3A_25 = vector.broadcast %add3A_24 : i32 to vector<16xi32>
    %add3A_26 = arith.addi %iota3A, %add3A_25 : vector<16xi32>
    %add3A_27 = arith.constant 1 : i32
    %add3A_28 = vector.broadcast %add3A_27 : i32 to vector<16xi32>
    %add3A_29 = arith.addi %iota3A, %add3A_28 : vector<16xi32>
    %sub3A_30 = arith.constant 16 : i32
    %sub3A_31 = vector.broadcast %sub3A_30 : i32 to vector<16xi32>
    %sub3A_32 = arith.subi %add3A_29, %sub3A_31 : vector<16xi32>
    %select_n3A_33 = arith.select %lt3A_23, %add3A_26, %sub3A_32 : vector<16xi1>, vector<16xi32>
    %lt3A_34 = arith.constant 14 : i32
    %lt3A_35 = vector.broadcast %lt3A_34 : i32 to vector<16xi32>
    %lt3A_36 = arith.cmpi slt, %iota3A, %lt3A_35 : vector<16xi32>
    %add3A_37 = arith.constant 2 : i32
    %add3A_38 = vector.broadcast %add3A_37 : i32 to vector<16xi32>
    %add3A_39 = arith.addi %iota3A, %add3A_38 : vector<16xi32>
    %add3A_40 = arith.constant 2 : i32
    %add3A_41 = vector.broadcast %add3A_40 : i32 to vector<16xi32>
    %add3A_42 = arith.addi %iota3A, %add3A_41 : vector<16xi32>
    %sub3A_43 = arith.constant 16 : i32
    %sub3A_44 = vector.broadcast %sub3A_43 : i32 to vector<16xi32>
    %sub3A_45 = arith.subi %add3A_42, %sub3A_44 : vector<16xi32>
    %select_n3A_46 = arith.select %lt3A_36, %add3A_39, %sub3A_45 : vector<16xi1>, vector<16xi32>
    %lt3A_47 = arith.constant 13 : i32
    %lt3A_48 = vector.broadcast %lt3A_47 : i32 to vector<16xi32>
    %lt3A_49 = arith.cmpi slt, %iota3A, %lt3A_48 : vector<16xi32>
    %add3A_50 = arith.constant 3 : i32
    %add3A_51 = vector.broadcast %add3A_50 : i32 to vector<16xi32>
    %add3A_52 = arith.addi %iota3A, %add3A_51 : vector<16xi32>
    %add3A_53 = arith.constant 3 : i32
    %add3A_54 = vector.broadcast %add3A_53 : i32 to vector<16xi32>
    %add3A_55 = arith.addi %iota3A, %add3A_54 : vector<16xi32>
    %sub3A_56 = arith.constant 16 : i32
    %sub3A_57 = vector.broadcast %sub3A_56 : i32 to vector<16xi32>
    %sub3A_58 = arith.subi %add3A_55, %sub3A_57 : vector<16xi32>
    %select_n3A_59 = arith.select %lt3A_49, %add3A_52, %sub3A_58 : vector<16xi1>, vector<16xi32>
    %lt3A_60 = arith.constant 12 : i32
    %lt3A_61 = vector.broadcast %lt3A_60 : i32 to vector<16xi32>
    %lt3A_62 = arith.cmpi slt, %iota3A, %lt3A_61 : vector<16xi32>
    %add3A_63 = arith.constant 4 : i32
    %add3A_64 = vector.broadcast %add3A_63 : i32 to vector<16xi32>
    %add3A_65 = arith.addi %iota3A, %add3A_64 : vector<16xi32>
    %add3A_66 = arith.constant 4 : i32
    %add3A_67 = vector.broadcast %add3A_66 : i32 to vector<16xi32>
    %add3A_68 = arith.addi %iota3A, %add3A_67 : vector<16xi32>
    %sub3A_69 = arith.constant 16 : i32
    %sub3A_70 = vector.broadcast %sub3A_69 : i32 to vector<16xi32>
    %sub3A_71 = arith.subi %add3A_68, %sub3A_70 : vector<16xi32>
    %select_n3A_72 = arith.select %lt3A_62, %add3A_65, %sub3A_71 : vector<16xi1>, vector<16xi32>
    %lt3A_73 = arith.constant 11 : i32
    %lt3A_74 = vector.broadcast %lt3A_73 : i32 to vector<16xi32>
    %lt3A_75 = arith.cmpi slt, %iota3A, %lt3A_74 : vector<16xi32>
    %add3A_76 = arith.constant 5 : i32
    %add3A_77 = vector.broadcast %add3A_76 : i32 to vector<16xi32>
    %add3A_78 = arith.addi %iota3A, %add3A_77 : vector<16xi32>
    %add3A_79 = arith.constant 5 : i32
    %add3A_80 = vector.broadcast %add3A_79 : i32 to vector<16xi32>
    %add3A_81 = arith.addi %iota3A, %add3A_80 : vector<16xi32>
    %sub3A_82 = arith.constant 16 : i32
    %sub3A_83 = vector.broadcast %sub3A_82 : i32 to vector<16xi32>
    %sub3A_84 = arith.subi %add3A_81, %sub3A_83 : vector<16xi32>
    %select_n3A_85 = arith.select %lt3A_75, %add3A_78, %sub3A_84 : vector<16xi1>, vector<16xi32>
    %lt3A_86 = arith.constant 10 : i32
    %lt3A_87 = vector.broadcast %lt3A_86 : i32 to vector<16xi32>
    %lt3A_88 = arith.cmpi slt, %iota3A, %lt3A_87 : vector<16xi32>
    %add3A_89 = arith.constant 6 : i32
    %add3A_90 = vector.broadcast %add3A_89 : i32 to vector<16xi32>
    %add3A_91 = arith.addi %iota3A, %add3A_90 : vector<16xi32>
    %add3A_92 = arith.constant 6 : i32
    %add3A_93 = vector.broadcast %add3A_92 : i32 to vector<16xi32>
    %add3A_94 = arith.addi %iota3A, %add3A_93 : vector<16xi32>
    %sub3A_95 = arith.constant 16 : i32
    %sub3A_96 = vector.broadcast %sub3A_95 : i32 to vector<16xi32>
    %sub3A_97 = arith.subi %add3A_94, %sub3A_96 : vector<16xi32>
    %select_n3A_98 = arith.select %lt3A_88, %add3A_91, %sub3A_97 : vector<16xi1>, vector<16xi32>
    %lt3A_99 = arith.constant 9 : i32
    %lt3A_100 = vector.broadcast %lt3A_99 : i32 to vector<16xi32>
    %lt3A_101 = arith.cmpi slt, %iota3A, %lt3A_100 : vector<16xi32>
    %add3A_102 = arith.constant 7 : i32
    %add3A_103 = vector.broadcast %add3A_102 : i32 to vector<16xi32>
    %add3A_104 = arith.addi %iota3A, %add3A_103 : vector<16xi32>
    %add3A_105 = arith.constant 7 : i32
    %add3A_106 = vector.broadcast %add3A_105 : i32 to vector<16xi32>
    %add3A_107 = arith.addi %iota3A, %add3A_106 : vector<16xi32>
    %sub3A_108 = arith.constant 16 : i32
    %sub3A_109 = vector.broadcast %sub3A_108 : i32 to vector<16xi32>
    %sub3A_110 = arith.subi %add3A_107, %sub3A_109 : vector<16xi32>
    %select_n3A_111 = arith.select %lt3A_101, %add3A_104, %sub3A_110 : vector<16xi1>, vector<16xi32>
    %lt3A_112 = arith.constant 8 : i32
    %lt3A_113 = vector.broadcast %lt3A_112 : i32 to vector<16xi32>
    %lt3A_114 = arith.cmpi slt, %iota3A, %lt3A_113 : vector<16xi32>
    %add3A_115 = arith.constant 8 : i32
    %add3A_116 = vector.broadcast %add3A_115 : i32 to vector<16xi32>
    %add3A_117 = arith.addi %iota3A, %add3A_116 : vector<16xi32>
    %add3A_118 = arith.constant 8 : i32
    %add3A_119 = vector.broadcast %add3A_118 : i32 to vector<16xi32>
    %add3A_120 = arith.addi %iota3A, %add3A_119 : vector<16xi32>
    %sub3A_121 = arith.constant 16 : i32
    %sub3A_122 = vector.broadcast %sub3A_121 : i32 to vector<16xi32>
    %sub3A_123 = arith.subi %add3A_120, %sub3A_122 : vector<16xi32>
    %select_n3A_124 = arith.select %lt3A_114, %add3A_117, %sub3A_123 : vector<16xi1>, vector<16xi32>
    %lt3A_125 = arith.constant 7 : i32
    %lt3A_126 = vector.broadcast %lt3A_125 : i32 to vector<16xi32>
    %lt3A_127 = arith.cmpi slt, %iota3A, %lt3A_126 : vector<16xi32>
    %add3A_128 = arith.constant 9 : i32
    %add3A_129 = vector.broadcast %add3A_128 : i32 to vector<16xi32>
    %add3A_130 = arith.addi %iota3A, %add3A_129 : vector<16xi32>
    %add3A_131 = arith.constant 9 : i32
    %add3A_132 = vector.broadcast %add3A_131 : i32 to vector<16xi32>
    %add3A_133 = arith.addi %iota3A, %add3A_132 : vector<16xi32>
    %sub3A_134 = arith.constant 16 : i32
    %sub3A_135 = vector.broadcast %sub3A_134 : i32 to vector<16xi32>
    %sub3A_136 = arith.subi %add3A_133, %sub3A_135 : vector<16xi32>
    %select_n3A_137 = arith.select %lt3A_127, %add3A_130, %sub3A_136 : vector<16xi1>, vector<16xi32>
    %lt3A_138 = arith.constant 6 : i32
    %lt3A_139 = vector.broadcast %lt3A_138 : i32 to vector<16xi32>
    %lt3A_140 = arith.cmpi slt, %iota3A, %lt3A_139 : vector<16xi32>
    %add3A_141 = arith.constant 10 : i32
    %add3A_142 = vector.broadcast %add3A_141 : i32 to vector<16xi32>
    %add3A_143 = arith.addi %iota3A, %add3A_142 : vector<16xi32>
    %add3A_144 = arith.constant 10 : i32
    %add3A_145 = vector.broadcast %add3A_144 : i32 to vector<16xi32>
    %add3A_146 = arith.addi %iota3A, %add3A_145 : vector<16xi32>
    %sub3A_147 = arith.constant 16 : i32
    %sub3A_148 = vector.broadcast %sub3A_147 : i32 to vector<16xi32>
    %sub3A_149 = arith.subi %add3A_146, %sub3A_148 : vector<16xi32>
    %select_n3A_150 = arith.select %lt3A_140, %add3A_143, %sub3A_149 : vector<16xi1>, vector<16xi32>
    %lt3A_151 = arith.constant 5 : i32
    %lt3A_152 = vector.broadcast %lt3A_151 : i32 to vector<16xi32>
    %lt3A_153 = arith.cmpi slt, %iota3A, %lt3A_152 : vector<16xi32>
    %add3A_154 = arith.constant 11 : i32
    %add3A_155 = vector.broadcast %add3A_154 : i32 to vector<16xi32>
    %add3A_156 = arith.addi %iota3A, %add3A_155 : vector<16xi32>
    %add3A_157 = arith.constant 11 : i32
    %add3A_158 = vector.broadcast %add3A_157 : i32 to vector<16xi32>
    %add3A_159 = arith.addi %iota3A, %add3A_158 : vector<16xi32>
    %sub3A_160 = arith.constant 16 : i32
    %sub3A_161 = vector.broadcast %sub3A_160 : i32 to vector<16xi32>
    %sub3A_162 = arith.subi %add3A_159, %sub3A_161 : vector<16xi32>
    %select_n3A_163 = arith.select %lt3A_153, %add3A_156, %sub3A_162 : vector<16xi1>, vector<16xi32>
    %lt3A_164 = arith.constant 4 : i32
    %lt3A_165 = vector.broadcast %lt3A_164 : i32 to vector<16xi32>
    %lt3A_166 = arith.cmpi slt, %iota3A, %lt3A_165 : vector<16xi32>
    %add3A_167 = arith.constant 12 : i32
    %add3A_168 = vector.broadcast %add3A_167 : i32 to vector<16xi32>
    %add3A_169 = arith.addi %iota3A, %add3A_168 : vector<16xi32>
    %add3A_170 = arith.constant 12 : i32
    %add3A_171 = vector.broadcast %add3A_170 : i32 to vector<16xi32>
    %add3A_172 = arith.addi %iota3A, %add3A_171 : vector<16xi32>
    %sub3A_173 = arith.constant 16 : i32
    %sub3A_174 = vector.broadcast %sub3A_173 : i32 to vector<16xi32>
    %sub3A_175 = arith.subi %add3A_172, %sub3A_174 : vector<16xi32>
    %select_n3A_176 = arith.select %lt3A_166, %add3A_169, %sub3A_175 : vector<16xi1>, vector<16xi32>
    %lt3A_177 = arith.constant 3 : i32
    %lt3A_178 = vector.broadcast %lt3A_177 : i32 to vector<16xi32>
    %lt3A_179 = arith.cmpi slt, %iota3A, %lt3A_178 : vector<16xi32>
    %add3A_180 = arith.constant 13 : i32
    %add3A_181 = vector.broadcast %add3A_180 : i32 to vector<16xi32>
    %add3A_182 = arith.addi %iota3A, %add3A_181 : vector<16xi32>
    %add3A_183 = arith.constant 13 : i32
    %add3A_184 = vector.broadcast %add3A_183 : i32 to vector<16xi32>
    %add3A_185 = arith.addi %iota3A, %add3A_184 : vector<16xi32>
    %sub3A_186 = arith.constant 16 : i32
    %sub3A_187 = vector.broadcast %sub3A_186 : i32 to vector<16xi32>
    %sub3A_188 = arith.subi %add3A_185, %sub3A_187 : vector<16xi32>
    %select_n3A_189 = arith.select %lt3A_179, %add3A_182, %sub3A_188 : vector<16xi1>, vector<16xi32>
    %lt3A_190 = arith.constant 2 : i32
    %lt3A_191 = vector.broadcast %lt3A_190 : i32 to vector<16xi32>
    %lt3A_192 = arith.cmpi slt, %iota3A, %lt3A_191 : vector<16xi32>
    %add3A_193 = arith.constant 14 : i32
    %add3A_194 = vector.broadcast %add3A_193 : i32 to vector<16xi32>
    %add3A_195 = arith.addi %iota3A, %add3A_194 : vector<16xi32>
    %add3A_196 = arith.constant 14 : i32
    %add3A_197 = vector.broadcast %add3A_196 : i32 to vector<16xi32>
    %add3A_198 = arith.addi %iota3A, %add3A_197 : vector<16xi32>
    %sub3A_199 = arith.constant 16 : i32
    %sub3A_200 = vector.broadcast %sub3A_199 : i32 to vector<16xi32>
    %sub3A_201 = arith.subi %add3A_198, %sub3A_200 : vector<16xi32>
    %select_n3A_202 = arith.select %lt3A_192, %add3A_195, %sub3A_201 : vector<16xi1>, vector<16xi32>
    %lt3A_203 = arith.constant 1 : i32
    %lt3A_204 = vector.broadcast %lt3A_203 : i32 to vector<16xi32>
    %lt3A_205 = arith.cmpi slt, %iota3A, %lt3A_204 : vector<16xi32>
    %add3A_206 = arith.constant 15 : i32
    %add3A_207 = vector.broadcast %add3A_206 : i32 to vector<16xi32>
    %add3A_208 = arith.addi %iota3A, %add3A_207 : vector<16xi32>
    %add3A_209 = arith.constant 15 : i32
    %add3A_210 = vector.broadcast %add3A_209 : i32 to vector<16xi32>
    %add3A_211 = arith.addi %iota3A, %add3A_210 : vector<16xi32>
    %sub3A_212 = arith.constant 16 : i32
    %sub3A_213 = vector.broadcast %sub3A_212 : i32 to vector<16xi32>
    %sub3A_214 = arith.subi %add3A_211, %sub3A_213 : vector<16xi32>
    %select_n3A_215 = arith.select %lt3A_205, %add3A_208, %sub3A_214 : vector<16xi1>, vector<16xi32>
    %mul3A_216 = arith.constant 64 : i32
    %mul3A_217 = vector.broadcast %mul3A_216 : i32 to vector<16xi32>
    %mul3A_218 = arith.muli %select_n3A_20, %mul3A_217 : vector<16xi32>
    %add3A_219 = arith.addi %mul3A_218, %iota3A : vector<16xi32>
    %mul3A_220 = arith.constant 64 : i32
    %mul3A_221 = vector.broadcast %mul3A_220 : i32 to vector<16xi32>
    %mul3A_222 = arith.muli %select_n3A_33, %mul3A_221 : vector<16xi32>
    %add3A_223 = arith.addi %mul3A_222, %iota3A : vector<16xi32>
    %mul3A_224 = arith.constant 64 : i32
    %mul3A_225 = vector.broadcast %mul3A_224 : i32 to vector<16xi32>
    %mul3A_226 = arith.muli %select_n3A_46, %mul3A_225 : vector<16xi32>
    %add3A_227 = arith.addi %mul3A_226, %iota3A : vector<16xi32>
    %mul3A_228 = arith.constant 64 : i32
    %mul3A_229 = vector.broadcast %mul3A_228 : i32 to vector<16xi32>
    %mul3A_230 = arith.muli %select_n3A_59, %mul3A_229 : vector<16xi32>
    %add3A_231 = arith.addi %mul3A_230, %iota3A : vector<16xi32>
    %mul3A_232 = arith.constant 64 : i32
    %mul3A_233 = vector.broadcast %mul3A_232 : i32 to vector<16xi32>
    %mul3A_234 = arith.muli %select_n3A_72, %mul3A_233 : vector<16xi32>
    %add3A_235 = arith.addi %mul3A_234, %iota3A : vector<16xi32>
    %mul3A_236 = arith.constant 64 : i32
    %mul3A_237 = vector.broadcast %mul3A_236 : i32 to vector<16xi32>
    %mul3A_238 = arith.muli %select_n3A_85, %mul3A_237 : vector<16xi32>
    %add3A_239 = arith.addi %mul3A_238, %iota3A : vector<16xi32>
    %mul3A_240 = arith.constant 64 : i32
    %mul3A_241 = vector.broadcast %mul3A_240 : i32 to vector<16xi32>
    %mul3A_242 = arith.muli %select_n3A_98, %mul3A_241 : vector<16xi32>
    %add3A_243 = arith.addi %mul3A_242, %iota3A : vector<16xi32>
    %mul3A_244 = arith.constant 64 : i32
    %mul3A_245 = vector.broadcast %mul3A_244 : i32 to vector<16xi32>
    %mul3A_246 = arith.muli %select_n3A_111, %mul3A_245 : vector<16xi32>
    %add3A_247 = arith.addi %mul3A_246, %iota3A : vector<16xi32>
    %mul3A_248 = arith.constant 64 : i32
    %mul3A_249 = vector.broadcast %mul3A_248 : i32 to vector<16xi32>
    %mul3A_250 = arith.muli %select_n3A_124, %mul3A_249 : vector<16xi32>
    %add3A_251 = arith.addi %mul3A_250, %iota3A : vector<16xi32>
    %mul3A_252 = arith.constant 64 : i32
    %mul3A_253 = vector.broadcast %mul3A_252 : i32 to vector<16xi32>
    %mul3A_254 = arith.muli %select_n3A_137, %mul3A_253 : vector<16xi32>
    %add3A_255 = arith.addi %mul3A_254, %iota3A : vector<16xi32>
    %mul3A_256 = arith.constant 64 : i32
    %mul3A_257 = vector.broadcast %mul3A_256 : i32 to vector<16xi32>
    %mul3A_258 = arith.muli %select_n3A_150, %mul3A_257 : vector<16xi32>
    %add3A_259 = arith.addi %mul3A_258, %iota3A : vector<16xi32>
    %mul3A_260 = arith.constant 64 : i32
    %mul3A_261 = vector.broadcast %mul3A_260 : i32 to vector<16xi32>
    %mul3A_262 = arith.muli %select_n3A_163, %mul3A_261 : vector<16xi32>
    %add3A_263 = arith.addi %mul3A_262, %iota3A : vector<16xi32>
    %mul3A_264 = arith.constant 64 : i32
    %mul3A_265 = vector.broadcast %mul3A_264 : i32 to vector<16xi32>
    %mul3A_266 = arith.muli %select_n3A_176, %mul3A_265 : vector<16xi32>
    %add3A_267 = arith.addi %mul3A_266, %iota3A : vector<16xi32>
    %mul3A_268 = arith.constant 64 : i32
    %mul3A_269 = vector.broadcast %mul3A_268 : i32 to vector<16xi32>
    %mul3A_270 = arith.muli %select_n3A_189, %mul3A_269 : vector<16xi32>
    %add3A_271 = arith.addi %mul3A_270, %iota3A : vector<16xi32>
    %mul3A_272 = arith.constant 64 : i32
    %mul3A_273 = vector.broadcast %mul3A_272 : i32 to vector<16xi32>
    %mul3A_274 = arith.muli %select_n3A_202, %mul3A_273 : vector<16xi32>
    %add3A_275 = arith.addi %mul3A_274, %iota3A : vector<16xi32>
    %mul3A_276 = arith.constant 64 : i32
    %mul3A_277 = vector.broadcast %mul3A_276 : i32 to vector<16xi32>
    %mul3A_278 = arith.muli %select_n3A_215, %mul3A_277 : vector<16xi32>
    %add3A_279 = arith.addi %mul3A_278, %iota3A : vector<16xi32>
    %add3A_280 = arith.constant 0 : i32
    %add3A_281 = arith.addi %add3A_8, %add3A_280 : i32
    %mul3A_282 = arith.constant 384 : i32
    %mul3A_283 = arith.muli %add3A_281, %mul3A_282 : i32
    %dma_start3A = arith.constant 0 : i32
    %dma_start3A_284 = tpu.memref_slice %arg2[%dma_start3A, %mul3A_283] : memref<64x1000000xf32, #tpu.memory_space<hbm>> -> memref<64x384xf32, #tpu.memory_space<hbm>>
    %dma_start3A_285 = arith.constant 0 : i32
    %dma_start3A_286 = tpu.memref_slice %arg2[%dma_start3A_285, %mul3A_283] : memref<64x1000000xf32, #tpu.memory_space<hbm>> -> memref<64x384xf32, #tpu.memory_space<hbm>>
    tpu.enqueue_dma source(%dma_start3A_286 : memref<64x384xf32, #tpu.memory_space<hbm>>) target(%arg5 : memref<64x384xf32, #tpu.memory_space<vmem>>) target_semaphore(%arg9 : memref<!tpu.dma_semaphore, #tpu.memory_space<semaphore_mem>>)
    %gt3A = arith.constant 1 : i32
    %gt3A_287 = arith.cmpi sgt, %add3A_4, %gt3A : i32
    %convert_element_type3A = arith.extui %gt3A_287 : i1 to i32
    %cond3A = arith.constant 0 : i32
    %cond3A_288 = arith.cmpi ne, %convert_element_type3A, %cond3A : i32
    scf.if %cond3A_288 {
      %add3A_310 = arith.constant 1 : i32
      %add3A_311 = arith.addi %add3A_8, %add3A_310 : i32
      %mul3A_312 = arith.constant 384 : i32
      %mul3A_313 = arith.muli %add3A_311, %mul3A_312 : i32
      %dma_start3A_314 = arith.constant 0 : i32
      %dma_start3A_315 = tpu.memref_slice %arg2[%dma_start3A_314, %mul3A_313] : memref<64x1000000xf32, #tpu.memory_space<hbm>> -> memref<64x384xf32, #tpu.memory_space<hbm>>
      %dma_start3A_316 = arith.constant 0 : i32
      %dma_start3A_317 = tpu.memref_slice %arg2[%dma_start3A_316, %mul3A_313] : memref<64x1000000xf32, #tpu.memory_space<hbm>> -> memref<64x384xf32, #tpu.memory_space<hbm>>
      tpu.enqueue_dma source(%dma_start3A_317 : memref<64x384xf32, #tpu.memory_space<hbm>>) target(%arg6 : memref<64x384xf32, #tpu.memory_space<vmem>>) target_semaphore(%arg10 : memref<!tpu.dma_semaphore, #tpu.memory_space<semaphore_mem>>)
    } else {
    }
    %while3A = arith.constant 0 : i32
    %while3A_289 = arith.constant 0 : i32
    %while3A_290 = arith.subi %add3A_4, %while3A_289 : i32
    %while3A_291 = arith.addi %while3A_289, %while3A_290 : i32
    %while3A_292 = arith.constant 1 : i32
    %while3A_293 = arith.divsi %while3A_290, %while3A_292 : i32
    %while3A_294 = arith.muli %while3A_293, %while3A_292 : i32
    %while3A_295 = arith.addi %while3A_289, %while3A_294 : i32
    %while3A_296 = arith.constant 1 : i32
    scf.for %while3A_310 = %while3A_289 to %while3A_295 step %while3A_296  : i32 {
      %jit3A_311 = arith.constant 2 : i32
      %eq3A_312 = arith.constant 0 : i32
      %eq3A_313 = arith.cmpi eq, %jit3A_311, %eq3A_312 : i32
      %jit3A_314 = arith.constant 1 : i32
      %select_n3A_315 = arith.select %eq3A_313, %jit3A_314, %jit3A_311 : i32
      %rem3A = arith.remsi %while3A_310, %select_n3A_315 : i32
      %ne3A = arith.constant 0 : i32
      %ne3A_316 = arith.cmpi ne, %rem3A, %ne3A : i32
      %lt3A_317 = arith.constant 0 : i32
      %lt3A_318 = arith.cmpi slt, %rem3A, %lt3A_317 : i32
      %lt3A_319 = arith.constant 0 : i32
      %lt3A_320 = arith.cmpi slt, %select_n3A_315, %lt3A_319 : i32
      %ne3A_321 = arith.xori %lt3A_318, %lt3A_320 : i1
      %and3A = arith.andi %ne3A_321, %ne3A_316 : i1
      %add3A_322 = arith.addi %rem3A, %select_n3A_315 : i32
      %select_n3A_323 = arith.select %and3A, %add3A_322, %rem3A : i32
      %eq3A_324 = arith.constant 0 : i32
      %eq3A_325 = arith.cmpi eq, %select_n3A_323, %eq3A_324 : i32
      %convert_element_type3A_326 = arith.extui %eq3A_325 : i1 to i32
      %cond3A_327 = arith.constant 0 : i32
      %cond3A_328 = arith.cmpi ne, %convert_element_type3A_326, %cond3A_327 : i32
      scf.if %cond3A_328 {
        %dma_wait3A_350 = arith.constant 0 : i32
        %dma_wait3A_351 = arith.constant 0 : i32
        %dma_wait3A_352 = tpu.memref_slice %arg2[%dma_wait3A_350, %dma_wait3A_351] : memref<64x1000000xf32, #tpu.memory_space<hbm>> -> memref<64x384xf32, #tpu.memory_space<hbm>>
        %dma_wait3A_353 = arith.constant 0 : i32
        %dma_wait3A_354 = arith.constant 0 : i32
        %dma_wait3A_355 = tpu.memref_slice %arg2[%dma_wait3A_353, %dma_wait3A_354] : memref<64x1000000xf32, #tpu.memory_space<hbm>> -> memref<64x384xf32, #tpu.memory_space<hbm>>
        tpu.wait_dma2 semaphore(%arg9 : memref<!tpu.dma_semaphore, #tpu.memory_space<semaphore_mem>>) src(%dma_wait3A_355 : memref<64x384xf32, #tpu.memory_space<hbm>>) dst(%arg5 : memref<64x384xf32, #tpu.memory_space<vmem>>)
        %ge3A = arith.constant 2 : i32
        %ge3A_356 = arith.cmpi sge, %while3A_310, %ge3A : i32
        %convert_element_type3A_357 = arith.extui %ge3A_356 : i1 to i32
        %cond3A_358 = arith.constant 0 : i32
        %cond3A_359 = arith.cmpi ne, %convert_element_type3A_357, %cond3A_358 : i32
        scf.if %cond3A_359 {
          %dma_wait3A_376 = arith.constant 0 : i32
          %dma_wait3A_377 = tpu.memref_slice %arg4[%dma_wait3A_376] : memref<64000000xf32, #tpu.memory_space<hbm>> -> memref<24576xf32, #tpu.memory_space<hbm>>
          %dma_wait3A_378 = arith.constant 0 : i32
          %dma_wait3A_379 = tpu.memref_slice %arg4[%dma_wait3A_378] : memref<64000000xf32, #tpu.memory_space<hbm>> -> memref<24576xf32, #tpu.memory_space<hbm>>
          tpu.wait_dma2 semaphore(%arg11 : memref<!tpu.dma_semaphore, #tpu.memory_space<semaphore_mem>>) src(%arg7 : memref<24576xf32, #tpu.memory_space<vmem>>) dst(%dma_wait3A_379 : memref<24576xf32, #tpu.memory_space<hbm>>)
        } else {
        }
        %scan3A = arith.constant 0 : i32
        %scan3A_360 = arith.constant 0 : i32
        %scan3A_361 = arith.constant 24 : i32
        %scan3A_362 = arith.addi %scan3A_360, %scan3A_361 : i32
        %scan3A_363 = arith.constant 1 : i32
        scf.for %scan3A_376 = %scan3A_360 to %scan3A_362 step %scan3A_363  : i32 {
          %mul3A_377 = arith.constant 16 : i32
          %mul3A_378 = arith.muli %scan3A_376, %mul3A_377 : i32
          %add3A_379 = arith.constant 0 : i32
          %add3A_380 = vector.broadcast %add3A_379 : i32 to vector<16xi32>
          %add3A_381 = arith.addi %add3A_380, %iota3A : vector<16xi32>
          %mul3A_382 = arith.constant 64 : i32
          %mul3A_383 = arith.muli %mul3A_378, %mul3A_382 : i32
          %add3A_384 = arith.constant 0 : i32
          %add3A_385 = arith.addi %mul3A_383, %add3A_384 : i32
          %add3A_386 = vector.broadcast %mul3A_378 : i32 to vector<16xi32>
          %add3A_387 = arith.addi %add3A_386, %select_n3A_20 : vector<16xi32>
          %gather3A = tpu.vector_load_idx %arg5[%add3A_381, %add3A_387] : memref<64x384xf32, #tpu.memory_space<vmem>>[vector<16xi32>, vector<16xi32>], vector<16xf32>,
          %add3A_388 = vector.broadcast %mul3A_378 : i32 to vector<16xi32>
          %add3A_389 = arith.addi %add3A_388, %select_n3A_33 : vector<16xi32>
          %gather3A_390 = tpu.vector_load_idx %arg5[%add3A_381, %add3A_389] : memref<64x384xf32, #tpu.memory_space<vmem>>[vector<16xi32>, vector<16xi32>], vector<16xf32>,
          %add3A_391 = vector.broadcast %mul3A_378 : i32 to vector<16xi32>
          %add3A_392 = arith.addi %add3A_391, %select_n3A_46 : vector<16xi32>
          %gather3A_393 = tpu.vector_load_idx %arg5[%add3A_381, %add3A_392] : memref<64x384xf32, #tpu.memory_space<vmem>>[vector<16xi32>, vector<16xi32>], vector<16xf32>,
          %add3A_394 = vector.broadcast %mul3A_378 : i32 to vector<16xi32>
          %add3A_395 = arith.addi %add3A_394, %select_n3A_59 : vector<16xi32>
          %gather3A_396 = tpu.vector_load_idx %arg5[%add3A_381, %add3A_395] : memref<64x384xf32, #tpu.memory_space<vmem>>[vector<16xi32>, vector<16xi32>], vector<16xf32>,
          %add3A_397 = vector.broadcast %add3A_385 : i32 to vector<16xi32>
          %add3A_398 = arith.addi %add3A_219, %add3A_397 : vector<16xi32>
          tpu.vector_store_idx %arg7[%add3A_398], %gather3A : memref<24576xf32, #tpu.memory_space<vmem>>[vector<16xi32>], vector<16xf32>,
          %add3A_399 = vector.broadcast %add3A_385 : i32 to vector<16xi32>
          %add3A_400 = arith.addi %add3A_223, %add3A_399 : vector<16xi32>
          tpu.vector_store_idx %arg7[%add3A_400], %gather3A_390 : memref<24576xf32, #tpu.memory_space<vmem>>[vector<16xi32>], vector<16xf32>,
          %add3A_401 = vector.broadcast %add3A_385 : i32 to vector<16xi32>
          %add3A_402 = arith.addi %add3A_227, %add3A_401 : vector<16xi32>
          tpu.vector_store_idx %arg7[%add3A_402], %gather3A_393 : memref<24576xf32, #tpu.memory_space<vmem>>[vector<16xi32>], vector<16xf32>,
          %add3A_403 = vector.broadcast %add3A_385 : i32 to vector<16xi32>
          %add3A_404 = arith.addi %add3A_231, %add3A_403 : vector<16xi32>
          tpu.vector_store_idx %arg7[%add3A_404], %gather3A_396 : memref<24576xf32, #tpu.memory_space<vmem>>[vector<16xi32>], vector<16xf32>,
          %add3A_405 = vector.broadcast %mul3A_378 : i32 to vector<16xi32>
          %add3A_406 = arith.addi %add3A_405, %select_n3A_72 : vector<16xi32>
          %gather3A_407 = tpu.vector_load_idx %arg5[%add3A_381, %add3A_406] : memref<64x384xf32, #tpu.memory_space<vmem>>[vector<16xi32>, vector<16xi32>], vector<16xf32>,
          %add3A_408 = vector.broadcast %mul3A_378 : i32 to vector<16xi32>
          %add3A_409 = arith.addi %add3A_408, %select_n3A_85 : vector<16xi32>
          %gather3A_410 = tpu.vector_load_idx %arg5[%add3A_381, %add3A_409] : memref<64x384xf32, #tpu.memory_space<vmem>>[vector<16xi32>, vector<16xi32>], vector<16xf32>,
          %add3A_411 = vector.broadcast %mul3A_378 : i32 to vector<16xi32>
          %add3A_412 = arith.addi %add3A_411, %select_n3A_98 : vector<16xi32>
          %gather3A_413 = tpu.vector_load_idx %arg5[%add3A_381, %add3A_412] : memref<64x384xf32, #tpu.memory_space<vmem>>[vector<16xi32>, vector<16xi32>], vector<16xf32>,
          %add3A_414 = vector.broadcast %mul3A_378 : i32 to vector<16xi32>
          %add3A_415 = arith.addi %add3A_414, %select_n3A_111 : vector<16xi32>
          %gather3A_416 = tpu.vector_load_idx %arg5[%add3A_381, %add3A_415] : memref<64x384xf32, #tpu.memory_space<vmem>>[vector<16xi32>, vector<16xi32>], vector<16xf32>,
          %add3A_417 = vector.broadcast %add3A_385 : i32 to vector<16xi32>
          %add3A_418 = arith.addi %add3A_235, %add3A_417 : vector<16xi32>
          tpu.vector_store_idx %arg7[%add3A_418], %gather3A_407 : memref<24576xf32, #tpu.memory_space<vmem>>[vector<16xi32>], vector<16xf32>,
          %add3A_419 = vector.broadcast %add3A_385 : i32 to vector<16xi32>
          %add3A_420 = arith.addi %add3A_239, %add3A_419 : vector<16xi32>
          tpu.vector_store_idx %arg7[%add3A_420], %gather3A_410 : memref<24576xf32, #tpu.memory_space<vmem>>[vector<16xi32>], vector<16xf32>,
          %add3A_421 = vector.broadcast %add3A_385 : i32 to vector<16xi32>
          %add3A_422 = arith.addi %add3A_243, %add3A_421 : vector<16xi32>
          tpu.vector_store_idx %arg7[%add3A_422], %gather3A_413 : memref<24576xf32, #tpu.memory_space<vmem>>[vector<16xi32>], vector<16xf32>,
          %add3A_423 = vector.broadcast %add3A_385 : i32 to vector<16xi32>
          %add3A_424 = arith.addi %add3A_247, %add3A_423 : vector<16xi32>
          tpu.vector_store_idx %arg7[%add3A_424], %gather3A_416 : memref<24576xf32, #tpu.memory_space<vmem>>[vector<16xi32>], vector<16xf32>,
          %add3A_425 = vector.broadcast %mul3A_378 : i32 to vector<16xi32>
          %add3A_426 = arith.addi %add3A_425, %select_n3A_124 : vector<16xi32>
          %gather3A_427 = tpu.vector_load_idx %arg5[%add3A_381, %add3A_426] : memref<64x384xf32, #tpu.memory_space<vmem>>[vector<16xi32>, vector<16xi32>], vector<16xf32>,
          %add3A_428 = vector.broadcast %mul3A_378 : i32 to vector<16xi32>
          %add3A_429 = arith.addi %add3A_428, %select_n3A_137 : vector<16xi32>
          %gather3A_430 = tpu.vector_load_idx %arg5[%add3A_381, %add3A_429] : memref<64x384xf32, #tpu.memory_space<vmem>>[vector<16xi32>, vector<16xi32>], vector<16xf32>,
          %add3A_431 = vector.broadcast %mul3A_378 : i32 to vector<16xi32>
          %add3A_432 = arith.addi %add3A_431, %select_n3A_150 : vector<16xi32>
          %gather3A_433 = tpu.vector_load_idx %arg5[%add3A_381, %add3A_432] : memref<64x384xf32, #tpu.memory_space<vmem>>[vector<16xi32>, vector<16xi32>], vector<16xf32>,
          %add3A_434 = vector.broadcast %mul3A_378 : i32 to vector<16xi32>
          %add3A_435 = arith.addi %add3A_434, %select_n3A_163 : vector<16xi32>
          %gather3A_436 = tpu.vector_load_idx %arg5[%add3A_381, %add3A_435] : memref<64x384xf32, #tpu.memory_space<vmem>>[vector<16xi32>, vector<16xi32>], vector<16xf32>,
          %add3A_437 = vector.broadcast %add3A_385 : i32 to vector<16xi32>
          %add3A_438 = arith.addi %add3A_251, %add3A_437 : vector<16xi32>
          tpu.vector_store_idx %arg7[%add3A_438], %gather3A_427 : memref<24576xf32, #tpu.memory_space<vmem>>[vector<16xi32>], vector<16xf32>,
          %add3A_439 = vector.broadcast %add3A_385 : i32 to vector<16xi32>
          %add3A_440 = arith.addi %add3A_255, %add3A_439 : vector<16xi32>
          tpu.vector_store_idx %arg7[%add3A_440], %gather3A_430 : memref<24576xf32, #tpu.memory_space<vmem>>[vector<16xi32>], vector<16xf32>,
          %add3A_441 = vector.broadcast %add3A_385 : i32 to vector<16xi32>
          %add3A_442 = arith.addi %add3A_259, %add3A_441 : vector<16xi32>
          tpu.vector_store_idx %arg7[%add3A_442], %gather3A_433 : memref<24576xf32, #tpu.memory_space<vmem>>[vector<16xi32>], vector<16xf32>,
          %add3A_443 = vector.broadcast %add3A_385 : i32 to vector<16xi32>
          %add3A_444 = arith.addi %add3A_263, %add3A_443 : vector<16xi32>
          tpu.vector_store_idx %arg7[%add3A_444], %gather3A_436 : memref<24576xf32, #tpu.memory_space<vmem>>[vector<16xi32>], vector<16xf32>,
          %add3A_445 = vector.broadcast %mul3A_378 : i32 to vector<16xi32>
          %add3A_446 = arith.addi %add3A_445, %select_n3A_176 : vector<16xi32>
          %gather3A_447 = tpu.vector_load_idx %arg5[%add3A_381, %add3A_446] : memref<64x384xf32, #tpu.memory_space<vmem>>[vector<16xi32>, vector<16xi32>], vector<16xf32>,
          %add3A_448 = vector.broadcast %mul3A_378 : i32 to vector<16xi32>
          %add3A_449 = arith.addi %add3A_448, %select_n3A_189 : vector<16xi32>
          %gather3A_450 = tpu.vector_load_idx %arg5[%add3A_381, %add3A_449] : memref<64x384xf32, #tpu.memory_space<vmem>>[vector<16xi32>, vector<16xi32>], vector<16xf32>,
          %add3A_451 = vector.broadcast %mul3A_378 : i32 to vector<16xi32>
          %add3A_452 = arith.addi %add3A_451, %select_n3A_202 : vector<16xi32>
          %gather3A_453 = tpu.vector_load_idx %arg5[%add3A_381, %add3A_452] : memref<64x384xf32, #tpu.memory_space<vmem>>[vector<16xi32>, vector<16xi32>], vector<16xf32>,
          %add3A_454 = vector.broadcast %mul3A_378 : i32 to vector<16xi32>
          %add3A_455 = arith.addi %add3A_454, %select_n3A_215 : vector<16xi32>
          %gather3A_456 = tpu.vector_load_idx %arg5[%add3A_381, %add3A_455] : memref<64x384xf32, #tpu.memory_space<vmem>>[vector<16xi32>, vector<16xi32>], vector<16xf32>,
          %add3A_457 = vector.broadcast %add3A_385 : i32 to vector<16xi32>
          %add3A_458 = arith.addi %add3A_267, %add3A_457 : vector<16xi32>
          tpu.vector_store_idx %arg7[%add3A_458], %gather3A_447 : memref<24576xf32, #tpu.memory_space<vmem>>[vector<16xi32>], vector<16xf32>,
          %add3A_459 = vector.broadcast %add3A_385 : i32 to vector<16xi32>
          %add3A_460 = arith.addi %add3A_271, %add3A_459 : vector<16xi32>
          tpu.vector_store_idx %arg7[%add3A_460], %gather3A_450 : memref<24576xf32, #tpu.memory_space<vmem>>[vector<16xi32>], vector<16xf32>,
          %add3A_461 = vector.broadcast %add3A_385 : i32 to vector<16xi32>
          %add3A_462 = arith.addi %add3A_275, %add3A_461 : vector<16xi32>
          tpu.vector_store_idx %arg7[%add3A_462], %gather3A_453 : memref<24576xf32, #tpu.memory_space<vmem>>[vector<16xi32>], vector<16xf32>,
          %add3A_463 = vector.broadcast %add3A_385 : i32 to vector<16xi32>
          %add3A_464 = arith.addi %add3A_279, %add3A_463 : vector<16xi32>
          tpu.vector_store_idx %arg7[%add3A_464], %gather3A_456 : memref<24576xf32, #tpu.memory_space<vmem>>[vector<16xi32>], vector<16xf32>,
          %add3A_465 = arith.constant 16 : i32
          %add3A_466 = vector.broadcast %add3A_465 : i32 to vector<16xi32>
          %add3A_467 = arith.addi %add3A_466, %iota3A : vector<16xi32>
          %mul3A_468 = arith.constant 64 : i32
          %mul3A_469 = arith.muli %mul3A_378, %mul3A_468 : i32
          %add3A_470 = arith.constant 16 : i32
          %add3A_471 = arith.addi %mul3A_469, %add3A_470 : i32
          %add3A_472 = vector.broadcast %mul3A_378 : i32 to vector<16xi32>
          %add3A_473 = arith.addi %add3A_472, %select_n3A_20 : vector<16xi32>
          %gather3A_474 = tpu.vector_load_idx %arg5[%add3A_467, %add3A_473] : memref<64x384xf32, #tpu.memory_space<vmem>>[vector<16xi32>, vector<16xi32>], vector<16xf32>,
          %add3A_475 = vector.broadcast %mul3A_378 : i32 to vector<16xi32>
          %add3A_476 = arith.addi %add3A_475, %select_n3A_33 : vector<16xi32>
          %gather3A_477 = tpu.vector_load_idx %arg5[%add3A_467, %add3A_476] : memref<64x384xf32, #tpu.memory_space<vmem>>[vector<16xi32>, vector<16xi32>], vector<16xf32>,
          %add3A_478 = vector.broadcast %mul3A_378 : i32 to vector<16xi32>
          %add3A_479 = arith.addi %add3A_478, %select_n3A_46 : vector<16xi32>
          %gather3A_480 = tpu.vector_load_idx %arg5[%add3A_467, %add3A_479] : memref<64x384xf32, #tpu.memory_space<vmem>>[vector<16xi32>, vector<16xi32>], vector<16xf32>,
          %add3A_481 = vector.broadcast %mul3A_378 : i32 to vector<16xi32>
          %add3A_482 = arith.addi %add3A_481, %select_n3A_59 : vector<16xi32>
          %gather3A_483 = tpu.vector_load_idx %arg5[%add3A_467, %add3A_482] : memref<64x384xf32, #tpu.memory_space<vmem>>[vector<16xi32>, vector<16xi32>], vector<16xf32>,
          %add3A_484 = vector.broadcast %add3A_471 : i32 to vector<16xi32>
          %add3A_485 = arith.addi %add3A_219, %add3A_484 : vector<16xi32>
          tpu.vector_store_idx %arg7[%add3A_485], %gather3A_474 : memref<24576xf32, #tpu.memory_space<vmem>>[vector<16xi32>], vector<16xf32>,
          %add3A_486 = vector.broadcast %add3A_471 : i32 to vector<16xi32>
          %add3A_487 = arith.addi %add3A_223, %add3A_486 : vector<16xi32>
          tpu.vector_store_idx %arg7[%add3A_487], %gather3A_477 : memref<24576xf32, #tpu.memory_space<vmem>>[vector<16xi32>], vector<16xf32>,
          %add3A_488 = vector.broadcast %add3A_471 : i32 to vector<16xi32>
          %add3A_489 = arith.addi %add3A_227, %add3A_488 : vector<16xi32>
          tpu.vector_store_idx %arg7[%add3A_489], %gather3A_480 : memref<24576xf32, #tpu.memory_space<vmem>>[vector<16xi32>], vector<16xf32>,
          %add3A_490 = vector.broadcast %add3A_471 : i32 to vector<16xi32>
          %add3A_491 = arith.addi %add3A_231, %add3A_490 : vector<16xi32>
          tpu.vector_store_idx %arg7[%add3A_491], %gather3A_483 : memref<24576xf32, #tpu.memory_space<vmem>>[vector<16xi32>], vector<16xf32>,
          %add3A_492 = vector.broadcast %mul3A_378 : i32 to vector<16xi32>
          %add3A_493 = arith.addi %add3A_492, %select_n3A_72 : vector<16xi32>
          %gather3A_494 = tpu.vector_load_idx %arg5[%add3A_467, %add3A_493] : memref<64x384xf32, #tpu.memory_space<vmem>>[vector<16xi32>, vector<16xi32>], vector<16xf32>,
          %add3A_495 = vector.broadcast %mul3A_378 : i32 to vector<16xi32>
          %add3A_496 = arith.addi %add3A_495, %select_n3A_85 : vector<16xi32>
          %gather3A_497 = tpu.vector_load_idx %arg5[%add3A_467, %add3A_496] : memref<64x384xf32, #tpu.memory_space<vmem>>[vector<16xi32>, vector<16xi32>], vector<16xf32>,
          %add3A_498 = vector.broadcast %mul3A_378 : i32 to vector<16xi32>
          %add3A_499 = arith.addi %add3A_498, %select_n3A_98 : vector<16xi32>
          %gather3A_500 = tpu.vector_load_idx %arg5[%add3A_467, %add3A_499] : memref<64x384xf32, #tpu.memory_space<vmem>>[vector<16xi32>, vector<16xi32>], vector<16xf32>,
          %add3A_501 = vector.broadcast %mul3A_378 : i32 to vector<16xi32>
          %add3A_502 = arith.addi %add3A_501, %select_n3A_111 : vector<16xi32>
          %gather3A_503 = tpu.vector_load_idx %arg5[%add3A_467, %add3A_502] : memref<64x384xf32, #tpu.memory_space<vmem>>[vector<16xi32>, vector<16xi32>], vector<16xf32>,
          %add3A_504 = vector.broadcast %add3A_471 : i32 to vector<16xi32>
          %add3A_505 = arith.addi %add3A_235, %add3A_504 : vector<16xi32>
          tpu.vector_store_idx %arg7[%add3A_505], %gather3A_494 : memref<24576xf32, #tpu.memory_space<vmem>>[vector<16xi32>], vector<16xf32>,
          %add3A_506 = vector.broadcast %add3A_471 : i32 to vector<16xi32>
          %add3A_507 = arith.addi %add3A_239, %add3A_506 : vector<16xi32>
          tpu.vector_store_idx %arg7[%add3A_507], %gather3A_497 : memref<24576xf32, #tpu.memory_space<vmem>>[vector<16xi32>], vector<16xf32>,
          %add3A_508 = vector.broadcast %add3A_471 : i32 to vector<16xi32>
          %add3A_509 = arith.addi %add3A_243, %add3A_508 : vector<16xi32>
          tpu.vector_store_idx %arg7[%add3A_509], %gather3A_500 : memref<24576xf32, #tpu.memory_space<vmem>>[vector<16xi32>], vector<16xf32>,
          %add3A_510 = vector.broadcast %add3A_471 : i32 to vector<16xi32>
          %add3A_511 = arith.addi %add3A_247, %add3A_510 : vector<16xi32>
          tpu.vector_store_idx %arg7[%add3A_511], %gather3A_503 : memref<24576xf32, #tpu.memory_space<vmem>>[vector<16xi32>], vector<16xf32>,
          %add3A_512 = vector.broadcast %mul3A_378 : i32 to vector<16xi32>
          %add3A_513 = arith.addi %add3A_512, %select_n3A_124 : vector<16xi32>
          %gather3A_514 = tpu.vector_load_idx %arg5[%add3A_467, %add3A_513] : memref<64x384xf32, #tpu.memory_space<vmem>>[vector<16xi32>, vector<16xi32>], vector<16xf32>,
          %add3A_515 = vector.broadcast %mul3A_378 : i32 to vector<16xi32>
          %add3A_516 = arith.addi %add3A_515, %select_n3A_137 : vector<16xi32>
          %gather3A_517 = tpu.vector_load_idx %arg5[%add3A_467, %add3A_516] : memref<64x384xf32, #tpu.memory_space<vmem>>[vector<16xi32>, vector<16xi32>], vector<16xf32>,
          %add3A_518 = vector.broadcast %mul3A_378 : i32 to vector<16xi32>
          %add3A_519 = arith.addi %add3A_518, %select_n3A_150 : vector<16xi32>
          %gather3A_520 = tpu.vector_load_idx %arg5[%add3A_467, %add3A_519] : memref<64x384xf32, #tpu.memory_space<vmem>>[vector<16xi32>, vector<16xi32>], vector<16xf32>,
          %add3A_521 = vector.broadcast %mul3A_378 : i32 to vector<16xi32>
          %add3A_522 = arith.addi %add3A_521, %select_n3A_163 : vector<16xi32>
          %gather3A_523 = tpu.vector_load_idx %arg5[%add3A_467, %add3A_522] : memref<64x384xf32, #tpu.memory_space<vmem>>[vector<16xi32>, vector<16xi32>], vector<16xf32>,
          %add3A_524 = vector.broadcast %add3A_471 : i32 to vector<16xi32>
          %add3A_525 = arith.addi %add3A_251, %add3A_524 : vector<16xi32>
          tpu.vector_store_idx %arg7[%add3A_525], %gather3A_514 : memref<24576xf32, #tpu.memory_space<vmem>>[vector<16xi32>], vector<16xf32>,
          %add3A_526 = vector.broadcast %add3A_471 : i32 to vector<16xi32>
          %add3A_527 = arith.addi %add3A_255, %add3A_526 : vector<16xi32>
          tpu.vector_store_idx %arg7[%add3A_527], %gather3A_517 : memref<24576xf32, #tpu.memory_space<vmem>>[vector<16xi32>], vector<16xf32>,
          %add3A_528 = vector.broadcast %add3A_471 : i32 to vector<16xi32>
          %add3A_529 = arith.addi %add3A_259, %add3A_528 : vector<16xi32>
          tpu.vector_store_idx %arg7[%add3A_529], %gather3A_520 : memref<24576xf32, #tpu.memory_space<vmem>>[vector<16xi32>], vector<16xf32>,
          %add3A_530 = vector.broadcast %add3A_471 : i32 to vector<16xi32>
          %add3A_531 = arith.addi %add3A_263, %add3A_530 : vector<16xi32>
          tpu.vector_store_idx %arg7[%add3A_531], %gather3A_523 : memref<24576xf32, #tpu.memory_space<vmem>>[vector<16xi32>], vector<16xf32>,
          %add3A_532 = vector.broadcast %mul3A_378 : i32 to vector<16xi32>
          %add3A_533 = arith.addi %add3A_532, %select_n3A_176 : vector<16xi32>
          %gather3A_534 = tpu.vector_load_idx %arg5[%add3A_467, %add3A_533] : memref<64x384xf32, #tpu.memory_space<vmem>>[vector<16xi32>, vector<16xi32>], vector<16xf32>,
          %add3A_535 = vector.broadcast %mul3A_378 : i32 to vector<16xi32>
          %add3A_536 = arith.addi %add3A_535, %select_n3A_189 : vector<16xi32>
          %gather3A_537 = tpu.vector_load_idx %arg5[%add3A_467, %add3A_536] : memref<64x384xf32, #tpu.memory_space<vmem>>[vector<16xi32>, vector<16xi32>], vector<16xf32>,
          %add3A_538 = vector.broadcast %mul3A_378 : i32 to vector<16xi32>
          %add3A_539 = arith.addi %add3A_538, %select_n3A_202 : vector<16xi32>
          %gather3A_540 = tpu.vector_load_idx %arg5[%add3A_467, %add3A_539] : memref<64x384xf32, #tpu.memory_space<vmem>>[vector<16xi32>, vector<16xi32>], vector<16xf32>,
          %add3A_541 = vector.broadcast %mul3A_378 : i32 to vector<16xi32>
          %add3A_542 = arith.addi %add3A_541, %select_n3A_215 : vector<16xi32>
          %gather3A_543 = tpu.vector_load_idx %arg5[%add3A_467, %add3A_542] : memref<64x384xf32, #tpu.memory_space<vmem>>[vector<16xi32>, vector<16xi32>], vector<16xf32>,
          %add3A_544 = vector.broadcast %add3A_471 : i32 to vector<16xi32>
          %add3A_545 = arith.addi %add3A_267, %add3A_544 : vector<16xi32>
          tpu.vector_store_idx %arg7[%add3A_545], %gather3A_534 : memref<24576xf32, #tpu.memory_space<vmem>>[vector<16xi32>], vector<16xf32>,
          %add3A_546 = vector.broadcast %add3A_471 : i32 to vector<16xi32>
          %add3A_547 = arith.addi %add3A_271, %add3A_546 : vector<16xi32>
          tpu.vector_store_idx %arg7[%add3A_547], %gather3A_537 : memref<24576xf32, #tpu.memory_space<vmem>>[vector<16xi32>], vector<16xf32>,
          %add3A_548 = vector.broadcast %add3A_471 : i32 to vector<16xi32>
          %add3A_549 = arith.addi %add3A_275, %add3A_548 : vector<16xi32>
          tpu.vector_store_idx %arg7[%add3A_549], %gather3A_540 : memref<24576xf32, #tpu.memory_space<vmem>>[vector<16xi32>], vector<16xf32>,
          %add3A_550 = vector.broadcast %add3A_471 : i32 to vector<16xi32>
          %add3A_551 = arith.addi %add3A_279, %add3A_550 : vector<16xi32>
          tpu.vector_store_idx %arg7[%add3A_551], %gather3A_543 : memref<24576xf32, #tpu.memory_space<vmem>>[vector<16xi32>], vector<16xf32>,
          %add3A_552 = arith.constant 32 : i32
          %add3A_553 = vector.broadcast %add3A_552 : i32 to vector<16xi32>
          %add3A_554 = arith.addi %add3A_553, %iota3A : vector<16xi32>
          %mul3A_555 = arith.constant 64 : i32
          %mul3A_556 = arith.muli %mul3A_378, %mul3A_555 : i32
          %add3A_557 = arith.constant 32 : i32
          %add3A_558 = arith.addi %mul3A_556, %add3A_557 : i32
          %add3A_559 = vector.broadcast %mul3A_378 : i32 to vector<16xi32>
          %add3A_560 = arith.addi %add3A_559, %select_n3A_20 : vector<16xi32>
          %gather3A_561 = tpu.vector_load_idx %arg5[%add3A_554, %add3A_560] : memref<64x384xf32, #tpu.memory_space<vmem>>[vector<16xi32>, vector<16xi32>], vector<16xf32>,
          %add3A_562 = vector.broadcast %mul3A_378 : i32 to vector<16xi32>
          %add3A_563 = arith.addi %add3A_562, %select_n3A_33 : vector<16xi32>
          %gather3A_564 = tpu.vector_load_idx %arg5[%add3A_554, %add3A_563] : memref<64x384xf32, #tpu.memory_space<vmem>>[vector<16xi32>, vector<16xi32>], vector<16xf32>,
          %add3A_565 = vector.broadcast %mul3A_378 : i32 to vector<16xi32>
          %add3A_566 = arith.addi %add3A_565, %select_n3A_46 : vector<16xi32>
          %gather3A_567 = tpu.vector_load_idx %arg5[%add3A_554, %add3A_566] : memref<64x384xf32, #tpu.memory_space<vmem>>[vector<16xi32>, vector<16xi32>], vector<16xf32>,
          %add3A_568 = vector.broadcast %mul3A_378 : i32 to vector<16xi32>
          %add3A_569 = arith.addi %add3A_568, %select_n3A_59 : vector<16xi32>
          %gather3A_570 = tpu.vector_load_idx %arg5[%add3A_554, %add3A_569] : memref<64x384xf32, #tpu.memory_space<vmem>>[vector<16xi32>, vector<16xi32>], vector<16xf32>,
          %add3A_571 = vector.broadcast %add3A_558 : i32 to vector<16xi32>
          %add3A_572 = arith.addi %add3A_219, %add3A_571 : vector<16xi32>
          tpu.vector_store_idx %arg7[%add3A_572], %gather3A_561 : memref<24576xf32, #tpu.memory_space<vmem>>[vector<16xi32>], vector<16xf32>,
          %add3A_573 = vector.broadcast %add3A_558 : i32 to vector<16xi32>
          %add3A_574 = arith.addi %add3A_223, %add3A_573 : vector<16xi32>
          tpu.vector_store_idx %arg7[%add3A_574], %gather3A_564 : memref<24576xf32, #tpu.memory_space<vmem>>[vector<16xi32>], vector<16xf32>,
          %add3A_575 = vector.broadcast %add3A_558 : i32 to vector<16xi32>
          %add3A_576 = arith.addi %add3A_227, %add3A_575 : vector<16xi32>
          tpu.vector_store_idx %arg7[%add3A_576], %gather3A_567 : memref<24576xf32, #tpu.memory_space<vmem>>[vector<16xi32>], vector<16xf32>,
          %add3A_577 = vector.broadcast %add3A_558 : i32 to vector<16xi32>
          %add3A_578 = arith.addi %add3A_231, %add3A_577 : vector<16xi32>
          tpu.vector_store_idx %arg7[%add3A_578], %gather3A_570 : memref<24576xf32, #tpu.memory_space<vmem>>[vector<16xi32>], vector<16xf32>,
          %add3A_579 = vector.broadcast %mul3A_378 : i32 to vector<16xi32>
          %add3A_580 = arith.addi %add3A_579, %select_n3A_72 : vector<16xi32>
          %gather3A_581 = tpu.vector_load_idx %arg5[%add3A_554, %add3A_580] : memref<64x384xf32, #tpu.memory_space<vmem>>[vector<16xi32>, vector<16xi32>], vector<16xf32>,
          %add3A_582 = vector.broadcast %mul3A_378 : i32 to vector<16xi32>
          %add3A_583 = arith.addi %add3A_582, %select_n3A_85 : vector<16xi32>
          %gather3A_584 = tpu.vector_load_idx %arg5[%add3A_554, %add3A_583] : memref<64x384xf32, #tpu.memory_space<vmem>>[vector<16xi32>, vector<16xi32>], vector<16xf32>,
          %add3A_585 = vector.broadcast %mul3A_378 : i32 to vector<16xi32>
          %add3A_586 = arith.addi %add3A_585, %select_n3A_98 : vector<16xi32>
          %gather3A_587 = tpu.vector_load_idx %arg5[%add3A_554, %add3A_586] : memref<64x384xf32, #tpu.memory_space<vmem>>[vector<16xi32>, vector<16xi32>], vector<16xf32>,
          %add3A_588 = vector.broadcast %mul3A_378 : i32 to vector<16xi32>
          %add3A_589 = arith.addi %add3A_588, %select_n3A_111 : vector<16xi32>
          %gather3A_590 = tpu.vector_load_idx %arg5[%add3A_554, %add3A_589] : memref<64x384xf32, #tpu.memory_space<vmem>>[vector<16xi32>, vector<16xi32>], vector<16xf32>,
          %add3A_591 = vector.broadcast %add3A_558 : i32 to vector<16xi32>
          %add3A_592 = arith.addi %add3A_235, %add3A_591 : vector<16xi32>
          tpu.vector_store_idx %arg7[%add3A_592], %gather3A_581 : memref<24576xf32, #tpu.memory_space<vmem>>[vector<16xi32>], vector<16xf32>,
          %add3A_593 = vector.broadcast %add3A_558 : i32 to vector<16xi32>
          %add3A_594 = arith.addi %add3A_239, %add3A_593 : vector<16xi32>
          tpu.vector_store_idx %arg7[%add3A_594], %gather3A_584 : memref<24576xf32, #tpu.memory_space<vmem>>[vector<16xi32>], vector<16xf32>,
          %add3A_595 = vector.broadcast %add3A_558 : i32 to vector<16xi32>
          %add3A_596 = arith.addi %add3A_243, %add3A_595 : vector<16xi32>
          tpu.vector_store_idx %arg7[%add3A_596], %gather3A_587 : memref<24576xf32, #tpu.memory_space<vmem>>[vector<16xi32>], vector<16xf32>,
          %add3A_597 = vector.broadcast %add3A_558 : i32 to vector<16xi32>
          %add3A_598 = arith.addi %add3A_247, %add3A_597 : vector<16xi32>
          tpu.vector_store_idx %arg7[%add3A_598], %gather3A_590 : memref<24576xf32, #tpu.memory_space<vmem>>[vector<16xi32>], vector<16xf32>,
          %add3A_599 = vector.broadcast %mul3A_378 : i32 to vector<16xi32>
          %add3A_600 = arith.addi %add3A_599, %select_n3A_124 : vector<16xi32>
          %gather3A_601 = tpu.vector_load_idx %arg5[%add3A_554, %add3A_600] : memref<64x384xf32, #tpu.memory_space<vmem>>[vector<16xi32>, vector<16xi32>], vector<16xf32>,
          %add3A_602 = vector.broadcast %mul3A_378 : i32 to vector<16xi32>
          %add3A_603 = arith.addi %add3A_602, %select_n3A_137 : vector<16xi32>
          %gather3A_604 = tpu.vector_load_idx %arg5[%add3A_554, %add3A_603] : memref<64x384xf32, #tpu.memory_space<vmem>>[vector<16xi32>, vector<16xi32>], vector<16xf32>,
          %add3A_605 = vector.broadcast %mul3A_378 : i32 to vector<16xi32>
          %add3A_606 = arith.addi %add3A_605, %select_n3A_150 : vector<16xi32>
          %gather3A_607 = tpu.vector_load_idx %arg5[%add3A_554, %add3A_606] : memref<64x384xf32, #tpu.memory_space<vmem>>[vector<16xi32>, vector<16xi32>], vector<16xf32>,
          %add3A_608 = vector.broadcast %mul3A_378 : i32 to vector<16xi32>
          %add3A_609 = arith.addi %add3A_608, %select_n3A_163 : vector<16xi32>
          %gather3A_610 = tpu.vector_load_idx %arg5[%add3A_554, %add3A_609] : memref<64x384xf32, #tpu.memory_space<vmem>>[vector<16xi32>, vector<16xi32>], vector<16xf32>,
          %add3A_611 = vector.broadcast %add3A_558 : i32 to vector<16xi32>
          %add3A_612 = arith.addi %add3A_251, %add3A_611 : vector<16xi32>
          tpu.vector_store_idx %arg7[%add3A_612], %gather3A_601 : memref<24576xf32, #tpu.memory_space<vmem>>[vector<16xi32>], vector<16xf32>,
          %add3A_613 = vector.broadcast %add3A_558 : i32 to vector<16xi32>
          %add3A_614 = arith.addi %add3A_255, %add3A_613 : vector<16xi32>
          tpu.vector_store_idx %arg7[%add3A_614], %gather3A_604 : memref<24576xf32, #tpu.memory_space<vmem>>[vector<16xi32>], vector<16xf32>,
          %add3A_615 = vector.broadcast %add3A_558 : i32 to vector<16xi32>
          %add3A_616 = arith.addi %add3A_259, %add3A_615 : vector<16xi32>
          tpu.vector_store_idx %arg7[%add3A_616], %gather3A_607 : memref<24576xf32, #tpu.memory_space<vmem>>[vector<16xi32>], vector<16xf32>,
          %add3A_617 = vector.broadcast %add3A_558 : i32 to vector<16xi32>
          %add3A_618 = arith.addi %add3A_263, %add3A_617 : vector<16xi32>
          tpu.vector_store_idx %arg7[%add3A_618], %gather3A_610 : memref<24576xf32, #tpu.memory_space<vmem>>[vector<16xi32>], vector<16xf32>,
          %add3A_619 = vector.broadcast %mul3A_378 : i32 to vector<16xi32>
          %add3A_620 = arith.addi %add3A_619, %select_n3A_176 : vector<16xi32>
          %gather3A_621 = tpu.vector_load_idx %arg5[%add3A_554, %add3A_620] : memref<64x384xf32, #tpu.memory_space<vmem>>[vector<16xi32>, vector<16xi32>], vector<16xf32>,
          %add3A_622 = vector.broadcast %mul3A_378 : i32 to vector<16xi32>
          %add3A_623 = arith.addi %add3A_622, %select_n3A_189 : vector<16xi32>
          %gather3A_624 = tpu.vector_load_idx %arg5[%add3A_554, %add3A_623] : memref<64x384xf32, #tpu.memory_space<vmem>>[vector<16xi32>, vector<16xi32>], vector<16xf32>,
          %add3A_625 = vector.broadcast %mul3A_378 : i32 to vector<16xi32>
          %add3A_626 = arith.addi %add3A_625, %select_n3A_202 : vector<16xi32>
          %gather3A_627 = tpu.vector_load_idx %arg5[%add3A_554, %add3A_626] : memref<64x384xf32, #tpu.memory_space<vmem>>[vector<16xi32>, vector<16xi32>], vector<16xf32>,
          %add3A_628 = vector.broadcast %mul3A_378 : i32 to vector<16xi32>
          %add3A_629 = arith.addi %add3A_628, %select_n3A_215 : vector<16xi32>
          %gather3A_630 = tpu.vector_load_idx %arg5[%add3A_554, %add3A_629] : memref<64x384xf32, #tpu.memory_space<vmem>>[vector<16xi32>, vector<16xi32>], vector<16xf32>,
          %add3A_631 = vector.broadcast %add3A_558 : i32 to vector<16xi32>
          %add3A_632 = arith.addi %add3A_267, %add3A_631 : vector<16xi32>
          tpu.vector_store_idx %arg7[%add3A_632], %gather3A_621 : memref<24576xf32, #tpu.memory_space<vmem>>[vector<16xi32>], vector<16xf32>,
          %add3A_633 = vector.broadcast %add3A_558 : i32 to vector<16xi32>
          %add3A_634 = arith.addi %add3A_271, %add3A_633 : vector<16xi32>
          tpu.vector_store_idx %arg7[%add3A_634], %gather3A_624 : memref<24576xf32, #tpu.memory_space<vmem>>[vector<16xi32>], vector<16xf32>,
          %add3A_635 = vector.broadcast %add3A_558 : i32 to vector<16xi32>
          %add3A_636 = arith.addi %add3A_275, %add3A_635 : vector<16xi32>
          tpu.vector_store_idx %arg7[%add3A_636], %gather3A_627 : memref<24576xf32, #tpu.memory_space<vmem>>[vector<16xi32>], vector<16xf32>,
          %add3A_637 = vector.broadcast %add3A_558 : i32 to vector<16xi32>
          %add3A_638 = arith.addi %add3A_279, %add3A_637 : vector<16xi32>
          tpu.vector_store_idx %arg7[%add3A_638], %gather3A_630 : memref<24576xf32, #tpu.memory_space<vmem>>[vector<16xi32>], vector<16xf32>,
          %add3A_639 = arith.constant 48 : i32
          %add3A_640 = vector.broadcast %add3A_639 : i32 to vector<16xi32>
          %add3A_641 = arith.addi %add3A_640, %iota3A : vector<16xi32>
          %mul3A_642 = arith.constant 64 : i32
          %mul3A_643 = arith.muli %mul3A_378, %mul3A_642 : i32
          %add3A_644 = arith.constant 48 : i32
          %add3A_645 = arith.addi %mul3A_643, %add3A_644 : i32
          %add3A_646 = vector.broadcast %mul3A_378 : i32 to vector<16xi32>
          %add3A_647 = arith.addi %add3A_646, %select_n3A_20 : vector<16xi32>
          %gather3A_648 = tpu.vector_load_idx %arg5[%add3A_641, %add3A_647] : memref<64x384xf32, #tpu.memory_space<vmem>>[vector<16xi32>, vector<16xi32>], vector<16xf32>,
          %add3A_649 = vector.broadcast %mul3A_378 : i32 to vector<16xi32>
          %add3A_650 = arith.addi %add3A_649, %select_n3A_33 : vector<16xi32>
          %gather3A_651 = tpu.vector_load_idx %arg5[%add3A_641, %add3A_650] : memref<64x384xf32, #tpu.memory_space<vmem>>[vector<16xi32>, vector<16xi32>], vector<16xf32>,
          %add3A_652 = vector.broadcast %mul3A_378 : i32 to vector<16xi32>
          %add3A_653 = arith.addi %add3A_652, %select_n3A_46 : vector<16xi32>
          %gather3A_654 = tpu.vector_load_idx %arg5[%add3A_641, %add3A_653] : memref<64x384xf32, #tpu.memory_space<vmem>>[vector<16xi32>, vector<16xi32>], vector<16xf32>,
          %add3A_655 = vector.broadcast %mul3A_378 : i32 to vector<16xi32>
          %add3A_656 = arith.addi %add3A_655, %select_n3A_59 : vector<16xi32>
          %gather3A_657 = tpu.vector_load_idx %arg5[%add3A_641, %add3A_656] : memref<64x384xf32, #tpu.memory_space<vmem>>[vector<16xi32>, vector<16xi32>], vector<16xf32>,
          %add3A_658 = vector.broadcast %add3A_645 : i32 to vector<16xi32>
          %add3A_659 = arith.addi %add3A_219, %add3A_658 : vector<16xi32>
          tpu.vector_store_idx %arg7[%add3A_659], %gather3A_648 : memref<24576xf32, #tpu.memory_space<vmem>>[vector<16xi32>], vector<16xf32>,
          %add3A_660 = vector.broadcast %add3A_645 : i32 to vector<16xi32>
          %add3A_661 = arith.addi %add3A_223, %add3A_660 : vector<16xi32>
          tpu.vector_store_idx %arg7[%add3A_661], %gather3A_651 : memref<24576xf32, #tpu.memory_space<vmem>>[vector<16xi32>], vector<16xf32>,
          %add3A_662 = vector.broadcast %add3A_645 : i32 to vector<16xi32>
          %add3A_663 = arith.addi %add3A_227, %add3A_662 : vector<16xi32>
          tpu.vector_store_idx %arg7[%add3A_663], %gather3A_654 : memref<24576xf32, #tpu.memory_space<vmem>>[vector<16xi32>], vector<16xf32>,
          %add3A_664 = vector.broadcast %add3A_645 : i32 to vector<16xi32>
          %add3A_665 = arith.addi %add3A_231, %add3A_664 : vector<16xi32>
          tpu.vector_store_idx %arg7[%add3A_665], %gather3A_657 : memref<24576xf32, #tpu.memory_space<vmem>>[vector<16xi32>], vector<16xf32>,
          %add3A_666 = vector.broadcast %mul3A_378 : i32 to vector<16xi32>
          %add3A_667 = arith.addi %add3A_666, %select_n3A_72 : vector<16xi32>
          %gather3A_668 = tpu.vector_load_idx %arg5[%add3A_641, %add3A_667] : memref<64x384xf32, #tpu.memory_space<vmem>>[vector<16xi32>, vector<16xi32>], vector<16xf32>,
          %add3A_669 = vector.broadcast %mul3A_378 : i32 to vector<16xi32>
          %add3A_670 = arith.addi %add3A_669, %select_n3A_85 : vector<16xi32>
          %gather3A_671 = tpu.vector_load_idx %arg5[%add3A_641, %add3A_670] : memref<64x384xf32, #tpu.memory_space<vmem>>[vector<16xi32>, vector<16xi32>], vector<16xf32>,
          %add3A_672 = vector.broadcast %mul3A_378 : i32 to vector<16xi32>
          %add3A_673 = arith.addi %add3A_672, %select_n3A_98 : vector<16xi32>
          %gather3A_674 = tpu.vector_load_idx %arg5[%add3A_641, %add3A_673] : memref<64x384xf32, #tpu.memory_space<vmem>>[vector<16xi32>, vector<16xi32>], vector<16xf32>,
          %add3A_675 = vector.broadcast %mul3A_378 : i32 to vector<16xi32>
          %add3A_676 = arith.addi %add3A_675, %select_n3A_111 : vector<16xi32>
          %gather3A_677 = tpu.vector_load_idx %arg5[%add3A_641, %add3A_676] : memref<64x384xf32, #tpu.memory_space<vmem>>[vector<16xi32>, vector<16xi32>], vector<16xf32>,
          %add3A_678 = vector.broadcast %add3A_645 : i32 to vector<16xi32>
          %add3A_679 = arith.addi %add3A_235, %add3A_678 : vector<16xi32>
          tpu.vector_store_idx %arg7[%add3A_679], %gather3A_668 : memref<24576xf32, #tpu.memory_space<vmem>>[vector<16xi32>], vector<16xf32>,
          %add3A_680 = vector.broadcast %add3A_645 : i32 to vector<16xi32>
          %add3A_681 = arith.addi %add3A_239, %add3A_680 : vector<16xi32>
          tpu.vector_store_idx %arg7[%add3A_681], %gather3A_671 : memref<24576xf32, #tpu.memory_space<vmem>>[vector<16xi32>], vector<16xf32>,
          %add3A_682 = vector.broadcast %add3A_645 : i32 to vector<16xi32>
          %add3A_683 = arith.addi %add3A_243, %add3A_682 : vector<16xi32>
          tpu.vector_store_idx %arg7[%add3A_683], %gather3A_674 : memref<24576xf32, #tpu.memory_space<vmem>>[vector<16xi32>], vector<16xf32>,
          %add3A_684 = vector.broadcast %add3A_645 : i32 to vector<16xi32>
          %add3A_685 = arith.addi %add3A_247, %add3A_684 : vector<16xi32>
          tpu.vector_store_idx %arg7[%add3A_685], %gather3A_677 : memref<24576xf32, #tpu.memory_space<vmem>>[vector<16xi32>], vector<16xf32>,
          %add3A_686 = vector.broadcast %mul3A_378 : i32 to vector<16xi32>
          %add3A_687 = arith.addi %add3A_686, %select_n3A_124 : vector<16xi32>
          %gather3A_688 = tpu.vector_load_idx %arg5[%add3A_641, %add3A_687] : memref<64x384xf32, #tpu.memory_space<vmem>>[vector<16xi32>, vector<16xi32>], vector<16xf32>,
          %add3A_689 = vector.broadcast %mul3A_378 : i32 to vector<16xi32>
          %add3A_690 = arith.addi %add3A_689, %select_n3A_137 : vector<16xi32>
          %gather3A_691 = tpu.vector_load_idx %arg5[%add3A_641, %add3A_690] : memref<64x384xf32, #tpu.memory_space<vmem>>[vector<16xi32>, vector<16xi32>], vector<16xf32>,
          %add3A_692 = vector.broadcast %mul3A_378 : i32 to vector<16xi32>
          %add3A_693 = arith.addi %add3A_692, %select_n3A_150 : vector<16xi32>
          %gather3A_694 = tpu.vector_load_idx %arg5[%add3A_641, %add3A_693] : memref<64x384xf32, #tpu.memory_space<vmem>>[vector<16xi32>, vector<16xi32>], vector<16xf32>,
          %add3A_695 = vector.broadcast %mul3A_378 : i32 to vector<16xi32>
          %add3A_696 = arith.addi %add3A_695, %select_n3A_163 : vector<16xi32>
          %gather3A_697 = tpu.vector_load_idx %arg5[%add3A_641, %add3A_696] : memref<64x384xf32, #tpu.memory_space<vmem>>[vector<16xi32>, vector<16xi32>], vector<16xf32>,
          %add3A_698 = vector.broadcast %add3A_645 : i32 to vector<16xi32>
          %add3A_699 = arith.addi %add3A_251, %add3A_698 : vector<16xi32>
          tpu.vector_store_idx %arg7[%add3A_699], %gather3A_688 : memref<24576xf32, #tpu.memory_space<vmem>>[vector<16xi32>], vector<16xf32>,
          %add3A_700 = vector.broadcast %add3A_645 : i32 to vector<16xi32>
          %add3A_701 = arith.addi %add3A_255, %add3A_700 : vector<16xi32>
          tpu.vector_store_idx %arg7[%add3A_701], %gather3A_691 : memref<24576xf32, #tpu.memory_space<vmem>>[vector<16xi32>], vector<16xf32>,
          %add3A_702 = vector.broadcast %add3A_645 : i32 to vector<16xi32>
          %add3A_703 = arith.addi %add3A_259, %add3A_702 : vector<16xi32>
          tpu.vector_store_idx %arg7[%add3A_703], %gather3A_694 : memref<24576xf32, #tpu.memory_space<vmem>>[vector<16xi32>], vector<16xf32>,
          %add3A_704 = vector.broadcast %add3A_645 : i32 to vector<16xi32>
          %add3A_705 = arith.addi %add3A_263, %add3A_704 : vector<16xi32>
          tpu.vector_store_idx %arg7[%add3A_705], %gather3A_697 : memref<24576xf32, #tpu.memory_space<vmem>>[vector<16xi32>], vector<16xf32>,
          %add3A_706 = vector.broadcast %mul3A_378 : i32 to vector<16xi32>
          %add3A_707 = arith.addi %add3A_706, %select_n3A_176 : vector<16xi32>
          %gather3A_708 = tpu.vector_load_idx %arg5[%add3A_641, %add3A_707] : memref<64x384xf32, #tpu.memory_space<vmem>>[vector<16xi32>, vector<16xi32>], vector<16xf32>,
          %add3A_709 = vector.broadcast %mul3A_378 : i32 to vector<16xi32>
          %add3A_710 = arith.addi %add3A_709, %select_n3A_189 : vector<16xi32>
          %gather3A_711 = tpu.vector_load_idx %arg5[%add3A_641, %add3A_710] : memref<64x384xf32, #tpu.memory_space<vmem>>[vector<16xi32>, vector<16xi32>], vector<16xf32>,
          %add3A_712 = vector.broadcast %mul3A_378 : i32 to vector<16xi32>
          %add3A_713 = arith.addi %add3A_712, %select_n3A_202 : vector<16xi32>
          %gather3A_714 = tpu.vector_load_idx %arg5[%add3A_641, %add3A_713] : memref<64x384xf32, #tpu.memory_space<vmem>>[vector<16xi32>, vector<16xi32>], vector<16xf32>,
          %add3A_715 = vector.broadcast %mul3A_378 : i32 to vector<16xi32>
          %add3A_716 = arith.addi %add3A_715, %select_n3A_215 : vector<16xi32>
          %gather3A_717 = tpu.vector_load_idx %arg5[%add3A_641, %add3A_716] : memref<64x384xf32, #tpu.memory_space<vmem>>[vector<16xi32>, vector<16xi32>], vector<16xf32>,
          %add3A_718 = vector.broadcast %add3A_645 : i32 to vector<16xi32>
          %add3A_719 = arith.addi %add3A_267, %add3A_718 : vector<16xi32>
          tpu.vector_store_idx %arg7[%add3A_719], %gather3A_708 : memref<24576xf32, #tpu.memory_space<vmem>>[vector<16xi32>], vector<16xf32>,
          %add3A_720 = vector.broadcast %add3A_645 : i32 to vector<16xi32>
          %add3A_721 = arith.addi %add3A_271, %add3A_720 : vector<16xi32>
          tpu.vector_store_idx %arg7[%add3A_721], %gather3A_711 : memref<24576xf32, #tpu.memory_space<vmem>>[vector<16xi32>], vector<16xf32>,
          %add3A_722 = vector.broadcast %add3A_645 : i32 to vector<16xi32>
          %add3A_723 = arith.addi %add3A_275, %add3A_722 : vector<16xi32>
          tpu.vector_store_idx %arg7[%add3A_723], %gather3A_714 : memref<24576xf32, #tpu.memory_space<vmem>>[vector<16xi32>], vector<16xf32>,
          %add3A_724 = vector.broadcast %add3A_645 : i32 to vector<16xi32>
          %add3A_725 = arith.addi %add3A_279, %add3A_724 : vector<16xi32>
          tpu.vector_store_idx %arg7[%add3A_725], %gather3A_717 : memref<24576xf32, #tpu.memory_space<vmem>>[vector<16xi32>], vector<16xf32>,
        }
        %scan3A_364 = arith.constant 24 : i32
        %add3A_365 = arith.addi %add3A_8, %while3A_310 : i32
        %mul3A_366 = arith.constant 24576 : i32
        %mul3A_367 = arith.muli %add3A_365, %mul3A_366 : i32
        %dma_start3A_368 = tpu.memref_slice %arg4[%mul3A_367] : memref<64000000xf32, #tpu.memory_space<hbm>> -> memref<24576xf32, #tpu.memory_space<hbm>>
        %dma_start3A_369 = tpu.memref_slice %arg4[%mul3A_367] : memref<64000000xf32, #tpu.memory_space<hbm>> -> memref<24576xf32, #tpu.memory_space<hbm>>
        tpu.enqueue_dma source(%arg7 : memref<24576xf32, #tpu.memory_space<vmem>>) target(%dma_start3A_369 : memref<24576xf32, #tpu.memory_space<hbm>>) target_semaphore(%arg11 : memref<!tpu.dma_semaphore, #tpu.memory_space<semaphore_mem>>)
        %add3A_370 = arith.constant 2 : i32
        %add3A_371 = arith.addi %while3A_310, %add3A_370 : i32
        %lt3A_372 = arith.cmpi slt, %add3A_371, %add3A_4 : i32
        %convert_element_type3A_373 = arith.extui %lt3A_372 : i1 to i32
        %cond3A_374 = arith.constant 0 : i32
        %cond3A_375 = arith.cmpi ne, %convert_element_type3A_373, %cond3A_374 : i32
        scf.if %cond3A_375 {
          %add3A_376 = arith.constant 2 : i32
          %add3A_377 = arith.addi %while3A_310, %add3A_376 : i32
          %add3A_378 = arith.addi %add3A_8, %add3A_377 : i32
          %mul3A_379 = arith.constant 384 : i32
          %mul3A_380 = arith.muli %add3A_378, %mul3A_379 : i32
          %dma_start3A_381 = arith.constant 0 : i32
          %dma_start3A_382 = tpu.memref_slice %arg2[%dma_start3A_381, %mul3A_380] : memref<64x1000000xf32, #tpu.memory_space<hbm>> -> memref<64x384xf32, #tpu.memory_space<hbm>>
          %dma_start3A_383 = arith.constant 0 : i32
          %dma_start3A_384 = tpu.memref_slice %arg2[%dma_start3A_383, %mul3A_380] : memref<64x1000000xf32, #tpu.memory_space<hbm>> -> memref<64x384xf32, #tpu.memory_space<hbm>>
          tpu.enqueue_dma source(%dma_start3A_384 : memref<64x384xf32, #tpu.memory_space<hbm>>) target(%arg5 : memref<64x384xf32, #tpu.memory_space<vmem>>) target_semaphore(%arg9 : memref<!tpu.dma_semaphore, #tpu.memory_space<semaphore_mem>>)
        } else {
        }
      } else {
      }
      %jit3A_329 = arith.constant 2 : i32
      %eq3A_330 = arith.constant 0 : i32
      %eq3A_331 = arith.cmpi eq, %jit3A_329, %eq3A_330 : i32
      %jit3A_332 = arith.constant 1 : i32
      %select_n3A_333 = arith.select %eq3A_331, %jit3A_332, %jit3A_329 : i32
      %rem3A_334 = arith.remsi %while3A_310, %select_n3A_333 : i32
      %ne3A_335 = arith.constant 0 : i32
      %ne3A_336 = arith.cmpi ne, %rem3A_334, %ne3A_335 : i32
      %lt3A_337 = arith.constant 0 : i32
      %lt3A_338 = arith.cmpi slt, %rem3A_334, %lt3A_337 : i32
      %lt3A_339 = arith.constant 0 : i32
      %lt3A_340 = arith.cmpi slt, %select_n3A_333, %lt3A_339 : i32
      %ne3A_341 = arith.xori %lt3A_338, %lt3A_340 : i1
      %and3A_342 = arith.andi %ne3A_341, %ne3A_336 : i1
      %add3A_343 = arith.addi %rem3A_334, %select_n3A_333 : i32
      %select_n3A_344 = arith.select %and3A_342, %add3A_343, %rem3A_334 : i32
      %eq3A_345 = arith.constant 1 : i32
      %eq3A_346 = arith.cmpi eq, %select_n3A_344, %eq3A_345 : i32
      %convert_element_type3A_347 = arith.extui %eq3A_346 : i1 to i32
      %cond3A_348 = arith.constant 0 : i32
      %cond3A_349 = arith.cmpi ne, %convert_element_type3A_347, %cond3A_348 : i32
      scf.if %cond3A_349 {
        %dma_wait3A_350 = arith.constant 0 : i32
        %dma_wait3A_351 = arith.constant 0 : i32
        %dma_wait3A_352 = tpu.memref_slice %arg2[%dma_wait3A_350, %dma_wait3A_351] : memref<64x1000000xf32, #tpu.memory_space<hbm>> -> memref<64x384xf32, #tpu.memory_space<hbm>>
        %dma_wait3A_353 = arith.constant 0 : i32
        %dma_wait3A_354 = arith.constant 0 : i32
        %dma_wait3A_355 = tpu.memref_slice %arg2[%dma_wait3A_353, %dma_wait3A_354] : memref<64x1000000xf32, #tpu.memory_space<hbm>> -> memref<64x384xf32, #tpu.memory_space<hbm>>
        tpu.wait_dma2 semaphore(%arg10 : memref<!tpu.dma_semaphore, #tpu.memory_space<semaphore_mem>>) src(%dma_wait3A_355 : memref<64x384xf32, #tpu.memory_space<hbm>>) dst(%arg6 : memref<64x384xf32, #tpu.memory_space<vmem>>)
        %ge3A = arith.constant 2 : i32
        %ge3A_356 = arith.cmpi sge, %while3A_310, %ge3A : i32
        %convert_element_type3A_357 = arith.extui %ge3A_356 : i1 to i32
        %cond3A_358 = arith.constant 0 : i32
        %cond3A_359 = arith.cmpi ne, %convert_element_type3A_357, %cond3A_358 : i32
        scf.if %cond3A_359 {
          %dma_wait3A_376 = arith.constant 0 : i32
          %dma_wait3A_377 = tpu.memref_slice %arg4[%dma_wait3A_376] : memref<64000000xf32, #tpu.memory_space<hbm>> -> memref<24576xf32, #tpu.memory_space<hbm>>
          %dma_wait3A_378 = arith.constant 0 : i32
          %dma_wait3A_379 = tpu.memref_slice %arg4[%dma_wait3A_378] : memref<64000000xf32, #tpu.memory_space<hbm>> -> memref<24576xf32, #tpu.memory_space<hbm>>
          tpu.wait_dma2 semaphore(%arg12 : memref<!tpu.dma_semaphore, #tpu.memory_space<semaphore_mem>>) src(%arg8 : memref<24576xf32, #tpu.memory_space<vmem>>) dst(%dma_wait3A_379 : memref<24576xf32, #tpu.memory_space<hbm>>)
        } else {
        }
        %scan3A = arith.constant 0 : i32
        %scan3A_360 = arith.constant 0 : i32
        %scan3A_361 = arith.constant 24 : i32
        %scan3A_362 = arith.addi %scan3A_360, %scan3A_361 : i32
        %scan3A_363 = arith.constant 1 : i32
        scf.for %scan3A_376 = %scan3A_360 to %scan3A_362 step %scan3A_363  : i32 {
          %mul3A_377 = arith.constant 16 : i32
          %mul3A_378 = arith.muli %scan3A_376, %mul3A_377 : i32
          %add3A_379 = arith.constant 0 : i32
          %add3A_380 = vector.broadcast %add3A_379 : i32 to vector<16xi32>
          %add3A_381 = arith.addi %add3A_380, %iota3A : vector<16xi32>
          %mul3A_382 = arith.constant 64 : i32
          %mul3A_383 = arith.muli %mul3A_378, %mul3A_382 : i32
          %add3A_384 = arith.constant 0 : i32
          %add3A_385 = arith.addi %mul3A_383, %add3A_384 : i32
          %add3A_386 = vector.broadcast %mul3A_378 : i32 to vector<16xi32>
          %add3A_387 = arith.addi %add3A_386, %select_n3A_20 : vector<16xi32>
          %gather3A = tpu.vector_load_idx %arg6[%add3A_381, %add3A_387] : memref<64x384xf32, #tpu.memory_space<vmem>>[vector<16xi32>, vector<16xi32>], vector<16xf32>,
          %add3A_388 = vector.broadcast %mul3A_378 : i32 to vector<16xi32>
          %add3A_389 = arith.addi %add3A_388, %select_n3A_33 : vector<16xi32>
          %gather3A_390 = tpu.vector_load_idx %arg6[%add3A_381, %add3A_389] : memref<64x384xf32, #tpu.memory_space<vmem>>[vector<16xi32>, vector<16xi32>], vector<16xf32>,
          %add3A_391 = vector.broadcast %mul3A_378 : i32 to vector<16xi32>
          %add3A_392 = arith.addi %add3A_391, %select_n3A_46 : vector<16xi32>
          %gather3A_393 = tpu.vector_load_idx %arg6[%add3A_381, %add3A_392] : memref<64x384xf32, #tpu.memory_space<vmem>>[vector<16xi32>, vector<16xi32>], vector<16xf32>,
          %add3A_394 = vector.broadcast %mul3A_378 : i32 to vector<16xi32>
          %add3A_395 = arith.addi %add3A_394, %select_n3A_59 : vector<16xi32>
          %gather3A_396 = tpu.vector_load_idx %arg6[%add3A_381, %add3A_395] : memref<64x384xf32, #tpu.memory_space<vmem>>[vector<16xi32>, vector<16xi32>], vector<16xf32>,
          %add3A_397 = vector.broadcast %add3A_385 : i32 to vector<16xi32>
          %add3A_398 = arith.addi %add3A_219, %add3A_397 : vector<16xi32>
          tpu.vector_store_idx %arg8[%add3A_398], %gather3A : memref<24576xf32, #tpu.memory_space<vmem>>[vector<16xi32>], vector<16xf32>,
          %add3A_399 = vector.broadcast %add3A_385 : i32 to vector<16xi32>
          %add3A_400 = arith.addi %add3A_223, %add3A_399 : vector<16xi32>
          tpu.vector_store_idx %arg8[%add3A_400], %gather3A_390 : memref<24576xf32, #tpu.memory_space<vmem>>[vector<16xi32>], vector<16xf32>,
          %add3A_401 = vector.broadcast %add3A_385 : i32 to vector<16xi32>
          %add3A_402 = arith.addi %add3A_227, %add3A_401 : vector<16xi32>
          tpu.vector_store_idx %arg8[%add3A_402], %gather3A_393 : memref<24576xf32, #tpu.memory_space<vmem>>[vector<16xi32>], vector<16xf32>,
          %add3A_403 = vector.broadcast %add3A_385 : i32 to vector<16xi32>
          %add3A_404 = arith.addi %add3A_231, %add3A_403 : vector<16xi32>
          tpu.vector_store_idx %arg8[%add3A_404], %gather3A_396 : memref<24576xf32, #tpu.memory_space<vmem>>[vector<16xi32>], vector<16xf32>,
          %add3A_405 = vector.broadcast %mul3A_378 : i32 to vector<16xi32>
          %add3A_406 = arith.addi %add3A_405, %select_n3A_72 : vector<16xi32>
          %gather3A_407 = tpu.vector_load_idx %arg6[%add3A_381, %add3A_406] : memref<64x384xf32, #tpu.memory_space<vmem>>[vector<16xi32>, vector<16xi32>], vector<16xf32>,
          %add3A_408 = vector.broadcast %mul3A_378 : i32 to vector<16xi32>
          %add3A_409 = arith.addi %add3A_408, %select_n3A_85 : vector<16xi32>
          %gather3A_410 = tpu.vector_load_idx %arg6[%add3A_381, %add3A_409] : memref<64x384xf32, #tpu.memory_space<vmem>>[vector<16xi32>, vector<16xi32>], vector<16xf32>,
          %add3A_411 = vector.broadcast %mul3A_378 : i32 to vector<16xi32>
          %add3A_412 = arith.addi %add3A_411, %select_n3A_98 : vector<16xi32>
          %gather3A_413 = tpu.vector_load_idx %arg6[%add3A_381, %add3A_412] : memref<64x384xf32, #tpu.memory_space<vmem>>[vector<16xi32>, vector<16xi32>], vector<16xf32>,
          %add3A_414 = vector.broadcast %mul3A_378 : i32 to vector<16xi32>
          %add3A_415 = arith.addi %add3A_414, %select_n3A_111 : vector<16xi32>
          %gather3A_416 = tpu.vector_load_idx %arg6[%add3A_381, %add3A_415] : memref<64x384xf32, #tpu.memory_space<vmem>>[vector<16xi32>, vector<16xi32>], vector<16xf32>,
          %add3A_417 = vector.broadcast %add3A_385 : i32 to vector<16xi32>
          %add3A_418 = arith.addi %add3A_235, %add3A_417 : vector<16xi32>
          tpu.vector_store_idx %arg8[%add3A_418], %gather3A_407 : memref<24576xf32, #tpu.memory_space<vmem>>[vector<16xi32>], vector<16xf32>,
          %add3A_419 = vector.broadcast %add3A_385 : i32 to vector<16xi32>
          %add3A_420 = arith.addi %add3A_239, %add3A_419 : vector<16xi32>
          tpu.vector_store_idx %arg8[%add3A_420], %gather3A_410 : memref<24576xf32, #tpu.memory_space<vmem>>[vector<16xi32>], vector<16xf32>,
          %add3A_421 = vector.broadcast %add3A_385 : i32 to vector<16xi32>
          %add3A_422 = arith.addi %add3A_243, %add3A_421 : vector<16xi32>
          tpu.vector_store_idx %arg8[%add3A_422], %gather3A_413 : memref<24576xf32, #tpu.memory_space<vmem>>[vector<16xi32>], vector<16xf32>,
          %add3A_423 = vector.broadcast %add3A_385 : i32 to vector<16xi32>
          %add3A_424 = arith.addi %add3A_247, %add3A_423 : vector<16xi32>
          tpu.vector_store_idx %arg8[%add3A_424], %gather3A_416 : memref<24576xf32, #tpu.memory_space<vmem>>[vector<16xi32>], vector<16xf32>,
          %add3A_425 = vector.broadcast %mul3A_378 : i32 to vector<16xi32>
          %add3A_426 = arith.addi %add3A_425, %select_n3A_124 : vector<16xi32>
          %gather3A_427 = tpu.vector_load_idx %arg6[%add3A_381, %add3A_426] : memref<64x384xf32, #tpu.memory_space<vmem>>[vector<16xi32>, vector<16xi32>], vector<16xf32>,
          %add3A_428 = vector.broadcast %mul3A_378 : i32 to vector<16xi32>
          %add3A_429 = arith.addi %add3A_428, %select_n3A_137 : vector<16xi32>
          %gather3A_430 = tpu.vector_load_idx %arg6[%add3A_381, %add3A_429] : memref<64x384xf32, #tpu.memory_space<vmem>>[vector<16xi32>, vector<16xi32>], vector<16xf32>,
          %add3A_431 = vector.broadcast %mul3A_378 : i32 to vector<16xi32>
          %add3A_432 = arith.addi %add3A_431, %select_n3A_150 : vector<16xi32>
          %gather3A_433 = tpu.vector_load_idx %arg6[%add3A_381, %add3A_432] : memref<64x384xf32, #tpu.memory_space<vmem>>[vector<16xi32>, vector<16xi32>], vector<16xf32>,
          %add3A_434 = vector.broadcast %mul3A_378 : i32 to vector<16xi32>
          %add3A_435 = arith.addi %add3A_434, %select_n3A_163 : vector<16xi32>
          %gather3A_436 = tpu.vector_load_idx %arg6[%add3A_381, %add3A_435] : memref<64x384xf32, #tpu.memory_space<vmem>>[vector<16xi32>, vector<16xi32>], vector<16xf32>,
          %add3A_437 = vector.broadcast %add3A_385 : i32 to vector<16xi32>
          %add3A_438 = arith.addi %add3A_251, %add3A_437 : vector<16xi32>
          tpu.vector_store_idx %arg8[%add3A_438], %gather3A_427 : memref<24576xf32, #tpu.memory_space<vmem>>[vector<16xi32>], vector<16xf32>,
          %add3A_439 = vector.broadcast %add3A_385 : i32 to vector<16xi32>
          %add3A_440 = arith.addi %add3A_255, %add3A_439 : vector<16xi32>
          tpu.vector_store_idx %arg8[%add3A_440], %gather3A_430 : memref<24576xf32, #tpu.memory_space<vmem>>[vector<16xi32>], vector<16xf32>,
          %add3A_441 = vector.broadcast %add3A_385 : i32 to vector<16xi32>
          %add3A_442 = arith.addi %add3A_259, %add3A_441 : vector<16xi32>
          tpu.vector_store_idx %arg8[%add3A_442], %gather3A_433 : memref<24576xf32, #tpu.memory_space<vmem>>[vector<16xi32>], vector<16xf32>,
          %add3A_443 = vector.broadcast %add3A_385 : i32 to vector<16xi32>
          %add3A_444 = arith.addi %add3A_263, %add3A_443 : vector<16xi32>
          tpu.vector_store_idx %arg8[%add3A_444], %gather3A_436 : memref<24576xf32, #tpu.memory_space<vmem>>[vector<16xi32>], vector<16xf32>,
          %add3A_445 = vector.broadcast %mul3A_378 : i32 to vector<16xi32>
          %add3A_446 = arith.addi %add3A_445, %select_n3A_176 : vector<16xi32>
          %gather3A_447 = tpu.vector_load_idx %arg6[%add3A_381, %add3A_446] : memref<64x384xf32, #tpu.memory_space<vmem>>[vector<16xi32>, vector<16xi32>], vector<16xf32>,
          %add3A_448 = vector.broadcast %mul3A_378 : i32 to vector<16xi32>
          %add3A_449 = arith.addi %add3A_448, %select_n3A_189 : vector<16xi32>
          %gather3A_450 = tpu.vector_load_idx %arg6[%add3A_381, %add3A_449] : memref<64x384xf32, #tpu.memory_space<vmem>>[vector<16xi32>, vector<16xi32>], vector<16xf32>,
          %add3A_451 = vector.broadcast %mul3A_378 : i32 to vector<16xi32>
          %add3A_452 = arith.addi %add3A_451, %select_n3A_202 : vector<16xi32>
          %gather3A_453 = tpu.vector_load_idx %arg6[%add3A_381, %add3A_452] : memref<64x384xf32, #tpu.memory_space<vmem>>[vector<16xi32>, vector<16xi32>], vector<16xf32>,
          %add3A_454 = vector.broadcast %mul3A_378 : i32 to vector<16xi32>
          %add3A_455 = arith.addi %add3A_454, %select_n3A_215 : vector<16xi32>
          %gather3A_456 = tpu.vector_load_idx %arg6[%add3A_381, %add3A_455] : memref<64x384xf32, #tpu.memory_space<vmem>>[vector<16xi32>, vector<16xi32>], vector<16xf32>,
          %add3A_457 = vector.broadcast %add3A_385 : i32 to vector<16xi32>
          %add3A_458 = arith.addi %add3A_267, %add3A_457 : vector<16xi32>
          tpu.vector_store_idx %arg8[%add3A_458], %gather3A_447 : memref<24576xf32, #tpu.memory_space<vmem>>[vector<16xi32>], vector<16xf32>,
          %add3A_459 = vector.broadcast %add3A_385 : i32 to vector<16xi32>
          %add3A_460 = arith.addi %add3A_271, %add3A_459 : vector<16xi32>
          tpu.vector_store_idx %arg8[%add3A_460], %gather3A_450 : memref<24576xf32, #tpu.memory_space<vmem>>[vector<16xi32>], vector<16xf32>,
          %add3A_461 = vector.broadcast %add3A_385 : i32 to vector<16xi32>
          %add3A_462 = arith.addi %add3A_275, %add3A_461 : vector<16xi32>
          tpu.vector_store_idx %arg8[%add3A_462], %gather3A_453 : memref<24576xf32, #tpu.memory_space<vmem>>[vector<16xi32>], vector<16xf32>,
          %add3A_463 = vector.broadcast %add3A_385 : i32 to vector<16xi32>
          %add3A_464 = arith.addi %add3A_279, %add3A_463 : vector<16xi32>
          tpu.vector_store_idx %arg8[%add3A_464], %gather3A_456 : memref<24576xf32, #tpu.memory_space<vmem>>[vector<16xi32>], vector<16xf32>,
          %add3A_465 = arith.constant 16 : i32
          %add3A_466 = vector.broadcast %add3A_465 : i32 to vector<16xi32>
          %add3A_467 = arith.addi %add3A_466, %iota3A : vector<16xi32>
          %mul3A_468 = arith.constant 64 : i32
          %mul3A_469 = arith.muli %mul3A_378, %mul3A_468 : i32
          %add3A_470 = arith.constant 16 : i32
          %add3A_471 = arith.addi %mul3A_469, %add3A_470 : i32
          %add3A_472 = vector.broadcast %mul3A_378 : i32 to vector<16xi32>
          %add3A_473 = arith.addi %add3A_472, %select_n3A_20 : vector<16xi32>
          %gather3A_474 = tpu.vector_load_idx %arg6[%add3A_467, %add3A_473] : memref<64x384xf32, #tpu.memory_space<vmem>>[vector<16xi32>, vector<16xi32>], vector<16xf32>,
          %add3A_475 = vector.broadcast %mul3A_378 : i32 to vector<16xi32>
          %add3A_476 = arith.addi %add3A_475, %select_n3A_33 : vector<16xi32>
          %gather3A_477 = tpu.vector_load_idx %arg6[%add3A_467, %add3A_476] : memref<64x384xf32, #tpu.memory_space<vmem>>[vector<16xi32>, vector<16xi32>], vector<16xf32>,
          %add3A_478 = vector.broadcast %mul3A_378 : i32 to vector<16xi32>
          %add3A_479 = arith.addi %add3A_478, %select_n3A_46 : vector<16xi32>
          %gather3A_480 = tpu.vector_load_idx %arg6[%add3A_467, %add3A_479] : memref<64x384xf32, #tpu.memory_space<vmem>>[vector<16xi32>, vector<16xi32>], vector<16xf32>,
          %add3A_481 = vector.broadcast %mul3A_378 : i32 to vector<16xi32>
          %add3A_482 = arith.addi %add3A_481, %select_n3A_59 : vector<16xi32>
          %gather3A_483 = tpu.vector_load_idx %arg6[%add3A_467, %add3A_482] : memref<64x384xf32, #tpu.memory_space<vmem>>[vector<16xi32>, vector<16xi32>], vector<16xf32>,
          %add3A_484 = vector.broadcast %add3A_471 : i32 to vector<16xi32>
          %add3A_485 = arith.addi %add3A_219, %add3A_484 : vector<16xi32>
          tpu.vector_store_idx %arg8[%add3A_485], %gather3A_474 : memref<24576xf32, #tpu.memory_space<vmem>>[vector<16xi32>], vector<16xf32>,
          %add3A_486 = vector.broadcast %add3A_471 : i32 to vector<16xi32>
          %add3A_487 = arith.addi %add3A_223, %add3A_486 : vector<16xi32>
          tpu.vector_store_idx %arg8[%add3A_487], %gather3A_477 : memref<24576xf32, #tpu.memory_space<vmem>>[vector<16xi32>], vector<16xf32>,
          %add3A_488 = vector.broadcast %add3A_471 : i32 to vector<16xi32>
          %add3A_489 = arith.addi %add3A_227, %add3A_488 : vector<16xi32>
          tpu.vector_store_idx %arg8[%add3A_489], %gather3A_480 : memref<24576xf32, #tpu.memory_space<vmem>>[vector<16xi32>], vector<16xf32>,
          %add3A_490 = vector.broadcast %add3A_471 : i32 to vector<16xi32>
          %add3A_491 = arith.addi %add3A_231, %add3A_490 : vector<16xi32>
          tpu.vector_store_idx %arg8[%add3A_491], %gather3A_483 : memref<24576xf32, #tpu.memory_space<vmem>>[vector<16xi32>], vector<16xf32>,
          %add3A_492 = vector.broadcast %mul3A_378 : i32 to vector<16xi32>
          %add3A_493 = arith.addi %add3A_492, %select_n3A_72 : vector<16xi32>
          %gather3A_494 = tpu.vector_load_idx %arg6[%add3A_467, %add3A_493] : memref<64x384xf32, #tpu.memory_space<vmem>>[vector<16xi32>, vector<16xi32>], vector<16xf32>,
          %add3A_495 = vector.broadcast %mul3A_378 : i32 to vector<16xi32>
          %add3A_496 = arith.addi %add3A_495, %select_n3A_85 : vector<16xi32>
          %gather3A_497 = tpu.vector_load_idx %arg6[%add3A_467, %add3A_496] : memref<64x384xf32, #tpu.memory_space<vmem>>[vector<16xi32>, vector<16xi32>], vector<16xf32>,
          %add3A_498 = vector.broadcast %mul3A_378 : i32 to vector<16xi32>
          %add3A_499 = arith.addi %add3A_498, %select_n3A_98 : vector<16xi32>
          %gather3A_500 = tpu.vector_load_idx %arg6[%add3A_467, %add3A_499] : memref<64x384xf32, #tpu.memory_space<vmem>>[vector<16xi32>, vector<16xi32>], vector<16xf32>,
          %add3A_501 = vector.broadcast %mul3A_378 : i32 to vector<16xi32>
          %add3A_502 = arith.addi %add3A_501, %select_n3A_111 : vector<16xi32>
          %gather3A_503 = tpu.vector_load_idx %arg6[%add3A_467, %add3A_502] : memref<64x384xf32, #tpu.memory_space<vmem>>[vector<16xi32>, vector<16xi32>], vector<16xf32>,
          %add3A_504 = vector.broadcast %add3A_471 : i32 to vector<16xi32>
          %add3A_505 = arith.addi %add3A_235, %add3A_504 : vector<16xi32>
          tpu.vector_store_idx %arg8[%add3A_505], %gather3A_494 : memref<24576xf32, #tpu.memory_space<vmem>>[vector<16xi32>], vector<16xf32>,
          %add3A_506 = vector.broadcast %add3A_471 : i32 to vector<16xi32>
          %add3A_507 = arith.addi %add3A_239, %add3A_506 : vector<16xi32>
          tpu.vector_store_idx %arg8[%add3A_507], %gather3A_497 : memref<24576xf32, #tpu.memory_space<vmem>>[vector<16xi32>], vector<16xf32>,
          %add3A_508 = vector.broadcast %add3A_471 : i32 to vector<16xi32>
          %add3A_509 = arith.addi %add3A_243, %add3A_508 : vector<16xi32>
          tpu.vector_store_idx %arg8[%add3A_509], %gather3A_500 : memref<24576xf32, #tpu.memory_space<vmem>>[vector<16xi32>], vector<16xf32>,
          %add3A_510 = vector.broadcast %add3A_471 : i32 to vector<16xi32>
          %add3A_511 = arith.addi %add3A_247, %add3A_510 : vector<16xi32>
          tpu.vector_store_idx %arg8[%add3A_511], %gather3A_503 : memref<24576xf32, #tpu.memory_space<vmem>>[vector<16xi32>], vector<16xf32>,
          %add3A_512 = vector.broadcast %mul3A_378 : i32 to vector<16xi32>
          %add3A_513 = arith.addi %add3A_512, %select_n3A_124 : vector<16xi32>
          %gather3A_514 = tpu.vector_load_idx %arg6[%add3A_467, %add3A_513] : memref<64x384xf32, #tpu.memory_space<vmem>>[vector<16xi32>, vector<16xi32>], vector<16xf32>,
          %add3A_515 = vector.broadcast %mul3A_378 : i32 to vector<16xi32>
          %add3A_516 = arith.addi %add3A_515, %select_n3A_137 : vector<16xi32>
          %gather3A_517 = tpu.vector_load_idx %arg6[%add3A_467, %add3A_516] : memref<64x384xf32, #tpu.memory_space<vmem>>[vector<16xi32>, vector<16xi32>], vector<16xf32>,
          %add3A_518 = vector.broadcast %mul3A_378 : i32 to vector<16xi32>
          %add3A_519 = arith.addi %add3A_518, %select_n3A_150 : vector<16xi32>
          %gather3A_520 = tpu.vector_load_idx %arg6[%add3A_467, %add3A_519] : memref<64x384xf32, #tpu.memory_space<vmem>>[vector<16xi32>, vector<16xi32>], vector<16xf32>,
          %add3A_521 = vector.broadcast %mul3A_378 : i32 to vector<16xi32>
          %add3A_522 = arith.addi %add3A_521, %select_n3A_163 : vector<16xi32>
          %gather3A_523 = tpu.vector_load_idx %arg6[%add3A_467, %add3A_522] : memref<64x384xf32, #tpu.memory_space<vmem>>[vector<16xi32>, vector<16xi32>], vector<16xf32>,
          %add3A_524 = vector.broadcast %add3A_471 : i32 to vector<16xi32>
          %add3A_525 = arith.addi %add3A_251, %add3A_524 : vector<16xi32>
          tpu.vector_store_idx %arg8[%add3A_525], %gather3A_514 : memref<24576xf32, #tpu.memory_space<vmem>>[vector<16xi32>], vector<16xf32>,
          %add3A_526 = vector.broadcast %add3A_471 : i32 to vector<16xi32>
          %add3A_527 = arith.addi %add3A_255, %add3A_526 : vector<16xi32>
          tpu.vector_store_idx %arg8[%add3A_527], %gather3A_517 : memref<24576xf32, #tpu.memory_space<vmem>>[vector<16xi32>], vector<16xf32>,
          %add3A_528 = vector.broadcast %add3A_471 : i32 to vector<16xi32>
          %add3A_529 = arith.addi %add3A_259, %add3A_528 : vector<16xi32>
          tpu.vector_store_idx %arg8[%add3A_529], %gather3A_520 : memref<24576xf32, #tpu.memory_space<vmem>>[vector<16xi32>], vector<16xf32>,
          %add3A_530 = vector.broadcast %add3A_471 : i32 to vector<16xi32>
          %add3A_531 = arith.addi %add3A_263, %add3A_530 : vector<16xi32>
          tpu.vector_store_idx %arg8[%add3A_531], %gather3A_523 : memref<24576xf32, #tpu.memory_space<vmem>>[vector<16xi32>], vector<16xf32>,
          %add3A_532 = vector.broadcast %mul3A_378 : i32 to vector<16xi32>
          %add3A_533 = arith.addi %add3A_532, %select_n3A_176 : vector<16xi32>
          %gather3A_534 = tpu.vector_load_idx %arg6[%add3A_467, %add3A_533] : memref<64x384xf32, #tpu.memory_space<vmem>>[vector<16xi32>, vector<16xi32>], vector<16xf32>,
          %add3A_535 = vector.broadcast %mul3A_378 : i32 to vector<16xi32>
          %add3A_536 = arith.addi %add3A_535, %select_n3A_189 : vector<16xi32>
          %gather3A_537 = tpu.vector_load_idx %arg6[%add3A_467, %add3A_536] : memref<64x384xf32, #tpu.memory_space<vmem>>[vector<16xi32>, vector<16xi32>], vector<16xf32>,
          %add3A_538 = vector.broadcast %mul3A_378 : i32 to vector<16xi32>
          %add3A_539 = arith.addi %add3A_538, %select_n3A_202 : vector<16xi32>
          %gather3A_540 = tpu.vector_load_idx %arg6[%add3A_467, %add3A_539] : memref<64x384xf32, #tpu.memory_space<vmem>>[vector<16xi32>, vector<16xi32>], vector<16xf32>,
          %add3A_541 = vector.broadcast %mul3A_378 : i32 to vector<16xi32>
          %add3A_542 = arith.addi %add3A_541, %select_n3A_215 : vector<16xi32>
          %gather3A_543 = tpu.vector_load_idx %arg6[%add3A_467, %add3A_542] : memref<64x384xf32, #tpu.memory_space<vmem>>[vector<16xi32>, vector<16xi32>], vector<16xf32>,
          %add3A_544 = vector.broadcast %add3A_471 : i32 to vector<16xi32>
          %add3A_545 = arith.addi %add3A_267, %add3A_544 : vector<16xi32>
          tpu.vector_store_idx %arg8[%add3A_545], %gather3A_534 : memref<24576xf32, #tpu.memory_space<vmem>>[vector<16xi32>], vector<16xf32>,
          %add3A_546 = vector.broadcast %add3A_471 : i32 to vector<16xi32>
          %add3A_547 = arith.addi %add3A_271, %add3A_546 : vector<16xi32>
          tpu.vector_store_idx %arg8[%add3A_547], %gather3A_537 : memref<24576xf32, #tpu.memory_space<vmem>>[vector<16xi32>], vector<16xf32>,
          %add3A_548 = vector.broadcast %add3A_471 : i32 to vector<16xi32>
          %add3A_549 = arith.addi %add3A_275, %add3A_548 : vector<16xi32>
          tpu.vector_store_idx %arg8[%add3A_549], %gather3A_540 : memref<24576xf32, #tpu.memory_space<vmem>>[vector<16xi32>], vector<16xf32>,
          %add3A_550 = vector.broadcast %add3A_471 : i32 to vector<16xi32>
          %add3A_551 = arith.addi %add3A_279, %add3A_550 : vector<16xi32>
          tpu.vector_store_idx %arg8[%add3A_551], %gather3A_543 : memref<24576xf32, #tpu.memory_space<vmem>>[vector<16xi32>], vector<16xf32>,
          %add3A_552 = arith.constant 32 : i32
          %add3A_553 = vector.broadcast %add3A_552 : i32 to vector<16xi32>
          %add3A_554 = arith.addi %add3A_553, %iota3A : vector<16xi32>
          %mul3A_555 = arith.constant 64 : i32
          %mul3A_556 = arith.muli %mul3A_378, %mul3A_555 : i32
          %add3A_557 = arith.constant 32 : i32
          %add3A_558 = arith.addi %mul3A_556, %add3A_557 : i32
          %add3A_559 = vector.broadcast %mul3A_378 : i32 to vector<16xi32>
          %add3A_560 = arith.addi %add3A_559, %select_n3A_20 : vector<16xi32>
          %gather3A_561 = tpu.vector_load_idx %arg6[%add3A_554, %add3A_560] : memref<64x384xf32, #tpu.memory_space<vmem>>[vector<16xi32>, vector<16xi32>], vector<16xf32>,
          %add3A_562 = vector.broadcast %mul3A_378 : i32 to vector<16xi32>
          %add3A_563 = arith.addi %add3A_562, %select_n3A_33 : vector<16xi32>
          %gather3A_564 = tpu.vector_load_idx %arg6[%add3A_554, %add3A_563] : memref<64x384xf32, #tpu.memory_space<vmem>>[vector<16xi32>, vector<16xi32>], vector<16xf32>,
          %add3A_565 = vector.broadcast %mul3A_378 : i32 to vector<16xi32>
          %add3A_566 = arith.addi %add3A_565, %select_n3A_46 : vector<16xi32>
          %gather3A_567 = tpu.vector_load_idx %arg6[%add3A_554, %add3A_566] : memref<64x384xf32, #tpu.memory_space<vmem>>[vector<16xi32>, vector<16xi32>], vector<16xf32>,
          %add3A_568 = vector.broadcast %mul3A_378 : i32 to vector<16xi32>
          %add3A_569 = arith.addi %add3A_568, %select_n3A_59 : vector<16xi32>
          %gather3A_570 = tpu.vector_load_idx %arg6[%add3A_554, %add3A_569] : memref<64x384xf32, #tpu.memory_space<vmem>>[vector<16xi32>, vector<16xi32>], vector<16xf32>,
          %add3A_571 = vector.broadcast %add3A_558 : i32 to vector<16xi32>
          %add3A_572 = arith.addi %add3A_219, %add3A_571 : vector<16xi32>
          tpu.vector_store_idx %arg8[%add3A_572], %gather3A_561 : memref<24576xf32, #tpu.memory_space<vmem>>[vector<16xi32>], vector<16xf32>,
          %add3A_573 = vector.broadcast %add3A_558 : i32 to vector<16xi32>
          %add3A_574 = arith.addi %add3A_223, %add3A_573 : vector<16xi32>
          tpu.vector_store_idx %arg8[%add3A_574], %gather3A_564 : memref<24576xf32, #tpu.memory_space<vmem>>[vector<16xi32>], vector<16xf32>,
          %add3A_575 = vector.broadcast %add3A_558 : i32 to vector<16xi32>
          %add3A_576 = arith.addi %add3A_227, %add3A_575 : vector<16xi32>
          tpu.vector_store_idx %arg8[%add3A_576], %gather3A_567 : memref<24576xf32, #tpu.memory_space<vmem>>[vector<16xi32>], vector<16xf32>,
          %add3A_577 = vector.broadcast %add3A_558 : i32 to vector<16xi32>
          %add3A_578 = arith.addi %add3A_231, %add3A_577 : vector<16xi32>
          tpu.vector_store_idx %arg8[%add3A_578], %gather3A_570 : memref<24576xf32, #tpu.memory_space<vmem>>[vector<16xi32>], vector<16xf32>,
          %add3A_579 = vector.broadcast %mul3A_378 : i32 to vector<16xi32>
          %add3A_580 = arith.addi %add3A_579, %select_n3A_72 : vector<16xi32>
          %gather3A_581 = tpu.vector_load_idx %arg6[%add3A_554, %add3A_580] : memref<64x384xf32, #tpu.memory_space<vmem>>[vector<16xi32>, vector<16xi32>], vector<16xf32>,
          %add3A_582 = vector.broadcast %mul3A_378 : i32 to vector<16xi32>
          %add3A_583 = arith.addi %add3A_582, %select_n3A_85 : vector<16xi32>
          %gather3A_584 = tpu.vector_load_idx %arg6[%add3A_554, %add3A_583] : memref<64x384xf32, #tpu.memory_space<vmem>>[vector<16xi32>, vector<16xi32>], vector<16xf32>,
          %add3A_585 = vector.broadcast %mul3A_378 : i32 to vector<16xi32>
          %add3A_586 = arith.addi %add3A_585, %select_n3A_98 : vector<16xi32>
          %gather3A_587 = tpu.vector_load_idx %arg6[%add3A_554, %add3A_586] : memref<64x384xf32, #tpu.memory_space<vmem>>[vector<16xi32>, vector<16xi32>], vector<16xf32>,
          %add3A_588 = vector.broadcast %mul3A_378 : i32 to vector<16xi32>
          %add3A_589 = arith.addi %add3A_588, %select_n3A_111 : vector<16xi32>
          %gather3A_590 = tpu.vector_load_idx %arg6[%add3A_554, %add3A_589] : memref<64x384xf32, #tpu.memory_space<vmem>>[vector<16xi32>, vector<16xi32>], vector<16xf32>,
          %add3A_591 = vector.broadcast %add3A_558 : i32 to vector<16xi32>
          %add3A_592 = arith.addi %add3A_235, %add3A_591 : vector<16xi32>
          tpu.vector_store_idx %arg8[%add3A_592], %gather3A_581 : memref<24576xf32, #tpu.memory_space<vmem>>[vector<16xi32>], vector<16xf32>,
          %add3A_593 = vector.broadcast %add3A_558 : i32 to vector<16xi32>
          %add3A_594 = arith.addi %add3A_239, %add3A_593 : vector<16xi32>
          tpu.vector_store_idx %arg8[%add3A_594], %gather3A_584 : memref<24576xf32, #tpu.memory_space<vmem>>[vector<16xi32>], vector<16xf32>,
          %add3A_595 = vector.broadcast %add3A_558 : i32 to vector<16xi32>
          %add3A_596 = arith.addi %add3A_243, %add3A_595 : vector<16xi32>
          tpu.vector_store_idx %arg8[%add3A_596], %gather3A_587 : memref<24576xf32, #tpu.memory_space<vmem>>[vector<16xi32>], vector<16xf32>,
          %add3A_597 = vector.broadcast %add3A_558 : i32 to vector<16xi32>
          %add3A_598 = arith.addi %add3A_247, %add3A_597 : vector<16xi32>
          tpu.vector_store_idx %arg8[%add3A_598], %gather3A_590 : memref<24576xf32, #tpu.memory_space<vmem>>[vector<16xi32>], vector<16xf32>,
          %add3A_599 = vector.broadcast %mul3A_378 : i32 to vector<16xi32>
          %add3A_600 = arith.addi %add3A_599, %select_n3A_124 : vector<16xi32>
          %gather3A_601 = tpu.vector_load_idx %arg6[%add3A_554, %add3A_600] : memref<64x384xf32, #tpu.memory_space<vmem>>[vector<16xi32>, vector<16xi32>], vector<16xf32>,
          %add3A_602 = vector.broadcast %mul3A_378 : i32 to vector<16xi32>
          %add3A_603 = arith.addi %add3A_602, %select_n3A_137 : vector<16xi32>
          %gather3A_604 = tpu.vector_load_idx %arg6[%add3A_554, %add3A_603] : memref<64x384xf32, #tpu.memory_space<vmem>>[vector<16xi32>, vector<16xi32>], vector<16xf32>,
          %add3A_605 = vector.broadcast %mul3A_378 : i32 to vector<16xi32>
          %add3A_606 = arith.addi %add3A_605, %select_n3A_150 : vector<16xi32>
          %gather3A_607 = tpu.vector_load_idx %arg6[%add3A_554, %add3A_606] : memref<64x384xf32, #tpu.memory_space<vmem>>[vector<16xi32>, vector<16xi32>], vector<16xf32>,
          %add3A_608 = vector.broadcast %mul3A_378 : i32 to vector<16xi32>
          %add3A_609 = arith.addi %add3A_608, %select_n3A_163 : vector<16xi32>
          %gather3A_610 = tpu.vector_load_idx %arg6[%add3A_554, %add3A_609] : memref<64x384xf32, #tpu.memory_space<vmem>>[vector<16xi32>, vector<16xi32>], vector<16xf32>,
          %add3A_611 = vector.broadcast %add3A_558 : i32 to vector<16xi32>
          %add3A_612 = arith.addi %add3A_251, %add3A_611 : vector<16xi32>
          tpu.vector_store_idx %arg8[%add3A_612], %gather3A_601 : memref<24576xf32, #tpu.memory_space<vmem>>[vector<16xi32>], vector<16xf32>,
          %add3A_613 = vector.broadcast %add3A_558 : i32 to vector<16xi32>
          %add3A_614 = arith.addi %add3A_255, %add3A_613 : vector<16xi32>
          tpu.vector_store_idx %arg8[%add3A_614], %gather3A_604 : memref<24576xf32, #tpu.memory_space<vmem>>[vector<16xi32>], vector<16xf32>,
          %add3A_615 = vector.broadcast %add3A_558 : i32 to vector<16xi32>
          %add3A_616 = arith.addi %add3A_259, %add3A_615 : vector<16xi32>
          tpu.vector_store_idx %arg8[%add3A_616], %gather3A_607 : memref<24576xf32, #tpu.memory_space<vmem>>[vector<16xi32>], vector<16xf32>,
          %add3A_617 = vector.broadcast %add3A_558 : i32 to vector<16xi32>
          %add3A_618 = arith.addi %add3A_263, %add3A_617 : vector<16xi32>
          tpu.vector_store_idx %arg8[%add3A_618], %gather3A_610 : memref<24576xf32, #tpu.memory_space<vmem>>[vector<16xi32>], vector<16xf32>,
          %add3A_619 = vector.broadcast %mul3A_378 : i32 to vector<16xi32>
          %add3A_620 = arith.addi %add3A_619, %select_n3A_176 : vector<16xi32>
          %gather3A_621 = tpu.vector_load_idx %arg6[%add3A_554, %add3A_620] : memref<64x384xf32, #tpu.memory_space<vmem>>[vector<16xi32>, vector<16xi32>], vector<16xf32>,
          %add3A_622 = vector.broadcast %mul3A_378 : i32 to vector<16xi32>
          %add3A_623 = arith.addi %add3A_622, %select_n3A_189 : vector<16xi32>
          %gather3A_624 = tpu.vector_load_idx %arg6[%add3A_554, %add3A_623] : memref<64x384xf32, #tpu.memory_space<vmem>>[vector<16xi32>, vector<16xi32>], vector<16xf32>,
          %add3A_625 = vector.broadcast %mul3A_378 : i32 to vector<16xi32>
          %add3A_626 = arith.addi %add3A_625, %select_n3A_202 : vector<16xi32>
          %gather3A_627 = tpu.vector_load_idx %arg6[%add3A_554, %add3A_626] : memref<64x384xf32, #tpu.memory_space<vmem>>[vector<16xi32>, vector<16xi32>], vector<16xf32>,
          %add3A_628 = vector.broadcast %mul3A_378 : i32 to vector<16xi32>
          %add3A_629 = arith.addi %add3A_628, %select_n3A_215 : vector<16xi32>
          %gather3A_630 = tpu.vector_load_idx %arg6[%add3A_554, %add3A_629] : memref<64x384xf32, #tpu.memory_space<vmem>>[vector<16xi32>, vector<16xi32>], vector<16xf32>,
          %add3A_631 = vector.broadcast %add3A_558 : i32 to vector<16xi32>
          %add3A_632 = arith.addi %add3A_267, %add3A_631 : vector<16xi32>
          tpu.vector_store_idx %arg8[%add3A_632], %gather3A_621 : memref<24576xf32, #tpu.memory_space<vmem>>[vector<16xi32>], vector<16xf32>,
          %add3A_633 = vector.broadcast %add3A_558 : i32 to vector<16xi32>
          %add3A_634 = arith.addi %add3A_271, %add3A_633 : vector<16xi32>
          tpu.vector_store_idx %arg8[%add3A_634], %gather3A_624 : memref<24576xf32, #tpu.memory_space<vmem>>[vector<16xi32>], vector<16xf32>,
          %add3A_635 = vector.broadcast %add3A_558 : i32 to vector<16xi32>
          %add3A_636 = arith.addi %add3A_275, %add3A_635 : vector<16xi32>
          tpu.vector_store_idx %arg8[%add3A_636], %gather3A_627 : memref<24576xf32, #tpu.memory_space<vmem>>[vector<16xi32>], vector<16xf32>,
          %add3A_637 = vector.broadcast %add3A_558 : i32 to vector<16xi32>
          %add3A_638 = arith.addi %add3A_279, %add3A_637 : vector<16xi32>
          tpu.vector_store_idx %arg8[%add3A_638], %gather3A_630 : memref<24576xf32, #tpu.memory_space<vmem>>[vector<16xi32>], vector<16xf32>,
          %add3A_639 = arith.constant 48 : i32
          %add3A_640 = vector.broadcast %add3A_639 : i32 to vector<16xi32>
          %add3A_641 = arith.addi %add3A_640, %iota3A : vector<16xi32>
          %mul3A_642 = arith.constant 64 : i32
          %mul3A_643 = arith.muli %mul3A_378, %mul3A_642 : i32
          %add3A_644 = arith.constant 48 : i32
          %add3A_645 = arith.addi %mul3A_643, %add3A_644 : i32
          %add3A_646 = vector.broadcast %mul3A_378 : i32 to vector<16xi32>
          %add3A_647 = arith.addi %add3A_646, %select_n3A_20 : vector<16xi32>
          %gather3A_648 = tpu.vector_load_idx %arg6[%add3A_641, %add3A_647] : memref<64x384xf32, #tpu.memory_space<vmem>>[vector<16xi32>, vector<16xi32>], vector<16xf32>,
          %add3A_649 = vector.broadcast %mul3A_378 : i32 to vector<16xi32>
          %add3A_650 = arith.addi %add3A_649, %select_n3A_33 : vector<16xi32>
          %gather3A_651 = tpu.vector_load_idx %arg6[%add3A_641, %add3A_650] : memref<64x384xf32, #tpu.memory_space<vmem>>[vector<16xi32>, vector<16xi32>], vector<16xf32>,
          %add3A_652 = vector.broadcast %mul3A_378 : i32 to vector<16xi32>
          %add3A_653 = arith.addi %add3A_652, %select_n3A_46 : vector<16xi32>
          %gather3A_654 = tpu.vector_load_idx %arg6[%add3A_641, %add3A_653] : memref<64x384xf32, #tpu.memory_space<vmem>>[vector<16xi32>, vector<16xi32>], vector<16xf32>,
          %add3A_655 = vector.broadcast %mul3A_378 : i32 to vector<16xi32>
          %add3A_656 = arith.addi %add3A_655, %select_n3A_59 : vector<16xi32>
          %gather3A_657 = tpu.vector_load_idx %arg6[%add3A_641, %add3A_656] : memref<64x384xf32, #tpu.memory_space<vmem>>[vector<16xi32>, vector<16xi32>], vector<16xf32>,
          %add3A_658 = vector.broadcast %add3A_645 : i32 to vector<16xi32>
          %add3A_659 = arith.addi %add3A_219, %add3A_658 : vector<16xi32>
          tpu.vector_store_idx %arg8[%add3A_659], %gather3A_648 : memref<24576xf32, #tpu.memory_space<vmem>>[vector<16xi32>], vector<16xf32>,
          %add3A_660 = vector.broadcast %add3A_645 : i32 to vector<16xi32>
          %add3A_661 = arith.addi %add3A_223, %add3A_660 : vector<16xi32>
          tpu.vector_store_idx %arg8[%add3A_661], %gather3A_651 : memref<24576xf32, #tpu.memory_space<vmem>>[vector<16xi32>], vector<16xf32>,
          %add3A_662 = vector.broadcast %add3A_645 : i32 to vector<16xi32>
          %add3A_663 = arith.addi %add3A_227, %add3A_662 : vector<16xi32>
          tpu.vector_store_idx %arg8[%add3A_663], %gather3A_654 : memref<24576xf32, #tpu.memory_space<vmem>>[vector<16xi32>], vector<16xf32>,
          %add3A_664 = vector.broadcast %add3A_645 : i32 to vector<16xi32>
          %add3A_665 = arith.addi %add3A_231, %add3A_664 : vector<16xi32>
          tpu.vector_store_idx %arg8[%add3A_665], %gather3A_657 : memref<24576xf32, #tpu.memory_space<vmem>>[vector<16xi32>], vector<16xf32>,
          %add3A_666 = vector.broadcast %mul3A_378 : i32 to vector<16xi32>
          %add3A_667 = arith.addi %add3A_666, %select_n3A_72 : vector<16xi32>
          %gather3A_668 = tpu.vector_load_idx %arg6[%add3A_641, %add3A_667] : memref<64x384xf32, #tpu.memory_space<vmem>>[vector<16xi32>, vector<16xi32>], vector<16xf32>,
          %add3A_669 = vector.broadcast %mul3A_378 : i32 to vector<16xi32>
          %add3A_670 = arith.addi %add3A_669, %select_n3A_85 : vector<16xi32>
          %gather3A_671 = tpu.vector_load_idx %arg6[%add3A_641, %add3A_670] : memref<64x384xf32, #tpu.memory_space<vmem>>[vector<16xi32>, vector<16xi32>], vector<16xf32>,
          %add3A_672 = vector.broadcast %mul3A_378 : i32 to vector<16xi32>
          %add3A_673 = arith.addi %add3A_672, %select_n3A_98 : vector<16xi32>
          %gather3A_674 = tpu.vector_load_idx %arg6[%add3A_641, %add3A_673] : memref<64x384xf32, #tpu.memory_space<vmem>>[vector<16xi32>, vector<16xi32>], vector<16xf32>,
          %add3A_675 = vector.broadcast %mul3A_378 : i32 to vector<16xi32>
          %add3A_676 = arith.addi %add3A_675, %select_n3A_111 : vector<16xi32>
          %gather3A_677 = tpu.vector_load_idx %arg6[%add3A_641, %add3A_676] : memref<64x384xf32, #tpu.memory_space<vmem>>[vector<16xi32>, vector<16xi32>], vector<16xf32>,
          %add3A_678 = vector.broadcast %add3A_645 : i32 to vector<16xi32>
          %add3A_679 = arith.addi %add3A_235, %add3A_678 : vector<16xi32>
          tpu.vector_store_idx %arg8[%add3A_679], %gather3A_668 : memref<24576xf32, #tpu.memory_space<vmem>>[vector<16xi32>], vector<16xf32>,
          %add3A_680 = vector.broadcast %add3A_645 : i32 to vector<16xi32>
          %add3A_681 = arith.addi %add3A_239, %add3A_680 : vector<16xi32>
          tpu.vector_store_idx %arg8[%add3A_681], %gather3A_671 : memref<24576xf32, #tpu.memory_space<vmem>>[vector<16xi32>], vector<16xf32>,
          %add3A_682 = vector.broadcast %add3A_645 : i32 to vector<16xi32>
          %add3A_683 = arith.addi %add3A_243, %add3A_682 : vector<16xi32>
          tpu.vector_store_idx %arg8[%add3A_683], %gather3A_674 : memref<24576xf32, #tpu.memory_space<vmem>>[vector<16xi32>], vector<16xf32>,
          %add3A_684 = vector.broadcast %add3A_645 : i32 to vector<16xi32>
          %add3A_685 = arith.addi %add3A_247, %add3A_684 : vector<16xi32>
          tpu.vector_store_idx %arg8[%add3A_685], %gather3A_677 : memref<24576xf32, #tpu.memory_space<vmem>>[vector<16xi32>], vector<16xf32>,
          %add3A_686 = vector.broadcast %mul3A_378 : i32 to vector<16xi32>
          %add3A_687 = arith.addi %add3A_686, %select_n3A_124 : vector<16xi32>
          %gather3A_688 = tpu.vector_load_idx %arg6[%add3A_641, %add3A_687] : memref<64x384xf32, #tpu.memory_space<vmem>>[vector<16xi32>, vector<16xi32>], vector<16xf32>,
          %add3A_689 = vector.broadcast %mul3A_378 : i32 to vector<16xi32>
          %add3A_690 = arith.addi %add3A_689, %select_n3A_137 : vector<16xi32>
          %gather3A_691 = tpu.vector_load_idx %arg6[%add3A_641, %add3A_690] : memref<64x384xf32, #tpu.memory_space<vmem>>[vector<16xi32>, vector<16xi32>], vector<16xf32>,
          %add3A_692 = vector.broadcast %mul3A_378 : i32 to vector<16xi32>
          %add3A_693 = arith.addi %add3A_692, %select_n3A_150 : vector<16xi32>
          %gather3A_694 = tpu.vector_load_idx %arg6[%add3A_641, %add3A_693] : memref<64x384xf32, #tpu.memory_space<vmem>>[vector<16xi32>, vector<16xi32>], vector<16xf32>,
          %add3A_695 = vector.broadcast %mul3A_378 : i32 to vector<16xi32>
          %add3A_696 = arith.addi %add3A_695, %select_n3A_163 : vector<16xi32>
          %gather3A_697 = tpu.vector_load_idx %arg6[%add3A_641, %add3A_696] : memref<64x384xf32, #tpu.memory_space<vmem>>[vector<16xi32>, vector<16xi32>], vector<16xf32>,
          %add3A_698 = vector.broadcast %add3A_645 : i32 to vector<16xi32>
          %add3A_699 = arith.addi %add3A_251, %add3A_698 : vector<16xi32>
          tpu.vector_store_idx %arg8[%add3A_699], %gather3A_688 : memref<24576xf32, #tpu.memory_space<vmem>>[vector<16xi32>], vector<16xf32>,
          %add3A_700 = vector.broadcast %add3A_645 : i32 to vector<16xi32>
          %add3A_701 = arith.addi %add3A_255, %add3A_700 : vector<16xi32>
          tpu.vector_store_idx %arg8[%add3A_701], %gather3A_691 : memref<24576xf32, #tpu.memory_space<vmem>>[vector<16xi32>], vector<16xf32>,
          %add3A_702 = vector.broadcast %add3A_645 : i32 to vector<16xi32>
          %add3A_703 = arith.addi %add3A_259, %add3A_702 : vector<16xi32>
          tpu.vector_store_idx %arg8[%add3A_703], %gather3A_694 : memref<24576xf32, #tpu.memory_space<vmem>>[vector<16xi32>], vector<16xf32>,
          %add3A_704 = vector.broadcast %add3A_645 : i32 to vector<16xi32>
          %add3A_705 = arith.addi %add3A_263, %add3A_704 : vector<16xi32>
          tpu.vector_store_idx %arg8[%add3A_705], %gather3A_697 : memref<24576xf32, #tpu.memory_space<vmem>>[vector<16xi32>], vector<16xf32>,
          %add3A_706 = vector.broadcast %mul3A_378 : i32 to vector<16xi32>
          %add3A_707 = arith.addi %add3A_706, %select_n3A_176 : vector<16xi32>
          %gather3A_708 = tpu.vector_load_idx %arg6[%add3A_641, %add3A_707] : memref<64x384xf32, #tpu.memory_space<vmem>>[vector<16xi32>, vector<16xi32>], vector<16xf32>,
          %add3A_709 = vector.broadcast %mul3A_378 : i32 to vector<16xi32>
          %add3A_710 = arith.addi %add3A_709, %select_n3A_189 : vector<16xi32>
          %gather3A_711 = tpu.vector_load_idx %arg6[%add3A_641, %add3A_710] : memref<64x384xf32, #tpu.memory_space<vmem>>[vector<16xi32>, vector<16xi32>], vector<16xf32>,
          %add3A_712 = vector.broadcast %mul3A_378 : i32 to vector<16xi32>
          %add3A_713 = arith.addi %add3A_712, %select_n3A_202 : vector<16xi32>
          %gather3A_714 = tpu.vector_load_idx %arg6[%add3A_641, %add3A_713] : memref<64x384xf32, #tpu.memory_space<vmem>>[vector<16xi32>, vector<16xi32>], vector<16xf32>,
          %add3A_715 = vector.broadcast %mul3A_378 : i32 to vector<16xi32>
          %add3A_716 = arith.addi %add3A_715, %select_n3A_215 : vector<16xi32>
          %gather3A_717 = tpu.vector_load_idx %arg6[%add3A_641, %add3A_716] : memref<64x384xf32, #tpu.memory_space<vmem>>[vector<16xi32>, vector<16xi32>], vector<16xf32>,
          %add3A_718 = vector.broadcast %add3A_645 : i32 to vector<16xi32>
          %add3A_719 = arith.addi %add3A_267, %add3A_718 : vector<16xi32>
          tpu.vector_store_idx %arg8[%add3A_719], %gather3A_708 : memref<24576xf32, #tpu.memory_space<vmem>>[vector<16xi32>], vector<16xf32>,
          %add3A_720 = vector.broadcast %add3A_645 : i32 to vector<16xi32>
          %add3A_721 = arith.addi %add3A_271, %add3A_720 : vector<16xi32>
          tpu.vector_store_idx %arg8[%add3A_721], %gather3A_711 : memref<24576xf32, #tpu.memory_space<vmem>>[vector<16xi32>], vector<16xf32>,
          %add3A_722 = vector.broadcast %add3A_645 : i32 to vector<16xi32>
          %add3A_723 = arith.addi %add3A_275, %add3A_722 : vector<16xi32>
          tpu.vector_store_idx %arg8[%add3A_723], %gather3A_714 : memref<24576xf32, #tpu.memory_space<vmem>>[vector<16xi32>], vector<16xf32>,
          %add3A_724 = vector.broadcast %add3A_645 : i32 to vector<16xi32>
          %add3A_725 = arith.addi %add3A_279, %add3A_724 : vector<16xi32>
          tpu.vector_store_idx %arg8[%add3A_725], %gather3A_717 : memref<24576xf32, #tpu.memory_space<vmem>>[vector<16xi32>], vector<16xf32>,
        }
        %scan3A_364 = arith.constant 24 : i32
        %add3A_365 = arith.addi %add3A_8, %while3A_310 : i32
        %mul3A_366 = arith.constant 24576 : i32
        %mul3A_367 = arith.muli %add3A_365, %mul3A_366 : i32
        %dma_start3A_368 = tpu.memref_slice %arg4[%mul3A_367] : memref<64000000xf32, #tpu.memory_space<hbm>> -> memref<24576xf32, #tpu.memory_space<hbm>>
        %dma_start3A_369 = tpu.memref_slice %arg4[%mul3A_367] : memref<64000000xf32, #tpu.memory_space<hbm>> -> memref<24576xf32, #tpu.memory_space<hbm>>
        tpu.enqueue_dma source(%arg8 : memref<24576xf32, #tpu.memory_space<vmem>>) target(%dma_start3A_369 : memref<24576xf32, #tpu.memory_space<hbm>>) target_semaphore(%arg12 : memref<!tpu.dma_semaphore, #tpu.memory_space<semaphore_mem>>)
        %add3A_370 = arith.constant 2 : i32
        %add3A_371 = arith.addi %while3A_310, %add3A_370 : i32
        %lt3A_372 = arith.cmpi slt, %add3A_371, %add3A_4 : i32
        %convert_element_type3A_373 = arith.extui %lt3A_372 : i1 to i32
        %cond3A_374 = arith.constant 0 : i32
        %cond3A_375 = arith.cmpi ne, %convert_element_type3A_373, %cond3A_374 : i32
        scf.if %cond3A_375 {
          %add3A_376 = arith.constant 2 : i32
          %add3A_377 = arith.addi %while3A_310, %add3A_376 : i32
          %add3A_378 = arith.addi %add3A_8, %add3A_377 : i32
          %mul3A_379 = arith.constant 384 : i32
          %mul3A_380 = arith.muli %add3A_378, %mul3A_379 : i32
          %dma_start3A_381 = arith.constant 0 : i32
          %dma_start3A_382 = tpu.memref_slice %arg2[%dma_start3A_381, %mul3A_380] : memref<64x1000000xf32, #tpu.memory_space<hbm>> -> memref<64x384xf32, #tpu.memory_space<hbm>>
          %dma_start3A_383 = arith.constant 0 : i32
          %dma_start3A_384 = tpu.memref_slice %arg2[%dma_start3A_383, %mul3A_380] : memref<64x1000000xf32, #tpu.memory_space<hbm>> -> memref<64x384xf32, #tpu.memory_space<hbm>>
          tpu.enqueue_dma source(%dma_start3A_384 : memref<64x384xf32, #tpu.memory_space<hbm>>) target(%arg6 : memref<64x384xf32, #tpu.memory_space<vmem>>) target_semaphore(%arg10 : memref<!tpu.dma_semaphore, #tpu.memory_space<semaphore_mem>>)
        } else {
        }
      } else {
      }
    }
    %while3A_297 = arith.constant 1 : i32
    scf.for %while3A_310 = %while3A_295 to %while3A_291 step %while3A_297  : i32 {
      %jit3A_311 = arith.constant 2 : i32
      %eq3A_312 = arith.constant 0 : i32
      %eq3A_313 = arith.cmpi eq, %jit3A_311, %eq3A_312 : i32
      %jit3A_314 = arith.constant 1 : i32
      %select_n3A_315 = arith.select %eq3A_313, %jit3A_314, %jit3A_311 : i32
      %rem3A = arith.remsi %while3A_310, %select_n3A_315 : i32
      %ne3A = arith.constant 0 : i32
      %ne3A_316 = arith.cmpi ne, %rem3A, %ne3A : i32
      %lt3A_317 = arith.constant 0 : i32
      %lt3A_318 = arith.cmpi slt, %rem3A, %lt3A_317 : i32
      %lt3A_319 = arith.constant 0 : i32
      %lt3A_320 = arith.cmpi slt, %select_n3A_315, %lt3A_319 : i32
      %ne3A_321 = arith.xori %lt3A_318, %lt3A_320 : i1
      %and3A = arith.andi %ne3A_321, %ne3A_316 : i1
      %add3A_322 = arith.addi %rem3A, %select_n3A_315 : i32
      %select_n3A_323 = arith.select %and3A, %add3A_322, %rem3A : i32
      %eq3A_324 = arith.constant 0 : i32
      %eq3A_325 = arith.cmpi eq, %select_n3A_323, %eq3A_324 : i32
      %convert_element_type3A_326 = arith.extui %eq3A_325 : i1 to i32
      %cond3A_327 = arith.constant 0 : i32
      %cond3A_328 = arith.cmpi ne, %convert_element_type3A_326, %cond3A_327 : i32
      scf.if %cond3A_328 {
        %dma_wait3A_350 = arith.constant 0 : i32
        %dma_wait3A_351 = arith.constant 0 : i32
        %dma_wait3A_352 = tpu.memref_slice %arg2[%dma_wait3A_350, %dma_wait3A_351] : memref<64x1000000xf32, #tpu.memory_space<hbm>> -> memref<64x384xf32, #tpu.memory_space<hbm>>
        %dma_wait3A_353 = arith.constant 0 : i32
        %dma_wait3A_354 = arith.constant 0 : i32
        %dma_wait3A_355 = tpu.memref_slice %arg2[%dma_wait3A_353, %dma_wait3A_354] : memref<64x1000000xf32, #tpu.memory_space<hbm>> -> memref<64x384xf32, #tpu.memory_space<hbm>>
        tpu.wait_dma2 semaphore(%arg9 : memref<!tpu.dma_semaphore, #tpu.memory_space<semaphore_mem>>) src(%dma_wait3A_355 : memref<64x384xf32, #tpu.memory_space<hbm>>) dst(%arg5 : memref<64x384xf32, #tpu.memory_space<vmem>>)
        %ge3A = arith.constant 2 : i32
        %ge3A_356 = arith.cmpi sge, %while3A_310, %ge3A : i32
        %convert_element_type3A_357 = arith.extui %ge3A_356 : i1 to i32
        %cond3A_358 = arith.constant 0 : i32
        %cond3A_359 = arith.cmpi ne, %convert_element_type3A_357, %cond3A_358 : i32
        scf.if %cond3A_359 {
          %dma_wait3A_376 = arith.constant 0 : i32
          %dma_wait3A_377 = tpu.memref_slice %arg4[%dma_wait3A_376] : memref<64000000xf32, #tpu.memory_space<hbm>> -> memref<24576xf32, #tpu.memory_space<hbm>>
          %dma_wait3A_378 = arith.constant 0 : i32
          %dma_wait3A_379 = tpu.memref_slice %arg4[%dma_wait3A_378] : memref<64000000xf32, #tpu.memory_space<hbm>> -> memref<24576xf32, #tpu.memory_space<hbm>>
          tpu.wait_dma2 semaphore(%arg11 : memref<!tpu.dma_semaphore, #tpu.memory_space<semaphore_mem>>) src(%arg7 : memref<24576xf32, #tpu.memory_space<vmem>>) dst(%dma_wait3A_379 : memref<24576xf32, #tpu.memory_space<hbm>>)
        } else {
        }
        %scan3A = arith.constant 0 : i32
        %scan3A_360 = arith.constant 0 : i32
        %scan3A_361 = arith.constant 24 : i32
        %scan3A_362 = arith.addi %scan3A_360, %scan3A_361 : i32
        %scan3A_363 = arith.constant 1 : i32
        scf.for %scan3A_376 = %scan3A_360 to %scan3A_362 step %scan3A_363  : i32 {
          %mul3A_377 = arith.constant 16 : i32
          %mul3A_378 = arith.muli %scan3A_376, %mul3A_377 : i32
          %add3A_379 = arith.constant 0 : i32
          %add3A_380 = vector.broadcast %add3A_379 : i32 to vector<16xi32>
          %add3A_381 = arith.addi %add3A_380, %iota3A : vector<16xi32>
          %mul3A_382 = arith.constant 64 : i32
          %mul3A_383 = arith.muli %mul3A_378, %mul3A_382 : i32
          %add3A_384 = arith.constant 0 : i32
          %add3A_385 = arith.addi %mul3A_383, %add3A_384 : i32
          %add3A_386 = vector.broadcast %mul3A_378 : i32 to vector<16xi32>
          %add3A_387 = arith.addi %add3A_386, %select_n3A_20 : vector<16xi32>
          %gather3A = tpu.vector_load_idx %arg5[%add3A_381, %add3A_387] : memref<64x384xf32, #tpu.memory_space<vmem>>[vector<16xi32>, vector<16xi32>], vector<16xf32>,
          %add3A_388 = vector.broadcast %mul3A_378 : i32 to vector<16xi32>
          %add3A_389 = arith.addi %add3A_388, %select_n3A_33 : vector<16xi32>
          %gather3A_390 = tpu.vector_load_idx %arg5[%add3A_381, %add3A_389] : memref<64x384xf32, #tpu.memory_space<vmem>>[vector<16xi32>, vector<16xi32>], vector<16xf32>,
          %add3A_391 = vector.broadcast %mul3A_378 : i32 to vector<16xi32>
          %add3A_392 = arith.addi %add3A_391, %select_n3A_46 : vector<16xi32>
          %gather3A_393 = tpu.vector_load_idx %arg5[%add3A_381, %add3A_392] : memref<64x384xf32, #tpu.memory_space<vmem>>[vector<16xi32>, vector<16xi32>], vector<16xf32>,
          %add3A_394 = vector.broadcast %mul3A_378 : i32 to vector<16xi32>
          %add3A_395 = arith.addi %add3A_394, %select_n3A_59 : vector<16xi32>
          %gather3A_396 = tpu.vector_load_idx %arg5[%add3A_381, %add3A_395] : memref<64x384xf32, #tpu.memory_space<vmem>>[vector<16xi32>, vector<16xi32>], vector<16xf32>,
          %add3A_397 = vector.broadcast %add3A_385 : i32 to vector<16xi32>
          %add3A_398 = arith.addi %add3A_219, %add3A_397 : vector<16xi32>
          tpu.vector_store_idx %arg7[%add3A_398], %gather3A : memref<24576xf32, #tpu.memory_space<vmem>>[vector<16xi32>], vector<16xf32>,
          %add3A_399 = vector.broadcast %add3A_385 : i32 to vector<16xi32>
          %add3A_400 = arith.addi %add3A_223, %add3A_399 : vector<16xi32>
          tpu.vector_store_idx %arg7[%add3A_400], %gather3A_390 : memref<24576xf32, #tpu.memory_space<vmem>>[vector<16xi32>], vector<16xf32>,
          %add3A_401 = vector.broadcast %add3A_385 : i32 to vector<16xi32>
          %add3A_402 = arith.addi %add3A_227, %add3A_401 : vector<16xi32>
          tpu.vector_store_idx %arg7[%add3A_402], %gather3A_393 : memref<24576xf32, #tpu.memory_space<vmem>>[vector<16xi32>], vector<16xf32>,
          %add3A_403 = vector.broadcast %add3A_385 : i32 to vector<16xi32>
          %add3A_404 = arith.addi %add3A_231, %add3A_403 : vector<16xi32>
          tpu.vector_store_idx %arg7[%add3A_404], %gather3A_396 : memref<24576xf32, #tpu.memory_space<vmem>>[vector<16xi32>], vector<16xf32>,
          %add3A_405 = vector.broadcast %mul3A_378 : i32 to vector<16xi32>
          %add3A_406 = arith.addi %add3A_405, %select_n3A_72 : vector<16xi32>
          %gather3A_407 = tpu.vector_load_idx %arg5[%add3A_381, %add3A_406] : memref<64x384xf32, #tpu.memory_space<vmem>>[vector<16xi32>, vector<16xi32>], vector<16xf32>,
          %add3A_408 = vector.broadcast %mul3A_378 : i32 to vector<16xi32>
          %add3A_409 = arith.addi %add3A_408, %select_n3A_85 : vector<16xi32>
          %gather3A_410 = tpu.vector_load_idx %arg5[%add3A_381, %add3A_409] : memref<64x384xf32, #tpu.memory_space<vmem>>[vector<16xi32>, vector<16xi32>], vector<16xf32>,
          %add3A_411 = vector.broadcast %mul3A_378 : i32 to vector<16xi32>
          %add3A_412 = arith.addi %add3A_411, %select_n3A_98 : vector<16xi32>
          %gather3A_413 = tpu.vector_load_idx %arg5[%add3A_381, %add3A_412] : memref<64x384xf32, #tpu.memory_space<vmem>>[vector<16xi32>, vector<16xi32>], vector<16xf32>,
          %add3A_414 = vector.broadcast %mul3A_378 : i32 to vector<16xi32>
          %add3A_415 = arith.addi %add3A_414, %select_n3A_111 : vector<16xi32>
          %gather3A_416 = tpu.vector_load_idx %arg5[%add3A_381, %add3A_415] : memref<64x384xf32, #tpu.memory_space<vmem>>[vector<16xi32>, vector<16xi32>], vector<16xf32>,
          %add3A_417 = vector.broadcast %add3A_385 : i32 to vector<16xi32>
          %add3A_418 = arith.addi %add3A_235, %add3A_417 : vector<16xi32>
          tpu.vector_store_idx %arg7[%add3A_418], %gather3A_407 : memref<24576xf32, #tpu.memory_space<vmem>>[vector<16xi32>], vector<16xf32>,
          %add3A_419 = vector.broadcast %add3A_385 : i32 to vector<16xi32>
          %add3A_420 = arith.addi %add3A_239, %add3A_419 : vector<16xi32>
          tpu.vector_store_idx %arg7[%add3A_420], %gather3A_410 : memref<24576xf32, #tpu.memory_space<vmem>>[vector<16xi32>], vector<16xf32>,
          %add3A_421 = vector.broadcast %add3A_385 : i32 to vector<16xi32>
          %add3A_422 = arith.addi %add3A_243, %add3A_421 : vector<16xi32>
          tpu.vector_store_idx %arg7[%add3A_422], %gather3A_413 : memref<24576xf32, #tpu.memory_space<vmem>>[vector<16xi32>], vector<16xf32>,
          %add3A_423 = vector.broadcast %add3A_385 : i32 to vector<16xi32>
          %add3A_424 = arith.addi %add3A_247, %add3A_423 : vector<16xi32>
          tpu.vector_store_idx %arg7[%add3A_424], %gather3A_416 : memref<24576xf32, #tpu.memory_space<vmem>>[vector<16xi32>], vector<16xf32>,
          %add3A_425 = vector.broadcast %mul3A_378 : i32 to vector<16xi32>
          %add3A_426 = arith.addi %add3A_425, %select_n3A_124 : vector<16xi32>
          %gather3A_427 = tpu.vector_load_idx %arg5[%add3A_381, %add3A_426] : memref<64x384xf32, #tpu.memory_space<vmem>>[vector<16xi32>, vector<16xi32>], vector<16xf32>,
          %add3A_428 = vector.broadcast %mul3A_378 : i32 to vector<16xi32>
          %add3A_429 = arith.addi %add3A_428, %select_n3A_137 : vector<16xi32>
          %gather3A_430 = tpu.vector_load_idx %arg5[%add3A_381, %add3A_429] : memref<64x384xf32, #tpu.memory_space<vmem>>[vector<16xi32>, vector<16xi32>], vector<16xf32>,
          %add3A_431 = vector.broadcast %mul3A_378 : i32 to vector<16xi32>
          %add3A_432 = arith.addi %add3A_431, %select_n3A_150 : vector<16xi32>
          %gather3A_433 = tpu.vector_load_idx %arg5[%add3A_381, %add3A_432] : memref<64x384xf32, #tpu.memory_space<vmem>>[vector<16xi32>, vector<16xi32>], vector<16xf32>,
          %add3A_434 = vector.broadcast %mul3A_378 : i32 to vector<16xi32>
          %add3A_435 = arith.addi %add3A_434, %select_n3A_163 : vector<16xi32>
          %gather3A_436 = tpu.vector_load_idx %arg5[%add3A_381, %add3A_435] : memref<64x384xf32, #tpu.memory_space<vmem>>[vector<16xi32>, vector<16xi32>], vector<16xf32>,
          %add3A_437 = vector.broadcast %add3A_385 : i32 to vector<16xi32>
          %add3A_438 = arith.addi %add3A_251, %add3A_437 : vector<16xi32>
          tpu.vector_store_idx %arg7[%add3A_438], %gather3A_427 : memref<24576xf32, #tpu.memory_space<vmem>>[vector<16xi32>], vector<16xf32>,
          %add3A_439 = vector.broadcast %add3A_385 : i32 to vector<16xi32>
          %add3A_440 = arith.addi %add3A_255, %add3A_439 : vector<16xi32>
          tpu.vector_store_idx %arg7[%add3A_440], %gather3A_430 : memref<24576xf32, #tpu.memory_space<vmem>>[vector<16xi32>], vector<16xf32>,
          %add3A_441 = vector.broadcast %add3A_385 : i32 to vector<16xi32>
          %add3A_442 = arith.addi %add3A_259, %add3A_441 : vector<16xi32>
          tpu.vector_store_idx %arg7[%add3A_442], %gather3A_433 : memref<24576xf32, #tpu.memory_space<vmem>>[vector<16xi32>], vector<16xf32>,
          %add3A_443 = vector.broadcast %add3A_385 : i32 to vector<16xi32>
          %add3A_444 = arith.addi %add3A_263, %add3A_443 : vector<16xi32>
          tpu.vector_store_idx %arg7[%add3A_444], %gather3A_436 : memref<24576xf32, #tpu.memory_space<vmem>>[vector<16xi32>], vector<16xf32>,
          %add3A_445 = vector.broadcast %mul3A_378 : i32 to vector<16xi32>
          %add3A_446 = arith.addi %add3A_445, %select_n3A_176 : vector<16xi32>
          %gather3A_447 = tpu.vector_load_idx %arg5[%add3A_381, %add3A_446] : memref<64x384xf32, #tpu.memory_space<vmem>>[vector<16xi32>, vector<16xi32>], vector<16xf32>,
          %add3A_448 = vector.broadcast %mul3A_378 : i32 to vector<16xi32>
          %add3A_449 = arith.addi %add3A_448, %select_n3A_189 : vector<16xi32>
          %gather3A_450 = tpu.vector_load_idx %arg5[%add3A_381, %add3A_449] : memref<64x384xf32, #tpu.memory_space<vmem>>[vector<16xi32>, vector<16xi32>], vector<16xf32>,
          %add3A_451 = vector.broadcast %mul3A_378 : i32 to vector<16xi32>
          %add3A_452 = arith.addi %add3A_451, %select_n3A_202 : vector<16xi32>
          %gather3A_453 = tpu.vector_load_idx %arg5[%add3A_381, %add3A_452] : memref<64x384xf32, #tpu.memory_space<vmem>>[vector<16xi32>, vector<16xi32>], vector<16xf32>,
          %add3A_454 = vector.broadcast %mul3A_378 : i32 to vector<16xi32>
          %add3A_455 = arith.addi %add3A_454, %select_n3A_215 : vector<16xi32>
          %gather3A_456 = tpu.vector_load_idx %arg5[%add3A_381, %add3A_455] : memref<64x384xf32, #tpu.memory_space<vmem>>[vector<16xi32>, vector<16xi32>], vector<16xf32>,
          %add3A_457 = vector.broadcast %add3A_385 : i32 to vector<16xi32>
          %add3A_458 = arith.addi %add3A_267, %add3A_457 : vector<16xi32>
          tpu.vector_store_idx %arg7[%add3A_458], %gather3A_447 : memref<24576xf32, #tpu.memory_space<vmem>>[vector<16xi32>], vector<16xf32>,
          %add3A_459 = vector.broadcast %add3A_385 : i32 to vector<16xi32>
          %add3A_460 = arith.addi %add3A_271, %add3A_459 : vector<16xi32>
          tpu.vector_store_idx %arg7[%add3A_460], %gather3A_450 : memref<24576xf32, #tpu.memory_space<vmem>>[vector<16xi32>], vector<16xf32>,
          %add3A_461 = vector.broadcast %add3A_385 : i32 to vector<16xi32>
          %add3A_462 = arith.addi %add3A_275, %add3A_461 : vector<16xi32>
          tpu.vector_store_idx %arg7[%add3A_462], %gather3A_453 : memref<24576xf32, #tpu.memory_space<vmem>>[vector<16xi32>], vector<16xf32>,
          %add3A_463 = vector.broadcast %add3A_385 : i32 to vector<16xi32>
          %add3A_464 = arith.addi %add3A_279, %add3A_463 : vector<16xi32>
          tpu.vector_store_idx %arg7[%add3A_464], %gather3A_456 : memref<24576xf32, #tpu.memory_space<vmem>>[vector<16xi32>], vector<16xf32>,
          %add3A_465 = arith.constant 16 : i32
          %add3A_466 = vector.broadcast %add3A_465 : i32 to vector<16xi32>
          %add3A_467 = arith.addi %add3A_466, %iota3A : vector<16xi32>
          %mul3A_468 = arith.constant 64 : i32
          %mul3A_469 = arith.muli %mul3A_378, %mul3A_468 : i32
          %add3A_470 = arith.constant 16 : i32
          %add3A_471 = arith.addi %mul3A_469, %add3A_470 : i32
          %add3A_472 = vector.broadcast %mul3A_378 : i32 to vector<16xi32>
          %add3A_473 = arith.addi %add3A_472, %select_n3A_20 : vector<16xi32>
          %gather3A_474 = tpu.vector_load_idx %arg5[%add3A_467, %add3A_473] : memref<64x384xf32, #tpu.memory_space<vmem>>[vector<16xi32>, vector<16xi32>], vector<16xf32>,
          %add3A_475 = vector.broadcast %mul3A_378 : i32 to vector<16xi32>
          %add3A_476 = arith.addi %add3A_475, %select_n3A_33 : vector<16xi32>
          %gather3A_477 = tpu.vector_load_idx %arg5[%add3A_467, %add3A_476] : memref<64x384xf32, #tpu.memory_space<vmem>>[vector<16xi32>, vector<16xi32>], vector<16xf32>,
          %add3A_478 = vector.broadcast %mul3A_378 : i32 to vector<16xi32>
          %add3A_479 = arith.addi %add3A_478, %select_n3A_46 : vector<16xi32>
          %gather3A_480 = tpu.vector_load_idx %arg5[%add3A_467, %add3A_479] : memref<64x384xf32, #tpu.memory_space<vmem>>[vector<16xi32>, vector<16xi32>], vector<16xf32>,
          %add3A_481 = vector.broadcast %mul3A_378 : i32 to vector<16xi32>
          %add3A_482 = arith.addi %add3A_481, %select_n3A_59 : vector<16xi32>
          %gather3A_483 = tpu.vector_load_idx %arg5[%add3A_467, %add3A_482] : memref<64x384xf32, #tpu.memory_space<vmem>>[vector<16xi32>, vector<16xi32>], vector<16xf32>,
          %add3A_484 = vector.broadcast %add3A_471 : i32 to vector<16xi32>
          %add3A_485 = arith.addi %add3A_219, %add3A_484 : vector<16xi32>
          tpu.vector_store_idx %arg7[%add3A_485], %gather3A_474 : memref<24576xf32, #tpu.memory_space<vmem>>[vector<16xi32>], vector<16xf32>,
          %add3A_486 = vector.broadcast %add3A_471 : i32 to vector<16xi32>
          %add3A_487 = arith.addi %add3A_223, %add3A_486 : vector<16xi32>
          tpu.vector_store_idx %arg7[%add3A_487], %gather3A_477 : memref<24576xf32, #tpu.memory_space<vmem>>[vector<16xi32>], vector<16xf32>,
          %add3A_488 = vector.broadcast %add3A_471 : i32 to vector<16xi32>
          %add3A_489 = arith.addi %add3A_227, %add3A_488 : vector<16xi32>
          tpu.vector_store_idx %arg7[%add3A_489], %gather3A_480 : memref<24576xf32, #tpu.memory_space<vmem>>[vector<16xi32>], vector<16xf32>,
          %add3A_490 = vector.broadcast %add3A_471 : i32 to vector<16xi32>
          %add3A_491 = arith.addi %add3A_231, %add3A_490 : vector<16xi32>
          tpu.vector_store_idx %arg7[%add3A_491], %gather3A_483 : memref<24576xf32, #tpu.memory_space<vmem>>[vector<16xi32>], vector<16xf32>,
          %add3A_492 = vector.broadcast %mul3A_378 : i32 to vector<16xi32>
          %add3A_493 = arith.addi %add3A_492, %select_n3A_72 : vector<16xi32>
          %gather3A_494 = tpu.vector_load_idx %arg5[%add3A_467, %add3A_493] : memref<64x384xf32, #tpu.memory_space<vmem>>[vector<16xi32>, vector<16xi32>], vector<16xf32>,
          %add3A_495 = vector.broadcast %mul3A_378 : i32 to vector<16xi32>
          %add3A_496 = arith.addi %add3A_495, %select_n3A_85 : vector<16xi32>
          %gather3A_497 = tpu.vector_load_idx %arg5[%add3A_467, %add3A_496] : memref<64x384xf32, #tpu.memory_space<vmem>>[vector<16xi32>, vector<16xi32>], vector<16xf32>,
          %add3A_498 = vector.broadcast %mul3A_378 : i32 to vector<16xi32>
          %add3A_499 = arith.addi %add3A_498, %select_n3A_98 : vector<16xi32>
          %gather3A_500 = tpu.vector_load_idx %arg5[%add3A_467, %add3A_499] : memref<64x384xf32, #tpu.memory_space<vmem>>[vector<16xi32>, vector<16xi32>], vector<16xf32>,
          %add3A_501 = vector.broadcast %mul3A_378 : i32 to vector<16xi32>
          %add3A_502 = arith.addi %add3A_501, %select_n3A_111 : vector<16xi32>
          %gather3A_503 = tpu.vector_load_idx %arg5[%add3A_467, %add3A_502] : memref<64x384xf32, #tpu.memory_space<vmem>>[vector<16xi32>, vector<16xi32>], vector<16xf32>,
          %add3A_504 = vector.broadcast %add3A_471 : i32 to vector<16xi32>
          %add3A_505 = arith.addi %add3A_235, %add3A_504 : vector<16xi32>
          tpu.vector_store_idx %arg7[%add3A_505], %gather3A_494 : memref<24576xf32, #tpu.memory_space<vmem>>[vector<16xi32>], vector<16xf32>,
          %add3A_506 = vector.broadcast %add3A_471 : i32 to vector<16xi32>
          %add3A_507 = arith.addi %add3A_239, %add3A_506 : vector<16xi32>
          tpu.vector_store_idx %arg7[%add3A_507], %gather3A_497 : memref<24576xf32, #tpu.memory_space<vmem>>[vector<16xi32>], vector<16xf32>,
          %add3A_508 = vector.broadcast %add3A_471 : i32 to vector<16xi32>
          %add3A_509 = arith.addi %add3A_243, %add3A_508 : vector<16xi32>
          tpu.vector_store_idx %arg7[%add3A_509], %gather3A_500 : memref<24576xf32, #tpu.memory_space<vmem>>[vector<16xi32>], vector<16xf32>,
          %add3A_510 = vector.broadcast %add3A_471 : i32 to vector<16xi32>
          %add3A_511 = arith.addi %add3A_247, %add3A_510 : vector<16xi32>
          tpu.vector_store_idx %arg7[%add3A_511], %gather3A_503 : memref<24576xf32, #tpu.memory_space<vmem>>[vector<16xi32>], vector<16xf32>,
          %add3A_512 = vector.broadcast %mul3A_378 : i32 to vector<16xi32>
          %add3A_513 = arith.addi %add3A_512, %select_n3A_124 : vector<16xi32>
          %gather3A_514 = tpu.vector_load_idx %arg5[%add3A_467, %add3A_513] : memref<64x384xf32, #tpu.memory_space<vmem>>[vector<16xi32>, vector<16xi32>], vector<16xf32>,
          %add3A_515 = vector.broadcast %mul3A_378 : i32 to vector<16xi32>
          %add3A_516 = arith.addi %add3A_515, %select_n3A_137 : vector<16xi32>
          %gather3A_517 = tpu.vector_load_idx %arg5[%add3A_467, %add3A_516] : memref<64x384xf32, #tpu.memory_space<vmem>>[vector<16xi32>, vector<16xi32>], vector<16xf32>,
          %add3A_518 = vector.broadcast %mul3A_378 : i32 to vector<16xi32>
          %add3A_519 = arith.addi %add3A_518, %select_n3A_150 : vector<16xi32>
          %gather3A_520 = tpu.vector_load_idx %arg5[%add3A_467, %add3A_519] : memref<64x384xf32, #tpu.memory_space<vmem>>[vector<16xi32>, vector<16xi32>], vector<16xf32>,
          %add3A_521 = vector.broadcast %mul3A_378 : i32 to vector<16xi32>
          %add3A_522 = arith.addi %add3A_521, %select_n3A_163 : vector<16xi32>
          %gather3A_523 = tpu.vector_load_idx %arg5[%add3A_467, %add3A_522] : memref<64x384xf32, #tpu.memory_space<vmem>>[vector<16xi32>, vector<16xi32>], vector<16xf32>,
          %add3A_524 = vector.broadcast %add3A_471 : i32 to vector<16xi32>
          %add3A_525 = arith.addi %add3A_251, %add3A_524 : vector<16xi32>
          tpu.vector_store_idx %arg7[%add3A_525], %gather3A_514 : memref<24576xf32, #tpu.memory_space<vmem>>[vector<16xi32>], vector<16xf32>,
          %add3A_526 = vector.broadcast %add3A_471 : i32 to vector<16xi32>
          %add3A_527 = arith.addi %add3A_255, %add3A_526 : vector<16xi32>
          tpu.vector_store_idx %arg7[%add3A_527], %gather3A_517 : memref<24576xf32, #tpu.memory_space<vmem>>[vector<16xi32>], vector<16xf32>,
          %add3A_528 = vector.broadcast %add3A_471 : i32 to vector<16xi32>
          %add3A_529 = arith.addi %add3A_259, %add3A_528 : vector<16xi32>
          tpu.vector_store_idx %arg7[%add3A_529], %gather3A_520 : memref<24576xf32, #tpu.memory_space<vmem>>[vector<16xi32>], vector<16xf32>,
          %add3A_530 = vector.broadcast %add3A_471 : i32 to vector<16xi32>
          %add3A_531 = arith.addi %add3A_263, %add3A_530 : vector<16xi32>
          tpu.vector_store_idx %arg7[%add3A_531], %gather3A_523 : memref<24576xf32, #tpu.memory_space<vmem>>[vector<16xi32>], vector<16xf32>,
          %add3A_532 = vector.broadcast %mul3A_378 : i32 to vector<16xi32>
          %add3A_533 = arith.addi %add3A_532, %select_n3A_176 : vector<16xi32>
          %gather3A_534 = tpu.vector_load_idx %arg5[%add3A_467, %add3A_533] : memref<64x384xf32, #tpu.memory_space<vmem>>[vector<16xi32>, vector<16xi32>], vector<16xf32>,
          %add3A_535 = vector.broadcast %mul3A_378 : i32 to vector<16xi32>
          %add3A_536 = arith.addi %add3A_535, %select_n3A_189 : vector<16xi32>
          %gather3A_537 = tpu.vector_load_idx %arg5[%add3A_467, %add3A_536] : memref<64x384xf32, #tpu.memory_space<vmem>>[vector<16xi32>, vector<16xi32>], vector<16xf32>,
          %add3A_538 = vector.broadcast %mul3A_378 : i32 to vector<16xi32>
          %add3A_539 = arith.addi %add3A_538, %select_n3A_202 : vector<16xi32>
          %gather3A_540 = tpu.vector_load_idx %arg5[%add3A_467, %add3A_539] : memref<64x384xf32, #tpu.memory_space<vmem>>[vector<16xi32>, vector<16xi32>], vector<16xf32>,
          %add3A_541 = vector.broadcast %mul3A_378 : i32 to vector<16xi32>
          %add3A_542 = arith.addi %add3A_541, %select_n3A_215 : vector<16xi32>
          %gather3A_543 = tpu.vector_load_idx %arg5[%add3A_467, %add3A_542] : memref<64x384xf32, #tpu.memory_space<vmem>>[vector<16xi32>, vector<16xi32>], vector<16xf32>,
          %add3A_544 = vector.broadcast %add3A_471 : i32 to vector<16xi32>
          %add3A_545 = arith.addi %add3A_267, %add3A_544 : vector<16xi32>
          tpu.vector_store_idx %arg7[%add3A_545], %gather3A_534 : memref<24576xf32, #tpu.memory_space<vmem>>[vector<16xi32>], vector<16xf32>,
          %add3A_546 = vector.broadcast %add3A_471 : i32 to vector<16xi32>
          %add3A_547 = arith.addi %add3A_271, %add3A_546 : vector<16xi32>
          tpu.vector_store_idx %arg7[%add3A_547], %gather3A_537 : memref<24576xf32, #tpu.memory_space<vmem>>[vector<16xi32>], vector<16xf32>,
          %add3A_548 = vector.broadcast %add3A_471 : i32 to vector<16xi32>
          %add3A_549 = arith.addi %add3A_275, %add3A_548 : vector<16xi32>
          tpu.vector_store_idx %arg7[%add3A_549], %gather3A_540 : memref<24576xf32, #tpu.memory_space<vmem>>[vector<16xi32>], vector<16xf32>,
          %add3A_550 = vector.broadcast %add3A_471 : i32 to vector<16xi32>
          %add3A_551 = arith.addi %add3A_279, %add3A_550 : vector<16xi32>
          tpu.vector_store_idx %arg7[%add3A_551], %gather3A_543 : memref<24576xf32, #tpu.memory_space<vmem>>[vector<16xi32>], vector<16xf32>,
          %add3A_552 = arith.constant 32 : i32
          %add3A_553 = vector.broadcast %add3A_552 : i32 to vector<16xi32>
          %add3A_554 = arith.addi %add3A_553, %iota3A : vector<16xi32>
          %mul3A_555 = arith.constant 64 : i32
          %mul3A_556 = arith.muli %mul3A_378, %mul3A_555 : i32
          %add3A_557 = arith.constant 32 : i32
          %add3A_558 = arith.addi %mul3A_556, %add3A_557 : i32
          %add3A_559 = vector.broadcast %mul3A_378 : i32 to vector<16xi32>
          %add3A_560 = arith.addi %add3A_559, %select_n3A_20 : vector<16xi32>
          %gather3A_561 = tpu.vector_load_idx %arg5[%add3A_554, %add3A_560] : memref<64x384xf32, #tpu.memory_space<vmem>>[vector<16xi32>, vector<16xi32>], vector<16xf32>,
          %add3A_562 = vector.broadcast %mul3A_378 : i32 to vector<16xi32>
          %add3A_563 = arith.addi %add3A_562, %select_n3A_33 : vector<16xi32>
          %gather3A_564 = tpu.vector_load_idx %arg5[%add3A_554, %add3A_563] : memref<64x384xf32, #tpu.memory_space<vmem>>[vector<16xi32>, vector<16xi32>], vector<16xf32>,
          %add3A_565 = vector.broadcast %mul3A_378 : i32 to vector<16xi32>
          %add3A_566 = arith.addi %add3A_565, %select_n3A_46 : vector<16xi32>
          %gather3A_567 = tpu.vector_load_idx %arg5[%add3A_554, %add3A_566] : memref<64x384xf32, #tpu.memory_space<vmem>>[vector<16xi32>, vector<16xi32>], vector<16xf32>,
          %add3A_568 = vector.broadcast %mul3A_378 : i32 to vector<16xi32>
          %add3A_569 = arith.addi %add3A_568, %select_n3A_59 : vector<16xi32>
          %gather3A_570 = tpu.vector_load_idx %arg5[%add3A_554, %add3A_569] : memref<64x384xf32, #tpu.memory_space<vmem>>[vector<16xi32>, vector<16xi32>], vector<16xf32>,
          %add3A_571 = vector.broadcast %add3A_558 : i32 to vector<16xi32>
          %add3A_572 = arith.addi %add3A_219, %add3A_571 : vector<16xi32>
          tpu.vector_store_idx %arg7[%add3A_572], %gather3A_561 : memref<24576xf32, #tpu.memory_space<vmem>>[vector<16xi32>], vector<16xf32>,
          %add3A_573 = vector.broadcast %add3A_558 : i32 to vector<16xi32>
          %add3A_574 = arith.addi %add3A_223, %add3A_573 : vector<16xi32>
          tpu.vector_store_idx %arg7[%add3A_574], %gather3A_564 : memref<24576xf32, #tpu.memory_space<vmem>>[vector<16xi32>], vector<16xf32>,
          %add3A_575 = vector.broadcast %add3A_558 : i32 to vector<16xi32>
          %add3A_576 = arith.addi %add3A_227, %add3A_575 : vector<16xi32>
          tpu.vector_store_idx %arg7[%add3A_576], %gather3A_567 : memref<24576xf32, #tpu.memory_space<vmem>>[vector<16xi32>], vector<16xf32>,
          %add3A_577 = vector.broadcast %add3A_558 : i32 to vector<16xi32>
          %add3A_578 = arith.addi %add3A_231, %add3A_577 : vector<16xi32>
          tpu.vector_store_idx %arg7[%add3A_578], %gather3A_570 : memref<24576xf32, #tpu.memory_space<vmem>>[vector<16xi32>], vector<16xf32>,
          %add3A_579 = vector.broadcast %mul3A_378 : i32 to vector<16xi32>
          %add3A_580 = arith.addi %add3A_579, %select_n3A_72 : vector<16xi32>
          %gather3A_581 = tpu.vector_load_idx %arg5[%add3A_554, %add3A_580] : memref<64x384xf32, #tpu.memory_space<vmem>>[vector<16xi32>, vector<16xi32>], vector<16xf32>,
          %add3A_582 = vector.broadcast %mul3A_378 : i32 to vector<16xi32>
          %add3A_583 = arith.addi %add3A_582, %select_n3A_85 : vector<16xi32>
          %gather3A_584 = tpu.vector_load_idx %arg5[%add3A_554, %add3A_583] : memref<64x384xf32, #tpu.memory_space<vmem>>[vector<16xi32>, vector<16xi32>], vector<16xf32>,
          %add3A_585 = vector.broadcast %mul3A_378 : i32 to vector<16xi32>
          %add3A_586 = arith.addi %add3A_585, %select_n3A_98 : vector<16xi32>
          %gather3A_587 = tpu.vector_load_idx %arg5[%add3A_554, %add3A_586] : memref<64x384xf32, #tpu.memory_space<vmem>>[vector<16xi32>, vector<16xi32>], vector<16xf32>,
          %add3A_588 = vector.broadcast %mul3A_378 : i32 to vector<16xi32>
          %add3A_589 = arith.addi %add3A_588, %select_n3A_111 : vector<16xi32>
          %gather3A_590 = tpu.vector_load_idx %arg5[%add3A_554, %add3A_589] : memref<64x384xf32, #tpu.memory_space<vmem>>[vector<16xi32>, vector<16xi32>], vector<16xf32>,
          %add3A_591 = vector.broadcast %add3A_558 : i32 to vector<16xi32>
          %add3A_592 = arith.addi %add3A_235, %add3A_591 : vector<16xi32>
          tpu.vector_store_idx %arg7[%add3A_592], %gather3A_581 : memref<24576xf32, #tpu.memory_space<vmem>>[vector<16xi32>], vector<16xf32>,
          %add3A_593 = vector.broadcast %add3A_558 : i32 to vector<16xi32>
          %add3A_594 = arith.addi %add3A_239, %add3A_593 : vector<16xi32>
          tpu.vector_store_idx %arg7[%add3A_594], %gather3A_584 : memref<24576xf32, #tpu.memory_space<vmem>>[vector<16xi32>], vector<16xf32>,
          %add3A_595 = vector.broadcast %add3A_558 : i32 to vector<16xi32>
          %add3A_596 = arith.addi %add3A_243, %add3A_595 : vector<16xi32>
          tpu.vector_store_idx %arg7[%add3A_596], %gather3A_587 : memref<24576xf32, #tpu.memory_space<vmem>>[vector<16xi32>], vector<16xf32>,
          %add3A_597 = vector.broadcast %add3A_558 : i32 to vector<16xi32>
          %add3A_598 = arith.addi %add3A_247, %add3A_597 : vector<16xi32>
          tpu.vector_store_idx %arg7[%add3A_598], %gather3A_590 : memref<24576xf32, #tpu.memory_space<vmem>>[vector<16xi32>], vector<16xf32>,
          %add3A_599 = vector.broadcast %mul3A_378 : i32 to vector<16xi32>
          %add3A_600 = arith.addi %add3A_599, %select_n3A_124 : vector<16xi32>
          %gather3A_601 = tpu.vector_load_idx %arg5[%add3A_554, %add3A_600] : memref<64x384xf32, #tpu.memory_space<vmem>>[vector<16xi32>, vector<16xi32>], vector<16xf32>,
          %add3A_602 = vector.broadcast %mul3A_378 : i32 to vector<16xi32>
          %add3A_603 = arith.addi %add3A_602, %select_n3A_137 : vector<16xi32>
          %gather3A_604 = tpu.vector_load_idx %arg5[%add3A_554, %add3A_603] : memref<64x384xf32, #tpu.memory_space<vmem>>[vector<16xi32>, vector<16xi32>], vector<16xf32>,
          %add3A_605 = vector.broadcast %mul3A_378 : i32 to vector<16xi32>
          %add3A_606 = arith.addi %add3A_605, %select_n3A_150 : vector<16xi32>
          %gather3A_607 = tpu.vector_load_idx %arg5[%add3A_554, %add3A_606] : memref<64x384xf32, #tpu.memory_space<vmem>>[vector<16xi32>, vector<16xi32>], vector<16xf32>,
          %add3A_608 = vector.broadcast %mul3A_378 : i32 to vector<16xi32>
          %add3A_609 = arith.addi %add3A_608, %select_n3A_163 : vector<16xi32>
          %gather3A_610 = tpu.vector_load_idx %arg5[%add3A_554, %add3A_609] : memref<64x384xf32, #tpu.memory_space<vmem>>[vector<16xi32>, vector<16xi32>], vector<16xf32>,
          %add3A_611 = vector.broadcast %add3A_558 : i32 to vector<16xi32>
          %add3A_612 = arith.addi %add3A_251, %add3A_611 : vector<16xi32>
          tpu.vector_store_idx %arg7[%add3A_612], %gather3A_601 : memref<24576xf32, #tpu.memory_space<vmem>>[vector<16xi32>], vector<16xf32>,
          %add3A_613 = vector.broadcast %add3A_558 : i32 to vector<16xi32>
          %add3A_614 = arith.addi %add3A_255, %add3A_613 : vector<16xi32>
          tpu.vector_store_idx %arg7[%add3A_614], %gather3A_604 : memref<24576xf32, #tpu.memory_space<vmem>>[vector<16xi32>], vector<16xf32>,
          %add3A_615 = vector.broadcast %add3A_558 : i32 to vector<16xi32>
          %add3A_616 = arith.addi %add3A_259, %add3A_615 : vector<16xi32>
          tpu.vector_store_idx %arg7[%add3A_616], %gather3A_607 : memref<24576xf32, #tpu.memory_space<vmem>>[vector<16xi32>], vector<16xf32>,
          %add3A_617 = vector.broadcast %add3A_558 : i32 to vector<16xi32>
          %add3A_618 = arith.addi %add3A_263, %add3A_617 : vector<16xi32>
          tpu.vector_store_idx %arg7[%add3A_618], %gather3A_610 : memref<24576xf32, #tpu.memory_space<vmem>>[vector<16xi32>], vector<16xf32>,
          %add3A_619 = vector.broadcast %mul3A_378 : i32 to vector<16xi32>
          %add3A_620 = arith.addi %add3A_619, %select_n3A_176 : vector<16xi32>
          %gather3A_621 = tpu.vector_load_idx %arg5[%add3A_554, %add3A_620] : memref<64x384xf32, #tpu.memory_space<vmem>>[vector<16xi32>, vector<16xi32>], vector<16xf32>,
          %add3A_622 = vector.broadcast %mul3A_378 : i32 to vector<16xi32>
          %add3A_623 = arith.addi %add3A_622, %select_n3A_189 : vector<16xi32>
          %gather3A_624 = tpu.vector_load_idx %arg5[%add3A_554, %add3A_623] : memref<64x384xf32, #tpu.memory_space<vmem>>[vector<16xi32>, vector<16xi32>], vector<16xf32>,
          %add3A_625 = vector.broadcast %mul3A_378 : i32 to vector<16xi32>
          %add3A_626 = arith.addi %add3A_625, %select_n3A_202 : vector<16xi32>
          %gather3A_627 = tpu.vector_load_idx %arg5[%add3A_554, %add3A_626] : memref<64x384xf32, #tpu.memory_space<vmem>>[vector<16xi32>, vector<16xi32>], vector<16xf32>,
          %add3A_628 = vector.broadcast %mul3A_378 : i32 to vector<16xi32>
          %add3A_629 = arith.addi %add3A_628, %select_n3A_215 : vector<16xi32>
          %gather3A_630 = tpu.vector_load_idx %arg5[%add3A_554, %add3A_629] : memref<64x384xf32, #tpu.memory_space<vmem>>[vector<16xi32>, vector<16xi32>], vector<16xf32>,
          %add3A_631 = vector.broadcast %add3A_558 : i32 to vector<16xi32>
          %add3A_632 = arith.addi %add3A_267, %add3A_631 : vector<16xi32>
          tpu.vector_store_idx %arg7[%add3A_632], %gather3A_621 : memref<24576xf32, #tpu.memory_space<vmem>>[vector<16xi32>], vector<16xf32>,
          %add3A_633 = vector.broadcast %add3A_558 : i32 to vector<16xi32>
          %add3A_634 = arith.addi %add3A_271, %add3A_633 : vector<16xi32>
          tpu.vector_store_idx %arg7[%add3A_634], %gather3A_624 : memref<24576xf32, #tpu.memory_space<vmem>>[vector<16xi32>], vector<16xf32>,
          %add3A_635 = vector.broadcast %add3A_558 : i32 to vector<16xi32>
          %add3A_636 = arith.addi %add3A_275, %add3A_635 : vector<16xi32>
          tpu.vector_store_idx %arg7[%add3A_636], %gather3A_627 : memref<24576xf32, #tpu.memory_space<vmem>>[vector<16xi32>], vector<16xf32>,
          %add3A_637 = vector.broadcast %add3A_558 : i32 to vector<16xi32>
          %add3A_638 = arith.addi %add3A_279, %add3A_637 : vector<16xi32>
          tpu.vector_store_idx %arg7[%add3A_638], %gather3A_630 : memref<24576xf32, #tpu.memory_space<vmem>>[vector<16xi32>], vector<16xf32>,
          %add3A_639 = arith.constant 48 : i32
          %add3A_640 = vector.broadcast %add3A_639 : i32 to vector<16xi32>
          %add3A_641 = arith.addi %add3A_640, %iota3A : vector<16xi32>
          %mul3A_642 = arith.constant 64 : i32
          %mul3A_643 = arith.muli %mul3A_378, %mul3A_642 : i32
          %add3A_644 = arith.constant 48 : i32
          %add3A_645 = arith.addi %mul3A_643, %add3A_644 : i32
          %add3A_646 = vector.broadcast %mul3A_378 : i32 to vector<16xi32>
          %add3A_647 = arith.addi %add3A_646, %select_n3A_20 : vector<16xi32>
          %gather3A_648 = tpu.vector_load_idx %arg5[%add3A_641, %add3A_647] : memref<64x384xf32, #tpu.memory_space<vmem>>[vector<16xi32>, vector<16xi32>], vector<16xf32>,
          %add3A_649 = vector.broadcast %mul3A_378 : i32 to vector<16xi32>
          %add3A_650 = arith.addi %add3A_649, %select_n3A_33 : vector<16xi32>
          %gather3A_651 = tpu.vector_load_idx %arg5[%add3A_641, %add3A_650] : memref<64x384xf32, #tpu.memory_space<vmem>>[vector<16xi32>, vector<16xi32>], vector<16xf32>,
          %add3A_652 = vector.broadcast %mul3A_378 : i32 to vector<16xi32>
          %add3A_653 = arith.addi %add3A_652, %select_n3A_46 : vector<16xi32>
          %gather3A_654 = tpu.vector_load_idx %arg5[%add3A_641, %add3A_653] : memref<64x384xf32, #tpu.memory_space<vmem>>[vector<16xi32>, vector<16xi32>], vector<16xf32>,
          %add3A_655 = vector.broadcast %mul3A_378 : i32 to vector<16xi32>
          %add3A_656 = arith.addi %add3A_655, %select_n3A_59 : vector<16xi32>
          %gather3A_657 = tpu.vector_load_idx %arg5[%add3A_641, %add3A_656] : memref<64x384xf32, #tpu.memory_space<vmem>>[vector<16xi32>, vector<16xi32>], vector<16xf32>,
          %add3A_658 = vector.broadcast %add3A_645 : i32 to vector<16xi32>
          %add3A_659 = arith.addi %add3A_219, %add3A_658 : vector<16xi32>
          tpu.vector_store_idx %arg7[%add3A_659], %gather3A_648 : memref<24576xf32, #tpu.memory_space<vmem>>[vector<16xi32>], vector<16xf32>,
          %add3A_660 = vector.broadcast %add3A_645 : i32 to vector<16xi32>
          %add3A_661 = arith.addi %add3A_223, %add3A_660 : vector<16xi32>
          tpu.vector_store_idx %arg7[%add3A_661], %gather3A_651 : memref<24576xf32, #tpu.memory_space<vmem>>[vector<16xi32>], vector<16xf32>,
          %add3A_662 = vector.broadcast %add3A_645 : i32 to vector<16xi32>
          %add3A_663 = arith.addi %add3A_227, %add3A_662 : vector<16xi32>
          tpu.vector_store_idx %arg7[%add3A_663], %gather3A_654 : memref<24576xf32, #tpu.memory_space<vmem>>[vector<16xi32>], vector<16xf32>,
          %add3A_664 = vector.broadcast %add3A_645 : i32 to vector<16xi32>
          %add3A_665 = arith.addi %add3A_231, %add3A_664 : vector<16xi32>
          tpu.vector_store_idx %arg7[%add3A_665], %gather3A_657 : memref<24576xf32, #tpu.memory_space<vmem>>[vector<16xi32>], vector<16xf32>,
          %add3A_666 = vector.broadcast %mul3A_378 : i32 to vector<16xi32>
          %add3A_667 = arith.addi %add3A_666, %select_n3A_72 : vector<16xi32>
          %gather3A_668 = tpu.vector_load_idx %arg5[%add3A_641, %add3A_667] : memref<64x384xf32, #tpu.memory_space<vmem>>[vector<16xi32>, vector<16xi32>], vector<16xf32>,
          %add3A_669 = vector.broadcast %mul3A_378 : i32 to vector<16xi32>
          %add3A_670 = arith.addi %add3A_669, %select_n3A_85 : vector<16xi32>
          %gather3A_671 = tpu.vector_load_idx %arg5[%add3A_641, %add3A_670] : memref<64x384xf32, #tpu.memory_space<vmem>>[vector<16xi32>, vector<16xi32>], vector<16xf32>,
          %add3A_672 = vector.broadcast %mul3A_378 : i32 to vector<16xi32>
          %add3A_673 = arith.addi %add3A_672, %select_n3A_98 : vector<16xi32>
          %gather3A_674 = tpu.vector_load_idx %arg5[%add3A_641, %add3A_673] : memref<64x384xf32, #tpu.memory_space<vmem>>[vector<16xi32>, vector<16xi32>], vector<16xf32>,
          %add3A_675 = vector.broadcast %mul3A_378 : i32 to vector<16xi32>
          %add3A_676 = arith.addi %add3A_675, %select_n3A_111 : vector<16xi32>
          %gather3A_677 = tpu.vector_load_idx %arg5[%add3A_641, %add3A_676] : memref<64x384xf32, #tpu.memory_space<vmem>>[vector<16xi32>, vector<16xi32>], vector<16xf32>,
          %add3A_678 = vector.broadcast %add3A_645 : i32 to vector<16xi32>
          %add3A_679 = arith.addi %add3A_235, %add3A_678 : vector<16xi32>
          tpu.vector_store_idx %arg7[%add3A_679], %gather3A_668 : memref<24576xf32, #tpu.memory_space<vmem>>[vector<16xi32>], vector<16xf32>,
          %add3A_680 = vector.broadcast %add3A_645 : i32 to vector<16xi32>
          %add3A_681 = arith.addi %add3A_239, %add3A_680 : vector<16xi32>
          tpu.vector_store_idx %arg7[%add3A_681], %gather3A_671 : memref<24576xf32, #tpu.memory_space<vmem>>[vector<16xi32>], vector<16xf32>,
          %add3A_682 = vector.broadcast %add3A_645 : i32 to vector<16xi32>
          %add3A_683 = arith.addi %add3A_243, %add3A_682 : vector<16xi32>
          tpu.vector_store_idx %arg7[%add3A_683], %gather3A_674 : memref<24576xf32, #tpu.memory_space<vmem>>[vector<16xi32>], vector<16xf32>,
          %add3A_684 = vector.broadcast %add3A_645 : i32 to vector<16xi32>
          %add3A_685 = arith.addi %add3A_247, %add3A_684 : vector<16xi32>
          tpu.vector_store_idx %arg7[%add3A_685], %gather3A_677 : memref<24576xf32, #tpu.memory_space<vmem>>[vector<16xi32>], vector<16xf32>,
          %add3A_686 = vector.broadcast %mul3A_378 : i32 to vector<16xi32>
          %add3A_687 = arith.addi %add3A_686, %select_n3A_124 : vector<16xi32>
          %gather3A_688 = tpu.vector_load_idx %arg5[%add3A_641, %add3A_687] : memref<64x384xf32, #tpu.memory_space<vmem>>[vector<16xi32>, vector<16xi32>], vector<16xf32>,
          %add3A_689 = vector.broadcast %mul3A_378 : i32 to vector<16xi32>
          %add3A_690 = arith.addi %add3A_689, %select_n3A_137 : vector<16xi32>
          %gather3A_691 = tpu.vector_load_idx %arg5[%add3A_641, %add3A_690] : memref<64x384xf32, #tpu.memory_space<vmem>>[vector<16xi32>, vector<16xi32>], vector<16xf32>,
          %add3A_692 = vector.broadcast %mul3A_378 : i32 to vector<16xi32>
          %add3A_693 = arith.addi %add3A_692, %select_n3A_150 : vector<16xi32>
          %gather3A_694 = tpu.vector_load_idx %arg5[%add3A_641, %add3A_693] : memref<64x384xf32, #tpu.memory_space<vmem>>[vector<16xi32>, vector<16xi32>], vector<16xf32>,
          %add3A_695 = vector.broadcast %mul3A_378 : i32 to vector<16xi32>
          %add3A_696 = arith.addi %add3A_695, %select_n3A_163 : vector<16xi32>
          %gather3A_697 = tpu.vector_load_idx %arg5[%add3A_641, %add3A_696] : memref<64x384xf32, #tpu.memory_space<vmem>>[vector<16xi32>, vector<16xi32>], vector<16xf32>,
          %add3A_698 = vector.broadcast %add3A_645 : i32 to vector<16xi32>
          %add3A_699 = arith.addi %add3A_251, %add3A_698 : vector<16xi32>
          tpu.vector_store_idx %arg7[%add3A_699], %gather3A_688 : memref<24576xf32, #tpu.memory_space<vmem>>[vector<16xi32>], vector<16xf32>,
          %add3A_700 = vector.broadcast %add3A_645 : i32 to vector<16xi32>
          %add3A_701 = arith.addi %add3A_255, %add3A_700 : vector<16xi32>
          tpu.vector_store_idx %arg7[%add3A_701], %gather3A_691 : memref<24576xf32, #tpu.memory_space<vmem>>[vector<16xi32>], vector<16xf32>,
          %add3A_702 = vector.broadcast %add3A_645 : i32 to vector<16xi32>
          %add3A_703 = arith.addi %add3A_259, %add3A_702 : vector<16xi32>
          tpu.vector_store_idx %arg7[%add3A_703], %gather3A_694 : memref<24576xf32, #tpu.memory_space<vmem>>[vector<16xi32>], vector<16xf32>,
          %add3A_704 = vector.broadcast %add3A_645 : i32 to vector<16xi32>
          %add3A_705 = arith.addi %add3A_263, %add3A_704 : vector<16xi32>
          tpu.vector_store_idx %arg7[%add3A_705], %gather3A_697 : memref<24576xf32, #tpu.memory_space<vmem>>[vector<16xi32>], vector<16xf32>,
          %add3A_706 = vector.broadcast %mul3A_378 : i32 to vector<16xi32>
          %add3A_707 = arith.addi %add3A_706, %select_n3A_176 : vector<16xi32>
          %gather3A_708 = tpu.vector_load_idx %arg5[%add3A_641, %add3A_707] : memref<64x384xf32, #tpu.memory_space<vmem>>[vector<16xi32>, vector<16xi32>], vector<16xf32>,
          %add3A_709 = vector.broadcast %mul3A_378 : i32 to vector<16xi32>
          %add3A_710 = arith.addi %add3A_709, %select_n3A_189 : vector<16xi32>
          %gather3A_711 = tpu.vector_load_idx %arg5[%add3A_641, %add3A_710] : memref<64x384xf32, #tpu.memory_space<vmem>>[vector<16xi32>, vector<16xi32>], vector<16xf32>,
          %add3A_712 = vector.broadcast %mul3A_378 : i32 to vector<16xi32>
          %add3A_713 = arith.addi %add3A_712, %select_n3A_202 : vector<16xi32>
          %gather3A_714 = tpu.vector_load_idx %arg5[%add3A_641, %add3A_713] : memref<64x384xf32, #tpu.memory_space<vmem>>[vector<16xi32>, vector<16xi32>], vector<16xf32>,
          %add3A_715 = vector.broadcast %mul3A_378 : i32 to vector<16xi32>
          %add3A_716 = arith.addi %add3A_715, %select_n3A_215 : vector<16xi32>
          %gather3A_717 = tpu.vector_load_idx %arg5[%add3A_641, %add3A_716] : memref<64x384xf32, #tpu.memory_space<vmem>>[vector<16xi32>, vector<16xi32>], vector<16xf32>,
          %add3A_718 = vector.broadcast %add3A_645 : i32 to vector<16xi32>
          %add3A_719 = arith.addi %add3A_267, %add3A_718 : vector<16xi32>
          tpu.vector_store_idx %arg7[%add3A_719], %gather3A_708 : memref<24576xf32, #tpu.memory_space<vmem>>[vector<16xi32>], vector<16xf32>,
          %add3A_720 = vector.broadcast %add3A_645 : i32 to vector<16xi32>
          %add3A_721 = arith.addi %add3A_271, %add3A_720 : vector<16xi32>
          tpu.vector_store_idx %arg7[%add3A_721], %gather3A_711 : memref<24576xf32, #tpu.memory_space<vmem>>[vector<16xi32>], vector<16xf32>,
          %add3A_722 = vector.broadcast %add3A_645 : i32 to vector<16xi32>
          %add3A_723 = arith.addi %add3A_275, %add3A_722 : vector<16xi32>
          tpu.vector_store_idx %arg7[%add3A_723], %gather3A_714 : memref<24576xf32, #tpu.memory_space<vmem>>[vector<16xi32>], vector<16xf32>,
          %add3A_724 = vector.broadcast %add3A_645 : i32 to vector<16xi32>
          %add3A_725 = arith.addi %add3A_279, %add3A_724 : vector<16xi32>
          tpu.vector_store_idx %arg7[%add3A_725], %gather3A_717 : memref<24576xf32, #tpu.memory_space<vmem>>[vector<16xi32>], vector<16xf32>,
        }
        %scan3A_364 = arith.constant 24 : i32
        %add3A_365 = arith.addi %add3A_8, %while3A_310 : i32
        %mul3A_366 = arith.constant 24576 : i32
        %mul3A_367 = arith.muli %add3A_365, %mul3A_366 : i32
        %dma_start3A_368 = tpu.memref_slice %arg4[%mul3A_367] : memref<64000000xf32, #tpu.memory_space<hbm>> -> memref<24576xf32, #tpu.memory_space<hbm>>
        %dma_start3A_369 = tpu.memref_slice %arg4[%mul3A_367] : memref<64000000xf32, #tpu.memory_space<hbm>> -> memref<24576xf32, #tpu.memory_space<hbm>>
        tpu.enqueue_dma source(%arg7 : memref<24576xf32, #tpu.memory_space<vmem>>) target(%dma_start3A_369 : memref<24576xf32, #tpu.memory_space<hbm>>) target_semaphore(%arg11 : memref<!tpu.dma_semaphore, #tpu.memory_space<semaphore_mem>>)
        %add3A_370 = arith.constant 2 : i32
        %add3A_371 = arith.addi %while3A_310, %add3A_370 : i32
        %lt3A_372 = arith.cmpi slt, %add3A_371, %add3A_4 : i32
        %convert_element_type3A_373 = arith.extui %lt3A_372 : i1 to i32
        %cond3A_374 = arith.constant 0 : i32
        %cond3A_375 = arith.cmpi ne, %convert_element_type3A_373, %cond3A_374 : i32
        scf.if %cond3A_375 {
          %add3A_376 = arith.constant 2 : i32
          %add3A_377 = arith.addi %while3A_310, %add3A_376 : i32
          %add3A_378 = arith.addi %add3A_8, %add3A_377 : i32
          %mul3A_379 = arith.constant 384 : i32
          %mul3A_380 = arith.muli %add3A_378, %mul3A_379 : i32
          %dma_start3A_381 = arith.constant 0 : i32
          %dma_start3A_382 = tpu.memref_slice %arg2[%dma_start3A_381, %mul3A_380] : memref<64x1000000xf32, #tpu.memory_space<hbm>> -> memref<64x384xf32, #tpu.memory_space<hbm>>
          %dma_start3A_383 = arith.constant 0 : i32
          %dma_start3A_384 = tpu.memref_slice %arg2[%dma_start3A_383, %mul3A_380] : memref<64x1000000xf32, #tpu.memory_space<hbm>> -> memref<64x384xf32, #tpu.memory_space<hbm>>
          tpu.enqueue_dma source(%dma_start3A_384 : memref<64x384xf32, #tpu.memory_space<hbm>>) target(%arg5 : memref<64x384xf32, #tpu.memory_space<vmem>>) target_semaphore(%arg9 : memref<!tpu.dma_semaphore, #tpu.memory_space<semaphore_mem>>)
        } else {
        }
      } else {
      }
      %jit3A_329 = arith.constant 2 : i32
      %eq3A_330 = arith.constant 0 : i32
      %eq3A_331 = arith.cmpi eq, %jit3A_329, %eq3A_330 : i32
      %jit3A_332 = arith.constant 1 : i32
      %select_n3A_333 = arith.select %eq3A_331, %jit3A_332, %jit3A_329 : i32
      %rem3A_334 = arith.remsi %while3A_310, %select_n3A_333 : i32
      %ne3A_335 = arith.constant 0 : i32
      %ne3A_336 = arith.cmpi ne, %rem3A_334, %ne3A_335 : i32
      %lt3A_337 = arith.constant 0 : i32
      %lt3A_338 = arith.cmpi slt, %rem3A_334, %lt3A_337 : i32
      %lt3A_339 = arith.constant 0 : i32
      %lt3A_340 = arith.cmpi slt, %select_n3A_333, %lt3A_339 : i32
      %ne3A_341 = arith.xori %lt3A_338, %lt3A_340 : i1
      %and3A_342 = arith.andi %ne3A_341, %ne3A_336 : i1
      %add3A_343 = arith.addi %rem3A_334, %select_n3A_333 : i32
      %select_n3A_344 = arith.select %and3A_342, %add3A_343, %rem3A_334 : i32
      %eq3A_345 = arith.constant 1 : i32
      %eq3A_346 = arith.cmpi eq, %select_n3A_344, %eq3A_345 : i32
      %convert_element_type3A_347 = arith.extui %eq3A_346 : i1 to i32
      %cond3A_348 = arith.constant 0 : i32
      %cond3A_349 = arith.cmpi ne, %convert_element_type3A_347, %cond3A_348 : i32
      scf.if %cond3A_349 {
        %dma_wait3A_350 = arith.constant 0 : i32
        %dma_wait3A_351 = arith.constant 0 : i32
        %dma_wait3A_352 = tpu.memref_slice %arg2[%dma_wait3A_350, %dma_wait3A_351] : memref<64x1000000xf32, #tpu.memory_space<hbm>> -> memref<64x384xf32, #tpu.memory_space<hbm>>
        %dma_wait3A_353 = arith.constant 0 : i32
        %dma_wait3A_354 = arith.constant 0 : i32
        %dma_wait3A_355 = tpu.memref_slice %arg2[%dma_wait3A_353, %dma_wait3A_354] : memref<64x1000000xf32, #tpu.memory_space<hbm>> -> memref<64x384xf32, #tpu.memory_space<hbm>>
        tpu.wait_dma2 semaphore(%arg10 : memref<!tpu.dma_semaphore, #tpu.memory_space<semaphore_mem>>) src(%dma_wait3A_355 : memref<64x384xf32, #tpu.memory_space<hbm>>) dst(%arg6 : memref<64x384xf32, #tpu.memory_space<vmem>>)
        %ge3A = arith.constant 2 : i32
        %ge3A_356 = arith.cmpi sge, %while3A_310, %ge3A : i32
        %convert_element_type3A_357 = arith.extui %ge3A_356 : i1 to i32
        %cond3A_358 = arith.constant 0 : i32
        %cond3A_359 = arith.cmpi ne, %convert_element_type3A_357, %cond3A_358 : i32
        scf.if %cond3A_359 {
          %dma_wait3A_376 = arith.constant 0 : i32
          %dma_wait3A_377 = tpu.memref_slice %arg4[%dma_wait3A_376] : memref<64000000xf32, #tpu.memory_space<hbm>> -> memref<24576xf32, #tpu.memory_space<hbm>>
          %dma_wait3A_378 = arith.constant 0 : i32
          %dma_wait3A_379 = tpu.memref_slice %arg4[%dma_wait3A_378] : memref<64000000xf32, #tpu.memory_space<hbm>> -> memref<24576xf32, #tpu.memory_space<hbm>>
          tpu.wait_dma2 semaphore(%arg12 : memref<!tpu.dma_semaphore, #tpu.memory_space<semaphore_mem>>) src(%arg8 : memref<24576xf32, #tpu.memory_space<vmem>>) dst(%dma_wait3A_379 : memref<24576xf32, #tpu.memory_space<hbm>>)
        } else {
        }
        %scan3A = arith.constant 0 : i32
        %scan3A_360 = arith.constant 0 : i32
        %scan3A_361 = arith.constant 24 : i32
        %scan3A_362 = arith.addi %scan3A_360, %scan3A_361 : i32
        %scan3A_363 = arith.constant 1 : i32
        scf.for %scan3A_376 = %scan3A_360 to %scan3A_362 step %scan3A_363  : i32 {
          %mul3A_377 = arith.constant 16 : i32
          %mul3A_378 = arith.muli %scan3A_376, %mul3A_377 : i32
          %add3A_379 = arith.constant 0 : i32
          %add3A_380 = vector.broadcast %add3A_379 : i32 to vector<16xi32>
          %add3A_381 = arith.addi %add3A_380, %iota3A : vector<16xi32>
          %mul3A_382 = arith.constant 64 : i32
          %mul3A_383 = arith.muli %mul3A_378, %mul3A_382 : i32
          %add3A_384 = arith.constant 0 : i32
          %add3A_385 = arith.addi %mul3A_383, %add3A_384 : i32
          %add3A_386 = vector.broadcast %mul3A_378 : i32 to vector<16xi32>
          %add3A_387 = arith.addi %add3A_386, %select_n3A_20 : vector<16xi32>
          %gather3A = tpu.vector_load_idx %arg6[%add3A_381, %add3A_387] : memref<64x384xf32, #tpu.memory_space<vmem>>[vector<16xi32>, vector<16xi32>], vector<16xf32>,
          %add3A_388 = vector.broadcast %mul3A_378 : i32 to vector<16xi32>
          %add3A_389 = arith.addi %add3A_388, %select_n3A_33 : vector<16xi32>
          %gather3A_390 = tpu.vector_load_idx %arg6[%add3A_381, %add3A_389] : memref<64x384xf32, #tpu.memory_space<vmem>>[vector<16xi32>, vector<16xi32>], vector<16xf32>,
          %add3A_391 = vector.broadcast %mul3A_378 : i32 to vector<16xi32>
          %add3A_392 = arith.addi %add3A_391, %select_n3A_46 : vector<16xi32>
          %gather3A_393 = tpu.vector_load_idx %arg6[%add3A_381, %add3A_392] : memref<64x384xf32, #tpu.memory_space<vmem>>[vector<16xi32>, vector<16xi32>], vector<16xf32>,
          %add3A_394 = vector.broadcast %mul3A_378 : i32 to vector<16xi32>
          %add3A_395 = arith.addi %add3A_394, %select_n3A_59 : vector<16xi32>
          %gather3A_396 = tpu.vector_load_idx %arg6[%add3A_381, %add3A_395] : memref<64x384xf32, #tpu.memory_space<vmem>>[vector<16xi32>, vector<16xi32>], vector<16xf32>,
          %add3A_397 = vector.broadcast %add3A_385 : i32 to vector<16xi32>
          %add3A_398 = arith.addi %add3A_219, %add3A_397 : vector<16xi32>
          tpu.vector_store_idx %arg8[%add3A_398], %gather3A : memref<24576xf32, #tpu.memory_space<vmem>>[vector<16xi32>], vector<16xf32>,
          %add3A_399 = vector.broadcast %add3A_385 : i32 to vector<16xi32>
          %add3A_400 = arith.addi %add3A_223, %add3A_399 : vector<16xi32>
          tpu.vector_store_idx %arg8[%add3A_400], %gather3A_390 : memref<24576xf32, #tpu.memory_space<vmem>>[vector<16xi32>], vector<16xf32>,
          %add3A_401 = vector.broadcast %add3A_385 : i32 to vector<16xi32>
          %add3A_402 = arith.addi %add3A_227, %add3A_401 : vector<16xi32>
          tpu.vector_store_idx %arg8[%add3A_402], %gather3A_393 : memref<24576xf32, #tpu.memory_space<vmem>>[vector<16xi32>], vector<16xf32>,
          %add3A_403 = vector.broadcast %add3A_385 : i32 to vector<16xi32>
          %add3A_404 = arith.addi %add3A_231, %add3A_403 : vector<16xi32>
          tpu.vector_store_idx %arg8[%add3A_404], %gather3A_396 : memref<24576xf32, #tpu.memory_space<vmem>>[vector<16xi32>], vector<16xf32>,
          %add3A_405 = vector.broadcast %mul3A_378 : i32 to vector<16xi32>
          %add3A_406 = arith.addi %add3A_405, %select_n3A_72 : vector<16xi32>
          %gather3A_407 = tpu.vector_load_idx %arg6[%add3A_381, %add3A_406] : memref<64x384xf32, #tpu.memory_space<vmem>>[vector<16xi32>, vector<16xi32>], vector<16xf32>,
          %add3A_408 = vector.broadcast %mul3A_378 : i32 to vector<16xi32>
          %add3A_409 = arith.addi %add3A_408, %select_n3A_85 : vector<16xi32>
          %gather3A_410 = tpu.vector_load_idx %arg6[%add3A_381, %add3A_409] : memref<64x384xf32, #tpu.memory_space<vmem>>[vector<16xi32>, vector<16xi32>], vector<16xf32>,
          %add3A_411 = vector.broadcast %mul3A_378 : i32 to vector<16xi32>
          %add3A_412 = arith.addi %add3A_411, %select_n3A_98 : vector<16xi32>
          %gather3A_413 = tpu.vector_load_idx %arg6[%add3A_381, %add3A_412] : memref<64x384xf32, #tpu.memory_space<vmem>>[vector<16xi32>, vector<16xi32>], vector<16xf32>,
          %add3A_414 = vector.broadcast %mul3A_378 : i32 to vector<16xi32>
          %add3A_415 = arith.addi %add3A_414, %select_n3A_111 : vector<16xi32>
          %gather3A_416 = tpu.vector_load_idx %arg6[%add3A_381, %add3A_415] : memref<64x384xf32, #tpu.memory_space<vmem>>[vector<16xi32>, vector<16xi32>], vector<16xf32>,
          %add3A_417 = vector.broadcast %add3A_385 : i32 to vector<16xi32>
          %add3A_418 = arith.addi %add3A_235, %add3A_417 : vector<16xi32>
          tpu.vector_store_idx %arg8[%add3A_418], %gather3A_407 : memref<24576xf32, #tpu.memory_space<vmem>>[vector<16xi32>], vector<16xf32>,
          %add3A_419 = vector.broadcast %add3A_385 : i32 to vector<16xi32>
          %add3A_420 = arith.addi %add3A_239, %add3A_419 : vector<16xi32>
          tpu.vector_store_idx %arg8[%add3A_420], %gather3A_410 : memref<24576xf32, #tpu.memory_space<vmem>>[vector<16xi32>], vector<16xf32>,
          %add3A_421 = vector.broadcast %add3A_385 : i32 to vector<16xi32>
          %add3A_422 = arith.addi %add3A_243, %add3A_421 : vector<16xi32>
          tpu.vector_store_idx %arg8[%add3A_422], %gather3A_413 : memref<24576xf32, #tpu.memory_space<vmem>>[vector<16xi32>], vector<16xf32>,
          %add3A_423 = vector.broadcast %add3A_385 : i32 to vector<16xi32>
          %add3A_424 = arith.addi %add3A_247, %add3A_423 : vector<16xi32>
          tpu.vector_store_idx %arg8[%add3A_424], %gather3A_416 : memref<24576xf32, #tpu.memory_space<vmem>>[vector<16xi32>], vector<16xf32>,
          %add3A_425 = vector.broadcast %mul3A_378 : i32 to vector<16xi32>
          %add3A_426 = arith.addi %add3A_425, %select_n3A_124 : vector<16xi32>
          %gather3A_427 = tpu.vector_load_idx %arg6[%add3A_381, %add3A_426] : memref<64x384xf32, #tpu.memory_space<vmem>>[vector<16xi32>, vector<16xi32>], vector<16xf32>,
          %add3A_428 = vector.broadcast %mul3A_378 : i32 to vector<16xi32>
          %add3A_429 = arith.addi %add3A_428, %select_n3A_137 : vector<16xi32>
          %gather3A_430 = tpu.vector_load_idx %arg6[%add3A_381, %add3A_429] : memref<64x384xf32, #tpu.memory_space<vmem>>[vector<16xi32>, vector<16xi32>], vector<16xf32>,
          %add3A_431 = vector.broadcast %mul3A_378 : i32 to vector<16xi32>
          %add3A_432 = arith.addi %add3A_431, %select_n3A_150 : vector<16xi32>
          %gather3A_433 = tpu.vector_load_idx %arg6[%add3A_381, %add3A_432] : memref<64x384xf32, #tpu.memory_space<vmem>>[vector<16xi32>, vector<16xi32>], vector<16xf32>,
          %add3A_434 = vector.broadcast %mul3A_378 : i32 to vector<16xi32>
          %add3A_435 = arith.addi %add3A_434, %select_n3A_163 : vector<16xi32>
          %gather3A_436 = tpu.vector_load_idx %arg6[%add3A_381, %add3A_435] : memref<64x384xf32, #tpu.memory_space<vmem>>[vector<16xi32>, vector<16xi32>], vector<16xf32>,
          %add3A_437 = vector.broadcast %add3A_385 : i32 to vector<16xi32>
          %add3A_438 = arith.addi %add3A_251, %add3A_437 : vector<16xi32>
          tpu.vector_store_idx %arg8[%add3A_438], %gather3A_427 : memref<24576xf32, #tpu.memory_space<vmem>>[vector<16xi32>], vector<16xf32>,
          %add3A_439 = vector.broadcast %add3A_385 : i32 to vector<16xi32>
          %add3A_440 = arith.addi %add3A_255, %add3A_439 : vector<16xi32>
          tpu.vector_store_idx %arg8[%add3A_440], %gather3A_430 : memref<24576xf32, #tpu.memory_space<vmem>>[vector<16xi32>], vector<16xf32>,
          %add3A_441 = vector.broadcast %add3A_385 : i32 to vector<16xi32>
          %add3A_442 = arith.addi %add3A_259, %add3A_441 : vector<16xi32>
          tpu.vector_store_idx %arg8[%add3A_442], %gather3A_433 : memref<24576xf32, #tpu.memory_space<vmem>>[vector<16xi32>], vector<16xf32>,
          %add3A_443 = vector.broadcast %add3A_385 : i32 to vector<16xi32>
          %add3A_444 = arith.addi %add3A_263, %add3A_443 : vector<16xi32>
          tpu.vector_store_idx %arg8[%add3A_444], %gather3A_436 : memref<24576xf32, #tpu.memory_space<vmem>>[vector<16xi32>], vector<16xf32>,
          %add3A_445 = vector.broadcast %mul3A_378 : i32 to vector<16xi32>
          %add3A_446 = arith.addi %add3A_445, %select_n3A_176 : vector<16xi32>
          %gather3A_447 = tpu.vector_load_idx %arg6[%add3A_381, %add3A_446] : memref<64x384xf32, #tpu.memory_space<vmem>>[vector<16xi32>, vector<16xi32>], vector<16xf32>,
          %add3A_448 = vector.broadcast %mul3A_378 : i32 to vector<16xi32>
          %add3A_449 = arith.addi %add3A_448, %select_n3A_189 : vector<16xi32>
          %gather3A_450 = tpu.vector_load_idx %arg6[%add3A_381, %add3A_449] : memref<64x384xf32, #tpu.memory_space<vmem>>[vector<16xi32>, vector<16xi32>], vector<16xf32>,
          %add3A_451 = vector.broadcast %mul3A_378 : i32 to vector<16xi32>
          %add3A_452 = arith.addi %add3A_451, %select_n3A_202 : vector<16xi32>
          %gather3A_453 = tpu.vector_load_idx %arg6[%add3A_381, %add3A_452] : memref<64x384xf32, #tpu.memory_space<vmem>>[vector<16xi32>, vector<16xi32>], vector<16xf32>,
          %add3A_454 = vector.broadcast %mul3A_378 : i32 to vector<16xi32>
          %add3A_455 = arith.addi %add3A_454, %select_n3A_215 : vector<16xi32>
          %gather3A_456 = tpu.vector_load_idx %arg6[%add3A_381, %add3A_455] : memref<64x384xf32, #tpu.memory_space<vmem>>[vector<16xi32>, vector<16xi32>], vector<16xf32>,
          %add3A_457 = vector.broadcast %add3A_385 : i32 to vector<16xi32>
          %add3A_458 = arith.addi %add3A_267, %add3A_457 : vector<16xi32>
          tpu.vector_store_idx %arg8[%add3A_458], %gather3A_447 : memref<24576xf32, #tpu.memory_space<vmem>>[vector<16xi32>], vector<16xf32>,
          %add3A_459 = vector.broadcast %add3A_385 : i32 to vector<16xi32>
          %add3A_460 = arith.addi %add3A_271, %add3A_459 : vector<16xi32>
          tpu.vector_store_idx %arg8[%add3A_460], %gather3A_450 : memref<24576xf32, #tpu.memory_space<vmem>>[vector<16xi32>], vector<16xf32>,
          %add3A_461 = vector.broadcast %add3A_385 : i32 to vector<16xi32>
          %add3A_462 = arith.addi %add3A_275, %add3A_461 : vector<16xi32>
          tpu.vector_store_idx %arg8[%add3A_462], %gather3A_453 : memref<24576xf32, #tpu.memory_space<vmem>>[vector<16xi32>], vector<16xf32>,
          %add3A_463 = vector.broadcast %add3A_385 : i32 to vector<16xi32>
          %add3A_464 = arith.addi %add3A_279, %add3A_463 : vector<16xi32>
          tpu.vector_store_idx %arg8[%add3A_464], %gather3A_456 : memref<24576xf32, #tpu.memory_space<vmem>>[vector<16xi32>], vector<16xf32>,
          %add3A_465 = arith.constant 16 : i32
          %add3A_466 = vector.broadcast %add3A_465 : i32 to vector<16xi32>
          %add3A_467 = arith.addi %add3A_466, %iota3A : vector<16xi32>
          %mul3A_468 = arith.constant 64 : i32
          %mul3A_469 = arith.muli %mul3A_378, %mul3A_468 : i32
          %add3A_470 = arith.constant 16 : i32
          %add3A_471 = arith.addi %mul3A_469, %add3A_470 : i32
          %add3A_472 = vector.broadcast %mul3A_378 : i32 to vector<16xi32>
          %add3A_473 = arith.addi %add3A_472, %select_n3A_20 : vector<16xi32>
          %gather3A_474 = tpu.vector_load_idx %arg6[%add3A_467, %add3A_473] : memref<64x384xf32, #tpu.memory_space<vmem>>[vector<16xi32>, vector<16xi32>], vector<16xf32>,
          %add3A_475 = vector.broadcast %mul3A_378 : i32 to vector<16xi32>
          %add3A_476 = arith.addi %add3A_475, %select_n3A_33 : vector<16xi32>
          %gather3A_477 = tpu.vector_load_idx %arg6[%add3A_467, %add3A_476] : memref<64x384xf32, #tpu.memory_space<vmem>>[vector<16xi32>, vector<16xi32>], vector<16xf32>,
          %add3A_478 = vector.broadcast %mul3A_378 : i32 to vector<16xi32>
          %add3A_479 = arith.addi %add3A_478, %select_n3A_46 : vector<16xi32>
          %gather3A_480 = tpu.vector_load_idx %arg6[%add3A_467, %add3A_479] : memref<64x384xf32, #tpu.memory_space<vmem>>[vector<16xi32>, vector<16xi32>], vector<16xf32>,
          %add3A_481 = vector.broadcast %mul3A_378 : i32 to vector<16xi32>
          %add3A_482 = arith.addi %add3A_481, %select_n3A_59 : vector<16xi32>
          %gather3A_483 = tpu.vector_load_idx %arg6[%add3A_467, %add3A_482] : memref<64x384xf32, #tpu.memory_space<vmem>>[vector<16xi32>, vector<16xi32>], vector<16xf32>,
          %add3A_484 = vector.broadcast %add3A_471 : i32 to vector<16xi32>
          %add3A_485 = arith.addi %add3A_219, %add3A_484 : vector<16xi32>
          tpu.vector_store_idx %arg8[%add3A_485], %gather3A_474 : memref<24576xf32, #tpu.memory_space<vmem>>[vector<16xi32>], vector<16xf32>,
          %add3A_486 = vector.broadcast %add3A_471 : i32 to vector<16xi32>
          %add3A_487 = arith.addi %add3A_223, %add3A_486 : vector<16xi32>
          tpu.vector_store_idx %arg8[%add3A_487], %gather3A_477 : memref<24576xf32, #tpu.memory_space<vmem>>[vector<16xi32>], vector<16xf32>,
          %add3A_488 = vector.broadcast %add3A_471 : i32 to vector<16xi32>
          %add3A_489 = arith.addi %add3A_227, %add3A_488 : vector<16xi32>
          tpu.vector_store_idx %arg8[%add3A_489], %gather3A_480 : memref<24576xf32, #tpu.memory_space<vmem>>[vector<16xi32>], vector<16xf32>,
          %add3A_490 = vector.broadcast %add3A_471 : i32 to vector<16xi32>
          %add3A_491 = arith.addi %add3A_231, %add3A_490 : vector<16xi32>
          tpu.vector_store_idx %arg8[%add3A_491], %gather3A_483 : memref<24576xf32, #tpu.memory_space<vmem>>[vector<16xi32>], vector<16xf32>,
          %add3A_492 = vector.broadcast %mul3A_378 : i32 to vector<16xi32>
          %add3A_493 = arith.addi %add3A_492, %select_n3A_72 : vector<16xi32>
          %gather3A_494 = tpu.vector_load_idx %arg6[%add3A_467, %add3A_493] : memref<64x384xf32, #tpu.memory_space<vmem>>[vector<16xi32>, vector<16xi32>], vector<16xf32>,
          %add3A_495 = vector.broadcast %mul3A_378 : i32 to vector<16xi32>
          %add3A_496 = arith.addi %add3A_495, %select_n3A_85 : vector<16xi32>
          %gather3A_497 = tpu.vector_load_idx %arg6[%add3A_467, %add3A_496] : memref<64x384xf32, #tpu.memory_space<vmem>>[vector<16xi32>, vector<16xi32>], vector<16xf32>,
          %add3A_498 = vector.broadcast %mul3A_378 : i32 to vector<16xi32>
          %add3A_499 = arith.addi %add3A_498, %select_n3A_98 : vector<16xi32>
          %gather3A_500 = tpu.vector_load_idx %arg6[%add3A_467, %add3A_499] : memref<64x384xf32, #tpu.memory_space<vmem>>[vector<16xi32>, vector<16xi32>], vector<16xf32>,
          %add3A_501 = vector.broadcast %mul3A_378 : i32 to vector<16xi32>
          %add3A_502 = arith.addi %add3A_501, %select_n3A_111 : vector<16xi32>
          %gather3A_503 = tpu.vector_load_idx %arg6[%add3A_467, %add3A_502] : memref<64x384xf32, #tpu.memory_space<vmem>>[vector<16xi32>, vector<16xi32>], vector<16xf32>,
          %add3A_504 = vector.broadcast %add3A_471 : i32 to vector<16xi32>
          %add3A_505 = arith.addi %add3A_235, %add3A_504 : vector<16xi32>
          tpu.vector_store_idx %arg8[%add3A_505], %gather3A_494 : memref<24576xf32, #tpu.memory_space<vmem>>[vector<16xi32>], vector<16xf32>,
          %add3A_506 = vector.broadcast %add3A_471 : i32 to vector<16xi32>
          %add3A_507 = arith.addi %add3A_239, %add3A_506 : vector<16xi32>
          tpu.vector_store_idx %arg8[%add3A_507], %gather3A_497 : memref<24576xf32, #tpu.memory_space<vmem>>[vector<16xi32>], vector<16xf32>,
          %add3A_508 = vector.broadcast %add3A_471 : i32 to vector<16xi32>
          %add3A_509 = arith.addi %add3A_243, %add3A_508 : vector<16xi32>
          tpu.vector_store_idx %arg8[%add3A_509], %gather3A_500 : memref<24576xf32, #tpu.memory_space<vmem>>[vector<16xi32>], vector<16xf32>,
          %add3A_510 = vector.broadcast %add3A_471 : i32 to vector<16xi32>
          %add3A_511 = arith.addi %add3A_247, %add3A_510 : vector<16xi32>
          tpu.vector_store_idx %arg8[%add3A_511], %gather3A_503 : memref<24576xf32, #tpu.memory_space<vmem>>[vector<16xi32>], vector<16xf32>,
          %add3A_512 = vector.broadcast %mul3A_378 : i32 to vector<16xi32>
          %add3A_513 = arith.addi %add3A_512, %select_n3A_124 : vector<16xi32>
          %gather3A_514 = tpu.vector_load_idx %arg6[%add3A_467, %add3A_513] : memref<64x384xf32, #tpu.memory_space<vmem>>[vector<16xi32>, vector<16xi32>], vector<16xf32>,
          %add3A_515 = vector.broadcast %mul3A_378 : i32 to vector<16xi32>
          %add3A_516 = arith.addi %add3A_515, %select_n3A_137 : vector<16xi32>
          %gather3A_517 = tpu.vector_load_idx %arg6[%add3A_467, %add3A_516] : memref<64x384xf32, #tpu.memory_space<vmem>>[vector<16xi32>, vector<16xi32>], vector<16xf32>,
          %add3A_518 = vector.broadcast %mul3A_378 : i32 to vector<16xi32>
          %add3A_519 = arith.addi %add3A_518, %select_n3A_150 : vector<16xi32>
          %gather3A_520 = tpu.vector_load_idx %arg6[%add3A_467, %add3A_519] : memref<64x384xf32, #tpu.memory_space<vmem>>[vector<16xi32>, vector<16xi32>], vector<16xf32>,
          %add3A_521 = vector.broadcast %mul3A_378 : i32 to vector<16xi32>
          %add3A_522 = arith.addi %add3A_521, %select_n3A_163 : vector<16xi32>
          %gather3A_523 = tpu.vector_load_idx %arg6[%add3A_467, %add3A_522] : memref<64x384xf32, #tpu.memory_space<vmem>>[vector<16xi32>, vector<16xi32>], vector<16xf32>,
          %add3A_524 = vector.broadcast %add3A_471 : i32 to vector<16xi32>
          %add3A_525 = arith.addi %add3A_251, %add3A_524 : vector<16xi32>
          tpu.vector_store_idx %arg8[%add3A_525], %gather3A_514 : memref<24576xf32, #tpu.memory_space<vmem>>[vector<16xi32>], vector<16xf32>,
          %add3A_526 = vector.broadcast %add3A_471 : i32 to vector<16xi32>
          %add3A_527 = arith.addi %add3A_255, %add3A_526 : vector<16xi32>
          tpu.vector_store_idx %arg8[%add3A_527], %gather3A_517 : memref<24576xf32, #tpu.memory_space<vmem>>[vector<16xi32>], vector<16xf32>,
          %add3A_528 = vector.broadcast %add3A_471 : i32 to vector<16xi32>
          %add3A_529 = arith.addi %add3A_259, %add3A_528 : vector<16xi32>
          tpu.vector_store_idx %arg8[%add3A_529], %gather3A_520 : memref<24576xf32, #tpu.memory_space<vmem>>[vector<16xi32>], vector<16xf32>,
          %add3A_530 = vector.broadcast %add3A_471 : i32 to vector<16xi32>
          %add3A_531 = arith.addi %add3A_263, %add3A_530 : vector<16xi32>
          tpu.vector_store_idx %arg8[%add3A_531], %gather3A_523 : memref<24576xf32, #tpu.memory_space<vmem>>[vector<16xi32>], vector<16xf32>,
          %add3A_532 = vector.broadcast %mul3A_378 : i32 to vector<16xi32>
          %add3A_533 = arith.addi %add3A_532, %select_n3A_176 : vector<16xi32>
          %gather3A_534 = tpu.vector_load_idx %arg6[%add3A_467, %add3A_533] : memref<64x384xf32, #tpu.memory_space<vmem>>[vector<16xi32>, vector<16xi32>], vector<16xf32>,
          %add3A_535 = vector.broadcast %mul3A_378 : i32 to vector<16xi32>
          %add3A_536 = arith.addi %add3A_535, %select_n3A_189 : vector<16xi32>
          %gather3A_537 = tpu.vector_load_idx %arg6[%add3A_467, %add3A_536] : memref<64x384xf32, #tpu.memory_space<vmem>>[vector<16xi32>, vector<16xi32>], vector<16xf32>,
          %add3A_538 = vector.broadcast %mul3A_378 : i32 to vector<16xi32>
          %add3A_539 = arith.addi %add3A_538, %select_n3A_202 : vector<16xi32>
          %gather3A_540 = tpu.vector_load_idx %arg6[%add3A_467, %add3A_539] : memref<64x384xf32, #tpu.memory_space<vmem>>[vector<16xi32>, vector<16xi32>], vector<16xf32>,
          %add3A_541 = vector.broadcast %mul3A_378 : i32 to vector<16xi32>
          %add3A_542 = arith.addi %add3A_541, %select_n3A_215 : vector<16xi32>
          %gather3A_543 = tpu.vector_load_idx %arg6[%add3A_467, %add3A_542] : memref<64x384xf32, #tpu.memory_space<vmem>>[vector<16xi32>, vector<16xi32>], vector<16xf32>,
          %add3A_544 = vector.broadcast %add3A_471 : i32 to vector<16xi32>
          %add3A_545 = arith.addi %add3A_267, %add3A_544 : vector<16xi32>
          tpu.vector_store_idx %arg8[%add3A_545], %gather3A_534 : memref<24576xf32, #tpu.memory_space<vmem>>[vector<16xi32>], vector<16xf32>,
          %add3A_546 = vector.broadcast %add3A_471 : i32 to vector<16xi32>
          %add3A_547 = arith.addi %add3A_271, %add3A_546 : vector<16xi32>
          tpu.vector_store_idx %arg8[%add3A_547], %gather3A_537 : memref<24576xf32, #tpu.memory_space<vmem>>[vector<16xi32>], vector<16xf32>,
          %add3A_548 = vector.broadcast %add3A_471 : i32 to vector<16xi32>
          %add3A_549 = arith.addi %add3A_275, %add3A_548 : vector<16xi32>
          tpu.vector_store_idx %arg8[%add3A_549], %gather3A_540 : memref<24576xf32, #tpu.memory_space<vmem>>[vector<16xi32>], vector<16xf32>,
          %add3A_550 = vector.broadcast %add3A_471 : i32 to vector<16xi32>
          %add3A_551 = arith.addi %add3A_279, %add3A_550 : vector<16xi32>
          tpu.vector_store_idx %arg8[%add3A_551], %gather3A_543 : memref<24576xf32, #tpu.memory_space<vmem>>[vector<16xi32>], vector<16xf32>,
          %add3A_552 = arith.constant 32 : i32
          %add3A_553 = vector.broadcast %add3A_552 : i32 to vector<16xi32>
          %add3A_554 = arith.addi %add3A_553, %iota3A : vector<16xi32>
          %mul3A_555 = arith.constant 64 : i32
          %mul3A_556 = arith.muli %mul3A_378, %mul3A_555 : i32
          %add3A_557 = arith.constant 32 : i32
          %add3A_558 = arith.addi %mul3A_556, %add3A_557 : i32
          %add3A_559 = vector.broadcast %mul3A_378 : i32 to vector<16xi32>
          %add3A_560 = arith.addi %add3A_559, %select_n3A_20 : vector<16xi32>
          %gather3A_561 = tpu.vector_load_idx %arg6[%add3A_554, %add3A_560] : memref<64x384xf32, #tpu.memory_space<vmem>>[vector<16xi32>, vector<16xi32>], vector<16xf32>,
          %add3A_562 = vector.broadcast %mul3A_378 : i32 to vector<16xi32>
          %add3A_563 = arith.addi %add3A_562, %select_n3A_33 : vector<16xi32>
          %gather3A_564 = tpu.vector_load_idx %arg6[%add3A_554, %add3A_563] : memref<64x384xf32, #tpu.memory_space<vmem>>[vector<16xi32>, vector<16xi32>], vector<16xf32>,
          %add3A_565 = vector.broadcast %mul3A_378 : i32 to vector<16xi32>
          %add3A_566 = arith.addi %add3A_565, %select_n3A_46 : vector<16xi32>
          %gather3A_567 = tpu.vector_load_idx %arg6[%add3A_554, %add3A_566] : memref<64x384xf32, #tpu.memory_space<vmem>>[vector<16xi32>, vector<16xi32>], vector<16xf32>,
          %add3A_568 = vector.broadcast %mul3A_378 : i32 to vector<16xi32>
          %add3A_569 = arith.addi %add3A_568, %select_n3A_59 : vector<16xi32>
          %gather3A_570 = tpu.vector_load_idx %arg6[%add3A_554, %add3A_569] : memref<64x384xf32, #tpu.memory_space<vmem>>[vector<16xi32>, vector<16xi32>], vector<16xf32>,
          %add3A_571 = vector.broadcast %add3A_558 : i32 to vector<16xi32>
          %add3A_572 = arith.addi %add3A_219, %add3A_571 : vector<16xi32>
          tpu.vector_store_idx %arg8[%add3A_572], %gather3A_561 : memref<24576xf32, #tpu.memory_space<vmem>>[vector<16xi32>], vector<16xf32>,
          %add3A_573 = vector.broadcast %add3A_558 : i32 to vector<16xi32>
          %add3A_574 = arith.addi %add3A_223, %add3A_573 : vector<16xi32>
          tpu.vector_store_idx %arg8[%add3A_574], %gather3A_564 : memref<24576xf32, #tpu.memory_space<vmem>>[vector<16xi32>], vector<16xf32>,
          %add3A_575 = vector.broadcast %add3A_558 : i32 to vector<16xi32>
          %add3A_576 = arith.addi %add3A_227, %add3A_575 : vector<16xi32>
          tpu.vector_store_idx %arg8[%add3A_576], %gather3A_567 : memref<24576xf32, #tpu.memory_space<vmem>>[vector<16xi32>], vector<16xf32>,
          %add3A_577 = vector.broadcast %add3A_558 : i32 to vector<16xi32>
          %add3A_578 = arith.addi %add3A_231, %add3A_577 : vector<16xi32>
          tpu.vector_store_idx %arg8[%add3A_578], %gather3A_570 : memref<24576xf32, #tpu.memory_space<vmem>>[vector<16xi32>], vector<16xf32>,
          %add3A_579 = vector.broadcast %mul3A_378 : i32 to vector<16xi32>
          %add3A_580 = arith.addi %add3A_579, %select_n3A_72 : vector<16xi32>
          %gather3A_581 = tpu.vector_load_idx %arg6[%add3A_554, %add3A_580] : memref<64x384xf32, #tpu.memory_space<vmem>>[vector<16xi32>, vector<16xi32>], vector<16xf32>,
          %add3A_582 = vector.broadcast %mul3A_378 : i32 to vector<16xi32>
          %add3A_583 = arith.addi %add3A_582, %select_n3A_85 : vector<16xi32>
          %gather3A_584 = tpu.vector_load_idx %arg6[%add3A_554, %add3A_583] : memref<64x384xf32, #tpu.memory_space<vmem>>[vector<16xi32>, vector<16xi32>], vector<16xf32>,
          %add3A_585 = vector.broadcast %mul3A_378 : i32 to vector<16xi32>
          %add3A_586 = arith.addi %add3A_585, %select_n3A_98 : vector<16xi32>
          %gather3A_587 = tpu.vector_load_idx %arg6[%add3A_554, %add3A_586] : memref<64x384xf32, #tpu.memory_space<vmem>>[vector<16xi32>, vector<16xi32>], vector<16xf32>,
          %add3A_588 = vector.broadcast %mul3A_378 : i32 to vector<16xi32>
          %add3A_589 = arith.addi %add3A_588, %select_n3A_111 : vector<16xi32>
          %gather3A_590 = tpu.vector_load_idx %arg6[%add3A_554, %add3A_589] : memref<64x384xf32, #tpu.memory_space<vmem>>[vector<16xi32>, vector<16xi32>], vector<16xf32>,
          %add3A_591 = vector.broadcast %add3A_558 : i32 to vector<16xi32>
          %add3A_592 = arith.addi %add3A_235, %add3A_591 : vector<16xi32>
          tpu.vector_store_idx %arg8[%add3A_592], %gather3A_581 : memref<24576xf32, #tpu.memory_space<vmem>>[vector<16xi32>], vector<16xf32>,
          %add3A_593 = vector.broadcast %add3A_558 : i32 to vector<16xi32>
          %add3A_594 = arith.addi %add3A_239, %add3A_593 : vector<16xi32>
          tpu.vector_store_idx %arg8[%add3A_594], %gather3A_584 : memref<24576xf32, #tpu.memory_space<vmem>>[vector<16xi32>], vector<16xf32>,
          %add3A_595 = vector.broadcast %add3A_558 : i32 to vector<16xi32>
          %add3A_596 = arith.addi %add3A_243, %add3A_595 : vector<16xi32>
          tpu.vector_store_idx %arg8[%add3A_596], %gather3A_587 : memref<24576xf32, #tpu.memory_space<vmem>>[vector<16xi32>], vector<16xf32>,
          %add3A_597 = vector.broadcast %add3A_558 : i32 to vector<16xi32>
          %add3A_598 = arith.addi %add3A_247, %add3A_597 : vector<16xi32>
          tpu.vector_store_idx %arg8[%add3A_598], %gather3A_590 : memref<24576xf32, #tpu.memory_space<vmem>>[vector<16xi32>], vector<16xf32>,
          %add3A_599 = vector.broadcast %mul3A_378 : i32 to vector<16xi32>
          %add3A_600 = arith.addi %add3A_599, %select_n3A_124 : vector<16xi32>
          %gather3A_601 = tpu.vector_load_idx %arg6[%add3A_554, %add3A_600] : memref<64x384xf32, #tpu.memory_space<vmem>>[vector<16xi32>, vector<16xi32>], vector<16xf32>,
          %add3A_602 = vector.broadcast %mul3A_378 : i32 to vector<16xi32>
          %add3A_603 = arith.addi %add3A_602, %select_n3A_137 : vector<16xi32>
          %gather3A_604 = tpu.vector_load_idx %arg6[%add3A_554, %add3A_603] : memref<64x384xf32, #tpu.memory_space<vmem>>[vector<16xi32>, vector<16xi32>], vector<16xf32>,
          %add3A_605 = vector.broadcast %mul3A_378 : i32 to vector<16xi32>
          %add3A_606 = arith.addi %add3A_605, %select_n3A_150 : vector<16xi32>
          %gather3A_607 = tpu.vector_load_idx %arg6[%add3A_554, %add3A_606] : memref<64x384xf32, #tpu.memory_space<vmem>>[vector<16xi32>, vector<16xi32>], vector<16xf32>,
          %add3A_608 = vector.broadcast %mul3A_378 : i32 to vector<16xi32>
          %add3A_609 = arith.addi %add3A_608, %select_n3A_163 : vector<16xi32>
          %gather3A_610 = tpu.vector_load_idx %arg6[%add3A_554, %add3A_609] : memref<64x384xf32, #tpu.memory_space<vmem>>[vector<16xi32>, vector<16xi32>], vector<16xf32>,
          %add3A_611 = vector.broadcast %add3A_558 : i32 to vector<16xi32>
          %add3A_612 = arith.addi %add3A_251, %add3A_611 : vector<16xi32>
          tpu.vector_store_idx %arg8[%add3A_612], %gather3A_601 : memref<24576xf32, #tpu.memory_space<vmem>>[vector<16xi32>], vector<16xf32>,
          %add3A_613 = vector.broadcast %add3A_558 : i32 to vector<16xi32>
          %add3A_614 = arith.addi %add3A_255, %add3A_613 : vector<16xi32>
          tpu.vector_store_idx %arg8[%add3A_614], %gather3A_604 : memref<24576xf32, #tpu.memory_space<vmem>>[vector<16xi32>], vector<16xf32>,
          %add3A_615 = vector.broadcast %add3A_558 : i32 to vector<16xi32>
          %add3A_616 = arith.addi %add3A_259, %add3A_615 : vector<16xi32>
          tpu.vector_store_idx %arg8[%add3A_616], %gather3A_607 : memref<24576xf32, #tpu.memory_space<vmem>>[vector<16xi32>], vector<16xf32>,
          %add3A_617 = vector.broadcast %add3A_558 : i32 to vector<16xi32>
          %add3A_618 = arith.addi %add3A_263, %add3A_617 : vector<16xi32>
          tpu.vector_store_idx %arg8[%add3A_618], %gather3A_610 : memref<24576xf32, #tpu.memory_space<vmem>>[vector<16xi32>], vector<16xf32>,
          %add3A_619 = vector.broadcast %mul3A_378 : i32 to vector<16xi32>
          %add3A_620 = arith.addi %add3A_619, %select_n3A_176 : vector<16xi32>
          %gather3A_621 = tpu.vector_load_idx %arg6[%add3A_554, %add3A_620] : memref<64x384xf32, #tpu.memory_space<vmem>>[vector<16xi32>, vector<16xi32>], vector<16xf32>,
          %add3A_622 = vector.broadcast %mul3A_378 : i32 to vector<16xi32>
          %add3A_623 = arith.addi %add3A_622, %select_n3A_189 : vector<16xi32>
          %gather3A_624 = tpu.vector_load_idx %arg6[%add3A_554, %add3A_623] : memref<64x384xf32, #tpu.memory_space<vmem>>[vector<16xi32>, vector<16xi32>], vector<16xf32>,
          %add3A_625 = vector.broadcast %mul3A_378 : i32 to vector<16xi32>
          %add3A_626 = arith.addi %add3A_625, %select_n3A_202 : vector<16xi32>
          %gather3A_627 = tpu.vector_load_idx %arg6[%add3A_554, %add3A_626] : memref<64x384xf32, #tpu.memory_space<vmem>>[vector<16xi32>, vector<16xi32>], vector<16xf32>,
          %add3A_628 = vector.broadcast %mul3A_378 : i32 to vector<16xi32>
          %add3A_629 = arith.addi %add3A_628, %select_n3A_215 : vector<16xi32>
          %gather3A_630 = tpu.vector_load_idx %arg6[%add3A_554, %add3A_629] : memref<64x384xf32, #tpu.memory_space<vmem>>[vector<16xi32>, vector<16xi32>], vector<16xf32>,
          %add3A_631 = vector.broadcast %add3A_558 : i32 to vector<16xi32>
          %add3A_632 = arith.addi %add3A_267, %add3A_631 : vector<16xi32>
          tpu.vector_store_idx %arg8[%add3A_632], %gather3A_621 : memref<24576xf32, #tpu.memory_space<vmem>>[vector<16xi32>], vector<16xf32>,
          %add3A_633 = vector.broadcast %add3A_558 : i32 to vector<16xi32>
          %add3A_634 = arith.addi %add3A_271, %add3A_633 : vector<16xi32>
          tpu.vector_store_idx %arg8[%add3A_634], %gather3A_624 : memref<24576xf32, #tpu.memory_space<vmem>>[vector<16xi32>], vector<16xf32>,
          %add3A_635 = vector.broadcast %add3A_558 : i32 to vector<16xi32>
          %add3A_636 = arith.addi %add3A_275, %add3A_635 : vector<16xi32>
          tpu.vector_store_idx %arg8[%add3A_636], %gather3A_627 : memref<24576xf32, #tpu.memory_space<vmem>>[vector<16xi32>], vector<16xf32>,
          %add3A_637 = vector.broadcast %add3A_558 : i32 to vector<16xi32>
          %add3A_638 = arith.addi %add3A_279, %add3A_637 : vector<16xi32>
          tpu.vector_store_idx %arg8[%add3A_638], %gather3A_630 : memref<24576xf32, #tpu.memory_space<vmem>>[vector<16xi32>], vector<16xf32>,
          %add3A_639 = arith.constant 48 : i32
          %add3A_640 = vector.broadcast %add3A_639 : i32 to vector<16xi32>
          %add3A_641 = arith.addi %add3A_640, %iota3A : vector<16xi32>
          %mul3A_642 = arith.constant 64 : i32
          %mul3A_643 = arith.muli %mul3A_378, %mul3A_642 : i32
          %add3A_644 = arith.constant 48 : i32
          %add3A_645 = arith.addi %mul3A_643, %add3A_644 : i32
          %add3A_646 = vector.broadcast %mul3A_378 : i32 to vector<16xi32>
          %add3A_647 = arith.addi %add3A_646, %select_n3A_20 : vector<16xi32>
          %gather3A_648 = tpu.vector_load_idx %arg6[%add3A_641, %add3A_647] : memref<64x384xf32, #tpu.memory_space<vmem>>[vector<16xi32>, vector<16xi32>], vector<16xf32>,
          %add3A_649 = vector.broadcast %mul3A_378 : i32 to vector<16xi32>
          %add3A_650 = arith.addi %add3A_649, %select_n3A_33 : vector<16xi32>
          %gather3A_651 = tpu.vector_load_idx %arg6[%add3A_641, %add3A_650] : memref<64x384xf32, #tpu.memory_space<vmem>>[vector<16xi32>, vector<16xi32>], vector<16xf32>,
          %add3A_652 = vector.broadcast %mul3A_378 : i32 to vector<16xi32>
          %add3A_653 = arith.addi %add3A_652, %select_n3A_46 : vector<16xi32>
          %gather3A_654 = tpu.vector_load_idx %arg6[%add3A_641, %add3A_653] : memref<64x384xf32, #tpu.memory_space<vmem>>[vector<16xi32>, vector<16xi32>], vector<16xf32>,
          %add3A_655 = vector.broadcast %mul3A_378 : i32 to vector<16xi32>
          %add3A_656 = arith.addi %add3A_655, %select_n3A_59 : vector<16xi32>
          %gather3A_657 = tpu.vector_load_idx %arg6[%add3A_641, %add3A_656] : memref<64x384xf32, #tpu.memory_space<vmem>>[vector<16xi32>, vector<16xi32>], vector<16xf32>,
          %add3A_658 = vector.broadcast %add3A_645 : i32 to vector<16xi32>
          %add3A_659 = arith.addi %add3A_219, %add3A_658 : vector<16xi32>
          tpu.vector_store_idx %arg8[%add3A_659], %gather3A_648 : memref<24576xf32, #tpu.memory_space<vmem>>[vector<16xi32>], vector<16xf32>,
          %add3A_660 = vector.broadcast %add3A_645 : i32 to vector<16xi32>
          %add3A_661 = arith.addi %add3A_223, %add3A_660 : vector<16xi32>
          tpu.vector_store_idx %arg8[%add3A_661], %gather3A_651 : memref<24576xf32, #tpu.memory_space<vmem>>[vector<16xi32>], vector<16xf32>,
          %add3A_662 = vector.broadcast %add3A_645 : i32 to vector<16xi32>
          %add3A_663 = arith.addi %add3A_227, %add3A_662 : vector<16xi32>
          tpu.vector_store_idx %arg8[%add3A_663], %gather3A_654 : memref<24576xf32, #tpu.memory_space<vmem>>[vector<16xi32>], vector<16xf32>,
          %add3A_664 = vector.broadcast %add3A_645 : i32 to vector<16xi32>
          %add3A_665 = arith.addi %add3A_231, %add3A_664 : vector<16xi32>
          tpu.vector_store_idx %arg8[%add3A_665], %gather3A_657 : memref<24576xf32, #tpu.memory_space<vmem>>[vector<16xi32>], vector<16xf32>,
          %add3A_666 = vector.broadcast %mul3A_378 : i32 to vector<16xi32>
          %add3A_667 = arith.addi %add3A_666, %select_n3A_72 : vector<16xi32>
          %gather3A_668 = tpu.vector_load_idx %arg6[%add3A_641, %add3A_667] : memref<64x384xf32, #tpu.memory_space<vmem>>[vector<16xi32>, vector<16xi32>], vector<16xf32>,
          %add3A_669 = vector.broadcast %mul3A_378 : i32 to vector<16xi32>
          %add3A_670 = arith.addi %add3A_669, %select_n3A_85 : vector<16xi32>
          %gather3A_671 = tpu.vector_load_idx %arg6[%add3A_641, %add3A_670] : memref<64x384xf32, #tpu.memory_space<vmem>>[vector<16xi32>, vector<16xi32>], vector<16xf32>,
          %add3A_672 = vector.broadcast %mul3A_378 : i32 to vector<16xi32>
          %add3A_673 = arith.addi %add3A_672, %select_n3A_98 : vector<16xi32>
          %gather3A_674 = tpu.vector_load_idx %arg6[%add3A_641, %add3A_673] : memref<64x384xf32, #tpu.memory_space<vmem>>[vector<16xi32>, vector<16xi32>], vector<16xf32>,
          %add3A_675 = vector.broadcast %mul3A_378 : i32 to vector<16xi32>
          %add3A_676 = arith.addi %add3A_675, %select_n3A_111 : vector<16xi32>
          %gather3A_677 = tpu.vector_load_idx %arg6[%add3A_641, %add3A_676] : memref<64x384xf32, #tpu.memory_space<vmem>>[vector<16xi32>, vector<16xi32>], vector<16xf32>,
          %add3A_678 = vector.broadcast %add3A_645 : i32 to vector<16xi32>
          %add3A_679 = arith.addi %add3A_235, %add3A_678 : vector<16xi32>
          tpu.vector_store_idx %arg8[%add3A_679], %gather3A_668 : memref<24576xf32, #tpu.memory_space<vmem>>[vector<16xi32>], vector<16xf32>,
          %add3A_680 = vector.broadcast %add3A_645 : i32 to vector<16xi32>
          %add3A_681 = arith.addi %add3A_239, %add3A_680 : vector<16xi32>
          tpu.vector_store_idx %arg8[%add3A_681], %gather3A_671 : memref<24576xf32, #tpu.memory_space<vmem>>[vector<16xi32>], vector<16xf32>,
          %add3A_682 = vector.broadcast %add3A_645 : i32 to vector<16xi32>
          %add3A_683 = arith.addi %add3A_243, %add3A_682 : vector<16xi32>
          tpu.vector_store_idx %arg8[%add3A_683], %gather3A_674 : memref<24576xf32, #tpu.memory_space<vmem>>[vector<16xi32>], vector<16xf32>,
          %add3A_684 = vector.broadcast %add3A_645 : i32 to vector<16xi32>
          %add3A_685 = arith.addi %add3A_247, %add3A_684 : vector<16xi32>
          tpu.vector_store_idx %arg8[%add3A_685], %gather3A_677 : memref<24576xf32, #tpu.memory_space<vmem>>[vector<16xi32>], vector<16xf32>,
          %add3A_686 = vector.broadcast %mul3A_378 : i32 to vector<16xi32>
          %add3A_687 = arith.addi %add3A_686, %select_n3A_124 : vector<16xi32>
          %gather3A_688 = tpu.vector_load_idx %arg6[%add3A_641, %add3A_687] : memref<64x384xf32, #tpu.memory_space<vmem>>[vector<16xi32>, vector<16xi32>], vector<16xf32>,
          %add3A_689 = vector.broadcast %mul3A_378 : i32 to vector<16xi32>
          %add3A_690 = arith.addi %add3A_689, %select_n3A_137 : vector<16xi32>
          %gather3A_691 = tpu.vector_load_idx %arg6[%add3A_641, %add3A_690] : memref<64x384xf32, #tpu.memory_space<vmem>>[vector<16xi32>, vector<16xi32>], vector<16xf32>,
          %add3A_692 = vector.broadcast %mul3A_378 : i32 to vector<16xi32>
          %add3A_693 = arith.addi %add3A_692, %select_n3A_150 : vector<16xi32>
          %gather3A_694 = tpu.vector_load_idx %arg6[%add3A_641, %add3A_693] : memref<64x384xf32, #tpu.memory_space<vmem>>[vector<16xi32>, vector<16xi32>], vector<16xf32>,
          %add3A_695 = vector.broadcast %mul3A_378 : i32 to vector<16xi32>
          %add3A_696 = arith.addi %add3A_695, %select_n3A_163 : vector<16xi32>
          %gather3A_697 = tpu.vector_load_idx %arg6[%add3A_641, %add3A_696] : memref<64x384xf32, #tpu.memory_space<vmem>>[vector<16xi32>, vector<16xi32>], vector<16xf32>,
          %add3A_698 = vector.broadcast %add3A_645 : i32 to vector<16xi32>
          %add3A_699 = arith.addi %add3A_251, %add3A_698 : vector<16xi32>
          tpu.vector_store_idx %arg8[%add3A_699], %gather3A_688 : memref<24576xf32, #tpu.memory_space<vmem>>[vector<16xi32>], vector<16xf32>,
          %add3A_700 = vector.broadcast %add3A_645 : i32 to vector<16xi32>
          %add3A_701 = arith.addi %add3A_255, %add3A_700 : vector<16xi32>
          tpu.vector_store_idx %arg8[%add3A_701], %gather3A_691 : memref<24576xf32, #tpu.memory_space<vmem>>[vector<16xi32>], vector<16xf32>,
          %add3A_702 = vector.broadcast %add3A_645 : i32 to vector<16xi32>
          %add3A_703 = arith.addi %add3A_259, %add3A_702 : vector<16xi32>
          tpu.vector_store_idx %arg8[%add3A_703], %gather3A_694 : memref<24576xf32, #tpu.memory_space<vmem>>[vector<16xi32>], vector<16xf32>,
          %add3A_704 = vector.broadcast %add3A_645 : i32 to vector<16xi32>
          %add3A_705 = arith.addi %add3A_263, %add3A_704 : vector<16xi32>
          tpu.vector_store_idx %arg8[%add3A_705], %gather3A_697 : memref<24576xf32, #tpu.memory_space<vmem>>[vector<16xi32>], vector<16xf32>,
          %add3A_706 = vector.broadcast %mul3A_378 : i32 to vector<16xi32>
          %add3A_707 = arith.addi %add3A_706, %select_n3A_176 : vector<16xi32>
          %gather3A_708 = tpu.vector_load_idx %arg6[%add3A_641, %add3A_707] : memref<64x384xf32, #tpu.memory_space<vmem>>[vector<16xi32>, vector<16xi32>], vector<16xf32>,
          %add3A_709 = vector.broadcast %mul3A_378 : i32 to vector<16xi32>
          %add3A_710 = arith.addi %add3A_709, %select_n3A_189 : vector<16xi32>
          %gather3A_711 = tpu.vector_load_idx %arg6[%add3A_641, %add3A_710] : memref<64x384xf32, #tpu.memory_space<vmem>>[vector<16xi32>, vector<16xi32>], vector<16xf32>,
          %add3A_712 = vector.broadcast %mul3A_378 : i32 to vector<16xi32>
          %add3A_713 = arith.addi %add3A_712, %select_n3A_202 : vector<16xi32>
          %gather3A_714 = tpu.vector_load_idx %arg6[%add3A_641, %add3A_713] : memref<64x384xf32, #tpu.memory_space<vmem>>[vector<16xi32>, vector<16xi32>], vector<16xf32>,
          %add3A_715 = vector.broadcast %mul3A_378 : i32 to vector<16xi32>
          %add3A_716 = arith.addi %add3A_715, %select_n3A_215 : vector<16xi32>
          %gather3A_717 = tpu.vector_load_idx %arg6[%add3A_641, %add3A_716] : memref<64x384xf32, #tpu.memory_space<vmem>>[vector<16xi32>, vector<16xi32>], vector<16xf32>,
          %add3A_718 = vector.broadcast %add3A_645 : i32 to vector<16xi32>
          %add3A_719 = arith.addi %add3A_267, %add3A_718 : vector<16xi32>
          tpu.vector_store_idx %arg8[%add3A_719], %gather3A_708 : memref<24576xf32, #tpu.memory_space<vmem>>[vector<16xi32>], vector<16xf32>,
          %add3A_720 = vector.broadcast %add3A_645 : i32 to vector<16xi32>
          %add3A_721 = arith.addi %add3A_271, %add3A_720 : vector<16xi32>
          tpu.vector_store_idx %arg8[%add3A_721], %gather3A_711 : memref<24576xf32, #tpu.memory_space<vmem>>[vector<16xi32>], vector<16xf32>,
          %add3A_722 = vector.broadcast %add3A_645 : i32 to vector<16xi32>
          %add3A_723 = arith.addi %add3A_275, %add3A_722 : vector<16xi32>
          tpu.vector_store_idx %arg8[%add3A_723], %gather3A_714 : memref<24576xf32, #tpu.memory_space<vmem>>[vector<16xi32>], vector<16xf32>,
          %add3A_724 = vector.broadcast %add3A_645 : i32 to vector<16xi32>
          %add3A_725 = arith.addi %add3A_279, %add3A_724 : vector<16xi32>
          tpu.vector_store_idx %arg8[%add3A_725], %gather3A_717 : memref<24576xf32, #tpu.memory_space<vmem>>[vector<16xi32>], vector<16xf32>,
        }
        %scan3A_364 = arith.constant 24 : i32
        %add3A_365 = arith.addi %add3A_8, %while3A_310 : i32
        %mul3A_366 = arith.constant 24576 : i32
        %mul3A_367 = arith.muli %add3A_365, %mul3A_366 : i32
        %dma_start3A_368 = tpu.memref_slice %arg4[%mul3A_367] : memref<64000000xf32, #tpu.memory_space<hbm>> -> memref<24576xf32, #tpu.memory_space<hbm>>
        %dma_start3A_369 = tpu.memref_slice %arg4[%mul3A_367] : memref<64000000xf32, #tpu.memory_space<hbm>> -> memref<24576xf32, #tpu.memory_space<hbm>>
        tpu.enqueue_dma source(%arg8 : memref<24576xf32, #tpu.memory_space<vmem>>) target(%dma_start3A_369 : memref<24576xf32, #tpu.memory_space<hbm>>) target_semaphore(%arg12 : memref<!tpu.dma_semaphore, #tpu.memory_space<semaphore_mem>>)
        %add3A_370 = arith.constant 2 : i32
        %add3A_371 = arith.addi %while3A_310, %add3A_370 : i32
        %lt3A_372 = arith.cmpi slt, %add3A_371, %add3A_4 : i32
        %convert_element_type3A_373 = arith.extui %lt3A_372 : i1 to i32
        %cond3A_374 = arith.constant 0 : i32
        %cond3A_375 = arith.cmpi ne, %convert_element_type3A_373, %cond3A_374 : i32
        scf.if %cond3A_375 {
          %add3A_376 = arith.constant 2 : i32
          %add3A_377 = arith.addi %while3A_310, %add3A_376 : i32
          %add3A_378 = arith.addi %add3A_8, %add3A_377 : i32
          %mul3A_379 = arith.constant 384 : i32
          %mul3A_380 = arith.muli %add3A_378, %mul3A_379 : i32
          %dma_start3A_381 = arith.constant 0 : i32
          %dma_start3A_382 = tpu.memref_slice %arg2[%dma_start3A_381, %mul3A_380] : memref<64x1000000xf32, #tpu.memory_space<hbm>> -> memref<64x384xf32, #tpu.memory_space<hbm>>
          %dma_start3A_383 = arith.constant 0 : i32
          %dma_start3A_384 = tpu.memref_slice %arg2[%dma_start3A_383, %mul3A_380] : memref<64x1000000xf32, #tpu.memory_space<hbm>> -> memref<64x384xf32, #tpu.memory_space<hbm>>
          tpu.enqueue_dma source(%dma_start3A_384 : memref<64x384xf32, #tpu.memory_space<hbm>>) target(%arg6 : memref<64x384xf32, #tpu.memory_space<vmem>>) target_semaphore(%arg10 : memref<!tpu.dma_semaphore, #tpu.memory_space<semaphore_mem>>)
        } else {
        }
      } else {
      }
    }
    %dma_wait3A = arith.constant 0 : i32
    %dma_wait3A_298 = tpu.memref_slice %arg4[%dma_wait3A] : memref<64000000xf32, #tpu.memory_space<hbm>> -> memref<24576xf32, #tpu.memory_space<hbm>>
    %dma_wait3A_299 = arith.constant 0 : i32
    %dma_wait3A_300 = tpu.memref_slice %arg4[%dma_wait3A_299] : memref<64000000xf32, #tpu.memory_space<hbm>> -> memref<24576xf32, #tpu.memory_space<hbm>>
    tpu.wait_dma2 semaphore(%arg11 : memref<!tpu.dma_semaphore, #tpu.memory_space<semaphore_mem>>) src(%arg7 : memref<24576xf32, #tpu.memory_space<vmem>>) dst(%dma_wait3A_300 : memref<24576xf32, #tpu.memory_space<hbm>>)
    %gt3A_301 = arith.constant 1 : i32
    %gt3A_302 = arith.cmpi sgt, %add3A_4, %gt3A_301 : i32
    %convert_element_type3A_303 = arith.extui %gt3A_302 : i1 to i32
    %cond3A_304 = arith.constant 0 : i32
    %cond3A_305 = arith.cmpi ne, %convert_element_type3A_303, %cond3A_304 : i32
    scf.if %cond3A_305 {
      %dma_wait3A_310 = arith.constant 0 : i32
      %dma_wait3A_311 = tpu.memref_slice %arg4[%dma_wait3A_310] : memref<64000000xf32, #tpu.memory_space<hbm>> -> memref<24576xf32, #tpu.memory_space<hbm>>
      %dma_wait3A_312 = arith.constant 0 : i32
      %dma_wait3A_313 = tpu.memref_slice %arg4[%dma_wait3A_312] : memref<64000000xf32, #tpu.memory_space<hbm>> -> memref<24576xf32, #tpu.memory_space<hbm>>
      tpu.wait_dma2 semaphore(%arg12 : memref<!tpu.dma_semaphore, #tpu.memory_space<semaphore_mem>>) src(%arg8 : memref<24576xf32, #tpu.memory_space<vmem>>) dst(%dma_wait3A_313 : memref<24576xf32, #tpu.memory_space<hbm>>)
    } else {
    }
    %eq3A = arith.constant 31 : i32
    %eq3A_306 = arith.cmpi eq, %add3A, %eq3A : i32
    %convert_element_type3A_307 = arith.extui %eq3A_306 : i1 to i32
    %cond3A_308 = arith.constant 0 : i32
    %cond3A_309 = arith.cmpi ne, %convert_element_type3A_307, %cond3A_308 : i32
    scf.if %cond3A_309 {
      "tpu.region"() ({
        %run_scoped3A = tpu.sem_alloc : memref<!tpu.dma_semaphore, #tpu.memory_space<semaphore_mem>>
        %dma_start3A_310 = arith.constant 0 : i32
        %dma_start3A_311 = tpu.memref_slice %arg7[%dma_start3A_310] : memref<24576xf32, #tpu.memory_space<vmem>> -> memref<4096xf32, #tpu.memory_space<vmem>>
        %dma_start3A_312 = arith.constant 0 : i32
        %dma_start3A_313 = tpu.memref_slice %arg7[%dma_start3A_312] : memref<24576xf32, #tpu.memory_space<vmem>> -> memref<4096xf32, #tpu.memory_space<vmem>>
        tpu.enqueue_dma source(%arg3 : memref<4096xf32, #tpu.memory_space<hbm>>) target(%dma_start3A_313 : memref<4096xf32, #tpu.memory_space<vmem>>) target_semaphore(%run_scoped3A : memref<!tpu.dma_semaphore, #tpu.memory_space<semaphore_mem>>)
        %dma_wait3A_314 = arith.constant 0 : i32
        %dma_wait3A_315 = tpu.memref_slice %arg7[%dma_wait3A_314] : memref<24576xf32, #tpu.memory_space<vmem>> -> memref<4096xf32, #tpu.memory_space<vmem>>
        %dma_wait3A_316 = arith.constant 0 : i32
        %dma_wait3A_317 = tpu.memref_slice %arg7[%dma_wait3A_316] : memref<24576xf32, #tpu.memory_space<vmem>> -> memref<4096xf32, #tpu.memory_space<vmem>>
        tpu.wait_dma2 semaphore(%run_scoped3A : memref<!tpu.dma_semaphore, #tpu.memory_space<semaphore_mem>>) src(%arg3 : memref<4096xf32, #tpu.memory_space<hbm>>) dst(%dma_wait3A_317 : memref<4096xf32, #tpu.memory_space<vmem>>)
        tpu.yield
      }) : () -> ()
      "tpu.region"() ({
        %run_scoped3A = tpu.sem_alloc : memref<!tpu.dma_semaphore, #tpu.memory_space<semaphore_mem>>
        %dma_start3A_310 = arith.constant 0 : i32
        %dma_start3A_311 = tpu.memref_slice %arg7[%dma_start3A_310] : memref<24576xf32, #tpu.memory_space<vmem>> -> memref<4096xf32, #tpu.memory_space<vmem>>
        %dma_start3A_312 = arith.constant 63995904 : i32
        %dma_start3A_313 = tpu.memref_slice %arg4[%dma_start3A_312] : memref<64000000xf32, #tpu.memory_space<hbm>> -> memref<4096xf32, #tpu.memory_space<hbm>>
        %dma_start3A_314 = arith.constant 63995904 : i32
        %dma_start3A_315 = tpu.memref_slice %arg4[%dma_start3A_314] : memref<64000000xf32, #tpu.memory_space<hbm>> -> memref<4096xf32, #tpu.memory_space<hbm>>
        %dma_start3A_316 = arith.constant 0 : i32
        %dma_start3A_317 = tpu.memref_slice %arg7[%dma_start3A_316] : memref<24576xf32, #tpu.memory_space<vmem>> -> memref<4096xf32, #tpu.memory_space<vmem>>
        tpu.enqueue_dma source(%dma_start3A_317 : memref<4096xf32, #tpu.memory_space<vmem>>) target(%dma_start3A_315 : memref<4096xf32, #tpu.memory_space<hbm>>) target_semaphore(%run_scoped3A : memref<!tpu.dma_semaphore, #tpu.memory_space<semaphore_mem>>)
        %dma_wait3A_318 = arith.constant 0 : i32
        %dma_wait3A_319 = tpu.memref_slice %arg7[%dma_wait3A_318] : memref<24576xf32, #tpu.memory_space<vmem>> -> memref<4096xf32, #tpu.memory_space<vmem>>
        %dma_wait3A_320 = arith.constant 63995904 : i32
        %dma_wait3A_321 = tpu.memref_slice %arg4[%dma_wait3A_320] : memref<64000000xf32, #tpu.memory_space<hbm>> -> memref<4096xf32, #tpu.memory_space<hbm>>
        %dma_wait3A_322 = arith.constant 63995904 : i32
        %dma_wait3A_323 = tpu.memref_slice %arg4[%dma_wait3A_322] : memref<64000000xf32, #tpu.memory_space<hbm>> -> memref<4096xf32, #tpu.memory_space<hbm>>
        %dma_wait3A_324 = arith.constant 0 : i32
        %dma_wait3A_325 = tpu.memref_slice %arg7[%dma_wait3A_324] : memref<24576xf32, #tpu.memory_space<vmem>> -> memref<4096xf32, #tpu.memory_space<vmem>>
        tpu.wait_dma2 semaphore(%run_scoped3A : memref<!tpu.dma_semaphore, #tpu.memory_space<semaphore_mem>>) src(%dma_wait3A_325 : memref<4096xf32, #tpu.memory_space<vmem>>) dst(%dma_wait3A_323 : memref<4096xf32, #tpu.memory_space<hbm>>)
        tpu.yield
      }) : () -> ()
    } else {
    }
    return
  }
}

#map = affine_map<(d0, d1) -> (0, 0)>
#map1 = affine_map<(d0, d1) -> (0, 0, 0)>
module attributes {stable_mosaic.version = 14 : i64} {
  func.func @_gather(%arg0: i32, %arg1: i32, %arg2: memref<50x16384xi32, #tpu.memory_space<hbm>>, %arg3: memref<1000000x64xf32, #tpu.memory_space<hbm>>, %arg4: memref<16384x56x128xf32, #tpu.memory_space<hbm>>, %arg5: memref<50x512xi32, #tpu.memory_space<vmem>>, %arg6: memref<512x64xf32, #tpu.memory_space<vmem>>, %arg7: memref<512x64xf32, #tpu.memory_space<vmem>>, %arg8: memref<!tpu.dma_semaphore, #tpu.memory_space<semaphore_mem>>, %arg9: memref<!tpu.dma_semaphore, #tpu.memory_space<semaphore_mem>>, %arg10: memref<!tpu.dma_semaphore, #tpu.memory_space<semaphore_mem>>, %arg11: memref<!tpu.dma_semaphore, #tpu.memory_space<semaphore_mem>>) attributes {dimension_semantics = [#tpu.dimension_semantics<core_parallel>, #tpu.dimension_semantics<subcore_parallel>], iteration_bounds = array<i64: 2, 16>, scalar_prefetch = 0 : i64, scratch_operands = 7 : i64, tpu.core_type = #tpu.core_type<sc_vector_subcore>, window_params = [{transform_indices = #map}, {transform_indices = #map}, {transform_indices = #map1}]} {
    %mul3A = arith.constant 2 : i32
    %mul3A_0 = arith.muli %arg1, %mul3A : i32
    %add3A = arith.addi %mul3A_0, %arg0 : i32
    %mul3A_1 = arith.constant 512 : i32
    %mul3A_2 = arith.muli %add3A, %mul3A_1 : i32
    "tpu.region"() ({
      %run_scoped3A = tpu.sem_alloc : memref<!tpu.dma_semaphore, #tpu.memory_space<semaphore_mem>>
      %dma_start3A_62 = arith.constant 0 : i32
      %dma_start3A_63 = tpu.memref_slice %arg2[%dma_start3A_62, %mul3A_2] : memref<50x16384xi32, #tpu.memory_space<hbm>> -> memref<50x512xi32, #tpu.memory_space<hbm>>
      %dma_start3A_64 = arith.constant 0 : i32
      %dma_start3A_65 = tpu.memref_slice %arg2[%dma_start3A_64, %mul3A_2] : memref<50x16384xi32, #tpu.memory_space<hbm>> -> memref<50x512xi32, #tpu.memory_space<hbm>>
      tpu.enqueue_dma source(%dma_start3A_65 : memref<50x512xi32, #tpu.memory_space<hbm>>) target(%arg5 : memref<50x512xi32, #tpu.memory_space<vmem>>) target_semaphore(%run_scoped3A : memref<!tpu.dma_semaphore, #tpu.memory_space<semaphore_mem>>)
      %dma_wait3A_66 = arith.constant 0 : i32
      %dma_wait3A_67 = tpu.memref_slice %arg2[%dma_wait3A_66, %mul3A_2] : memref<50x16384xi32, #tpu.memory_space<hbm>> -> memref<50x512xi32, #tpu.memory_space<hbm>>
      %dma_wait3A_68 = arith.constant 0 : i32
      %dma_wait3A_69 = tpu.memref_slice %arg2[%dma_wait3A_68, %mul3A_2] : memref<50x16384xi32, #tpu.memory_space<hbm>> -> memref<50x512xi32, #tpu.memory_space<hbm>>
      tpu.wait_dma2 semaphore(%run_scoped3A : memref<!tpu.dma_semaphore, #tpu.memory_space<semaphore_mem>>) src(%dma_wait3A_69 : memref<50x512xi32, #tpu.memory_space<hbm>>) dst(%arg5 : memref<50x512xi32, #tpu.memory_space<vmem>>)
      tpu.yield
    }) : () -> ()
    %dma_start3A = arith.constant 0 : i32
    %dma_start3A_3 = arith.constant 0 : i32
    %dma_start3A_4 = tpu.memref_slice %arg5[%dma_start3A, %dma_start3A_3] : memref<50x512xi32, #tpu.memory_space<vmem>> -> memref<1x512xi32, #tpu.memory_space<vmem>>
    %dma_start3A_5 = tpu.memref_squeeze %dma_start3A_4 : memref<1x512xi32, #tpu.memory_space<vmem>> -> memref<512xi32, #tpu.memory_space<vmem>>
    %dma_start3A_6 = arith.constant 0 : i32
    %dma_start3A_7 = arith.constant 0 : i32
    %dma_start3A_8 = tpu.memref_slice %arg3[%dma_start3A_6, %dma_start3A_7] : memref<1000000x64xf32, #tpu.memory_space<hbm>> -> memref<1000000x64xf32, #tpu.memory_space<hbm>>
    tpu.enqueue_indirect_dma source(%dma_start3A_8 : memref<1000000x64xf32, #tpu.memory_space<hbm>>) target(%arg6 : memref<512x64xf32, #tpu.memory_space<vmem>>) offsets(%dma_start3A_5 : memref<512xi32, #tpu.memory_space<vmem>>) semaphore(%arg8 : memref<!tpu.dma_semaphore, #tpu.memory_space<semaphore_mem>>)
    %dma_start3A_9 = arith.constant 1 : i32
    %dma_start3A_10 = arith.constant 0 : i32
    %dma_start3A_11 = tpu.memref_slice %arg5[%dma_start3A_9, %dma_start3A_10] : memref<50x512xi32, #tpu.memory_space<vmem>> -> memref<1x512xi32, #tpu.memory_space<vmem>>
    %dma_start3A_12 = tpu.memref_squeeze %dma_start3A_11 : memref<1x512xi32, #tpu.memory_space<vmem>> -> memref<512xi32, #tpu.memory_space<vmem>>
    %dma_start3A_13 = arith.constant 0 : i32
    %dma_start3A_14 = arith.constant 0 : i32
    %dma_start3A_15 = tpu.memref_slice %arg3[%dma_start3A_13, %dma_start3A_14] : memref<1000000x64xf32, #tpu.memory_space<hbm>> -> memref<1000000x64xf32, #tpu.memory_space<hbm>>
    tpu.enqueue_indirect_dma source(%dma_start3A_15 : memref<1000000x64xf32, #tpu.memory_space<hbm>>) target(%arg7 : memref<512x64xf32, #tpu.memory_space<vmem>>) offsets(%dma_start3A_12 : memref<512xi32, #tpu.memory_space<vmem>>) semaphore(%arg9 : memref<!tpu.dma_semaphore, #tpu.memory_space<semaphore_mem>>)
    %scan3A = arith.constant 0 : i32
    %scan3A_16 = arith.constant 0 : i32
    %scan3A_17 = arith.constant 24 : i32
    %scan3A_18 = arith.addi %scan3A_16, %scan3A_17 : i32
    %scan3A_19 = arith.constant 1 : i32
    scf.for %scan3A_62 = %scan3A_16 to %scan3A_18 step %scan3A_19  : i32 {
      %mul3A_63 = arith.constant 2 : i32
      %mul3A_64 = arith.muli %mul3A_63, %scan3A_62 : i32
      %dma_wait3A_65 = arith.constant 0 : i32
      %dma_wait3A_66 = arith.constant 0 : i32
      %dma_wait3A_67 = tpu.memref_slice %arg5[%dma_wait3A_65, %dma_wait3A_66] : memref<50x512xi32, #tpu.memory_space<vmem>> -> memref<1x512xi32, #tpu.memory_space<vmem>>
      %dma_wait3A_68 = tpu.memref_squeeze %dma_wait3A_67 : memref<1x512xi32, #tpu.memory_space<vmem>> -> memref<512xi32, #tpu.memory_space<vmem>>
      %dma_wait3A_69 = arith.constant 0 : i32
      %dma_wait3A_70 = arith.constant 0 : i32
      %dma_wait3A_71 = tpu.memref_slice %arg3[%dma_wait3A_69, %dma_wait3A_70] : memref<1000000x64xf32, #tpu.memory_space<hbm>> -> memref<1000000x64xf32, #tpu.memory_space<hbm>>
      tpu.wait_indirect_dma semaphore(%arg8 : memref<!tpu.dma_semaphore, #tpu.memory_space<semaphore_mem>>) src(%dma_wait3A_71 : memref<1000000x64xf32, #tpu.memory_space<hbm>>) dst(%arg6 : memref<512x64xf32, #tpu.memory_space<vmem>>)
      %dma_start3A_72 = arith.constant 0 : i32
      %dma_start3A_73 = tpu.memref_slice %arg4[%mul3A_2, %mul3A_64, %dma_start3A_72] : memref<16384x56x128xf32, #tpu.memory_space<hbm>> -> memref<512x1x64xf32, #tpu.memory_space<hbm>>
      %dma_start3A_74 = tpu.memref_squeeze %dma_start3A_73 : memref<512x1x64xf32, #tpu.memory_space<hbm>> -> memref<512x64xf32, #tpu.memory_space<hbm>>
      %dma_start3A_75 = arith.constant 0 : i32
      %dma_start3A_76 = tpu.memref_slice %arg4[%mul3A_2, %mul3A_64, %dma_start3A_75] : memref<16384x56x128xf32, #tpu.memory_space<hbm>> -> memref<512x1x64xf32, #tpu.memory_space<hbm>>
      %dma_start3A_77 = tpu.memref_squeeze %dma_start3A_76 : memref<512x1x64xf32, #tpu.memory_space<hbm>> -> memref<512x64xf32, #tpu.memory_space<hbm>>
      tpu.enqueue_dma source(%arg6 : memref<512x64xf32, #tpu.memory_space<vmem>>) target(%dma_start3A_77 : memref<512x64xf32, #tpu.memory_space<hbm>>) target_semaphore(%arg10 : memref<!tpu.dma_semaphore, #tpu.memory_space<semaphore_mem>>)
      %dma_wait3A_78 = arith.constant 0 : i32
      %dma_wait3A_79 = arith.constant 0 : i32
      %dma_wait3A_80 = tpu.memref_slice %arg4[%mul3A_2, %dma_wait3A_78, %dma_wait3A_79] : memref<16384x56x128xf32, #tpu.memory_space<hbm>> -> memref<512x1x64xf32, #tpu.memory_space<hbm>>
      %dma_wait3A_81 = tpu.memref_squeeze %dma_wait3A_80 : memref<512x1x64xf32, #tpu.memory_space<hbm>> -> memref<512x64xf32, #tpu.memory_space<hbm>>
      %dma_wait3A_82 = arith.constant 0 : i32
      %dma_wait3A_83 = tpu.memref_slice %arg4[%mul3A_2, %dma_wait3A_78, %dma_wait3A_82] : memref<16384x56x128xf32, #tpu.memory_space<hbm>> -> memref<512x1x64xf32, #tpu.memory_space<hbm>>
      %dma_wait3A_84 = tpu.memref_squeeze %dma_wait3A_83 : memref<512x1x64xf32, #tpu.memory_space<hbm>> -> memref<512x64xf32, #tpu.memory_space<hbm>>
      tpu.wait_dma2 semaphore(%arg10 : memref<!tpu.dma_semaphore, #tpu.memory_space<semaphore_mem>>) src(%arg6 : memref<512x64xf32, #tpu.memory_space<vmem>>) dst(%dma_wait3A_84 : memref<512x64xf32, #tpu.memory_space<hbm>>)
      %add3A_85 = arith.constant 2 : i32
      %add3A_86 = arith.addi %mul3A_64, %add3A_85 : i32
      %dma_start3A_87 = arith.constant 0 : i32
      %dma_start3A_88 = tpu.memref_slice %arg5[%add3A_86, %dma_start3A_87] : memref<50x512xi32, #tpu.memory_space<vmem>> -> memref<1x512xi32, #tpu.memory_space<vmem>>
      %dma_start3A_89 = tpu.memref_squeeze %dma_start3A_88 : memref<1x512xi32, #tpu.memory_space<vmem>> -> memref<512xi32, #tpu.memory_space<vmem>>
      %dma_start3A_90 = arith.constant 0 : i32
      %dma_start3A_91 = arith.constant 0 : i32
      %dma_start3A_92 = tpu.memref_slice %arg3[%dma_start3A_90, %dma_start3A_91] : memref<1000000x64xf32, #tpu.memory_space<hbm>> -> memref<1000000x64xf32, #tpu.memory_space<hbm>>
      tpu.enqueue_indirect_dma source(%dma_start3A_92 : memref<1000000x64xf32, #tpu.memory_space<hbm>>) target(%arg6 : memref<512x64xf32, #tpu.memory_space<vmem>>) offsets(%dma_start3A_89 : memref<512xi32, #tpu.memory_space<vmem>>) semaphore(%arg8 : memref<!tpu.dma_semaphore, #tpu.memory_space<semaphore_mem>>)
      %dma_wait3A_93 = arith.constant 0 : i32
      %dma_wait3A_94 = arith.constant 0 : i32
      %dma_wait3A_95 = tpu.memref_slice %arg5[%dma_wait3A_93, %dma_wait3A_94] : memref<50x512xi32, #tpu.memory_space<vmem>> -> memref<1x512xi32, #tpu.memory_space<vmem>>
      %dma_wait3A_96 = tpu.memref_squeeze %dma_wait3A_95 : memref<1x512xi32, #tpu.memory_space<vmem>> -> memref<512xi32, #tpu.memory_space<vmem>>
      %dma_wait3A_97 = arith.constant 0 : i32
      %dma_wait3A_98 = arith.constant 0 : i32
      %dma_wait3A_99 = tpu.memref_slice %arg3[%dma_wait3A_97, %dma_wait3A_98] : memref<1000000x64xf32, #tpu.memory_space<hbm>> -> memref<1000000x64xf32, #tpu.memory_space<hbm>>
      tpu.wait_indirect_dma semaphore(%arg9 : memref<!tpu.dma_semaphore, #tpu.memory_space<semaphore_mem>>) src(%dma_wait3A_99 : memref<1000000x64xf32, #tpu.memory_space<hbm>>) dst(%arg7 : memref<512x64xf32, #tpu.memory_space<vmem>>)
      %add3A_100 = arith.constant 1 : i32
      %add3A_101 = arith.addi %mul3A_64, %add3A_100 : i32
      %dma_start3A_102 = arith.constant 0 : i32
      %dma_start3A_103 = tpu.memref_slice %arg4[%mul3A_2, %add3A_101, %dma_start3A_102] : memref<16384x56x128xf32, #tpu.memory_space<hbm>> -> memref<512x1x64xf32, #tpu.memory_space<hbm>>
      %dma_start3A_104 = tpu.memref_squeeze %dma_start3A_103 : memref<512x1x64xf32, #tpu.memory_space<hbm>> -> memref<512x64xf32, #tpu.memory_space<hbm>>
      %dma_start3A_105 = arith.constant 0 : i32
      %dma_start3A_106 = tpu.memref_slice %arg4[%mul3A_2, %add3A_101, %dma_start3A_105] : memref<16384x56x128xf32, #tpu.memory_space<hbm>> -> memref<512x1x64xf32, #tpu.memory_space<hbm>>
      %dma_start3A_107 = tpu.memref_squeeze %dma_start3A_106 : memref<512x1x64xf32, #tpu.memory_space<hbm>> -> memref<512x64xf32, #tpu.memory_space<hbm>>
      tpu.enqueue_dma source(%arg7 : memref<512x64xf32, #tpu.memory_space<vmem>>) target(%dma_start3A_107 : memref<512x64xf32, #tpu.memory_space<hbm>>) target_semaphore(%arg11 : memref<!tpu.dma_semaphore, #tpu.memory_space<semaphore_mem>>)
      %dma_wait3A_108 = arith.constant 0 : i32
      %dma_wait3A_109 = arith.constant 0 : i32
      %dma_wait3A_110 = tpu.memref_slice %arg4[%mul3A_2, %dma_wait3A_108, %dma_wait3A_109] : memref<16384x56x128xf32, #tpu.memory_space<hbm>> -> memref<512x1x64xf32, #tpu.memory_space<hbm>>
      %dma_wait3A_111 = tpu.memref_squeeze %dma_wait3A_110 : memref<512x1x64xf32, #tpu.memory_space<hbm>> -> memref<512x64xf32, #tpu.memory_space<hbm>>
      %dma_wait3A_112 = arith.constant 0 : i32
      %dma_wait3A_113 = tpu.memref_slice %arg4[%mul3A_2, %dma_wait3A_108, %dma_wait3A_112] : memref<16384x56x128xf32, #tpu.memory_space<hbm>> -> memref<512x1x64xf32, #tpu.memory_space<hbm>>
      %dma_wait3A_114 = tpu.memref_squeeze %dma_wait3A_113 : memref<512x1x64xf32, #tpu.memory_space<hbm>> -> memref<512x64xf32, #tpu.memory_space<hbm>>
      tpu.wait_dma2 semaphore(%arg11 : memref<!tpu.dma_semaphore, #tpu.memory_space<semaphore_mem>>) src(%arg7 : memref<512x64xf32, #tpu.memory_space<vmem>>) dst(%dma_wait3A_114 : memref<512x64xf32, #tpu.memory_space<hbm>>)
      %add3A_115 = arith.constant 3 : i32
      %add3A_116 = arith.addi %mul3A_64, %add3A_115 : i32
      %dma_start3A_117 = arith.constant 0 : i32
      %dma_start3A_118 = tpu.memref_slice %arg5[%add3A_116, %dma_start3A_117] : memref<50x512xi32, #tpu.memory_space<vmem>> -> memref<1x512xi32, #tpu.memory_space<vmem>>
      %dma_start3A_119 = tpu.memref_squeeze %dma_start3A_118 : memref<1x512xi32, #tpu.memory_space<vmem>> -> memref<512xi32, #tpu.memory_space<vmem>>
      %dma_start3A_120 = arith.constant 0 : i32
      %dma_start3A_121 = arith.constant 0 : i32
      %dma_start3A_122 = tpu.memref_slice %arg3[%dma_start3A_120, %dma_start3A_121] : memref<1000000x64xf32, #tpu.memory_space<hbm>> -> memref<1000000x64xf32, #tpu.memory_space<hbm>>
      tpu.enqueue_indirect_dma source(%dma_start3A_122 : memref<1000000x64xf32, #tpu.memory_space<hbm>>) target(%arg7 : memref<512x64xf32, #tpu.memory_space<vmem>>) offsets(%dma_start3A_119 : memref<512xi32, #tpu.memory_space<vmem>>) semaphore(%arg9 : memref<!tpu.dma_semaphore, #tpu.memory_space<semaphore_mem>>)
    }
    %scan3A_20 = arith.constant 24 : i32
    %dma_wait3A = arith.constant 0 : i32
    %dma_wait3A_21 = arith.constant 0 : i32
    %dma_wait3A_22 = tpu.memref_slice %arg5[%dma_wait3A, %dma_wait3A_21] : memref<50x512xi32, #tpu.memory_space<vmem>> -> memref<1x512xi32, #tpu.memory_space<vmem>>
    %dma_wait3A_23 = tpu.memref_squeeze %dma_wait3A_22 : memref<1x512xi32, #tpu.memory_space<vmem>> -> memref<512xi32, #tpu.memory_space<vmem>>
    %dma_wait3A_24 = arith.constant 0 : i32
    %dma_wait3A_25 = arith.constant 0 : i32
    %dma_wait3A_26 = tpu.memref_slice %arg3[%dma_wait3A_24, %dma_wait3A_25] : memref<1000000x64xf32, #tpu.memory_space<hbm>> -> memref<1000000x64xf32, #tpu.memory_space<hbm>>
    tpu.wait_indirect_dma semaphore(%arg8 : memref<!tpu.dma_semaphore, #tpu.memory_space<semaphore_mem>>) src(%dma_wait3A_26 : memref<1000000x64xf32, #tpu.memory_space<hbm>>) dst(%arg6 : memref<512x64xf32, #tpu.memory_space<vmem>>)
    %dma_start3A_27 = arith.constant 48 : i32
    %dma_start3A_28 = arith.constant 0 : i32
    %dma_start3A_29 = tpu.memref_slice %arg4[%mul3A_2, %dma_start3A_27, %dma_start3A_28] : memref<16384x56x128xf32, #tpu.memory_space<hbm>> -> memref<512x1x64xf32, #tpu.memory_space<hbm>>
    %dma_start3A_30 = tpu.memref_squeeze %dma_start3A_29 : memref<512x1x64xf32, #tpu.memory_space<hbm>> -> memref<512x64xf32, #tpu.memory_space<hbm>>
    %dma_start3A_31 = arith.constant 0 : i32
    %dma_start3A_32 = tpu.memref_slice %arg4[%mul3A_2, %dma_start3A_27, %dma_start3A_31] : memref<16384x56x128xf32, #tpu.memory_space<hbm>> -> memref<512x1x64xf32, #tpu.memory_space<hbm>>
    %dma_start3A_33 = tpu.memref_squeeze %dma_start3A_32 : memref<512x1x64xf32, #tpu.memory_space<hbm>> -> memref<512x64xf32, #tpu.memory_space<hbm>>
    tpu.enqueue_dma source(%arg6 : memref<512x64xf32, #tpu.memory_space<vmem>>) target(%dma_start3A_33 : memref<512x64xf32, #tpu.memory_space<hbm>>) target_semaphore(%arg10 : memref<!tpu.dma_semaphore, #tpu.memory_space<semaphore_mem>>)
    %dma_wait3A_34 = arith.constant 0 : i32
    %dma_wait3A_35 = arith.constant 0 : i32
    %dma_wait3A_36 = tpu.memref_slice %arg5[%dma_wait3A_34, %dma_wait3A_35] : memref<50x512xi32, #tpu.memory_space<vmem>> -> memref<1x512xi32, #tpu.memory_space<vmem>>
    %dma_wait3A_37 = tpu.memref_squeeze %dma_wait3A_36 : memref<1x512xi32, #tpu.memory_space<vmem>> -> memref<512xi32, #tpu.memory_space<vmem>>
    %dma_wait3A_38 = arith.constant 0 : i32
    %dma_wait3A_39 = arith.constant 0 : i32
    %dma_wait3A_40 = tpu.memref_slice %arg3[%dma_wait3A_38, %dma_wait3A_39] : memref<1000000x64xf32, #tpu.memory_space<hbm>> -> memref<1000000x64xf32, #tpu.memory_space<hbm>>
    tpu.wait_indirect_dma semaphore(%arg9 : memref<!tpu.dma_semaphore, #tpu.memory_space<semaphore_mem>>) src(%dma_wait3A_40 : memref<1000000x64xf32, #tpu.memory_space<hbm>>) dst(%arg7 : memref<512x64xf32, #tpu.memory_space<vmem>>)
    %dma_start3A_41 = arith.constant 49 : i32
    %dma_start3A_42 = arith.constant 0 : i32
    %dma_start3A_43 = tpu.memref_slice %arg4[%mul3A_2, %dma_start3A_41, %dma_start3A_42] : memref<16384x56x128xf32, #tpu.memory_space<hbm>> -> memref<512x1x64xf32, #tpu.memory_space<hbm>>
    %dma_start3A_44 = tpu.memref_squeeze %dma_start3A_43 : memref<512x1x64xf32, #tpu.memory_space<hbm>> -> memref<512x64xf32, #tpu.memory_space<hbm>>
    %dma_start3A_45 = arith.constant 0 : i32
    %dma_start3A_46 = tpu.memref_slice %arg4[%mul3A_2, %dma_start3A_41, %dma_start3A_45] : memref<16384x56x128xf32, #tpu.memory_space<hbm>> -> memref<512x1x64xf32, #tpu.memory_space<hbm>>
    %dma_start3A_47 = tpu.memref_squeeze %dma_start3A_46 : memref<512x1x64xf32, #tpu.memory_space<hbm>> -> memref<512x64xf32, #tpu.memory_space<hbm>>
    tpu.enqueue_dma source(%arg7 : memref<512x64xf32, #tpu.memory_space<vmem>>) target(%dma_start3A_47 : memref<512x64xf32, #tpu.memory_space<hbm>>) target_semaphore(%arg11 : memref<!tpu.dma_semaphore, #tpu.memory_space<semaphore_mem>>)
    %dma_wait3A_48 = arith.constant 0 : i32
    %dma_wait3A_49 = arith.constant 0 : i32
    %dma_wait3A_50 = tpu.memref_slice %arg4[%mul3A_2, %dma_wait3A_48, %dma_wait3A_49] : memref<16384x56x128xf32, #tpu.memory_space<hbm>> -> memref<512x1x64xf32, #tpu.memory_space<hbm>>
    %dma_wait3A_51 = tpu.memref_squeeze %dma_wait3A_50 : memref<512x1x64xf32, #tpu.memory_space<hbm>> -> memref<512x64xf32, #tpu.memory_space<hbm>>
    %dma_wait3A_52 = arith.constant 0 : i32
    %dma_wait3A_53 = tpu.memref_slice %arg4[%mul3A_2, %dma_wait3A_48, %dma_wait3A_52] : memref<16384x56x128xf32, #tpu.memory_space<hbm>> -> memref<512x1x64xf32, #tpu.memory_space<hbm>>
    %dma_wait3A_54 = tpu.memref_squeeze %dma_wait3A_53 : memref<512x1x64xf32, #tpu.memory_space<hbm>> -> memref<512x64xf32, #tpu.memory_space<hbm>>
    tpu.wait_dma2 semaphore(%arg10 : memref<!tpu.dma_semaphore, #tpu.memory_space<semaphore_mem>>) src(%arg6 : memref<512x64xf32, #tpu.memory_space<vmem>>) dst(%dma_wait3A_54 : memref<512x64xf32, #tpu.memory_space<hbm>>)
    %dma_wait3A_55 = arith.constant 0 : i32
    %dma_wait3A_56 = arith.constant 0 : i32
    %dma_wait3A_57 = tpu.memref_slice %arg4[%mul3A_2, %dma_wait3A_55, %dma_wait3A_56] : memref<16384x56x128xf32, #tpu.memory_space<hbm>> -> memref<512x1x64xf32, #tpu.memory_space<hbm>>
    %dma_wait3A_58 = tpu.memref_squeeze %dma_wait3A_57 : memref<512x1x64xf32, #tpu.memory_space<hbm>> -> memref<512x64xf32, #tpu.memory_space<hbm>>
    %dma_wait3A_59 = arith.constant 0 : i32
    %dma_wait3A_60 = tpu.memref_slice %arg4[%mul3A_2, %dma_wait3A_55, %dma_wait3A_59] : memref<16384x56x128xf32, #tpu.memory_space<hbm>> -> memref<512x1x64xf32, #tpu.memory_space<hbm>>
    %dma_wait3A_61 = tpu.memref_squeeze %dma_wait3A_60 : memref<512x1x64xf32, #tpu.memory_space<hbm>> -> memref<512x64xf32, #tpu.memory_space<hbm>>
    tpu.wait_dma2 semaphore(%arg11 : memref<!tpu.dma_semaphore, #tpu.memory_space<semaphore_mem>>) src(%arg7 : memref<512x64xf32, #tpu.memory_space<vmem>>) dst(%dma_wait3A_61 : memref<512x64xf32, #tpu.memory_space<hbm>>)
    return
  }
}

</mosaic_0001>

<sc_bundles>
// kernel: kernel.4.cloned.1.call-start
scs
__scs_entry_jumppad:
0x0: {  	(pc) =	sbr.rel $0x88, $3  }
0x1: {  	(tag) =	ssettag $0x0;
	lr =	simm.s32 $0x1  }
0x2: {  	[smem:$0x3F9F] =	sst lr;
	_ =	strace $0xD0000000  }
0x3: {  	_ = 	snop  }
0x4: {  	_ = 	snop  }
0x5: {  	_ = 	snop  }
0x6: {  	_ = 	snop  }
0x7: {  	_ = 	snop  }
__scs_overlays_trampoline_lowered:
0x8: {  	[smem:$0x3FAE] =	sst s0  }
0x9: {  	[smem:$0x3FAF] =	sst s1  }
0xa: {  	[smem:$0x3FB0] =	sst s2  }
0xb: {  	[smem:$0x3FB1] =	sst s3  }
0xc: {  	[smem:$0x3FB2] =	sst s4  }
0xd: {  	[smem:$0x3FB3] =	sst s5  }
0xe: {  	[smem:$0x3FB4] =	sst s6  }
0xf: {  	[smem:$0x3FB5] =	sst s7  }
0x10: {  	[smem:$0x3FB6] =	sst s8  }
0x11: {  	[smem:$0x3FB7] =	sst s9;
	s0 =	simm.s32 @!p0 $0x0  }
0x12: {  	s1 =	sld [smem:$0x3F9D];
	s0 =	simm.s32 @p0 $0x1  }
0x13: {  	[smem:$0x3FB8] =	sst s0;
	s0 =	simm.s32 @!p1 $0x0  }
0x14: {  	s2 =	sld [smem:$0x3F9C];
	s0 =	simm.s32 @p1 $0x1  }
0x15: {  	[smem:$0x3FB9] =	sst s0;
	s0 =	simm.s32 @!p2 $0x0  }
0x16: {  	s3 =	sld [smem:$0x3FDB];
	s0 =	simm.s32 @p2 $0x1  }
0x17: {  	s4 =	simm.s32 $0x1BF5;
	[smem:$0x3FBB] =	sst s0  }
0x18: {  	s0 =	sld [smem:$0x3F9E];
	_ =	swait.ge [sflag:s4], $0x0  }
0x19: {  	s7 =	sld [smem:$0x3F9F]  }
0x1a: {  	s8 =	sadd.s32 $0xFFFFE003, lr  }
0x1b: {  	s9 =	sadd.s32 $0xFFFFFEF7, lr;
	s5 =	simm.s32 $0xFFFFFFFF;
	p2 =	slt.u32 s8, $0xFFFFF086  }
0x1c: {  	p1 =	slt.u32 s9, $0xF7A;
	s5 =	simm.s32 @!p2 $0x0  }
0x1d: {  	s5 =	simm.s32 @p1 $0x1;
	p0 =	seq.s32 s7, s2  }
0x1e: {  	s7 =	smul.u32 @!p0 $0xF7A, s2;
	p2 =	seq.s32 @!p0 s5, $0x0  }
0x1f: {  	s9 =	smul.u32 $0xF7A, s1;
	s8 =	simm.s32 @!p0 $0x1BF5;
	p2 =	por !p2, p0  }
0x20: {  	[sflag:s8] =	ssyncset.s32 @!p0 $0xFFFFF086;
	s6 =	sadd.s32 @!p0 s3, s7;
	s7 =	simm.s32 @!p0 $0x108  }
0x21: {  	s3 =	sadd.s32 s3, s9;
	s6 =	sadd.s32 @!p0 $0x88, s6;
	s7 =	simm.s32 @p2 $0x1082  }
0x22: {  	[simem:s7], [sflag:s8] =	dma.local @!p0 [hbm:s6], $0xF7A  }
0x23: {  	s9 =	sor.u32 $0xD0000000, s2;
	s6 =	simm.s32 $0x108;
	_ =	swait.ge @!p0 [sflag:s8], $0x0  }
0x24: {  	s3 =	sadd.s32 $0x88, s3;
	s6 =	simm.s32 @!p1 $0x1082;
	[sflag:s4] =	ssyncset.s32 $0xFFFFF086  }
0x25: {  	[simem:s6], [sflag:s4] =	dma.local [hbm:s3], $0xF7A  }
0x26: {  	[smem:$0x3F9F] =	sst s1;
	(tag) =	ssettag s2;
	_ =	strace s9  }
0x27: {  	s1 =	sld [smem:$0x3FAF]  }
0x28: {  	s2 =	sld [smem:$0x3FB0]  }
0x29: {  	s4 =	sld [smem:$0x3FB2]  }
0x2a: {  	p0 =	seq.s32 s5, $0x0;
	s5 =	sld [smem:$0x3FB3]  }
0x2b: {  	s6 =	sld [smem:$0x3FB4]  }
0x2c: {  	s7 =	sld [smem:$0x3FB5]  }
0x2d: {  	s3 =	simm.s32 $0x108;
	s8 =	sld [smem:$0x3FB6]  }
0x2e: {  	s3 =	simm.s32 @!p0 $0x1082;
	s9 =	sld [smem:$0x3FB7]  }
0x2f: {  	lr =	sadd.s32 s0, s3;
	s0 =	sld [smem:$0x3FAE]  }
0x30: {  	s3 =	sld [smem:$0x3FB1]  }
0x31: {  	[smem:$0x3FBA] =	sst s10  }
0x32: {  	s10 =	sld [smem:$0x3FB8];
	_ =	sdelay $0x3  }
0x33: {  	p0 =	seq.s32 s10, $0x1;
	s10 =	sld [smem:$0x3FBA];
	_ =	sdelay $0x3  }
0x34: {  	[smem:$0x3FBA] =	sst s10  }
0x35: {  	s10 =	sld [smem:$0x3FB9];
	_ =	sdelay $0x3  }
0x36: {  	p1 =	seq.s32 s10, $0x1;
	s10 =	sld [smem:$0x3FBA];
	_ =	sdelay $0x3  }
0x37: {  	[smem:$0x3FBA] =	sst s10  }
0x38: {  	s10 =	sld [smem:$0x3FBB]  }
0x39: {  	_ = 	snop;
	(pc) =	sbr.ind lr, $3  }
0x3a: {  	_ = 	snop  }
0x3b: {  	_ = 	snop  }
0x3c: {  	p2 =	seq.s32 s10, $0x1;
	s10 =	sld [smem:$0x3FBA]  }
0x3d: {  	_ =	shalt  }
0x3e: {  	_ =	shalt  }
0x3f: {  	_ =	shalt  }
0x40: {  	_ =	shalt  }
0x41: {  	_ =	shalt  }
0x42: {  	_ =	shalt  }
0x43: {  	_ =	shalt  }
0x44: {  	_ =	shalt  }
0x45: {  	_ =	shalt  }
0x46: {  	_ =	shalt  }
0x47: {  	_ =	shalt  }
0x48: {  	_ =	shalt  }
0x49: {  	_ =	shalt  }
0x4a: {  	_ =	shalt  }
0x4b: {  	_ =	shalt  }
0x4c: {  	_ =	shalt  }
0x4d: {  	_ =	shalt  }
0x4e: {  	_ =	shalt  }
0x4f: {  	_ =	shalt  }
0x50: {  	_ =	shalt  }
0x51: {  	_ =	shalt  }
0x52: {  	_ =	shalt  }
0x53: {  	_ =	shalt  }
0x54: {  	_ =	shalt  }
0x55: {  	_ =	shalt  }
0x56: {  	_ =	shalt  }
0x57: {  	_ =	shalt  }
0x58: {  	_ =	shalt  }
0x59: {  	_ =	shalt  }
0x5a: {  	_ =	shalt  }
0x5b: {  	_ =	shalt  }
0x5c: {  	_ =	shalt  }
0x5d: {  	_ =	shalt  }
0x5e: {  	_ =	shalt  }
0x5f: {  	_ =	shalt  }
0x60: {  	_ =	shalt  }
0x61: {  	_ =	shalt  }
0x62: {  	_ =	shalt  }
0x63: {  	_ =	shalt  }
0x64: {  	_ =	shalt  }
0x65: {  	_ =	shalt  }
0x66: {  	_ =	shalt  }
0x67: {  	_ =	shalt  }
0x68: {  	_ =	shalt  }
0x69: {  	_ =	shalt  }
0x6a: {  	_ =	shalt  }
0x6b: {  	_ =	shalt  }
0x6c: {  	_ =	shalt  }
0x6d: {  	_ =	shalt  }
0x6e: {  	_ =	shalt  }
0x6f: {  	_ =	shalt  }
0x70: {  	_ =	shalt  }
0x71: {  	_ =	shalt  }
0x72: {  	_ =	shalt  }
0x73: {  	_ =	shalt  }
0x74: {  	_ =	shalt  }
0x75: {  	_ =	shalt  }
0x76: {  	_ =	shalt  }
0x77: {  	_ =	shalt  }
0x78: {  	_ =	shalt  }
0x79: {  	_ =	shalt  }
0x7a: {  	_ =	shalt  }
0x7b: {  	_ =	shalt  }
0x7c: {  	_ =	shalt  }
0x7d: {  	_ =	shalt  }
0x7e: {  	_ =	shalt  }
0x7f: {  	_ =	shalt  }
0x80: {  	_ =	shalt  }
0x81: {  	_ =	shalt  }
0x82: {  	_ =	shalt  }
0x83: {  	_ =	shalt  }
0x84: {  	_ =	shalt  }
0x85: {  	_ =	shalt  }
0x86: {  	_ =	shalt  }
0x87: {  	_ =	shalt  }
.Lfunc_end0:
.L_simem_size_0:
called_computation.1_lowered:
.L_overlay_start_0:
0x88: {  	s2 =	sld [smem:$0x3FD9]  }
0x89: {  	s3 =	sld [smem:$0x3FFE];
	_ =	sdelay $0x1  }
0x8a: {  	s1 =	srdreg.scid  }
0x8b: {  	s0 =	sand.u32 $0x1, s1  }
0x8c: {  	s17 =	sshll.u32 s0, $0xA;
	s2 =	sadd.s32 s3, s2  }
0x8d: {  	s2 =	sadd.s32 s2, s17  }
0x8e: {  	[smem:$0x3FC6] =	sst s2  }
0x8f: {  	_ = 	snop  }
0x90: {  	s2 =	sld [smem:$0x3FC8];
	(tm) =	ssettm $0x1  }
0x91: {  	s18 =	sld [smem:$0x3FFB];
	_ =	sdelay $0x3  }
0x92: {  	_ =	strace s18  }
0x93: {  	s3 =	sld [smem:$0x3FFC];
	_ =	sdelay $0x3  }
0x94: {  	_ =	strace s3  }
0x95: {  	s3 =	sld [smem:$0x3FFD];
	_ =	sdelay $0x3  }
0x96: {  	_ =	strace s3  }
0x97: {  	_ =	strace $0x8FFFFFFF  }
0x98: {  	s19 =	sld [smem:$0x3FDB];
	_ =	sdelay $0x1  }
0x99: {  	s4 =	simm.s32 $_scs_section_size  }
0x9a: {  	s5 =	simm.s32 $_size__tile_overlayer_lowered;
	s6 =	simm.s32 $_tile_overlayer_lowered  }
0x9b: {  	s22 =	simm.s32 $0x1BFF;
	s21 =	sshll.u32 s6, $0x1;
	s3 =	sadd.s32 s4, s19  }
0x9c: {  	s7 =	simm.s32 $0x0;
	s20 =	sshll.u32 s5, $0x1;
	s5 =	sadd.s32 s21, s3  }
0x9d: {  	[timem:s7], [sflag:s22] =	dma.local [hbm:s5], s20  }
0x9e: {  	_ =	swait.ge [sflag:s22], s20  }
0x9f: {  	s4 =	ssub.s32 $0x0, s20;
	[sflag:s22] =	ssyncset.done $0x0  }
0xa0: {  	[sflag:s22] =	ssyncadd.s32 s4;
	_ =	sdelay $0x1  }
0xa1: {  	s23 =	simm.s32 $0x1B8B  }
0xa2: {  	_ =	swait.ge [sflag:s23], $0x1  }
0xa3: {  	[sflag:s23] =	ssyncset.done $0x0  }
0xa4: {  	s25 =	simm.s32 $0x1B8E;
	s24 =	sld [smem:$0x3FFE];
	[sflag:s23] =	ssyncadd.s32 $0xFFFFFFFF  }
0xa5: {  	s26 =	simm.s32 $execute0_lowered;
	[smem:$0x3FD2] =	sst s25  }
0xa6: {  	s5 =	sshll.u32 s26, $0x1;
	_ =	strace $0x80000046;
	[dreg:$0x1] =	wrdreg $0xFFFFFFFF  }
0xa7: {  	s28 =	simm.s32 $_size_execute0_lowered;
	s3 =	sadd.s32 s3, s5;
	[dreg:$0x0] =	wrdreg $0x0  }
0xa8: {  	s5 =	sshll.u32 s28, $0x1;
	[dreg:$0x2] =	wrdreg s3  }
0xa9: {  	[dreg:$0x3] =	wrdreg s5  }
0xaa: {  	[dreg:$0x4] =	wrdreg $0xC0  }
0xab: {  	_ =	task [dreg:s7], $0x5FFFF  }
0xac: {  	[dreg:$0x1] =	wrdreg $0xFFFFFFFF  }
0xad: {  	[dreg:$0x0] =	wrdreg $0x60  }
0xae: {  	[dreg:$0x2] =	wrdreg s2  }
0xaf: {  	[dreg:$0x3] =	wrdreg s24  }
0xb0: {  	[dreg:$0x4] =	wrdreg $0x9  }
0xb1: {  	_ =	task.clear_ibuf [dreg:s7], $0x5FFFF;
	_ =	strace $0x90000046  }
0xb2: {  	s29 =	simm.s32 $0x9;
	_ =	strace $0x80000048  }
0xb3: {  	_ =	swait.ge [sflag:s29], $0x1  }
0xb4: {  	[sflag:s29] =	ssyncadd.s32 $0xFFFFFFFF  }
0xb5: {  	_ =	strace $0x90000048  }
0xb6: {  	_ =	sfence  }
0xb7: {  	s30 =	sld [smem:$0x0];
	_ =	sdelay $0x2  }
0xb8: {  	s31 =	sshll.u32 s1, $0xD;
	s1 =	sshrl.u32 s1, $0x2  }
0xb9: {  	s3 =	sand.u32 $0x4000, s31;
	s1 =	sadd.s32 s1, s30  }
0xba: {  	s0 =	sor.u32 s3, s0;
	s1 =	sshll.u32 s1, $0x11  }
0xbb: {  	s0 =	sor.u32 s1, s0  }
0xbc: {  	s0 =	sadd.s32 $0x8F2B, s0  }
0xbd: {  	[sflag:s0] =	ssyncadd.remote.s32 $0x1  }
0xbe: {  	_ =	sfence.sel $0xFFFF  }
0xbf: {  	[dreg:$0x0] =	wrdreg $0xFFFFFFFF;
	(pc) =	sbr.abs _section_cstart, $3  }
0xc0: {  	[dreg:$0x1] =	wrdreg $0xFFFFFFFF  }
0xc1: {  	_ =	task.clear_ibuf [dreg:s7], $0x2FFFF;
	_ =	strace $0x9FFFFFFF  }
0xc2: {  	(tm) =	ssettm $0x7FFFFFFF  }
0xc3: {  	_ =	shalt  }
tec
execute0_lowered:
.L_overlay_start_1:
0x0: {  	(tag) =	ssettag $0x1  }
0x1: {  	vm10 =	vcmask $0x300;
	vm9 =	vcmask $0x704  }
0x2: {  	vm8 =	vcmask $0xB08;
	vm7 =	vcmask $0xF0C;
	vm6 =	vcmask $0x1310  }
0x3: {  	vm5 =	vcmask $0x1714;
	v0 =	vimm.s32 $0xC28140;
	vm4 =	vcmask $0x1B18  }
0x4: {  	vm3 =	vcmask $0x1F1C;
	vm2 =	vcmask $0x2320;
	vm1 =	vcmask $0x2724  }
0x5: {  	v1 =	vimm.s32 $0x10F;
	vm0 =	vcmask $0x2B28;
	vm11 =	vcmask $0xB00  }
0x6: {  	v2 =	vimm.s32 $0x308;
	v3 =	vimm.s32 $0xCF8E4D0C;
	v5 =	vimm.s32 $0xBCE8D4C  }
0x7: {  	vm12 =	vcmask $0x3B2C;
	v6 =	vimm.s32 $0x8B4A09CC;
	v8 =	vimm.s32 $0x24F  }
0x8: {  	v9 =	vimm.s32 $0x28F;
	v10 =	vimm.s32 $0x30F;
	v11 =	vimm.s32 $0x3C68544  }
0x9: {  	vm15 =	vcmask $0x1B0C;
	v12 =	vimm.s32 $0x4302C584;
	v13 =	vimm.s32 $0x834201C4  }
0xa: {  	v14 =	vimm.s32 $0x8F;
	v15 =	vimm.s32 $0x2780;
	v16 =	vimm.s32 $0x3F80  }
0xb: {  	v17 =	vimm.s32 $0x5780;
	v18 =	vimm.s32 $0x100;
	vm13 =	vcmask $0x3330  }
0xc: {  	vm14 =	vcmask $0x3734;
	v19 =	vimm.s32 $0x87654321;
	v22 =	vimm.s32 $0x10FEDCBA  }
0xd: {  	v36 =	vimm.s32 $0xA9876543;
	v52 =	vimm.s32 $0x43210FED;
	v53 =	vimm.s32 $0xCBA98765  }
0xe: {  	v58 =	vimm.s32 $0x6543210F;
	v0 =	vunpack.c.0.s8.s32 v0;
	v1 =	vsel vm10, $0x140, v1  }
0xf: {  	v2 =	vsel vm9, $0x349, v2;
	v3 =	vunpack.c.0.s8.s32 v3;
	v5 =	vunpack.c.0.s8.s32 v5  }
0x10: {  	v6 =	vunpack.c.0.s8.s32 v6;
	v8 =	vsel vm10, $0x280, v8;
	v9 =	vsel vm10, $0x2C0, v9  }
0x11: {  	v10 =	vsel vm10, $0x340, v10;
	v11 =	vunpack.c.0.s8.s32 v11;
	v12 =	vunpack.c.0.s8.s32 v12  }
0x12: {  	v14 =	vsel vm10, $0xC0, v14;
	v15 =	vsel vm10, $0x1800, v15;
	v16 =	vsel vm10, $0x3000, v16  }
0x13: {  	v17 =	vsel vm10, $0x4800, v17;
	v18 =	vsel vm9, $0x141, v18;
	v19 =	vunpack.c.l.s4.s8 v19  }
0x14: {  	v1 =	vsel vm9, $0x181, v1;
	v2 =	vsel vm8, $0x38A, v2;
	v10 =	vsel vm9, $0x381, v10  }
0x15: {  	v14 =	vsel vm9, $0x101, v14;
	v15 =	vsel vm9, $0x1880, v15;
	v16 =	vsel vm9, $0x3080, v16  }
0x16: {  	v17 =	vsel vm9, $0x4880, v17;
	v18 =	vsel vm8, $0x182, v18;
	v0 =	vand.u32 $0xFF, v0  }
0x17: {  	v1 =	vsel vm8, $0x1C2, v1;
	v12 =	vand.u32 $0xFF, v12;
	v14 =	vsel vm8, $0x142, v14  }
0x18: {  	v15 =	vsel vm8, $0x1900, v15;
	v16 =	vsel vm8, $0x3100, v16;
	v17 =	vsel vm8, $0x4900, v17  }
0x19: {  	v18 =	vsel vm7, $0x1C3, v18;
	v24 =	vunpack.c.0.s8.s32 v19;
	v19 =	vimm.s32 $0x98765432  }
0x1a: {  	v1 =	vsel vm7, $0x203, v1;
	v4 =	vnsel vm11, $0xF, v0;
	v0 =	vsel vm7, $0x3CB, v2  }
0x1b: {  	v2 =	vand.u32 $0xFF, v3;
	v3 =	vimm.s32 $0x14F;
	vm11 =	vcmask $0x1F10  }
0x1c: {  	v14 =	vsel vm7, $0x183, v14;
	v15 =	vsel vm7, $0x1980, v15;
	v16 =	vsel vm7, $0x3180, v16  }
0x1d: {  	v17 =	vsel vm7, $0x4980, v17;
	v18 =	vsel vm6, $0x204, v18;
	v1 =	vsel vm6, $0x244, v1  }
0x1e: {  	v3 =	vsel vm10, $0x180, v3;
	v20 =	vsel vm11, v2, v0;
	v2 =	vand.u32 $0xFF, v5  }
0x1f: {  	v5 =	vimm.s32 $0x4B0ACD8C;
	v4 =	vsel vm7, $0x103, v4;
	v14 =	vsel vm6, $0x1C4, v14  }
0x20: {  	v15 =	vsel vm6, $0x1A00, v15;
	v16 =	vsel vm6, $0x3200, v16;
	v17 =	vsel vm6, $0x4A00, v17  }
0x21: {  	v18 =	vsel vm5, $0x245, v18;
	v1 =	vsel vm5, $0x285, v1;
	v3 =	vsel vm9, $0x1C1, v3  }
0x22: {  	v5 =	vunpack.c.0.s8.s32 v5;
	v4 =	vsel vm6, $0x144, v4;
	v14 =	vsel vm5, $0x205, v14  }
0x23: {  	v15 =	vsel vm5, $0x1A80, v15;
	v16 =	vsel vm5, $0x3280, v16;
	v17 =	vsel vm5, $0x4A80, v17  }
0x24: {  	v18 =	vsel vm4, $0x286, v18;
	v1 =	vsel vm4, $0x2C6, v1;
	v3 =	vsel vm8, $0x202, v3  }
0x25: {  	v4 =	vsel vm5, $0x185, v4;
	v14 =	vsel vm4, $0x246, v14;
	v15 =	vsel vm4, $0x1B00, v15  }
0x26: {  	v16 =	vsel vm4, $0x3300, v16;
	v17 =	vsel vm4, $0x4B00, v17;
	v21 =	vsel vm3, $0x2C7, v18  }
0x27: {  	v18 =	vimm.s32 $0xFEDCBA9;
	v1 =	vsel vm3, $0x307, v1;
	v4 =	vsel vm4, $0x1C6, v4  }
0x28: {  	v14 =	vsel vm3, $0x287, v14;
	v15 =	vsel vm3, $0x1B80, v15;
	v16 =	vsel vm3, $0x3380, v16  }
0x29: {  	v17 =	vsel vm3, $0x4B80, v17;
	v18 =	vunpack.c.l.s4.s8 v18;
	v20 =	vcombine.low v21, v20  }
0x2a: {  	v1 =	vsel vm2, $0x348, v1;
	v4 =	vsel vm3, $0x207, v4;
	v14 =	vsel vm2, $0x2C8, v14  }
0x2b: {  	v15 =	vsel vm2, $0x2400, v15;
	v16 =	vsel vm2, $0x3C00, v16;
	v17 =	vsel vm2, $0x5400, v17  }
0x2c: {  	v0 =	vsel vm1, $0x389, v1;
	v1 =	vsel vm7, $0x243, v3;
	v3 =	vimm.s32 $0x18F  }
0x2d: {  	v4 =	vsel vm2, $0x248, v4;
	v14 =	vsel vm1, $0x309, v14;
	v15 =	vsel vm1, $0x2480, v15  }
0x2e: {  	v16 =	vsel vm1, $0x3C80, v16;
	v17 =	vsel vm1, $0x5480, v17;
	v23 =	vunpack.c.0.s8.s32 v18  }
0x2f: {  	v18 =	vunpack.c.l.s4.s8 v22;
	v0 =	vsel vm0, $0x3CA, v0;
	v1 =	vsel vm6, $0x284, v1  }
0x30: {  	v3 =	vsel vm10, $0x1C0, v3;
	v4 =	vsel vm1, $0x289, v4;
	v14 =	vsel vm0, $0x34A, v14  }
0x31: {  	v15 =	vsel vm0, $0x2500, v15;
	v16 =	vsel vm0, $0x3D00, v16;
	v17 =	vsel vm0, $0x5500, v17  }
0x32: {  	v1 =	vsel vm5, $0x2C5, v1;
	v3 =	vsel vm9, $0x201, v3;
	v0 =	vsel vm12, v2, v0  }
0x33: {  	vm12 =	vcmask $0x3728;
	v4 =	vsel vm0, $0x2CA, v4;
	v33 =	vunpack.c.0.s8.s32 v18  }
0x34: {  	v57 =	vcombine.low v23, v24;
	v1 =	vsel vm4, $0x306, v1;
	v2 =	vsel vm8, $0x242, v3  }
0x35: {  	v3 =	vand.u32 $0xFF, v5;
	v1 =	vsel vm3, $0x347, v1;
	v2 =	vsel vm7, $0x283, v2  }
0x36: {  	v5 =	vimm.s32 $0x1CF;
	v1 =	vsel vm2, $0x388, v1;
	v2 =	vsel vm6, $0x2C4, v2  }
0x37: {  	v5 =	vsel vm10, $0x200, v5;
	v1 =	vsel vm1, $0x3C9, v1;
	v2 =	vsel vm5, $0x305, v2  }
0x38: {  	v7 =	vsel vm9, $0x241, v5;
	v2 =	vsel vm4, $0x346, v2;
	v5 =	vsel vm12, v3, v1  }
0x39: {  	v3 =	vand.u32 $0xFF, v6;
	vm12 =	vcmask $0x3324;
	v6 =	vimm.s32 $0x20F  }
0x3a: {  	v1 =	vsel vm3, $0x387, v2;
	v2 =	vsel vm8, $0x282, v7;
	v7 =	vimm.s32 $0xCB8A4908  }
0x3b: {  	v6 =	vsel vm10, $0x240, v6;
	v1 =	vsel vm2, $0x3C8, v1;
	v2 =	vsel vm7, $0x2C3, v2  }
0x3c: {  	v7 =	vunpack.c.0.s8.s32 v7;
	v6 =	vsel vm9, $0x281, v6;
	v2 =	vsel vm6, $0x304, v2  }
0x3d: {  	v1 =	vsel vm12, v3, v1;
	v3 =	vsel vm8, $0x2C2, v6;
	vm12 =	vcmask $0x2F20  }
0x3e: {  	v2 =	vsel vm5, $0x345, v2;
	v6 =	vand.u32 $0xFF, v7;
	v3 =	vsel vm7, $0x303, v3  }
0x3f: {  	v7 =	vimm.s32 $0x7CA8948;
	v2 =	vsel vm4, $0x386, v2;
	v3 =	vsel vm6, $0x344, v3  }
0x40: {  	v7 =	vunpack.c.0.s8.s32 v7;
	v2 =	vsel vm3, $0x3C7, v2;
	v3 =	vsel vm5, $0x385, v3  }
0x41: {  	v22 =	vsel vm14, $0x10D, v1;
	v2 =	vsel vm12, v6, v2;
	v3 =	vsel vm4, $0x3C6, v3  }
0x42: {  	v6 =	vsel vm9, $0x2C1, v8;
	v7 =	vand.u32 $0xFF, v7;
	v8 =	vimm.s32 $0x4706C988  }
0x43: {  	vm12 =	vcmask $0x2B1C;
	v6 =	vsel vm8, $0x302, v6;
	v8 =	vunpack.c.0.s8.s32 v8  }
0x44: {  	v3 =	vsel vm12, v7, v3;
	v7 =	vsel vm9, $0x301, v9;
	v9 =	vimm.s32 $0x874605C8  }
0x45: {  	vm12 =	vcmask $0x2718;
	v2 =	vsel vm13, $0x10C, v2;
	v6 =	vsel vm7, $0x343, v6  }
0x46: {  	v7 =	vsel vm8, $0x342, v7;
	v9 =	vunpack.c.0.s8.s32 v9;
	v25 =	vsel vm14, $0x14D, v2  }
0x47: {  	v2 =	vunpack.c.l.s4.s8 v19;
	v19 =	vcombine.low v24, v23;
	v23 =	vimm.s32 $0xDCBA9876  }
0x48: {  	v6 =	vsel vm6, $0x384, v6;
	v8 =	vand.u32 $0xFF, v8;
	v7 =	vsel vm7, $0x383, v7  }
0x49: {  	v23 =	vunpack.c.l.s4.s8 v23;
	v6 =	vsel vm5, $0x3C5, v6;
	v7 =	vsel vm6, $0x3C4, v7  }
0x4a: {  	v9 =	vand.u32 $0xFF, v9;
	v34 =	vunpack.c.0.s8.s32 v2;
	v18 =	vand.u32 $0xF, v19  }
0x4b: {  	v6 =	vsel vm12, v8, v6;
	v8 =	vimm.s32 $0x2CF;
	vm12 =	vcmask $0x2314  }
0x4c: {  	v8 =	vsel vm10, $0x300, v8;
	v7 =	vsel vm12, v9, v7;
	v9 =	vimm.s32 $0xC7864504  }
0x4d: {  	v23 =	vunpack.c.0.s8.s32 v23;
	v8 =	vsel vm9, $0x341, v8;
	v9 =	vunpack.c.0.s8.s32 v9  }
0x4e: {  	vm12 =	vcmask $0x1304;
	v6 =	vsel vm0, $0x10A, v6;
	v8 =	vsel vm8, $0x382, v8  }
0x4f: {  	v7 =	vsel vm1, $0x109, v7;
	v8 =	vsel vm7, $0x3C3, v8;
	v9 =	vand.u32 $0xFF, v9  }
0x50: {  	v7 =	vsel vm0, $0x14A, v7;
	v8 =	vsel vm11, v9, v8;
	v9 =	vsel vm8, $0x3C2, v10  }
0x51: {  	v10 =	vand.u32 $0xFF, v11;
	v11 =	vimm.s32 $0x34F;
	vm11 =	vcmask $0x1708  }
0x52: {  	v11 =	vsel vm10, $0x380, v11;
	v9 =	vsel vm15, v10, v9;
	v8 =	vsel vm2, $0x108, v8  }
0x53: {  	vm15 =	vcmask $0x3B38;
	v10 =	vsel vm9, $0x3C1, v11;
	v11 =	vunpack.c.0.s8.s32 v13  }
0x54: {  	v13 =	vimm.s32 $0x38F;
	v9 =	vsel vm3, $0x107, v9;
	v8 =	vsel vm1, $0x149, v8  }
0x55: {  	v5 =	vsel vm15, $0x10E, v5;
	v13 =	vsel vm10, $0x3C0, v13;
	v10 =	vsel vm11, v12, v10  }
0x56: {  	v12 =	vimm.s32 $0xF80;
	v9 =	vsel vm2, $0x148, v9;
	v8 =	vsel vm0, $0x18A, v8  }
0x57: {  	v11 =	vand.u32 $0xFF, v11;
	v12 =	vsel vm10, $0x0, v12;
	v10 =	vsel vm4, $0x106, v10  }
0x58: {  	v9 =	vsel vm1, $0x189, v9;
	v11 =	vsel vm12, v11, v13;
	v13 =	vimm.s32 $0x4F  }
0x59: {  	v12 =	vsel vm9, $0x80, v12;
	v10 =	vsel vm3, $0x147, v10;
	vm12 =	vcmask $0x2F2C  }
0x5a: {  	v9 =	vsel vm0, $0x1CA, v9;
	v13 =	vsel vm10, $0x80, v13;
	v12 =	vsel vm8, $0x100, v12  }
0x5b: {  	v11 =	vsel vm5, $0x105, v11;
	v10 =	vsel vm2, $0x188, v10;
	v4 =	vsel vm12, $0x30B, v4  }
0x5c: {  	v14 =	vsel vm12, $0x38B, v14;
	v3 =	vsel vm12, $0x10B, v3;
	v6 =	vsel vm12, $0x14B, v6  }
0x5d: {  	v7 =	vsel vm12, $0x18B, v7;
	v8 =	vsel vm12, $0x1CB, v8;
	v9 =	vsel vm12, $0x20B, v9  }
0x5e: {  	v15 =	vsel vm12, $0x2580, v15;
	v16 =	vsel vm12, $0x3D80, v16;
	v17 =	vsel vm12, $0x5580, v17  }
0x5f: {  	v13 =	vsel vm9, $0xC1, v13;
	v12 =	vsel vm7, $0x180, v12;
	v11 =	vsel vm4, $0x146, v11  }
0x60: {  	v10 =	vsel vm1, $0x1C9, v10;
	v4 =	vsel vm13, $0x34C, v4;
	v14 =	vsel vm13, $0x3CC, v14  }
0x61: {  	v3 =	vsel vm13, $0x14C, v3;
	v6 =	vsel vm13, $0x18C, v6;
	v7 =	vsel vm13, $0x1CC, v7  }
0x62: {  	v8 =	vsel vm13, $0x20C, v8;
	v9 =	vsel vm13, $0x24C, v9;
	v15 =	vsel vm13, $0x2600, v15  }
0x63: {  	v16 =	vsel vm13, $0x3E00, v16;
	v17 =	vsel vm13, $0x5600, v17;
	v13 =	vsel vm8, $0x102, v13  }
0x64: {  	v12 =	vsel vm6, $0x200, v12;
	v11 =	vsel vm3, $0x187, v11;
	v10 =	vsel vm0, $0x20A, v10  }
0x65: {  	v4 =	vsel vm14, $0x38D, v4;
	v14 =	vsel vm14, $0xD, v14;
	v26 =	vsel vm14, $0x18D, v3  }
0x66: {  	v27 =	vsel vm14, $0x1CD, v6;
	v28 =	vsel vm14, $0x20D, v7;
	v29 =	vsel vm14, $0x24D, v8  }
0x67: {  	v30 =	vsel vm14, $0x28D, v9;
	v15 =	vsel vm14, $0x2680, v15;
	v16 =	vsel vm14, $0x3E80, v16  }
0x68: {  	v17 =	vsel vm14, $0x5680, v17;
	v3 =	vimm.s32 $0x210FEDCB;
	v6 =	vsel vm15, $0x14E, v22  }
0x69: {  	v7 =	vsel vm15, $0x18E, v25;
	v22 =	vunpack.c.l.s4.s8 v36;
	v25 =	vcombine.low v34, v33  }
0x6a: {  	v13 =	vsel vm7, $0x143, v13;
	v12 =	vsel vm5, $0x280, v12;
	v11 =	vsel vm2, $0x1C8, v11  }
0x6b: {  	v10 =	vsel vm12, $0x24B, v10;
	v35 =	vunpack.c.l.s4.s8 v3;
	v2 =	vsel vm15, $0x3CE, v4  }
0x6c: {  	v4 =	vsel vm15, $0x4E, v14;
	v8 =	vsel vm15, $0x1CE, v26;
	v9 =	vsel vm15, $0x20E, v27  }
0x6d: {  	v62 =	vsel vm15, $0x2700, v15;
	v63 =	vsel vm15, $0x3F00, v16;
	v27 =	vimm.s32 $0x3210FEDC  }
0x6e: {  	v13 =	vsel vm6, $0x184, v13;
	v12 =	vsel vm4, $0x300, v12;
	v11 =	vsel vm1, $0x209, v11  }
0x6f: {  	v10 =	vsel vm13, $0x28C, v10;
	v22 =	vunpack.c.0.s8.s32 v22;
	v27 =	vunpack.c.l.s4.s8 v27  }
0x70: {  	v19 =	vand.u32 $0xF, v25;
	v13 =	vsel vm5, $0x1C5, v13;
	v12 =	vsel vm3, $0x380, v12  }
0x71: {  	v11 =	vsel vm0, $0x24A, v11;
	v31 =	vsel vm14, $0x2CD, v10;
	v10 =	vsel vm15, $0x24E, v28  }
0x72: {  	v26 =	vunpack.c.0.s8.s32 v35;
	v28 =	vimm.s32 $0xBA987654;
	v35 =	vunpack.c.l.s4.s8 v53  }
0x73: {  	v13 =	vsel vm4, $0x206, v13;
	v12 =	vsel vm2, $0xC00, v12;
	v11 =	vsel vm12, $0x28B, v11  }
0x74: {  	v28 =	vunpack.c.l.s4.s8 v28;
	v27 =	vunpack.c.0.s8.s32 v27;
	v12 =	vsel vm1, $0xC80, v12  }
0x75: {  	v13 =	vsel vm3, $0x247, v13;
	v11 =	vsel vm13, $0x2CC, v11;
	v55 =	vunpack.c.0.s8.s32 v35  }
0x76: {  	v59 =	vcombine.low v26, v22;
	v12 =	vsel vm0, $0xD00, v12;
	v13 =	vsel vm2, $0x288, v13  }
0x77: {  	v32 =	vsel vm14, $0x30D, v11;
	v11 =	vsel vm15, $0x28E, v29;
	v13 =	vsel vm1, $0x2C9, v13  }
0x78: {  	v29 =	vimm.s32 $0xFEDCBA98;
	v28 =	vunpack.c.0.s8.s32 v28;
	v13 =	vsel vm0, $0x30A, v13  }
0x79: {  	v12 =	vsel vm12, $0xD80, v12;
	v14 =	vsel vm15, $0x34E, v32;
	v13 =	vsel vm12, $0x34B, v13  }
0x7a: {  	v29 =	vunpack.c.l.s4.s8 v29;
	v32 =	vunpack.c.l.s4.s8 v52;
	v13 =	vsel vm13, $0x38C, v13  }
0x7b: {  	v12 =	vsel vm13, $0xE00, v12;
	v54 =	vcombine.low v28, v27;
	v13 =	vsel vm14, $0x3CD, v13  }
0x7c: {  	s2 =	srdreg.scid;
	v3 =	vsel vm15, $0xE, v13;
	v13 =	vsel vm15, $0x30E, v31;
	v31 =	vimm.s32 $0x76543210  }
0x7d: {  	s0 =	stileid.u32;
	s1 =	rddreg [dreg:$0x0];
	v60 =	vcombine.low v27, v28;
	v12 =	vsel vm14, $0xE80, v12;
	v31 =	vunpack.c.l.s4.s8 v31  }
0x7e: {  	s10 =	rddreg [dreg:$0x1];
	s3 =	simm.s32 $0x0;
	s7 =	simm.s32 $0x52;
	v29 =	vunpack.c.0.s8.s32 v29;
	v61 =	vsel vm15, $0xF00, v12;
	v12 =	vsel vm15, $0x2CE, v30  }
0x7f: {  	s13 =	simm.s32 $0x7A1400;
	s6 =	sand.u32 $0x1, s2;
	[smem:$0x7FF] =	sst s3;
	v30 =	vcombine.low v22, v26;
	v22 =	vimm.s32 $0xEDCBA987;
	v31 =	vunpack.c.0.s8.s32 v31  }
0x80: {  	s31 =	sshll.u32 s0, $0x1;
	s2 =	rddreg [dreg:$0x2];
	_ =	strace $0x80000047;
	[tilespmem:$0x1FFC0] =	vst v18;
	v26 =	vunpack.c.l.s4.s8 v58;
	v21 =	vand.u32 $0xF, v29;
	v22 =	vunpack.c.l.s4.s8 v22  }
0x81: {  	s14 =	simm.s32 $0x6000;
	s15 =	simm.s32 $0x2;
	s17 =	sor.u32 s6, s31;
	[tilespmem:$0x1FF60] =	vst v62;
	v29 =	vunpack.c.0.s8.s32 v32;
	v15 =	vcombine.low v21, v31;
	v31 =	vimm.s32 $0x543210FE  }
0x82: {  	s16 =	simm.s32 $0x12000;
	s18 =	simm.s32 $0x4;
	s4 =	smul.u32 $0x51, s17;
	[tilespmem:$0x1FF70] =	vst v63;
	v26 =	vunpack.c.0.s8.s32 v26;
	v28 =	vunpack.c.0.s8.s32 v22;
	v24 =	vunpack.c.l.s4.s8 v31  }
0x83: {  	s19 =	simm.s32 $0x1;
	s20 =	simm.s32 $0xC000;
	s5 =	smin.u32 s17, $0xC;
	v56 =	vsel vm15, $0x5700, v17;
	[tilespmem:$0x1FFD0] =	vst v19;
	v35 =	vand.u32 $0xF, v57;
	v17 =	vand.u32 $0xF, v30  }
0x84: {  	s21 =	simm.s32 $0x0;
	p0 =	slt.u32 s0, $0x6;
	s4 =	sadd.s32 s5, s4;
	[tilespmem:$0x1FFF0] =	vst v35;
	v27 =	vcombine.low v55, v29;
	v30 =	vcombine.low v28, v26;
	v24 =	vunpack.c.0.s8.s32 v24  }
0x85: {  	s8 =	ssub.s32 $0x2, s6;
	s6 =	sadd.s32 $0x1000, s10;
	s9 =	smul.u32 $0xC00, s4;
	v59 =	vand.u32 $0xF, v59;
	[tilespmem:$0x1FF50] =	vst v61;
	v37 =	vcombine.low v29, v55;
	v39 =	vcombine.low v26, v28  }
.Ltmp0:
0x86: {  	s7 =	simm.s32 @!p0 $0x51;
	s11 =	sshrl.u32 s8, $0x1;
	[tilespmem:$0x1FF90] =	vst v17;
	v16 =	vand.u32 $0xF, v30;
	v31 =	vcombine.low v33, v34;
	v38 =	vcombine.low v24, v23;
	(pc) =	sbr.rel .LBB2_1-.Ltmp0, $4  }
0x87: {  	p0 =	sne.s32 s17, $0x1F;
	s17 =	simm.s32 $0x3;
	s11 =	ssub.s32 s8, s11;
	[tilespmem:$0x1FF80] =	vst v16;
	v28 =	vmovc v15;
	v15 =	vand.u32 $0xF, v54;
	v54 =	vand.u32 $0xF, v37;
	v29 =	vcombine.low v23, v24  }
0x88: {  	s5 =	sadd.s32 $0xE00, s10;
	s12 =	smul.u32 $0x180, s4;
	s9 =	sshrl.u32 s9, $0x3;
	v25 =	vand.u32 $0xF, v60;
	v26 =	vlaneseq.u32;
	[tilespmem:$0x1FFB0] =	vst v54;
	v60 =	vand.u32 $0xF, v38  }
0x89: {  	s10 =	sadd.s32 $0x7A2000, s10;
	s11 =	smax.u32 s11, $0x1;
	s9 =	sadd.s32 s1, s9;
	v32 =	vand.u32 $0xF, v27;
	v27 =	vand.u32 $0xF, v39;
	v34 =	vmovc v16;
	v1 =	vand.u32 $0xF, v29;
	[tilespmem:$0x1FFA0] =	vst v60  }
0x8a: {  	s8 =	sadd.s32 s1, s12;
	s12 =	simm.s32 $0xC00;
	s9 =	sadd.s32 $0x180, s9;
	v30 =	vmovc v17;
	v22 =	vand.u32 $0xF, v31;
	v24 =	vmul.u32 $0x41, v26;
	v31 =	vmovc v15;
	v33 =	vmov v1;
	[tilespmem:$0x1FFE0] =	vst v1  }
.LBB2_10:
0x8b: {  	_ =	swait.ge [sflag:s17], $0x6000  }
0x8c: {  	[sflag:s17] =	ssyncset.done $0x0  }
0x8d: {  	[sflag:s17] =	ssyncadd.s32 $0xFFFFA000  }
0x8e: {  	_ =	swait.ge [sflag:s18], $0x6000  }
0x8f: {  	s22 =	simm.s32 @!p0 $0x0;
	[sflag:s18] =	ssyncset.done $0x0  }
0x90: {  	s23 =	simm.s32 @!p0 $0xC000;
	s24 =	simm.s32 @!p0 $0x5;
	[sflag:s18] =	ssyncadd.s32 $0xFFFFA000  }
0x91: {  	[tilespmem:s23], [sflag:$0x5] =	stream.linear.gather @!p0 [hbm4b:s5+s22], $0x1000, $0x38;
	[tilespmem:$0x18000] =	vst v63  }
0x92: {  	s21 =	sadd.s32 $0x1, s21;
	_ =	swait.ge @!p0 [sflag:s24], $0x1000  }
0x93: {  	p1 =	sne.s32 s21, s11;
	[sflag:s24] =	ssyncset.done @!p0 $0x0  }
.Ltmp1:
0x94: {  	[sflag:s24] =	ssyncadd.s32 @!p0 $0xFFFFF000;
	(pc) =	sbr.rel @!p1 .LBB2_11-.Ltmp1, $4  }
0x95: {  	[hbm4b:s10+s22] =	stream.linear.scatter @!p0 [tilespmem:s23], [sflag:$0x5], $0x1000, $0x38;
	[tilespmem:$0x18000] =	vst v63  }
0x96: {  	_ =	swait.ge @!p0 [sflag:s24], $0x1000  }
0x97: {  	[sflag:s24] =	ssyncset.done @!p0 $0x0  }
0x98: {  	[sflag:s24] =	ssyncadd.s32 @!p0 $0xFFFFF000  }
.LBB2_1:
.Ltmp2:
0x99: {  	(pc) =	sbr.rel .LBB2_2-.Ltmp2, $4  }
0x9a: {  	_ = 	snop  }
0x9b: {  	[tilespmem:s3], [sflag:$0x1] =	stream.strided.gather [hbm4b:s8+s12], $0x6000, s13, s12, $0x38;
	[tilespmem:$0x18000] =	vst v63  }
0x9c: {  	s22 =	simm.s32 $0x0  }
0x9d: {  	[tilespmem:s14], [sflag:$0x2] =	stream.strided.gather [hbm4b:s9+s12], $0x6000, s13, s12, $0x38;
	[tilespmem:$0x18000] =	vst v63  }
.LBB2_9:
0x9e: {  	s22 =	sadd.s32 $0x1, s22  }
0x9f: {  	p1 =	sne.s32 s22, s7  }
.Ltmp3:
0xa0: {  	_ = 	snop;
	(pc) =	sbr.rel @!p1 .LBB2_10-.Ltmp3, $1  }
0xa1: {  	_ =	sdelay $0x3  }
.LBB2_2:
0xa2: {  	s23 =	sand.u32 $0x1, s22  }
0xa3: {  	p1 =	seq.s32 s23, $0x1  }
.Ltmp4:
0xa4: {  	_ = 	snop;
	(pc) =	sbr.rel @p1 .LBB2_6-.Ltmp4, $1  }
0xa5: {  	_ =	sdelay $0x3  }
0xa6: {  	s24 =	simm.s32 $0x0  }
0xa7: {  	v36 =	vmov s24  }
0xa8: {  	v36 =	vshll.u32 v36, $0x3  }
0xa9: {  	v37 =	vor.u32 s24, v26;
	v36 =	vand.u32 $0xC00, v36  }
0xaa: {  	_ =	swait.ge [sflag:s19], $0x6000;
	v38 =	vor.u32 s24, v18;
	v37 =	vand.u32 $0x7F, v37;
	v53 =	vadd.s32 v61, v36  }
0xab: {  	p1 =	slt.u32 s22, $0x2;
	[sflag:s19] =	ssyncset.done $0x0;
	v39 =	vor.u32 s24, v19;
	v38 =	vand.u32 $0x7F, v38;
	v41 =	vor.u32 v37, v53  }
0xac: {  	s25 =	simm.s32 @!p1 $0x3;
	v40 =	vor.u32 s24, v30;
	[sflag:s19] =	ssyncadd.s32 $0xFFFFA000;
	v39 =	vand.u32 $0x7F, v39;
	v42 =	vor.u32 v38, v53  }
0xad: {  	v40 =	vand.u32 $0x7F, v40;
	_ =	swait.ge @!p1 [sflag:s25], $0x6000;
	v43 =	vor.u32 v39, v53  }
0xae: {  	[sflag:s25] =	ssyncset.done @!p1 $0x0;
	v44 =	vor.u32 v40, v53  }
0xaf: {  	[sflag:s25] =	ssyncadd.s32 @!p1 $0xFFFFA000  }
0xb0: {  	v46 =	vor.u32 s24, v24;
	v45 =	vld.idx.msk [tilespmem:v41+s3+$0x0], $0xffff  }
0xb1: {  	v48 =	vor.u32 s24, v2;
	v47 =	vld.idx.msk [tilespmem:v42+s3+$0x0], $0xffff  }
0xb2: {  	v50 =	vor.u32 s24, v3;
	v61 =	vor.u32 s24, v31;
	v49 =	vld.idx.msk [tilespmem:v43+s3+$0x0], $0xffff  }
0xb3: {  	v52 =	vor.u32 s24, v4;
	v62 =	vor.u32 s24, v32;
	v51 =	vld.idx.msk [tilespmem:v44+s3+$0x0], $0xffff;
	v41 =	vand.u32 $0x7F, v61  }
0xb4: {  	v1 =	vmovc v54;
	v63 =	vor.u32 s24, v33;
	v42 =	vand.u32 $0x7F, v62;
	v54 =	vor.u32 v41, v53  }
0xb5: {  	v55 =	vor.u32 s24, v34;
	v44 =	vand.u32 $0x7F, v63;
	v16 =	vor.u32 v42, v53;
	[tilespmem:v46+s20+$0x0] =	vst.idx.msk $0xffff, v45  }
0xb6: {  	v43 =	vand.u32 $0x7F, v55;
	v61 =	vor.u32 v44, v53;
	[tilespmem:v48+s20+$0x0] =	vst.idx.msk $0xffff, v47  }
0xb7: {  	v62 =	vor.u32 v43, v53;
	[tilespmem:v50+s20+$0x0] =	vst.idx.msk $0xffff, v49  }
0xb8: {  	[tilespmem:v52+s20+$0x0] =	vst.idx.msk $0xffff, v51  }
0xb9: {  	v49 =	vor.u32 s24, v20;
	v48 =	vld.idx.msk [tilespmem:v54+s3+$0x0], $0xffff  }
0xba: {  	v51 =	vor.u32 s24, v0;
	v50 =	vld.idx.msk [tilespmem:v16+s3+$0x0], $0xffff  }
0xbb: {  	v63 =	vor.u32 s24, v28;
	v52 =	vld.idx.msk [tilespmem:v61+s3+$0x0], $0xffff;
	v54 =	vor.u32 s24, v5  }
0xbc: {  	v17 =	vmovc v56;
	v56 =	vor.u32 s24, v6;
	v45 =	vand.u32 $0x7F, v63;
	v16 =	vor.u32 s24, v35;
	v55 =	vld.idx.msk [tilespmem:v62+s3+$0x0], $0xffff  }
0xbd: {  	v21 =	vmovc v34;
	v23 =	vmovc v33;
	v57 =	vor.u32 s24, v22;
	v58 =	vor.u32 v45, v53;
	v46 =	vand.u32 $0x7F, v16  }
0xbe: {  	v33 =	vmovc v35;
	v34 =	vor.u32 s24, v59;
	v47 =	vand.u32 $0x7F, v57;
	v35 =	vor.u32 v46, v53;
	[tilespmem:v49+s20+$0x0] =	vst.idx.msk $0xffff, v48  }
0xbf: {  	v62 =	vor.u32 v47, v53;
	v48 =	vand.u32 $0x7F, v34;
	[tilespmem:v51+s20+$0x0] =	vst.idx.msk $0xffff, v50  }
0xc0: {  	v63 =	vor.u32 v48, v53;
	[tilespmem:v54+s20+$0x0] =	vst.idx.msk $0xffff, v52  }
0xc1: {  	[tilespmem:v56+s20+$0x0] =	vst.idx.msk $0xffff, v55  }
0xc2: {  	v52 =	vor.u32 s24, v7;
	v51 =	vld.idx.msk [tilespmem:v58+s3+$0x0], $0xffff  }
0xc3: {  	v15 =	vmov v25;
	v55 =	vor.u32 s24, v8;
	v54 =	vld.idx.msk [tilespmem:v35+s3+$0x0], $0xffff  }
0xc4: {  	v16 =	vmovc v27;
	v27 =	vmov v60;
	v34 =	vor.u32 s24, v15;
	v57 =	vld.idx.msk [tilespmem:v62+s3+$0x0], $0xffff;
	v58 =	vor.u32 s24, v9  }
0xc5: {  	v26 =	vmovc v59;
	v60 =	vor.u32 s24, v10;
	v49 =	vand.u32 $0x7F, v34;
	v56 =	vor.u32 s24, v1;
	v59 =	vld.idx.msk [tilespmem:v63+s3+$0x0], $0xffff  }
0xc6: {  	v35 =	vor.u32 s24, v27;
	v62 =	vor.u32 v49, v53;
	v50 =	vand.u32 $0x7F, v56  }
0xc7: {  	v27 =	vmovc v16;
	v16 =	vor.u32 s24, v16;
	v63 =	vor.u32 v50, v53;
	[tilespmem:v52+s20+$0x0] =	vst.idx.msk $0xffff, v51;
	v51 =	vand.u32 $0x7F, v35  }
0xc8: {  	v52 =	vand.u32 $0x7F, v16;
	v61 =	vor.u32 v51, v53;
	[tilespmem:v55+s20+$0x0] =	vst.idx.msk $0xffff, v54  }
0xc9: {  	v25 =	vmov v23;
	v23 =	vmov v15;
	v15 =	vld [tilespmem:$0x1FF60];
	v53 =	vor.u32 v52, v53;
	[tilespmem:v58+s20+$0x0] =	vst.idx.msk $0xffff, v57  }
0xca: {  	[tilespmem:v60+s20+$0x0] =	vst.idx.msk $0xffff, v59  }
0xcb: {  	v35 =	vor.u32 s24, v11;
	v54 =	vld.idx.msk [tilespmem:v62+s3+$0x0], $0xffff  }
0xcc: {  	v57 =	vor.u32 s24, v12;
	v56 =	vld.idx.msk [tilespmem:v63+s3+$0x0], $0xffff  }
0xcd: {  	v59 =	vor.u32 s24, v13;
	v58 =	vld.idx.msk [tilespmem:v61+s3+$0x0], $0xffff  }
0xce: {  	v60 =	vadd.s32 v15, v36;
	v53 =	vld.idx.msk [tilespmem:v53+s3+$0x0], $0xffff;
	v61 =	vor.u32 s24, v14  }
0xcf: {  	v62 =	vor.u32 v37, v60  }
0xd0: {  	[tilespmem:v35+s20+$0x0] =	vst.idx.msk $0xffff, v54;
	v54 =	vor.u32 v38, v60  }
0xd1: {  	v35 =	vor.u32 v39, v60;
	[tilespmem:v57+s20+$0x0] =	vst.idx.msk $0xffff, v56  }
0xd2: {  	v63 =	vor.u32 v40, v60;
	[tilespmem:v59+s20+$0x0] =	vst.idx.msk $0xffff, v58  }
0xd3: {  	s25 =	simm.s32 $0x10;
	[tilespmem:v61+s20+$0x0] =	vst.idx.msk $0xffff, v53  }
0xd4: {  	v57 =	vor.u32 s25, v24;
	v53 =	vld.idx.msk [tilespmem:v62+s3+$0x0], $0xffff  }
0xd5: {  	v58 =	vor.u32 s25, v2;
	v54 =	vld.idx.msk [tilespmem:v54+s3+$0x0], $0xffff  }
0xd6: {  	v59 =	vor.u32 s25, v3;
	v55 =	vld.idx.msk [tilespmem:v35+s3+$0x0], $0xffff  }
0xd7: {  	v61 =	vor.u32 s25, v4;
	v56 =	vld.idx.msk [tilespmem:v63+s3+$0x0], $0xffff  }
0xd8: {  	v35 =	vor.u32 v41, v60  }
0xd9: {  	[tilespmem:v57+s20+$0x0] =	vst.idx.msk $0xffff, v53;
	v53 =	vor.u32 v42, v60  }
0xda: {  	v57 =	vor.u32 v44, v60;
	[tilespmem:v58+s20+$0x0] =	vst.idx.msk $0xffff, v54  }
0xdb: {  	v63 =	vor.u32 v43, v60;
	[tilespmem:v59+s20+$0x0] =	vst.idx.msk $0xffff, v55  }
0xdc: {  	[tilespmem:v61+s20+$0x0] =	vst.idx.msk $0xffff, v56  }
0xdd: {  	v55 =	vld.idx.msk [tilespmem:v35+s3+$0x0], $0xffff;
	v35 =	vor.u32 s25, v20  }
0xde: {  	v58 =	vor.u32 s25, v0;
	v53 =	vld.idx.msk [tilespmem:v53+s3+$0x0], $0xffff  }
0xdf: {  	v59 =	vor.u32 s25, v5;
	v57 =	vld.idx.msk [tilespmem:v57+s3+$0x0], $0xffff  }
0xe0: {  	v61 =	vor.u32 s25, v6;
	v54 =	vld.idx.msk [tilespmem:v63+s3+$0x0], $0xffff  }
0xe1: {  	v62 =	vor.u32 v45, v60  }
0xe2: {  	[tilespmem:v35+s20+$0x0] =	vst.idx.msk $0xffff, v55;
	v55 =	vor.u32 v46, v60  }
0xe3: {  	v35 =	vor.u32 v47, v60;
	[tilespmem:v58+s20+$0x0] =	vst.idx.msk $0xffff, v53  }
0xe4: {  	v63 =	vor.u32 v48, v60;
	[tilespmem:v59+s20+$0x0] =	vst.idx.msk $0xffff, v57  }
0xe5: {  	[tilespmem:v61+s20+$0x0] =	vst.idx.msk $0xffff, v54  }
0xe6: {  	v57 =	vor.u32 s25, v7;
	v54 =	vld.idx.msk [tilespmem:v62+s3+$0x0], $0xffff  }
0xe7: {  	v58 =	vor.u32 s25, v8;
	v55 =	vld.idx.msk [tilespmem:v55+s3+$0x0], $0xffff  }
0xe8: {  	v59 =	vor.u32 s25, v9;
	v56 =	vld.idx.msk [tilespmem:v35+s3+$0x0], $0xffff  }
0xe9: {  	v61 =	vor.u32 s25, v10;
	v53 =	vld.idx.msk [tilespmem:v63+s3+$0x0], $0xffff  }
0xea: {  	v35 =	vor.u32 v49, v60  }
0xeb: {  	[tilespmem:v57+s20+$0x0] =	vst.idx.msk $0xffff, v54;
	v54 =	vor.u32 v50, v60  }
0xec: {  	v63 =	vor.u32 v51, v60;
	[tilespmem:v58+s20+$0x0] =	vst.idx.msk $0xffff, v55  }
0xed: {  	v16 =	vld [tilespmem:$0x1FF70];
	v55 =	vor.u32 v52, v60;
	[tilespmem:v59+s20+$0x0] =	vst.idx.msk $0xffff, v56  }
0xee: {  	[tilespmem:v61+s20+$0x0] =	vst.idx.msk $0xffff, v53  }
0xef: {  	v53 =	vld.idx.msk [tilespmem:v35+s3+$0x0], $0xffff;
	v35 =	vor.u32 s25, v11  }
0xf0: {  	v58 =	vor.u32 s25, v12;
	v54 =	vld.idx.msk [tilespmem:v54+s3+$0x0], $0xffff  }
0xf1: {  	v59 =	vor.u32 s25, v13;
	v57 =	vld.idx.msk [tilespmem:v63+s3+$0x0], $0xffff  }
0xf2: {  	v60 =	vadd.s32 v16, v36;
	v61 =	vor.u32 s25, v14;
	v55 =	vld.idx.msk [tilespmem:v55+s3+$0x0], $0xffff  }
0xf3: {  	v62 =	vor.u32 v37, v60  }
0xf4: {  	[tilespmem:v35+s20+$0x0] =	vst.idx.msk $0xffff, v53;
	v53 =	vor.u32 v38, v60  }
0xf5: {  	v35 =	vor.u32 v39, v60;
	[tilespmem:v58+s20+$0x0] =	vst.idx.msk $0xffff, v54  }
0xf6: {  	v63 =	vor.u32 v40, v60;
	[tilespmem:v59+s20+$0x0] =	vst.idx.msk $0xffff, v57  }
0xf7: {  	s26 =	simm.s32 $0x20;
	[tilespmem:v61+s20+$0x0] =	vst.idx.msk $0xffff, v55  }
0xf8: {  	v57 =	vor.u32 s26, v24;
	v55 =	vld.idx.msk [tilespmem:v62+s3+$0x0], $0xffff  }
0xf9: {  	v58 =	vor.u32 s26, v2;
	v53 =	vld.idx.msk [tilespmem:v53+s3+$0x0], $0xffff  }
0xfa: {  	v59 =	vor.u32 s26, v3;
	v56 =	vld.idx.msk [tilespmem:v35+s3+$0x0], $0xffff  }
0xfb: {  	v61 =	vor.u32 s26, v4;
	v54 =	vld.idx.msk [tilespmem:v63+s3+$0x0], $0xffff  }
0xfc: {  	v35 =	vor.u32 v41, v60  }
0xfd: {  	[tilespmem:v57+s20+$0x0] =	vst.idx.msk $0xffff, v55;
	v55 =	vor.u32 v42, v60  }
0xfe: {  	v57 =	vor.u32 v44, v60;
	[tilespmem:v58+s20+$0x0] =	vst.idx.msk $0xffff, v53  }
0xff: {  	v63 =	vor.u32 v43, v60;
	[tilespmem:v59+s20+$0x0] =	vst.idx.msk $0xffff, v56  }
0x100: {  	[tilespmem:v61+s20+$0x0] =	vst.idx.msk $0xffff, v54  }
0x101: {  	v54 =	vld.idx.msk [tilespmem:v35+s3+$0x0], $0xffff;
	v35 =	vor.u32 s26, v20  }
0x102: {  	v58 =	vor.u32 s26, v0;
	v55 =	vld.idx.msk [tilespmem:v55+s3+$0x0], $0xffff  }
0x103: {  	v59 =	vor.u32 s26, v5;
	v57 =	vld.idx.msk [tilespmem:v57+s3+$0x0], $0xffff  }
0x104: {  	v61 =	vor.u32 s26, v6;
	v53 =	vld.idx.msk [tilespmem:v63+s3+$0x0], $0xffff  }
0x105: {  	v62 =	vor.u32 v45, v60  }
0x106: {  	[tilespmem:v35+s20+$0x0] =	vst.idx.msk $0xffff, v54;
	v35 =	vor.u32 v46, v60  }
0x107: {  	v56 =	vor.u32 v47, v60;
	[tilespmem:v58+s20+$0x0] =	vst.idx.msk $0xffff, v55  }
0x108: {  	v63 =	vor.u32 v48, v60;
	[tilespmem:v59+s20+$0x0] =	vst.idx.msk $0xffff, v57  }
0x109: {  	[tilespmem:v61+s20+$0x0] =	vst.idx.msk $0xffff, v53  }
0x10a: {  	v57 =	vor.u32 s26, v7;
	v53 =	vld.idx.msk [tilespmem:v62+s3+$0x0], $0xffff  }
0x10b: {  	v54 =	vld.idx.msk [tilespmem:v35+s3+$0x0], $0xffff;
	v35 =	vor.u32 s26, v8  }
0x10c: {  	v59 =	vor.u32 s26, v9;
	v56 =	vld.idx.msk [tilespmem:v56+s3+$0x0], $0xffff  }
0x10d: {  	v61 =	vor.u32 s26, v10;
	v55 =	vld.idx.msk [tilespmem:v63+s3+$0x0], $0xffff  }
0x10e: {  	v62 =	vor.u32 v49, v60  }
0x10f: {  	[tilespmem:v57+s20+$0x0] =	vst.idx.msk $0xffff, v53;
	v53 =	vor.u32 v50, v60  }
0x110: {  	[tilespmem:v35+s20+$0x0] =	vst.idx.msk $0xffff, v54;
	v35 =	vor.u32 v51, v60  }
0x111: {  	v63 =	vor.u32 v52, v60;
	[tilespmem:v59+s20+$0x0] =	vst.idx.msk $0xffff, v56  }
0x112: {  	[tilespmem:v61+s20+$0x0] =	vst.idx.msk $0xffff, v55  }
0x113: {  	v56 =	vor.u32 s26, v11;
	v55 =	vld.idx.msk [tilespmem:v62+s3+$0x0], $0xffff  }
0x114: {  	v58 =	vor.u32 s26, v12;
	v53 =	vld.idx.msk [tilespmem:v53+s3+$0x0], $0xffff  }
0x115: {  	v59 =	vor.u32 s26, v13;
	v54 =	vld.idx.msk [tilespmem:v35+s3+$0x0], $0xffff  }
0x116: {  	v36 =	vadd.s32 v17, v36;
	v57 =	vld.idx.msk [tilespmem:v63+s3+$0x0], $0xffff;
	v35 =	vor.u32 s26, v14  }
0x117: {  	v37 =	vor.u32 v37, v36  }
0x118: {  	v38 =	vor.u32 v38, v36;
	[tilespmem:v56+s20+$0x0] =	vst.idx.msk $0xffff, v55  }
0x119: {  	v39 =	vor.u32 v39, v36;
	[tilespmem:v58+s20+$0x0] =	vst.idx.msk $0xffff, v53  }
0x11a: {  	v40 =	vor.u32 v40, v36;
	[tilespmem:v59+s20+$0x0] =	vst.idx.msk $0xffff, v54  }
0x11b: {  	s31 =	simm.s32 $0x30;
	[tilespmem:v35+s20+$0x0] =	vst.idx.msk $0xffff, v57  }
0x11c: {  	v61 =	vor.u32 s31, v24;
	v37 =	vld.idx.msk [tilespmem:v37+s3+$0x0], $0xffff  }
0x11d: {  	v62 =	vor.u32 s31, v2;
	v38 =	vld.idx.msk [tilespmem:v38+s3+$0x0], $0xffff  }
0x11e: {  	v63 =	vor.u32 s31, v3;
	v39 =	vld.idx.msk [tilespmem:v39+s3+$0x0], $0xffff  }
0x11f: {  	v35 =	vor.u32 s31, v4;
	v40 =	vld.idx.msk [tilespmem:v40+s3+$0x0], $0xffff  }
0x120: {  	v41 =	vor.u32 v41, v36  }
0x121: {  	v58 =	vor.u32 v42, v36;
	[tilespmem:v61+s20+$0x0] =	vst.idx.msk $0xffff, v37  }
0x122: {  	v59 =	vor.u32 v44, v36;
	[tilespmem:v62+s20+$0x0] =	vst.idx.msk $0xffff, v38  }
0x123: {  	v60 =	vor.u32 v43, v36;
	[tilespmem:v63+s20+$0x0] =	vst.idx.msk $0xffff, v39  }
0x124: {  	[tilespmem:v35+s20+$0x0] =	vst.idx.msk $0xffff, v40  }
0x125: {  	v61 =	vor.u32 s31, v20;
	v39 =	vld.idx.msk [tilespmem:v41+s3+$0x0], $0xffff  }
0x126: {  	v62 =	vor.u32 s31, v0;
	v37 =	vld.idx.msk [tilespmem:v58+s3+$0x0], $0xffff  }
0x127: {  	v63 =	vor.u32 s31, v5;
	v42 =	vld.idx.msk [tilespmem:v59+s3+$0x0], $0xffff  }
0x128: {  	v35 =	vor.u32 s31, v6;
	v38 =	vld.idx.msk [tilespmem:v60+s3+$0x0], $0xffff  }
0x129: {  	v45 =	vor.u32 v45, v36  }
0x12a: {  	v46 =	vor.u32 v46, v36;
	[tilespmem:v61+s20+$0x0] =	vst.idx.msk $0xffff, v39  }
0x12b: {  	v47 =	vor.u32 v47, v36;
	[tilespmem:v62+s20+$0x0] =	vst.idx.msk $0xffff, v37  }
0x12c: {  	v53 =	vor.u32 v48, v36;
	[tilespmem:v63+s20+$0x0] =	vst.idx.msk $0xffff, v42  }
0x12d: {  	[tilespmem:v35+s20+$0x0] =	vst.idx.msk $0xffff, v38  }
0x12e: {  	v54 =	vor.u32 s31, v7;
	v38 =	vld.idx.msk [tilespmem:v45+s3+$0x0], $0xffff  }
0x12f: {  	v55 =	vor.u32 s31, v8;
	v41 =	vld.idx.msk [tilespmem:v46+s3+$0x0], $0xffff  }
0x130: {  	v56 =	vor.u32 s31, v9;
	v39 =	vld.idx.msk [tilespmem:v47+s3+$0x0], $0xffff  }
0x131: {  	v57 =	vor.u32 s31, v10;
	v37 =	vld.idx.msk [tilespmem:v53+s3+$0x0], $0xffff  }
0x132: {  	v29 =	vlaneseq.u32;
	v58 =	vor.u32 v49, v36  }
0x133: {  	v43 =	vor.u32 s31, v11;
	v40 =	vor.u32 v51, v36;
	v59 =	vor.u32 v50, v36;
	[tilespmem:v54+s20+$0x0] =	vst.idx.msk $0xffff, v38  }
0x134: {  	v34 =	vmovc v1;
	v1 =	vld [tilespmem:$0x1FF50];
	v36 =	vor.u32 v52, v36;
	v61 =	vor.u32 s25, v19;
	v63 =	vmov s25;
	[tilespmem:v55+s20+$0x0] =	vst.idx.msk $0xffff, v41  }
0x135: {  	v62 =	vor.u32 s25, v21;
	v35 =	vor.u32 s25, v30;
	v60 =	vshll.u32 v63, $0x3;
	[tilespmem:v56+s20+$0x0] =	vst.idx.msk $0xffff, v39  }
0x136: {  	v47 =	vor.u32 s31, v12;
	v46 =	vor.u32 s31, v13;
	v63 =	vand.u32 $0xC00, v60;
	[tilespmem:v57+s20+$0x0] =	vst.idx.msk $0xffff, v37  }
0x137: {  	v45 =	vor.u32 s31, v14;
	v44 =	vadd.s32 v15, v63;
	v42 =	vadd.s32 v16, v63;
	v55 =	vld.idx.msk [tilespmem:v58+s3+$0x0], $0xffff  }
0x138: {  	v38 =	vand.u32 $0x7F, v35;
	v41 =	vor.u32 s25, v18;
	v39 =	vand.u32 $0x7F, v61  }
0x139: {  	v37 =	vand.u32 $0x7F, v62;
	v62 =	vor.u32 s25, v29;
	v57 =	vadd.s32 v1, v63;
	v48 =	vld.idx.msk [tilespmem:v59+s3+$0x0], $0xffff  }
0x13a: {  	v30 =	vmovc v17;
	v35 =	vmovc v18;
	v49 =	vld.idx.msk [tilespmem:v40+s3+$0x0], $0xffff;
	v40 =	vand.u32 $0x7F, v41;
	v41 =	vand.u32 $0x7F, v62;
	v53 =	vor.u32 v39, v57  }
0x13b: {  	v52 =	vld.idx.msk [tilespmem:v36+s3+$0x0], $0xffff;
	v51 =	vor.u32 v38, v57;
	v36 =	vadd.s32 v17, v63;
	v50 =	vor.u32 v40, v57  }
0x13c: {  	s26 =	simm.s32 $0x20;
	v29 =	vmov v19;
	v54 =	vor.u32 v41, v57;
	[tilespmem:v43+s20+$0x0] =	vst.idx.msk $0xffff, v55;
	v43 =	vor.u32 v37, v42  }
.LBB2_4:
0x13d: {  	_ =	sdelay $0x1  }
0x13e: {  	[tilespmem:v47+s20+$0x0] =	vst.idx.msk $0xffff, v48  }
0x13f: {  	[tilespmem:v46+s20+$0x0] =	vst.idx.msk $0xffff, v49  }
0x140: {  	s24 =	sadd.s32 $0x400, s24;
	[tilespmem:v45+s20+$0x0] =	vst.idx.msk $0xffff, v52  }
0x141: {  	v49 =	vor.u32 s24, v24;
	v48 =	vld.idx.msk [tilespmem:v54+s3+$0x0], $0xffff  }
0x142: {  	v52 =	vor.u32 s24, v2;
	v50 =	vld.idx.msk [tilespmem:v50+s3+$0x0], $0xffff  }
0x143: {  	v63 =	vor.u32 s25, v31;
	v53 =	vld.idx.msk [tilespmem:v53+s3+$0x0], $0xffff;
	v54 =	vor.u32 s24, v3  }
0x144: {  	v16 =	vor.u32 s25, v32;
	v55 =	vor.u32 s24, v4;
	v45 =	vand.u32 $0x7F, v63;
	v51 =	vld.idx.msk [tilespmem:v51+s3+$0x0], $0xffff  }
0x145: {  	v17 =	vor.u32 s25, v25;
	v46 =	vand.u32 $0x7F, v16;
	v59 =	vor.u32 v45, v57  }
0x146: {  	v47 =	vand.u32 $0x7F, v17;
	v60 =	vor.u32 v46, v57;
	[tilespmem:v49+s20+$0x0] =	vst.idx.msk $0xffff, v48  }
0x147: {  	v63 =	vor.u32 v47, v57;
	[tilespmem:v52+s20+$0x0] =	vst.idx.msk $0xffff, v50  }
0x148: {  	v49 =	vor.u32 v37, v57;
	[tilespmem:v54+s20+$0x0] =	vst.idx.msk $0xffff, v53  }
0x149: {  	[tilespmem:v55+s20+$0x0] =	vst.idx.msk $0xffff, v51  }
0x14a: {  	v55 =	vor.u32 s24, v20;
	v52 =	vld.idx.msk [tilespmem:v59+s3+$0x0], $0xffff  }
0x14b: {  	v54 =	vld.idx.msk [tilespmem:v60+s3+$0x0], $0xffff;
	v59 =	vor.u32 s24, v0  }
0x14c: {  	v62 =	vor.u32 s24, v5;
	v16 =	vor.u32 s25, v28;
	v53 =	vld.idx.msk [tilespmem:v63+s3+$0x0], $0xffff  }
0x14d: {  	v17 =	vor.u32 s25, v33;
	v48 =	vand.u32 $0x7F, v16;
	v60 =	vor.u32 s24, v6;
	v61 =	vld.idx.msk [tilespmem:v49+s3+$0x0], $0xffff  }
0x14e: {  	v50 =	vor.u32 s25, v22;
	v63 =	vor.u32 v48, v57;
	v49 =	vand.u32 $0x7F, v17  }
0x14f: {  	v50 =	vand.u32 $0x7F, v50;
	v51 =	vor.u32 s25, v26;
	v18 =	vor.u32 v49, v57;
	[tilespmem:v55+s20+$0x0] =	vst.idx.msk $0xffff, v52  }
0x150: {  	v15 =	vld [tilespmem:$0x1FFA0];
	v1 =	vor.u32 v50, v57;
	v51 =	vand.u32 $0x7F, v51;
	[tilespmem:v59+s20+$0x0] =	vst.idx.msk $0xffff, v54  }
0x151: {  	v55 =	vor.u32 v51, v57;
	[tilespmem:v62+s20+$0x0] =	vst.idx.msk $0xffff, v53  }
0x152: {  	[tilespmem:v60+s20+$0x0] =	vst.idx.msk $0xffff, v61  }
0x153: {  	v61 =	vor.u32 s24, v7;
	v59 =	vld.idx.msk [tilespmem:v63+s3+$0x0], $0xffff  }
0x154: {  	v62 =	vor.u32 s24, v8;
	v18 =	vld.idx.msk [tilespmem:v18+s3+$0x0], $0xffff  }
0x155: {  	v52 =	vor.u32 s25, v23;
	v54 =	vor.u32 s25, v15;
	v15 =	vor.u32 s24, v9;
	v1 =	vld.idx.msk [tilespmem:v1+s3+$0x0], $0xffff  }
0x156: {  	v17 =	vor.u32 s24, v10;
	v52 =	vand.u32 $0x7F, v52;
	v53 =	vor.u32 s25, v34;
	v63 =	vld.idx.msk [tilespmem:v55+s3+$0x0], $0xffff  }
0x157: {  	v16 =	vor.u32 v52, v57;
	v53 =	vand.u32 $0x7F, v53  }
0x158: {  	v54 =	vand.u32 $0x7F, v54;
	v60 =	vor.u32 s25, v27;
	v19 =	vor.u32 v53, v57;
	[tilespmem:v61+s20+$0x0] =	vst.idx.msk $0xffff, v59  }
0x159: {  	v21 =	vor.u32 v54, v57;
	v55 =	vand.u32 $0x7F, v60;
	[tilespmem:v62+s20+$0x0] =	vst.idx.msk $0xffff, v18  }
0x15a: {  	v57 =	vor.u32 v55, v57;
	[tilespmem:v15+s20+$0x0] =	vst.idx.msk $0xffff, v1  }
0x15b: {  	[tilespmem:v17+s20+$0x0] =	vst.idx.msk $0xffff, v63  }
0x15c: {  	v1 =	vld.idx.msk [tilespmem:v16+s3+$0x0], $0xffff;
	v16 =	vor.u32 s24, v11  }
0x15d: {  	v18 =	vor.u32 s24, v12;
	v15 =	vld.idx.msk [tilespmem:v19+s3+$0x0], $0xffff  }
0x15e: {  	v17 =	vld.idx.msk [tilespmem:v21+s3+$0x0], $0xffff;
	v21 =	vor.u32 s24, v13  }
0x15f: {  	v19 =	vld.idx.msk [tilespmem:v57+s3+$0x0], $0xffff;
	v57 =	vor.u32 s24, v14  }
0x160: {  	v58 =	vor.u32 v41, v44  }
0x161: {  	v59 =	vor.u32 v40, v44;
	[tilespmem:v16+s20+$0x0] =	vst.idx.msk $0xffff, v1  }
0x162: {  	v60 =	vor.u32 v39, v44;
	[tilespmem:v18+s20+$0x0] =	vst.idx.msk $0xffff, v15  }
0x163: {  	v1 =	vor.u32 v38, v44;
	[tilespmem:v21+s20+$0x0] =	vst.idx.msk $0xffff, v17  }
0x164: {  	s29 =	sadd.s32 $0x10, s24;
	[tilespmem:v57+s20+$0x0] =	vst.idx.msk $0xffff, v19  }
0x165: {  	v17 =	vor.u32 s29, v24;
	v15 =	vld.idx.msk [tilespmem:v58+s3+$0x0], $0xffff  }
0x166: {  	v19 =	vor.u32 s29, v2;
	v16 =	vld.idx.msk [tilespmem:v59+s3+$0x0], $0xffff  }
0x167: {  	v21 =	vor.u32 s29, v3;
	v18 =	vld.idx.msk [tilespmem:v60+s3+$0x0], $0xffff  }
0x168: {  	v58 =	vor.u32 s29, v4;
	v1 =	vld.idx.msk [tilespmem:v1+s3+$0x0], $0xffff  }
0x169: {  	v57 =	vor.u32 v45, v44  }
0x16a: {  	v59 =	vor.u32 v46, v44;
	[tilespmem:v17+s20+$0x0] =	vst.idx.msk $0xffff, v15  }
0x16b: {  	v60 =	vor.u32 v47, v44;
	[tilespmem:v19+s20+$0x0] =	vst.idx.msk $0xffff, v16  }
0x16c: {  	v15 =	vor.u32 v37, v44;
	[tilespmem:v21+s20+$0x0] =	vst.idx.msk $0xffff, v18  }
0x16d: {  	[tilespmem:v58+s20+$0x0] =	vst.idx.msk $0xffff, v1  }
0x16e: {  	v17 =	vor.u32 s29, v20;
	v1 =	vld.idx.msk [tilespmem:v57+s3+$0x0], $0xffff  }
0x16f: {  	v19 =	vor.u32 s29, v0;
	v16 =	vld.idx.msk [tilespmem:v59+s3+$0x0], $0xffff  }
0x170: {  	v21 =	vor.u32 s29, v5;
	v18 =	vld.idx.msk [tilespmem:v60+s3+$0x0], $0xffff  }
0x171: {  	v58 =	vor.u32 s29, v6;
	v15 =	vld.idx.msk [tilespmem:v15+s3+$0x0], $0xffff  }
0x172: {  	v57 =	vor.u32 v48, v44  }
0x173: {  	v59 =	vor.u32 v49, v44;
	[tilespmem:v17+s20+$0x0] =	vst.idx.msk $0xffff, v1  }
0x174: {  	v60 =	vor.u32 v50, v44;
	[tilespmem:v19+s20+$0x0] =	vst.idx.msk $0xffff, v16  }
0x175: {  	v1 =	vor.u32 v51, v44;
	[tilespmem:v21+s20+$0x0] =	vst.idx.msk $0xffff, v18  }
0x176: {  	[tilespmem:v58+s20+$0x0] =	vst.idx.msk $0xffff, v15  }
0x177: {  	v17 =	vor.u32 s29, v7;
	v15 =	vld.idx.msk [tilespmem:v57+s3+$0x0], $0xffff  }
0x178: {  	v19 =	vor.u32 s29, v8;
	v16 =	vld.idx.msk [tilespmem:v59+s3+$0x0], $0xffff  }
0x179: {  	v21 =	vor.u32 s29, v9;
	v18 =	vld.idx.msk [tilespmem:v60+s3+$0x0], $0xffff  }
0x17a: {  	v58 =	vor.u32 s29, v10;
	v1 =	vld.idx.msk [tilespmem:v1+s3+$0x0], $0xffff  }
0x17b: {  	v57 =	vor.u32 v52, v44  }
0x17c: {  	v59 =	vor.u32 v53, v44;
	[tilespmem:v17+s20+$0x0] =	vst.idx.msk $0xffff, v15  }
0x17d: {  	v60 =	vor.u32 v54, v44;
	[tilespmem:v19+s20+$0x0] =	vst.idx.msk $0xffff, v16  }
0x17e: {  	v15 =	vor.u32 v55, v44;
	[tilespmem:v21+s20+$0x0] =	vst.idx.msk $0xffff, v18  }
0x17f: {  	[tilespmem:v58+s20+$0x0] =	vst.idx.msk $0xffff, v1  }
0x180: {  	v17 =	vor.u32 s29, v11;
	v1 =	vld.idx.msk [tilespmem:v57+s3+$0x0], $0xffff  }
0x181: {  	v19 =	vor.u32 s29, v12;
	v16 =	vld.idx.msk [tilespmem:v59+s3+$0x0], $0xffff  }
0x182: {  	v21 =	vor.u32 s29, v13;
	v18 =	vld.idx.msk [tilespmem:v60+s3+$0x0], $0xffff  }
0x183: {  	v44 =	vor.u32 s29, v14;
	v15 =	vld.idx.msk [tilespmem:v15+s3+$0x0], $0xffff  }
0x184: {  	v56 =	vor.u32 v41, v42  }
0x185: {  	[tilespmem:v17+s20+$0x0] =	vst.idx.msk $0xffff, v1;
	v1 =	vor.u32 v40, v42  }
0x186: {  	v60 =	vor.u32 v39, v42;
	[tilespmem:v19+s20+$0x0] =	vst.idx.msk $0xffff, v16  }
0x187: {  	v59 =	vor.u32 v38, v42;
	[tilespmem:v21+s20+$0x0] =	vst.idx.msk $0xffff, v18  }
0x188: {  	s30 =	sadd.s32 $0x20, s24;
	[tilespmem:v44+s20+$0x0] =	vst.idx.msk $0xffff, v15  }
0x189: {  	v16 =	vor.u32 s30, v24;
	v15 =	vld.idx.msk [tilespmem:v56+s3+$0x0], $0xffff  }
0x18a: {  	v19 =	vor.u32 s30, v2;
	v1 =	vld.idx.msk [tilespmem:v1+s3+$0x0], $0xffff  }
0x18b: {  	v21 =	vor.u32 s30, v3;
	v18 =	vld.idx.msk [tilespmem:v60+s3+$0x0], $0xffff  }
0x18c: {  	v17 =	vld.idx.msk [tilespmem:v59+s3+$0x0], $0xffff;
	v56 =	vor.u32 s30, v4  }
0x18d: {  	v44 =	vor.u32 v45, v42  }
0x18e: {  	v57 =	vor.u32 v46, v42;
	[tilespmem:v16+s20+$0x0] =	vst.idx.msk $0xffff, v15  }
0x18f: {  	v60 =	vor.u32 v47, v42;
	[tilespmem:v19+s20+$0x0] =	vst.idx.msk $0xffff, v1  }
0x190: {  	[tilespmem:v21+s20+$0x0] =	vst.idx.msk $0xffff, v18  }
0x191: {  	[tilespmem:v56+s20+$0x0] =	vst.idx.msk $0xffff, v17  }
0x192: {  	v16 =	vor.u32 s30, v20;
	v1 =	vld.idx.msk [tilespmem:v44+s3+$0x0], $0xffff  }
0x193: {  	v18 =	vor.u32 s30, v0;
	v15 =	vld.idx.msk [tilespmem:v57+s3+$0x0], $0xffff  }
0x194: {  	v21 =	vor.u32 s30, v5;
	v17 =	vld.idx.msk [tilespmem:v60+s3+$0x0], $0xffff  }
0x195: {  	v19 =	vld.idx.msk [tilespmem:v43+s3+$0x0], $0xffff;
	v44 =	vor.u32 s30, v6  }
0x196: {  	v43 =	vor.u32 v48, v42  }
0x197: {  	v56 =	vor.u32 v49, v42;
	[tilespmem:v16+s20+$0x0] =	vst.idx.msk $0xffff, v1  }
0x198: {  	v60 =	vor.u32 v50, v42;
	[tilespmem:v18+s20+$0x0] =	vst.idx.msk $0xffff, v15  }
0x199: {  	v1 =	vor.u32 v51, v42;
	[tilespmem:v21+s20+$0x0] =	vst.idx.msk $0xffff, v17  }
0x19a: {  	[tilespmem:v44+s20+$0x0] =	vst.idx.msk $0xffff, v19  }
0x19b: {  	v17 =	vor.u32 s30, v7;
	v15 =	vld.idx.msk [tilespmem:v43+s3+$0x0], $0xffff  }
0x19c: {  	v19 =	vor.u32 s30, v8;
	v16 =	vld.idx.msk [tilespmem:v56+s3+$0x0], $0xffff  }
0x19d: {  	v21 =	vor.u32 s30, v9;
	v18 =	vld.idx.msk [tilespmem:v60+s3+$0x0], $0xffff  }
0x19e: {  	v44 =	vor.u32 s30, v10;
	v1 =	vld.idx.msk [tilespmem:v1+s3+$0x0], $0xffff  }
0x19f: {  	v43 =	vor.u32 v52, v42  }
0x1a0: {  	v56 =	vor.u32 v53, v42;
	[tilespmem:v17+s20+$0x0] =	vst.idx.msk $0xffff, v15  }
0x1a1: {  	v60 =	vor.u32 v54, v42;
	[tilespmem:v19+s20+$0x0] =	vst.idx.msk $0xffff, v16  }
0x1a2: {  	v15 =	vor.u32 v55, v42;
	[tilespmem:v21+s20+$0x0] =	vst.idx.msk $0xffff, v18  }
0x1a3: {  	[tilespmem:v44+s20+$0x0] =	vst.idx.msk $0xffff, v1  }
0x1a4: {  	v58 =	vor.u32 s30, v11;
	v1 =	vld.idx.msk [tilespmem:v43+s3+$0x0], $0xffff  }
0x1a5: {  	v19 =	vor.u32 s30, v12;
	v16 =	vld.idx.msk [tilespmem:v56+s3+$0x0], $0xffff  }
0x1a6: {  	v21 =	vor.u32 s30, v13;
	v18 =	vld.idx.msk [tilespmem:v60+s3+$0x0], $0xffff  }
0x1a7: {  	v59 =	vor.u32 s30, v14;
	v15 =	vld.idx.msk [tilespmem:v15+s3+$0x0], $0xffff  }
0x1a8: {  	v44 =	vor.u32 v41, v36  }
0x1a9: {  	v60 =	vor.u32 v40, v36;
	[tilespmem:v58+s20+$0x0] =	vst.idx.msk $0xffff, v1  }
0x1aa: {  	v56 =	vor.u32 v39, v36;
	[tilespmem:v19+s20+$0x0] =	vst.idx.msk $0xffff, v16  }
0x1ab: {  	v1 =	vor.u32 v38, v36;
	[tilespmem:v21+s20+$0x0] =	vst.idx.msk $0xffff, v18  }
0x1ac: {  	s31 =	sadd.s32 $0x30, s24;
	[tilespmem:v59+s20+$0x0] =	vst.idx.msk $0xffff, v15  }
0x1ad: {  	v57 =	vor.u32 s31, v24;
	v15 =	vld.idx.msk [tilespmem:v44+s3+$0x0], $0xffff  }
0x1ae: {  	v19 =	vor.u32 s31, v2;
	v16 =	vld.idx.msk [tilespmem:v60+s3+$0x0], $0xffff  }
0x1af: {  	v21 =	vor.u32 s31, v3;
	v18 =	vld.idx.msk [tilespmem:v56+s3+$0x0], $0xffff  }
0x1b0: {  	v59 =	vor.u32 s31, v4;
	v1 =	vld.idx.msk [tilespmem:v1+s3+$0x0], $0xffff  }
0x1b1: {  	v58 =	vor.u32 v45, v36  }
0x1b2: {  	v60 =	vor.u32 v46, v36;
	[tilespmem:v57+s20+$0x0] =	vst.idx.msk $0xffff, v15  }
0x1b3: {  	v44 =	vor.u32 v47, v36;
	[tilespmem:v19+s20+$0x0] =	vst.idx.msk $0xffff, v16  }
0x1b4: {  	v15 =	vor.u32 v37, v36;
	[tilespmem:v21+s20+$0x0] =	vst.idx.msk $0xffff, v18  }
0x1b5: {  	[tilespmem:v59+s20+$0x0] =	vst.idx.msk $0xffff, v1  }
0x1b6: {  	v45 =	vor.u32 s31, v20;
	v1 =	vld.idx.msk [tilespmem:v58+s3+$0x0], $0xffff  }
0x1b7: {  	v19 =	vor.u32 s31, v0;
	v16 =	vld.idx.msk [tilespmem:v60+s3+$0x0], $0xffff  }
0x1b8: {  	v21 =	vor.u32 s31, v5;
	v18 =	vld.idx.msk [tilespmem:v44+s3+$0x0], $0xffff  }
0x1b9: {  	v47 =	vor.u32 s31, v6;
	v15 =	vld.idx.msk [tilespmem:v15+s3+$0x0], $0xffff  }
0x1ba: {  	v46 =	vor.u32 v48, v36  }
0x1bb: {  	v48 =	vor.u32 v49, v36;
	[tilespmem:v45+s20+$0x0] =	vst.idx.msk $0xffff, v1  }
0x1bc: {  	[tilespmem:v19+s20+$0x0] =	vst.idx.msk $0xffff, v16  }
0x1bd: {  	v49 =	vor.u32 v50, v36;
	[tilespmem:v21+s20+$0x0] =	vst.idx.msk $0xffff, v18  }
0x1be: {  	v59 =	vld [tilespmem:$0x1FF80];
	v1 =	vor.u32 v51, v36;
	[tilespmem:v47+s20+$0x0] =	vst.idx.msk $0xffff, v15  }
0x1bf: {  	v50 =	vor.u32 s31, v7;
	v15 =	vld.idx.msk [tilespmem:v46+s3+$0x0], $0xffff  }
0x1c0: {  	v19 =	vor.u32 s31, v8;
	v16 =	vld.idx.msk [tilespmem:v48+s3+$0x0], $0xffff  }
0x1c1: {  	v61 =	vld [tilespmem:$0x1FF50]  }
0x1c2: {  	v21 =	vor.u32 s31, v9;
	v18 =	vld.idx.msk [tilespmem:v49+s3+$0x0], $0xffff  }
0x1c3: {  	s28 =	smov.u32 s26;
	v51 =	vor.u32 v52, v36;
	v52 =	vor.u32 s31, v10;
	v1 =	vld.idx.msk [tilespmem:v1+s3+$0x0], $0xffff  }
0x1c4: {  	s25 =	smov.u32 s28;
	v62 =	vld [tilespmem:$0x1FF60];
	v53 =	vor.u32 v53, v36;
	[tilespmem:v50+s20+$0x0] =	vst.idx.msk $0xffff, v15  }
0x1c5: {  	v54 =	vor.u32 v54, v36;
	v17 =	vor.u32 s25, v59;
	v45 =	vor.u32 s31, v14;
	[tilespmem:v19+s20+$0x0] =	vst.idx.msk $0xffff, v16;
	v19 =	vld [tilespmem:$0x1FF90]  }
0x1c6: {  	v63 =	vld [tilespmem:$0x1FF70];
	v37 =	vand.u32 $0x7F, v17;
	v47 =	vor.u32 s31, v12;
	v46 =	vor.u32 s31, v13  }
0x1c7: {  	v15 =	vor.u32 v55, v36;
	v55 =	vor.u32 s25, v35;
	[tilespmem:v21+s20+$0x0] =	vst.idx.msk $0xffff, v18;
	v18 =	vmov s25  }
0x1c8: {  	v40 =	vand.u32 $0x7F, v55;
	v21 =	vor.u32 s25, v29;
	[tilespmem:v52+s20+$0x0] =	vst.idx.msk $0xffff, v1;
	v18 =	vshll.u32 v18, $0x3  }
0x1c9: {  	p1 =	sne.s32 s26, $0x170;
	v1 =	vor.u32 s31, v11;
	v39 =	vand.u32 $0x7F, v21;
	v60 =	vld.idx.msk [tilespmem:v51+s3+$0x0], $0xffff;
	v18 =	vand.u32 $0xC00, v18  }
.Ltmp5:
0x1ca: {  	v57 =	vadd.s32 v61, v18;
	v44 =	vadd.s32 v62, v18;
	v19 =	vor.u32 s25, v19;
	(pc) =	sbr.rel @p1 .LBB2_4-.Ltmp5, $4  }
0x1cb: {  	v42 =	vadd.s32 v63, v18;
	v38 =	vand.u32 $0x7F, v19;
	v19 =	vlaneseq.u32  }
0x1cc: {  	v48 =	vld.idx.msk [tilespmem:v53+s3+$0x0], $0xffff;
	v36 =	vadd.s32 v30, v18;
	v50 =	vor.u32 v40, v57;
	v19 =	vor.u32 s25, v19  }
0x1cd: {  	v49 =	vld.idx.msk [tilespmem:v54+s3+$0x0], $0xffff;
	v53 =	vor.u32 v39, v57;
	v43 =	vor.u32 v37, v42;
	v41 =	vand.u32 $0x7F, v19  }
0x1ce: {  	s26 =	sadd.s32 $0x10, s26;
	v52 =	vld.idx.msk [tilespmem:v15+s3+$0x0], $0xffff;
	v51 =	vor.u32 v38, v57;
	[tilespmem:v1+s20+$0x0] =	vst.idx.msk $0xffff, v60;
	v54 =	vor.u32 v41, v57  }
0x1cf: {  	_ =	sdelay $0x3  }
0x1d0: {  	[tilespmem:v47+s20+$0x0] =	vst.idx.msk $0xffff, v48  }
0x1d1: {  	[tilespmem:v46+s20+$0x0] =	vst.idx.msk $0xffff, v49  }
0x1d2: {  	s24 =	sadd.s32 $0x400, s24;
	[tilespmem:v45+s20+$0x0] =	vst.idx.msk $0xffff, v52  }
0x1d3: {  	v15 =	vor.u32 s24, v24;
	v1 =	vld.idx.msk [tilespmem:v54+s3+$0x0], $0xffff  }
0x1d4: {  	v17 =	vor.u32 s24, v2;
	v16 =	vld.idx.msk [tilespmem:v50+s3+$0x0], $0xffff  }
0x1d5: {  	v21 =	vor.u32 s25, v31;
	v19 =	vor.u32 s24, v3;
	v18 =	vld.idx.msk [tilespmem:v53+s3+$0x0], $0xffff  }
0x1d6: {  	v45 =	vand.u32 $0x7F, v21;
	v21 =	vor.u32 s25, v32;
	v48 =	vld.idx.msk [tilespmem:v51+s3+$0x0], $0xffff;
	v54 =	vor.u32 s24, v4  }
0x1d7: {  	v55 =	vor.u32 v45, v57;
	v46 =	vand.u32 $0x7F, v21;
	v21 =	vor.u32 s25, v25  }
0x1d8: {  	v56 =	vor.u32 v46, v57;
	v47 =	vand.u32 $0x7F, v21;
	[tilespmem:v15+s20+$0x0] =	vst.idx.msk $0xffff, v1  }
0x1d9: {  	v1 =	vor.u32 v47, v57;
	[tilespmem:v17+s20+$0x0] =	vst.idx.msk $0xffff, v16  }
0x1da: {  	v15 =	vor.u32 v37, v57;
	[tilespmem:v19+s20+$0x0] =	vst.idx.msk $0xffff, v18  }
0x1db: {  	[tilespmem:v54+s20+$0x0] =	vst.idx.msk $0xffff, v48  }
0x1dc: {  	v17 =	vor.u32 s24, v20;
	v16 =	vld.idx.msk [tilespmem:v55+s3+$0x0], $0xffff  }
0x1dd: {  	v19 =	vor.u32 s24, v0;
	v18 =	vld.idx.msk [tilespmem:v56+s3+$0x0], $0xffff  }
0x1de: {  	v52 =	vor.u32 s24, v5;
	v21 =	vor.u32 s25, v28;
	v1 =	vld.idx.msk [tilespmem:v1+s3+$0x0], $0xffff  }
0x1df: {  	v58 =	vor.u32 s24, v6;
	v48 =	vand.u32 $0x7F, v21;
	v21 =	vor.u32 s25, v33;
	v15 =	vld.idx.msk [tilespmem:v15+s3+$0x0], $0xffff  }
0x1e0: {  	v59 =	vor.u32 s25, v22;
	v60 =	vor.u32 v48, v57;
	v49 =	vand.u32 $0x7F, v21  }
0x1e1: {  	v50 =	vand.u32 $0x7F, v59;
	v21 =	vor.u32 s25, v26;
	v55 =	vor.u32 v49, v57;
	[tilespmem:v17+s20+$0x0] =	vst.idx.msk $0xffff, v16  }
0x1e2: {  	v51 =	vand.u32 $0x7F, v21;
	v16 =	vor.u32 v50, v57;
	[tilespmem:v19+s20+$0x0] =	vst.idx.msk $0xffff, v18  }
0x1e3: {  	v17 =	vor.u32 v51, v57;
	[tilespmem:v52+s20+$0x0] =	vst.idx.msk $0xffff, v1  }
0x1e4: {  	v25 =	vmov v23;
	v21 =	vor.u32 s25, v23;
	v23 =	vld [tilespmem:$0x1FFA0];
	[tilespmem:v58+s20+$0x0] =	vst.idx.msk $0xffff, v15  }
0x1e5: {  	v15 =	vor.u32 s24, v7;
	v1 =	vld.idx.msk [tilespmem:v60+s3+$0x0], $0xffff  }
0x1e6: {  	v19 =	vor.u32 s24, v8;
	v18 =	vld.idx.msk [tilespmem:v55+s3+$0x0], $0xffff  }
0x1e7: {  	v56 =	vor.u32 s24, v9;
	v16 =	vld.idx.msk [tilespmem:v16+s3+$0x0], $0xffff  }
0x1e8: {  	v52 =	vand.u32 $0x7F, v21;
	v21 =	vor.u32 s25, v34;
	v58 =	vor.u32 s24, v10;
	v17 =	vld.idx.msk [tilespmem:v17+s3+$0x0], $0xffff  }
0x1e9: {  	v33 =	vor.u32 s25, v23;
	v59 =	vor.u32 v52, v57;
	v53 =	vand.u32 $0x7F, v21  }
0x1ea: {  	v54 =	vand.u32 $0x7F, v33;
	v21 =	vor.u32 s25, v27;
	v60 =	vor.u32 v53, v57;
	[tilespmem:v15+s20+$0x0] =	vst.idx.msk $0xffff, v1  }
0x1eb: {  	v55 =	vand.u32 $0x7F, v21;
	v1 =	vor.u32 v54, v57;
	[tilespmem:v19+s20+$0x0] =	vst.idx.msk $0xffff, v18  }
0x1ec: {  	v15 =	vor.u32 v55, v57;
	[tilespmem:v56+s20+$0x0] =	vst.idx.msk $0xffff, v16  }
0x1ed: {  	[tilespmem:v58+s20+$0x0] =	vst.idx.msk $0xffff, v17  }
0x1ee: {  	v17 =	vor.u32 s24, v11;
	v16 =	vld.idx.msk [tilespmem:v59+s3+$0x0], $0xffff  }
0x1ef: {  	v19 =	vor.u32 s24, v12;
	v18 =	vld.idx.msk [tilespmem:v60+s3+$0x0], $0xffff  }
0x1f0: {  	v21 =	vor.u32 s24, v13;
	v1 =	vld.idx.msk [tilespmem:v1+s3+$0x0], $0xffff  }
0x1f1: {  	v56 =	vor.u32 s24, v14;
	v15 =	vld.idx.msk [tilespmem:v15+s3+$0x0], $0xffff  }
0x1f2: {  	v60 =	vor.u32 v41, v44  }
0x1f3: {  	v33 =	vor.u32 v40, v44;
	[tilespmem:v17+s20+$0x0] =	vst.idx.msk $0xffff, v16  }
0x1f4: {  	v16 =	vor.u32 v39, v44;
	[tilespmem:v19+s20+$0x0] =	vst.idx.msk $0xffff, v18  }
0x1f5: {  	v17 =	vor.u32 v38, v44;
	[tilespmem:v21+s20+$0x0] =	vst.idx.msk $0xffff, v1  }
0x1f6: {  	s29 =	sadd.s32 $0x10, s24;
	[tilespmem:v56+s20+$0x0] =	vst.idx.msk $0xffff, v15  }
0x1f7: {  	v15 =	vor.u32 s29, v24;
	v1 =	vld.idx.msk [tilespmem:v60+s3+$0x0], $0xffff  }
0x1f8: {  	v19 =	vor.u32 s29, v2;
	v18 =	vld.idx.msk [tilespmem:v33+s3+$0x0], $0xffff  }
0x1f9: {  	v21 =	vor.u32 s29, v3;
	v16 =	vld.idx.msk [tilespmem:v16+s3+$0x0], $0xffff  }
0x1fa: {  	v56 =	vor.u32 s29, v4;
	v17 =	vld.idx.msk [tilespmem:v17+s3+$0x0], $0xffff  }
0x1fb: {  	v60 =	vor.u32 v45, v44  }
0x1fc: {  	v33 =	vor.u32 v46, v44;
	[tilespmem:v15+s20+$0x0] =	vst.idx.msk $0xffff, v1  }
0x1fd: {  	v1 =	vor.u32 v47, v44;
	[tilespmem:v19+s20+$0x0] =	vst.idx.msk $0xffff, v18  }
0x1fe: {  	v15 =	vor.u32 v37, v44;
	[tilespmem:v21+s20+$0x0] =	vst.idx.msk $0xffff, v16  }
0x1ff: {  	[tilespmem:v56+s20+$0x0] =	vst.idx.msk $0xffff, v17  }
0x200: {  	v17 =	vor.u32 s29, v20;
	v16 =	vld.idx.msk [tilespmem:v60+s3+$0x0], $0xffff  }
0x201: {  	v19 =	vor.u32 s29, v0;
	v18 =	vld.idx.msk [tilespmem:v33+s3+$0x0], $0xffff  }
0x202: {  	v21 =	vor.u32 s29, v5;
	v1 =	vld.idx.msk [tilespmem:v1+s3+$0x0], $0xffff  }
0x203: {  	v56 =	vor.u32 s29, v6;
	v15 =	vld.idx.msk [tilespmem:v15+s3+$0x0], $0xffff  }
0x204: {  	v60 =	vor.u32 v48, v44  }
0x205: {  	v33 =	vor.u32 v49, v44;
	[tilespmem:v17+s20+$0x0] =	vst.idx.msk $0xffff, v16  }
0x206: {  	v16 =	vor.u32 v50, v44;
	[tilespmem:v19+s20+$0x0] =	vst.idx.msk $0xffff, v18  }
0x207: {  	v17 =	vor.u32 v51, v44;
	[tilespmem:v21+s20+$0x0] =	vst.idx.msk $0xffff, v1  }
0x208: {  	[tilespmem:v56+s20+$0x0] =	vst.idx.msk $0xffff, v15  }
0x209: {  	v15 =	vor.u32 s29, v7;
	v1 =	vld.idx.msk [tilespmem:v60+s3+$0x0], $0xffff  }
0x20a: {  	v19 =	vor.u32 s29, v8;
	v18 =	vld.idx.msk [tilespmem:v33+s3+$0x0], $0xffff  }
0x20b: {  	v21 =	vor.u32 s29, v9;
	v16 =	vld.idx.msk [tilespmem:v16+s3+$0x0], $0xffff  }
0x20c: {  	v56 =	vor.u32 s29, v10;
	v17 =	vld.idx.msk [tilespmem:v17+s3+$0x0], $0xffff  }
0x20d: {  	v60 =	vor.u32 v52, v44  }
0x20e: {  	v33 =	vor.u32 v53, v44;
	[tilespmem:v15+s20+$0x0] =	vst.idx.msk $0xffff, v1  }
0x20f: {  	v1 =	vor.u32 v54, v44;
	[tilespmem:v19+s20+$0x0] =	vst.idx.msk $0xffff, v18  }
0x210: {  	v15 =	vor.u32 v55, v44;
	[tilespmem:v21+s20+$0x0] =	vst.idx.msk $0xffff, v16  }
0x211: {  	[tilespmem:v56+s20+$0x0] =	vst.idx.msk $0xffff, v17  }
0x212: {  	v17 =	vor.u32 s29, v11;
	v16 =	vld.idx.msk [tilespmem:v60+s3+$0x0], $0xffff  }
0x213: {  	v19 =	vor.u32 s29, v12;
	v18 =	vld.idx.msk [tilespmem:v33+s3+$0x0], $0xffff  }
0x214: {  	v21 =	vor.u32 s29, v13;
	v1 =	vld.idx.msk [tilespmem:v1+s3+$0x0], $0xffff  }
0x215: {  	v60 =	vor.u32 s29, v14;
	v15 =	vld.idx.msk [tilespmem:v15+s3+$0x0], $0xffff  }
0x216: {  	v33 =	vor.u32 v41, v42  }
0x217: {  	[tilespmem:v17+s20+$0x0] =	vst.idx.msk $0xffff, v16;
	v16 =	vor.u32 v40, v42  }
0x218: {  	v17 =	vor.u32 v39, v42;
	[tilespmem:v19+s20+$0x0] =	vst.idx.msk $0xffff, v18  }
0x219: {  	v18 =	vor.u32 v38, v42;
	[tilespmem:v21+s20+$0x0] =	vst.idx.msk $0xffff, v1  }
0x21a: {  	s30 =	sadd.s32 $0x20, s24;
	[tilespmem:v60+s20+$0x0] =	vst.idx.msk $0xffff, v15  }
0x21b: {  	v15 =	vor.u32 s30, v24;
	v1 =	vld.idx.msk [tilespmem:v33+s3+$0x0], $0xffff  }
0x21c: {  	v19 =	vor.u32 s30, v2;
	v16 =	vld.idx.msk [tilespmem:v16+s3+$0x0], $0xffff  }
0x21d: {  	v21 =	vor.u32 s30, v3;
	v17 =	vld.idx.msk [tilespmem:v17+s3+$0x0], $0xffff  }
0x21e: {  	v44 =	vor.u32 s30, v4;
	v18 =	vld.idx.msk [tilespmem:v18+s3+$0x0], $0xffff  }
0x21f: {  	v60 =	vor.u32 v45, v42  }
0x220: {  	v33 =	vor.u32 v46, v42;
	[tilespmem:v15+s20+$0x0] =	vst.idx.msk $0xffff, v1  }
0x221: {  	v1 =	vor.u32 v47, v42;
	[tilespmem:v19+s20+$0x0] =	vst.idx.msk $0xffff, v16  }
0x222: {  	[tilespmem:v21+s20+$0x0] =	vst.idx.msk $0xffff, v17  }
0x223: {  	[tilespmem:v44+s20+$0x0] =	vst.idx.msk $0xffff, v18  }
0x224: {  	v16 =	vor.u32 s30, v20;
	v15 =	vld.idx.msk [tilespmem:v60+s3+$0x0], $0xffff  }
0x225: {  	v18 =	vor.u32 s30, v0;
	v17 =	vld.idx.msk [tilespmem:v33+s3+$0x0], $0xffff  }
0x226: {  	v19 =	vor.u32 s30, v5;
	v1 =	vld.idx.msk [tilespmem:v1+s3+$0x0], $0xffff  }
0x227: {  	v21 =	vld.idx.msk [tilespmem:v43+s3+$0x0], $0xffff;
	v43 =	vor.u32 s30, v6  }
0x228: {  	v60 =	vor.u32 v48, v42  }
0x229: {  	v33 =	vor.u32 v49, v42;
	[tilespmem:v16+s20+$0x0] =	vst.idx.msk $0xffff, v15  }
0x22a: {  	v15 =	vor.u32 v50, v42;
	[tilespmem:v18+s20+$0x0] =	vst.idx.msk $0xffff, v17  }
0x22b: {  	v16 =	vor.u32 v51, v42;
	[tilespmem:v19+s20+$0x0] =	vst.idx.msk $0xffff, v1  }
0x22c: {  	[tilespmem:v43+s20+$0x0] =	vst.idx.msk $0xffff, v21  }
0x22d: {  	v17 =	vor.u32 s30, v7;
	v1 =	vld.idx.msk [tilespmem:v60+s3+$0x0], $0xffff  }
0x22e: {  	v19 =	vor.u32 s30, v8;
	v18 =	vld.idx.msk [tilespmem:v33+s3+$0x0], $0xffff  }
0x22f: {  	v21 =	vor.u32 s30, v9;
	v15 =	vld.idx.msk [tilespmem:v15+s3+$0x0], $0xffff  }
0x230: {  	v43 =	vor.u32 s30, v10;
	v16 =	vld.idx.msk [tilespmem:v16+s3+$0x0], $0xffff  }
0x231: {  	v60 =	vor.u32 v52, v42  }
0x232: {  	v33 =	vor.u32 v53, v42;
	[tilespmem:v17+s20+$0x0] =	vst.idx.msk $0xffff, v1  }
0x233: {  	v1 =	vor.u32 v54, v42;
	[tilespmem:v19+s20+$0x0] =	vst.idx.msk $0xffff, v18  }
0x234: {  	v17 =	vor.u32 v55, v42;
	[tilespmem:v21+s20+$0x0] =	vst.idx.msk $0xffff, v15  }
0x235: {  	[tilespmem:v43+s20+$0x0] =	vst.idx.msk $0xffff, v16  }
0x236: {  	v16 =	vor.u32 s30, v11;
	v15 =	vld.idx.msk [tilespmem:v60+s3+$0x0], $0xffff  }
0x237: {  	v19 =	vor.u32 s30, v12;
	v18 =	vld.idx.msk [tilespmem:v33+s3+$0x0], $0xffff  }
0x238: {  	v21 =	vor.u32 s30, v13;
	v1 =	vld.idx.msk [tilespmem:v1+s3+$0x0], $0xffff  }
0x239: {  	v59 =	vor.u32 s30, v14;
	v17 =	vld.idx.msk [tilespmem:v17+s3+$0x0], $0xffff  }
0x23a: {  	v60 =	vor.u32 v41, v36  }
0x23b: {  	v33 =	vor.u32 v40, v36;
	[tilespmem:v16+s20+$0x0] =	vst.idx.msk $0xffff, v15  }
0x23c: {  	v15 =	vor.u32 v39, v36;
	[tilespmem:v19+s20+$0x0] =	vst.idx.msk $0xffff, v18  }
0x23d: {  	v16 =	vor.u32 v38, v36;
	[tilespmem:v21+s20+$0x0] =	vst.idx.msk $0xffff, v1  }
0x23e: {  	s24 =	sadd.s32 $0x30, s24;
	[tilespmem:v59+s20+$0x0] =	vst.idx.msk $0xffff, v17  }
0x23f: {  	v17 =	vor.u32 s24, v24;
	v1 =	vld.idx.msk [tilespmem:v60+s3+$0x0], $0xffff  }
0x240: {  	v19 =	vor.u32 s24, v2;
	v18 =	vld.idx.msk [tilespmem:v33+s3+$0x0], $0xffff  }
0x241: {  	v21 =	vor.u32 s24, v3;
	v15 =	vld.idx.msk [tilespmem:v15+s3+$0x0], $0xffff  }
0x242: {  	v44 =	vor.u32 s24, v4;
	v16 =	vld.idx.msk [tilespmem:v16+s3+$0x0], $0xffff  }
0x243: {  	v45 =	vor.u32 v45, v36  }
0x244: {  	v46 =	vor.u32 v46, v36;
	[tilespmem:v17+s20+$0x0] =	vst.idx.msk $0xffff, v1  }
0x245: {  	v1 =	vor.u32 v47, v36;
	[tilespmem:v19+s20+$0x0] =	vst.idx.msk $0xffff, v18  }
0x246: {  	v17 =	vor.u32 v37, v36;
	[tilespmem:v21+s20+$0x0] =	vst.idx.msk $0xffff, v15  }
0x247: {  	[tilespmem:v44+s20+$0x0] =	vst.idx.msk $0xffff, v16  }
0x248: {  	v16 =	vor.u32 s24, v20;
	v15 =	vld.idx.msk [tilespmem:v45+s3+$0x0], $0xffff  }
0x249: {  	v19 =	vor.u32 s24, v0;
	v18 =	vld.idx.msk [tilespmem:v46+s3+$0x0], $0xffff  }
0x24a: {  	v21 =	vor.u32 s24, v5;
	v1 =	vld.idx.msk [tilespmem:v1+s3+$0x0], $0xffff  }
0x24b: {  	v47 =	vor.u32 s24, v6;
	v17 =	vld.idx.msk [tilespmem:v17+s3+$0x0], $0xffff  }
0x24c: {  	v48 =	vor.u32 v48, v36  }
0x24d: {  	v56 =	vor.u32 v49, v36;
	[tilespmem:v16+s20+$0x0] =	vst.idx.msk $0xffff, v15  }
0x24e: {  	v15 =	vor.u32 v50, v36;
	[tilespmem:v19+s20+$0x0] =	vst.idx.msk $0xffff, v18  }
0x24f: {  	v16 =	vor.u32 v51, v36;
	[tilespmem:v21+s20+$0x0] =	vst.idx.msk $0xffff, v1  }
0x250: {  	[tilespmem:v47+s20+$0x0] =	vst.idx.msk $0xffff, v17  }
0x251: {  	v17 =	vor.u32 s24, v7;
	v1 =	vld.idx.msk [tilespmem:v48+s3+$0x0], $0xffff  }
0x252: {  	v19 =	vor.u32 s24, v8;
	v18 =	vld.idx.msk [tilespmem:v56+s3+$0x0], $0xffff  }
0x253: {  	v21 =	vor.u32 s24, v9;
	v15 =	vld.idx.msk [tilespmem:v15+s3+$0x0], $0xffff  }
0x254: {  	v57 =	vor.u32 s24, v10;
	v16 =	vld.idx.msk [tilespmem:v16+s3+$0x0], $0xffff  }
0x255: {  	v58 =	vor.u32 v52, v36  }
0x256: {  	v59 =	vor.u32 v53, v36;
	[tilespmem:v17+s20+$0x0] =	vst.idx.msk $0xffff, v1  }
0x257: {  	v1 =	vor.u32 v54, v36;
	[tilespmem:v19+s20+$0x0] =	vst.idx.msk $0xffff, v18  }
0x258: {  	v17 =	vor.u32 v55, v36;
	[tilespmem:v21+s20+$0x0] =	vst.idx.msk $0xffff, v15  }
0x259: {  	[tilespmem:v57+s20+$0x0] =	vst.idx.msk $0xffff, v16  }
0x25a: {  	v15 =	vor.u32 s24, v11;
	v16 =	vld.idx.msk [tilespmem:v58+s3+$0x0], $0xffff  }
0x25b: {  	v18 =	vor.u32 s24, v12;
	v19 =	vld.idx.msk [tilespmem:v59+s3+$0x0], $0xffff  }
0x25c: {  	v21 =	vor.u32 s24, v13;
	v1 =	vld.idx.msk [tilespmem:v1+s3+$0x0], $0xffff  }
0x25d: {  	v60 =	vor.u32 s24, v14;
	v17 =	vld.idx.msk [tilespmem:v17+s3+$0x0], $0xffff;
	_ =	sdelay $0x1  }
0x25e: {  	s31 =	sadd.s32 s4, s22;
	s25 =	sadd.s32 $0x2, s22;
	[tilespmem:v15+s20+$0x0] =	vst.idx.msk $0xffff, v16  }
0x25f: {  	p1 =	sge.u32 s25, s7;
	s24 =	smul.u32 $0xC00, s31;
	[tilespmem:v18+s20+$0x0] =	vst.idx.msk $0xffff, v19  }
0x260: {  	s25 =	sadd.s32 @!p1 s4, s25;
	[tilespmem:v21+s20+$0x0] =	vst.idx.msk $0xffff, v1  }
0x261: {  	s26 =	simm.s32 @!p1 $0x7A1400;
	s25 =	smul.u32 @!p1 $0x180, s25;
	s24 =	sadd.s32 s6, s24;
	[tilespmem:v60+s20+$0x0] =	vst.idx.msk $0xffff, v17  }
0x262: {  	[hbm4b:s24+s3] =	stream.linear.scatter [tilespmem:s20], [sflag:$0x3], $0x6000, $0x38;
	[tilespmem:$0x18000] =	vst v63  }
0x263: {  	s28 =	simm.s32 @!p1 $0x0;
	s24 =	sadd.s32 @!p1 s1, s25;
	s25 =	simm.s32 @!p1 $0xC00  }
0x264: {  	[tilespmem:s28], [sflag:$0x1] =	stream.strided.gather @!p1 [hbm4b:s24+s25], $0x6000, s26, s25, $0x38;
	[tilespmem:$0x18000] =	vst v63  }
0x265: {  	p1 =	seq.s32 s23, $0x0  }
.Ltmp6:
0x266: {  	_ = 	snop;
	(pc) =	sbr.rel @p1 .LBB2_9-.Ltmp6, $4  }
0x267: {  	v33 =	vld [tilespmem:$0x1FFE0]  }
0x268: {  	v56 =	vmov v30;
	v30 =	vld [tilespmem:$0x1FF90]  }
0x269: {  	v54 =	vmov v34;
	v34 =	vld [tilespmem:$0x1FF80]  }
0x26a: {  	v59 =	vmovc v26;
	v26 =	vlaneseq.u32;
	v18 =	vmovc v35;
	v19 =	vmov v29;
	v35 =	vld [tilespmem:$0x1FFF0];
	v60 =	vmov v23  }
.LBB2_6:
0x26b: {  	s23 =	simm.s32 $0x0  }
0x26c: {  	v1 =	vmov s23  }
0x26d: {  	v1 =	vshll.u32 v1, $0x3  }
0x26e: {  	v15 =	vor.u32 s23, v26;
	v36 =	vand.u32 $0xC00, v1  }
0x26f: {  	_ =	swait.ge [sflag:s15], $0x6000;
	v37 =	vand.u32 $0x7F, v15;
	v1 =	vor.u32 s23, v18;
	v16 =	vadd.s32 v61, v36  }
0x270: {  	p1 =	slt.u32 s22, $0x2;
	[sflag:s15] =	ssyncset.done $0x0;
	v15 =	vor.u32 s23, v19;
	v38 =	vand.u32 $0x7F, v1;
	v1 =	vor.u32 v37, v16  }
0x271: {  	s24 =	simm.s32 @!p1 $0x4;
	[sflag:s15] =	ssyncadd.s32 $0xFFFFA000;
	v17 =	vor.u32 s23, v30;
	v39 =	vand.u32 $0x7F, v15;
	v15 =	vor.u32 v38, v16  }
0x272: {  	_ =	swait.ge @!p1 [sflag:s24], $0x6000;
	v40 =	vand.u32 $0x7F, v17;
	v52 =	vor.u32 v39, v16  }
0x273: {  	v23 =	vmov v18;
	[sflag:s24] =	ssyncset.done @!p1 $0x0;
	v18 =	vor.u32 v40, v16  }
0x274: {  	[sflag:s24] =	ssyncadd.s32 @!p1 $0xFFFFA000  }
0x275: {  	v29 =	vmov v19;
	v19 =	vor.u32 s23, v24;
	v1 =	vld.idx.msk [tilespmem:v1+s14+$0x0], $0xffff  }
0x276: {  	v21 =	vor.u32 s23, v2;
	v15 =	vld.idx.msk [tilespmem:v15+s14+$0x0], $0xffff  }
0x277: {  	v45 =	vor.u32 s23, v3;
	v41 =	vor.u32 s23, v31;
	v17 =	vld.idx.msk [tilespmem:v52+s14+$0x0], $0xffff  }
0x278: {  	v46 =	vor.u32 s23, v4;
	v42 =	vor.u32 s23, v32;
	v41 =	vand.u32 $0x7F, v41;
	v18 =	vld.idx.msk [tilespmem:v18+s14+$0x0], $0xffff  }
0x279: {  	v43 =	vor.u32 s23, v33;
	v42 =	vand.u32 $0x7F, v42;
	v47 =	vor.u32 v41, v16  }
0x27a: {  	v44 =	vand.u32 $0x7F, v43;
	v48 =	vor.u32 s23, v34;
	v49 =	vor.u32 v42, v16;
	[tilespmem:v19+s16+$0x0] =	vst.idx.msk $0xffff, v1  }
0x27b: {  	v43 =	vand.u32 $0x7F, v48;
	v1 =	vor.u32 v44, v16;
	[tilespmem:v21+s16+$0x0] =	vst.idx.msk $0xffff, v15  }
0x27c: {  	v15 =	vor.u32 v43, v16;
	[tilespmem:v45+s16+$0x0] =	vst.idx.msk $0xffff, v17  }
0x27d: {  	[tilespmem:v46+s16+$0x0] =	vst.idx.msk $0xffff, v18  }
0x27e: {  	v18 =	vor.u32 s23, v20;
	v17 =	vld.idx.msk [tilespmem:v47+s14+$0x0], $0xffff  }
0x27f: {  	v21 =	vor.u32 s23, v0;
	v19 =	vld.idx.msk [tilespmem:v49+s14+$0x0], $0xffff  }
0x280: {  	v53 =	vor.u32 s23, v28;
	v49 =	vor.u32 s23, v5;
	v1 =	vld.idx.msk [tilespmem:v1+s14+$0x0], $0xffff  }
0x281: {  	v50 =	vor.u32 s23, v6;
	v55 =	vor.u32 s23, v35;
	v45 =	vand.u32 $0x7F, v53;
	v15 =	vld.idx.msk [tilespmem:v15+s14+$0x0], $0xffff  }
0x282: {  	v57 =	vor.u32 s23, v22;
	v51 =	vor.u32 v45, v16;
	v46 =	vand.u32 $0x7F, v55  }
0x283: {  	v58 =	vor.u32 s23, v59;
	v52 =	vor.u32 v46, v16;
	v47 =	vand.u32 $0x7F, v57;
	[tilespmem:v18+s16+$0x0] =	vst.idx.msk $0xffff, v17  }
0x284: {  	v48 =	vand.u32 $0x7F, v58;
	v57 =	vor.u32 v47, v16;
	[tilespmem:v21+s16+$0x0] =	vst.idx.msk $0xffff, v19  }
0x285: {  	v18 =	vor.u32 v48, v16;
	[tilespmem:v49+s16+$0x0] =	vst.idx.msk $0xffff, v1  }
0x286: {  	[tilespmem:v50+s16+$0x0] =	vst.idx.msk $0xffff, v15  }
0x287: {  	v15 =	vor.u32 s23, v7;
	v1 =	vld.idx.msk [tilespmem:v51+s14+$0x0], $0xffff  }
0x288: {  	v21 =	vor.u32 s23, v8;
	v19 =	vld.idx.msk [tilespmem:v52+s14+$0x0], $0xffff  }
0x289: {  	v58 =	vor.u32 s23, v25;
	v53 =	vor.u32 s23, v9;
	v17 =	vld.idx.msk [tilespmem:v57+s14+$0x0], $0xffff  }
0x28a: {  	v49 =	vand.u32 $0x7F, v58;
	v57 =	vor.u32 s23, v54;
	v54 =	vor.u32 s23, v10;
	v18 =	vld.idx.msk [tilespmem:v18+s14+$0x0], $0xffff  }
0x28b: {  	v58 =	vor.u32 s23, v60;
	v55 =	vor.u32 v49, v16;
	v50 =	vand.u32 $0x7F, v57  }
0x28c: {  	v51 =	vand.u32 $0x7F, v58;
	v57 =	vor.u32 s23, v27;
	[tilespmem:v15+s16+$0x0] =	vst.idx.msk $0xffff, v1;
	v1 =	vor.u32 v50, v16  }
0x28d: {  	v52 =	vand.u32 $0x7F, v57;
	v15 =	vor.u32 v51, v16;
	[tilespmem:v21+s16+$0x0] =	vst.idx.msk $0xffff, v19  }
0x28e: {  	v16 =	vor.u32 v52, v16;
	[tilespmem:v53+s16+$0x0] =	vst.idx.msk $0xffff, v17  }
0x28f: {  	[tilespmem:v54+s16+$0x0] =	vst.idx.msk $0xffff, v18  }
0x290: {  	v18 =	vor.u32 s23, v11;
	v17 =	vld.idx.msk [tilespmem:v55+s14+$0x0], $0xffff  }
0x291: {  	v19 =	vor.u32 s23, v12;
	v1 =	vld.idx.msk [tilespmem:v1+s14+$0x0], $0xffff  }
0x292: {  	v21 =	vor.u32 s23, v13;
	v15 =	vld.idx.msk [tilespmem:v15+s14+$0x0], $0xffff  }
0x293: {  	v53 =	vadd.s32 v62, v36;
	v54 =	vor.u32 s23, v14;
	v16 =	vld.idx.msk [tilespmem:v16+s14+$0x0], $0xffff  }
0x294: {  	v58 =	vor.u32 v37, v53  }
0x295: {  	v57 =	vor.u32 v38, v53;
	[tilespmem:v18+s16+$0x0] =	vst.idx.msk $0xffff, v17  }
0x296: {  	v18 =	vor.u32 v39, v53;
	[tilespmem:v19+s16+$0x0] =	vst.idx.msk $0xffff, v1  }
0x297: {  	v1 =	vor.u32 v40, v53;
	[tilespmem:v21+s16+$0x0] =	vst.idx.msk $0xffff, v15  }
0x298: {  	s24 =	simm.s32 $0x10;
	[tilespmem:v54+s16+$0x0] =	vst.idx.msk $0xffff, v16  }
0x299: {  	v15 =	vld.idx.msk [tilespmem:v58+s14+$0x0], $0xffff;
	v58 =	vor.u32 s24, v24  }
0x29a: {  	v19 =	vor.u32 s24, v2;
	v17 =	vld.idx.msk [tilespmem:v57+s14+$0x0], $0xffff  }
0x29b: {  	v21 =	vor.u32 s24, v3;
	v18 =	vld.idx.msk [tilespmem:v18+s14+$0x0], $0xffff  }
0x29c: {  	v54 =	vor.u32 s24, v4;
	v1 =	vld.idx.msk [tilespmem:v1+s14+$0x0], $0xffff  }
0x29d: {  	v55 =	vor.u32 v41, v53  }
0x29e: {  	[tilespmem:v58+s16+$0x0] =	vst.idx.msk $0xffff, v15;
	v15 =	vor.u32 v42, v53  }
0x29f: {  	v57 =	vor.u32 v44, v53;
	[tilespmem:v19+s16+$0x0] =	vst.idx.msk $0xffff, v17  }
0x2a0: {  	v58 =	vor.u32 v43, v53;
	[tilespmem:v21+s16+$0x0] =	vst.idx.msk $0xffff, v18  }
0x2a1: {  	[tilespmem:v54+s16+$0x0] =	vst.idx.msk $0xffff, v1  }
0x2a2: {  	v18 =	vor.u32 s24, v20;
	v1 =	vld.idx.msk [tilespmem:v55+s14+$0x0], $0xffff  }
0x2a3: {  	v19 =	vor.u32 s24, v0;
	v15 =	vld.idx.msk [tilespmem:v15+s14+$0x0], $0xffff  }
0x2a4: {  	v21 =	vor.u32 s24, v5;
	v16 =	vld.idx.msk [tilespmem:v57+s14+$0x0], $0xffff  }
0x2a5: {  	v57 =	vor.u32 s24, v6;
	v17 =	vld.idx.msk [tilespmem:v58+s14+$0x0], $0xffff  }
0x2a6: {  	v58 =	vor.u32 v45, v53  }
0x2a7: {  	[tilespmem:v18+s16+$0x0] =	vst.idx.msk $0xffff, v1;
	v1 =	vor.u32 v46, v53  }
0x2a8: {  	v18 =	vor.u32 v47, v53;
	[tilespmem:v19+s16+$0x0] =	vst.idx.msk $0xffff, v15  }
0x2a9: {  	v15 =	vor.u32 v48, v53;
	[tilespmem:v21+s16+$0x0] =	vst.idx.msk $0xffff, v16  }
0x2aa: {  	[tilespmem:v57+s16+$0x0] =	vst.idx.msk $0xffff, v17  }
0x2ab: {  	v57 =	vor.u32 s24, v7;
	v16 =	vld.idx.msk [tilespmem:v58+s14+$0x0], $0xffff  }
0x2ac: {  	v19 =	vor.u32 s24, v8;
	v1 =	vld.idx.msk [tilespmem:v1+s14+$0x0], $0xffff  }
0x2ad: {  	v21 =	vor.u32 s24, v9;
	v18 =	vld.idx.msk [tilespmem:v18+s14+$0x0], $0xffff  }
0x2ae: {  	v54 =	vor.u32 s24, v10;
	v15 =	vld.idx.msk [tilespmem:v15+s14+$0x0], $0xffff  }
0x2af: {  	v55 =	vor.u32 v49, v53  }
0x2b0: {  	v58 =	vor.u32 v50, v53;
	[tilespmem:v57+s16+$0x0] =	vst.idx.msk $0xffff, v16  }
0x2b1: {  	v57 =	vor.u32 v51, v53;
	[tilespmem:v19+s16+$0x0] =	vst.idx.msk $0xffff, v1  }
0x2b2: {  	v1 =	vor.u32 v52, v53;
	[tilespmem:v21+s16+$0x0] =	vst.idx.msk $0xffff, v18  }
0x2b3: {  	[tilespmem:v54+s16+$0x0] =	vst.idx.msk $0xffff, v15  }
0x2b4: {  	v18 =	vor.u32 s24, v11;
	v15 =	vld.idx.msk [tilespmem:v55+s14+$0x0], $0xffff  }
0x2b5: {  	v19 =	vor.u32 s24, v12;
	v16 =	vld.idx.msk [tilespmem:v58+s14+$0x0], $0xffff  }
0x2b6: {  	v21 =	vor.u32 s24, v13;
	v17 =	vld.idx.msk [tilespmem:v57+s14+$0x0], $0xffff  }
0x2b7: {  	v53 =	vadd.s32 v63, v36;
	v54 =	vor.u32 s24, v14;
	v1 =	vld.idx.msk [tilespmem:v1+s14+$0x0], $0xffff  }
0x2b8: {  	v58 =	vor.u32 v37, v53  }
0x2b9: {  	[tilespmem:v18+s16+$0x0] =	vst.idx.msk $0xffff, v15;
	v15 =	vor.u32 v38, v53  }
0x2ba: {  	v18 =	vor.u32 v39, v53;
	[tilespmem:v19+s16+$0x0] =	vst.idx.msk $0xffff, v16  }
0x2bb: {  	v57 =	vor.u32 v40, v53;
	[tilespmem:v21+s16+$0x0] =	vst.idx.msk $0xffff, v17  }
0x2bc: {  	s25 =	simm.s32 $0x20;
	[tilespmem:v54+s16+$0x0] =	vst.idx.msk $0xffff, v1  }
0x2bd: {  	v1 =	vld.idx.msk [tilespmem:v58+s14+$0x0], $0xffff;
	v58 =	vor.u32 s25, v24  }
0x2be: {  	v19 =	vor.u32 s25, v2;
	v15 =	vld.idx.msk [tilespmem:v15+s14+$0x0], $0xffff  }
0x2bf: {  	v21 =	vor.u32 s25, v3;
	v18 =	vld.idx.msk [tilespmem:v18+s14+$0x0], $0xffff  }
0x2c0: {  	v54 =	vor.u32 s25, v4;
	v16 =	vld.idx.msk [tilespmem:v57+s14+$0x0], $0xffff  }
0x2c1: {  	v57 =	vor.u32 v41, v53  }
0x2c2: {  	[tilespmem:v58+s16+$0x0] =	vst.idx.msk $0xffff, v1;
	v1 =	vor.u32 v42, v53  }
0x2c3: {  	v58 =	vor.u32 v44, v53;
	[tilespmem:v19+s16+$0x0] =	vst.idx.msk $0xffff, v15  }
0x2c4: {  	v15 =	vor.u32 v43, v53;
	[tilespmem:v21+s16+$0x0] =	vst.idx.msk $0xffff, v18  }
0x2c5: {  	[tilespmem:v54+s16+$0x0] =	vst.idx.msk $0xffff, v16  }
0x2c6: {  	v18 =	vor.u32 s25, v20;
	v16 =	vld.idx.msk [tilespmem:v57+s14+$0x0], $0xffff  }
0x2c7: {  	v19 =	vor.u32 s25, v0;
	v1 =	vld.idx.msk [tilespmem:v1+s14+$0x0], $0xffff  }
0x2c8: {  	v21 =	vor.u32 s25, v5;
	v17 =	vld.idx.msk [tilespmem:v58+s14+$0x0], $0xffff  }
0x2c9: {  	v54 =	vor.u32 s25, v6;
	v15 =	vld.idx.msk [tilespmem:v15+s14+$0x0], $0xffff  }
0x2ca: {  	v57 =	vor.u32 v45, v53  }
0x2cb: {  	v58 =	vor.u32 v46, v53;
	[tilespmem:v18+s16+$0x0] =	vst.idx.msk $0xffff, v16  }
0x2cc: {  	v18 =	vor.u32 v47, v53;
	[tilespmem:v19+s16+$0x0] =	vst.idx.msk $0xffff, v1  }
0x2cd: {  	v1 =	vor.u32 v48, v53;
	[tilespmem:v21+s16+$0x0] =	vst.idx.msk $0xffff, v17  }
0x2ce: {  	[tilespmem:v54+s16+$0x0] =	vst.idx.msk $0xffff, v15  }
0x2cf: {  	v15 =	vld.idx.msk [tilespmem:v57+s14+$0x0], $0xffff;
	v57 =	vor.u32 s25, v7  }
0x2d0: {  	v19 =	vor.u32 s25, v8;
	v16 =	vld.idx.msk [tilespmem:v58+s14+$0x0], $0xffff  }
0x2d1: {  	v21 =	vor.u32 s25, v9;
	v18 =	vld.idx.msk [tilespmem:v18+s14+$0x0], $0xffff  }
0x2d2: {  	v54 =	vor.u32 s25, v10;
	v1 =	vld.idx.msk [tilespmem:v1+s14+$0x0], $0xffff  }
0x2d3: {  	v55 =	vor.u32 v49, v53  }
0x2d4: {  	[tilespmem:v57+s16+$0x0] =	vst.idx.msk $0xffff, v15;
	v15 =	vor.u32 v50, v53  }
0x2d5: {  	v58 =	vor.u32 v51, v53;
	[tilespmem:v19+s16+$0x0] =	vst.idx.msk $0xffff, v16  }
0x2d6: {  	v57 =	vor.u32 v52, v53;
	[tilespmem:v21+s16+$0x0] =	vst.idx.msk $0xffff, v18  }
0x2d7: {  	[tilespmem:v54+s16+$0x0] =	vst.idx.msk $0xffff, v1  }
0x2d8: {  	v18 =	vor.u32 s25, v11;
	v1 =	vld.idx.msk [tilespmem:v55+s14+$0x0], $0xffff  }
0x2d9: {  	v19 =	vor.u32 s25, v12;
	v15 =	vld.idx.msk [tilespmem:v15+s14+$0x0], $0xffff  }
0x2da: {  	v21 =	vor.u32 s25, v13;
	v16 =	vld.idx.msk [tilespmem:v58+s14+$0x0], $0xffff  }
0x2db: {  	v36 =	vadd.s32 v56, v36;
	v58 =	vor.u32 s25, v14;
	v17 =	vld.idx.msk [tilespmem:v57+s14+$0x0], $0xffff  }
0x2dc: {  	v37 =	vor.u32 v37, v36  }
0x2dd: {  	[tilespmem:v18+s16+$0x0] =	vst.idx.msk $0xffff, v1;
	v1 =	vor.u32 v38, v36  }
0x2de: {  	[tilespmem:v19+s16+$0x0] =	vst.idx.msk $0xffff, v15;
	v15 =	vor.u32 v39, v36  }
0x2df: {  	v18 =	vor.u32 v40, v36;
	[tilespmem:v21+s16+$0x0] =	vst.idx.msk $0xffff, v16  }
0x2e0: {  	s31 =	simm.s32 $0x30;
	[tilespmem:v58+s16+$0x0] =	vst.idx.msk $0xffff, v17  }
0x2e1: {  	v57 =	vor.u32 s31, v24;
	v16 =	vld.idx.msk [tilespmem:v37+s14+$0x0], $0xffff  }
0x2e2: {  	v19 =	vor.u32 s31, v2;
	v1 =	vld.idx.msk [tilespmem:v1+s14+$0x0], $0xffff  }
0x2e3: {  	v21 =	vor.u32 s31, v3;
	v15 =	vld.idx.msk [tilespmem:v15+s14+$0x0], $0xffff  }
0x2e4: {  	v58 =	vor.u32 s31, v4;
	v18 =	vld.idx.msk [tilespmem:v18+s14+$0x0], $0xffff  }
0x2e5: {  	v40 =	vor.u32 v41, v36  }
0x2e6: {  	v41 =	vor.u32 v42, v36;
	[tilespmem:v57+s16+$0x0] =	vst.idx.msk $0xffff, v16  }
0x2e7: {  	v42 =	vor.u32 v44, v36;
	[tilespmem:v19+s16+$0x0] =	vst.idx.msk $0xffff, v1  }
0x2e8: {  	v1 =	vor.u32 v43, v36;
	[tilespmem:v21+s16+$0x0] =	vst.idx.msk $0xffff, v15  }
0x2e9: {  	[tilespmem:v58+s16+$0x0] =	vst.idx.msk $0xffff, v18  }
0x2ea: {  	v18 =	vor.u32 s31, v20;
	v15 =	vld.idx.msk [tilespmem:v40+s14+$0x0], $0xffff  }
0x2eb: {  	v19 =	vor.u32 s31, v0;
	v16 =	vld.idx.msk [tilespmem:v41+s14+$0x0], $0xffff  }
0x2ec: {  	v21 =	vor.u32 s31, v5;
	v17 =	vld.idx.msk [tilespmem:v42+s14+$0x0], $0xffff  }
0x2ed: {  	v44 =	vor.u32 s31, v6;
	v1 =	vld.idx.msk [tilespmem:v1+s14+$0x0], $0xffff  }
0x2ee: {  	v45 =	vor.u32 v45, v36  }
0x2ef: {  	v46 =	vor.u32 v46, v36;
	[tilespmem:v18+s16+$0x0] =	vst.idx.msk $0xffff, v15  }
0x2f0: {  	v15 =	vor.u32 v47, v36;
	[tilespmem:v19+s16+$0x0] =	vst.idx.msk $0xffff, v16  }
0x2f1: {  	v53 =	vor.u32 v48, v36;
	[tilespmem:v21+s16+$0x0] =	vst.idx.msk $0xffff, v17  }
0x2f2: {  	[tilespmem:v44+s16+$0x0] =	vst.idx.msk $0xffff, v1  }
0x2f3: {  	v54 =	vor.u32 s31, v7;
	v1 =	vld.idx.msk [tilespmem:v45+s14+$0x0], $0xffff  }
0x2f4: {  	v19 =	vor.u32 s31, v8;
	v18 =	vld.idx.msk [tilespmem:v46+s14+$0x0], $0xffff  }
0x2f5: {  	v21 =	vor.u32 s31, v9;
	v15 =	vld.idx.msk [tilespmem:v15+s14+$0x0], $0xffff  }
0x2f6: {  	v55 =	vor.u32 s31, v10;
	v16 =	vld.idx.msk [tilespmem:v53+s14+$0x0], $0xffff  }
0x2f7: {  	v57 =	vor.u32 v49, v36  }
0x2f8: {  	v58 =	vor.u32 v51, v36;
	v47 =	vor.u32 s31, v12;
	v46 =	vor.u32 s31, v13;
	[tilespmem:v54+s16+$0x0] =	vst.idx.msk $0xffff, v1  }
0x2f9: {  	v45 =	vor.u32 s31, v14;
	v1 =	vor.u32 v50, v36;
	[tilespmem:v19+s16+$0x0] =	vst.idx.msk $0xffff, v18;
	v18 =	vor.u32 v52, v36  }
0x2fa: {  	v19 =	vor.u32 s24, v34;
	v36 =	vor.u32 s24, v30;
	[tilespmem:v21+s16+$0x0] =	vst.idx.msk $0xffff, v15;
	v15 =	vor.u32 s24, v23  }
0x2fb: {  	v21 =	vmov s24;
	v37 =	vand.u32 $0x7F, v19;
	v38 =	vand.u32 $0x7F, v36;
	[tilespmem:v55+s16+$0x0] =	vst.idx.msk $0xffff, v16  }
0x2fc: {  	v16 =	vor.u32 s31, v11;
	v19 =	vshll.u32 v21, $0x3;
	v21 =	vor.u32 s24, v29;
	v43 =	vld.idx.msk [tilespmem:v57+s14+$0x0], $0xffff  }
0x2fd: {  	v40 =	vand.u32 $0x7F, v15;
	v19 =	vand.u32 $0xC00, v19;
	v39 =	vand.u32 $0x7F, v21  }
0x2fe: {  	v48 =	vld.idx.msk [tilespmem:v1+s14+$0x0], $0xffff;
	v1 =	vor.u32 s24, v26;
	v57 =	vadd.s32 v61, v19;
	v44 =	vadd.s32 v62, v19  }
0x2ff: {  	v23 =	vmovc v59;
	v29 =	vmovc v56;
	v42 =	vadd.s32 v63, v19;
	v36 =	vadd.s32 v56, v19;
	v41 =	vand.u32 $0x7F, v1  }
0x300: {  	v49 =	vld.idx.msk [tilespmem:v58+s14+$0x0], $0xffff;
	v50 =	vor.u32 v40, v57;
	v53 =	vor.u32 v39, v57;
	v51 =	vor.u32 v38, v57  }
0x301: {  	s25 =	simm.s32 $0x20;
	v52 =	vld.idx.msk [tilespmem:v18+s14+$0x0], $0xffff;
	v54 =	vor.u32 v41, v57;
	[tilespmem:v16+s16+$0x0] =	vst.idx.msk $0xffff, v43;
	v43 =	vor.u32 v37, v42  }
.LBB2_7:
0x302: {  	_ =	sdelay $0x2  }
0x303: {  	[tilespmem:v47+s16+$0x0] =	vst.idx.msk $0xffff, v48  }
0x304: {  	[tilespmem:v46+s16+$0x0] =	vst.idx.msk $0xffff, v49  }
0x305: {  	s23 =	sadd.s32 $0x400, s23;
	[tilespmem:v45+s16+$0x0] =	vst.idx.msk $0xffff, v52  }
0x306: {  	v15 =	vor.u32 s23, v24;
	v1 =	vld.idx.msk [tilespmem:v54+s14+$0x0], $0xffff  }
0x307: {  	v17 =	vor.u32 s23, v2;
	v16 =	vld.idx.msk [tilespmem:v50+s14+$0x0], $0xffff  }
0x308: {  	v21 =	vor.u32 s24, v31;
	v19 =	vor.u32 s23, v3;
	v18 =	vld.idx.msk [tilespmem:v53+s14+$0x0], $0xffff  }
0x309: {  	v63 =	vor.u32 s23, v4;
	v45 =	vand.u32 $0x7F, v21;
	v21 =	vor.u32 s24, v32;
	v48 =	vld.idx.msk [tilespmem:v51+s14+$0x0], $0xffff  }
0x30a: {  	v54 =	vor.u32 v45, v57;
	v46 =	vand.u32 $0x7F, v21;
	v21 =	vor.u32 s24, v33  }
0x30b: {  	v55 =	vor.u32 v46, v57;
	v47 =	vand.u32 $0x7F, v21;
	[tilespmem:v15+s16+$0x0] =	vst.idx.msk $0xffff, v1  }
0x30c: {  	v1 =	vor.u32 v47, v57;
	[tilespmem:v17+s16+$0x0] =	vst.idx.msk $0xffff, v16  }
0x30d: {  	v15 =	vor.u32 v37, v57;
	[tilespmem:v19+s16+$0x0] =	vst.idx.msk $0xffff, v18  }
0x30e: {  	[tilespmem:v63+s16+$0x0] =	vst.idx.msk $0xffff, v48  }
0x30f: {  	v19 =	vor.u32 s23, v20;
	v16 =	vld.idx.msk [tilespmem:v54+s14+$0x0], $0xffff  }
0x310: {  	v61 =	vor.u32 s23, v0;
	v21 =	vor.u32 s24, v28;
	v18 =	vld.idx.msk [tilespmem:v55+s14+$0x0], $0xffff  }
0x311: {  	v62 =	vor.u32 s23, v5;
	v48 =	vand.u32 $0x7F, v21;
	v21 =	vor.u32 s24, v35;
	v1 =	vld.idx.msk [tilespmem:v1+s14+$0x0], $0xffff  }
0x312: {  	v59 =	vor.u32 s24, v22;
	v49 =	vand.u32 $0x7F, v21;
	v21 =	vor.u32 s23, v6;
	v15 =	vld.idx.msk [tilespmem:v15+s14+$0x0], $0xffff  }
0x313: {  	v50 =	vand.u32 $0x7F, v59;
	v63 =	vor.u32 v48, v57  }
0x314: {  	v17 =	vor.u32 s24, v23;
	v55 =	vor.u32 v49, v57;
	[tilespmem:v19+s16+$0x0] =	vst.idx.msk $0xffff, v16;
	v19 =	vor.u32 s24, v25  }
0x315: {  	v59 =	vor.u32 v50, v57;
	v51 =	vand.u32 $0x7F, v17;
	[tilespmem:v61+s16+$0x0] =	vst.idx.msk $0xffff, v18;
	v52 =	vand.u32 $0x7F, v19;
	v19 =	vld [tilespmem:$0x1FFB0]  }
0x316: {  	v16 =	vor.u32 v51, v57;
	[tilespmem:v62+s16+$0x0] =	vst.idx.msk $0xffff, v1  }
0x317: {  	[tilespmem:v21+s16+$0x0] =	vst.idx.msk $0xffff, v15  }
0x318: {  	v18 =	vor.u32 s23, v7;
	v1 =	vld.idx.msk [tilespmem:v63+s14+$0x0], $0xffff  }
0x319: {  	v26 =	vmov v60;
	v21 =	vor.u32 s24, v60;
	v60 =	vor.u32 s23, v8;
	v17 =	vld.idx.msk [tilespmem:v55+s14+$0x0], $0xffff  }
0x31a: {  	v61 =	vor.u32 s23, v9;
	v59 =	vld.idx.msk [tilespmem:v59+s14+$0x0], $0xffff;
	v19 =	vor.u32 s24, v19  }
0x31b: {  	v16 =	vld.idx.msk [tilespmem:v16+s14+$0x0], $0xffff;
	v53 =	vand.u32 $0x7F, v19;
	v19 =	vor.u32 s23, v10  }
0x31c: {  	v62 =	vor.u32 v52, v57  }
0x31d: {  	v15 =	vor.u32 s24, v27;
	v54 =	vand.u32 $0x7F, v21;
	v63 =	vor.u32 v53, v57;
	[tilespmem:v18+s16+$0x0] =	vst.idx.msk $0xffff, v1  }
0x31e: {  	v55 =	vand.u32 $0x7F, v15;
	v21 =	vor.u32 v54, v57;
	[tilespmem:v60+s16+$0x0] =	vst.idx.msk $0xffff, v17  }
0x31f: {  	v1 =	vor.u32 v55, v57;
	[tilespmem:v61+s16+$0x0] =	vst.idx.msk $0xffff, v59  }
0x320: {  	[tilespmem:v19+s16+$0x0] =	vst.idx.msk $0xffff, v16  }
0x321: {  	v17 =	vor.u32 s23, v11;
	v15 =	vld.idx.msk [tilespmem:v62+s14+$0x0], $0xffff  }
0x322: {  	v19 =	vor.u32 s23, v12;
	v16 =	vld.idx.msk [tilespmem:v63+s14+$0x0], $0xffff  }
0x323: {  	v18 =	vld.idx.msk [tilespmem:v21+s14+$0x0], $0xffff;
	v21 =	vor.u32 s23, v13  }
0x324: {  	v57 =	vor.u32 s23, v14;
	v1 =	vld.idx.msk [tilespmem:v1+s14+$0x0], $0xffff  }
0x325: {  	v58 =	vor.u32 v41, v44  }
0x326: {  	v59 =	vor.u32 v40, v44;
	[tilespmem:v17+s16+$0x0] =	vst.idx.msk $0xffff, v15  }
0x327: {  	v60 =	vor.u32 v39, v44;
	[tilespmem:v19+s16+$0x0] =	vst.idx.msk $0xffff, v16  }
0x328: {  	v15 =	vor.u32 v38, v44;
	[tilespmem:v21+s16+$0x0] =	vst.idx.msk $0xffff, v18  }
0x329: {  	s29 =	sadd.s32 $0x10, s23;
	[tilespmem:v57+s16+$0x0] =	vst.idx.msk $0xffff, v1  }
0x32a: {  	v17 =	vor.u32 s29, v24;
	v1 =	vld.idx.msk [tilespmem:v58+s14+$0x0], $0xffff  }
0x32b: {  	v19 =	vor.u32 s29, v2;
	v16 =	vld.idx.msk [tilespmem:v59+s14+$0x0], $0xffff  }
0x32c: {  	v21 =	vor.u32 s29, v3;
	v18 =	vld.idx.msk [tilespmem:v60+s14+$0x0], $0xffff  }
0x32d: {  	v58 =	vor.u32 s29, v4;
	v15 =	vld.idx.msk [tilespmem:v15+s14+$0x0], $0xffff  }
0x32e: {  	v57 =	vor.u32 v45, v44  }
0x32f: {  	v59 =	vor.u32 v46, v44;
	[tilespmem:v17+s16+$0x0] =	vst.idx.msk $0xffff, v1  }
0x330: {  	v60 =	vor.u32 v47, v44;
	[tilespmem:v19+s16+$0x0] =	vst.idx.msk $0xffff, v16  }
0x331: {  	v1 =	vor.u32 v37, v44;
	[tilespmem:v21+s16+$0x0] =	vst.idx.msk $0xffff, v18  }
0x332: {  	[tilespmem:v58+s16+$0x0] =	vst.idx.msk $0xffff, v15  }
0x333: {  	v17 =	vor.u32 s29, v20;
	v15 =	vld.idx.msk [tilespmem:v57+s14+$0x0], $0xffff  }
0x334: {  	v19 =	vor.u32 s29, v0;
	v16 =	vld.idx.msk [tilespmem:v59+s14+$0x0], $0xffff  }
0x335: {  	v21 =	vor.u32 s29, v5;
	v18 =	vld.idx.msk [tilespmem:v60+s14+$0x0], $0xffff  }
0x336: {  	v58 =	vor.u32 s29, v6;
	v1 =	vld.idx.msk [tilespmem:v1+s14+$0x0], $0xffff  }
0x337: {  	v57 =	vor.u32 v48, v44  }
0x338: {  	v59 =	vor.u32 v49, v44;
	[tilespmem:v17+s16+$0x0] =	vst.idx.msk $0xffff, v15  }
0x339: {  	v60 =	vor.u32 v50, v44;
	[tilespmem:v19+s16+$0x0] =	vst.idx.msk $0xffff, v16  }
0x33a: {  	v15 =	vor.u32 v51, v44;
	[tilespmem:v21+s16+$0x0] =	vst.idx.msk $0xffff, v18  }
0x33b: {  	[tilespmem:v58+s16+$0x0] =	vst.idx.msk $0xffff, v1  }
0x33c: {  	v17 =	vor.u32 s29, v7;
	v1 =	vld.idx.msk [tilespmem:v57+s14+$0x0], $0xffff  }
0x33d: {  	v19 =	vor.u32 s29, v8;
	v16 =	vld.idx.msk [tilespmem:v59+s14+$0x0], $0xffff  }
0x33e: {  	v21 =	vor.u32 s29, v9;
	v18 =	vld.idx.msk [tilespmem:v60+s14+$0x0], $0xffff  }
0x33f: {  	v58 =	vor.u32 s29, v10;
	v15 =	vld.idx.msk [tilespmem:v15+s14+$0x0], $0xffff  }
0x340: {  	v57 =	vor.u32 v52, v44  }
0x341: {  	v59 =	vor.u32 v53, v44;
	[tilespmem:v17+s16+$0x0] =	vst.idx.msk $0xffff, v1  }
0x342: {  	v60 =	vor.u32 v54, v44;
	[tilespmem:v19+s16+$0x0] =	vst.idx.msk $0xffff, v16  }
0x343: {  	v1 =	vor.u32 v55, v44;
	[tilespmem:v21+s16+$0x0] =	vst.idx.msk $0xffff, v18  }
0x344: {  	[tilespmem:v58+s16+$0x0] =	vst.idx.msk $0xffff, v15  }
0x345: {  	v17 =	vor.u32 s29, v11;
	v15 =	vld.idx.msk [tilespmem:v57+s14+$0x0], $0xffff  }
0x346: {  	v19 =	vor.u32 s29, v12;
	v16 =	vld.idx.msk [tilespmem:v59+s14+$0x0], $0xffff  }
0x347: {  	v21 =	vor.u32 s29, v13;
	v18 =	vld.idx.msk [tilespmem:v60+s14+$0x0], $0xffff  }
0x348: {  	v44 =	vor.u32 s29, v14;
	v1 =	vld.idx.msk [tilespmem:v1+s14+$0x0], $0xffff  }
0x349: {  	v56 =	vor.u32 v41, v42  }
0x34a: {  	[tilespmem:v17+s16+$0x0] =	vst.idx.msk $0xffff, v15;
	v15 =	vor.u32 v40, v42  }
0x34b: {  	v57 =	vor.u32 v39, v42;
	[tilespmem:v19+s16+$0x0] =	vst.idx.msk $0xffff, v16  }
0x34c: {  	v59 =	vor.u32 v38, v42;
	[tilespmem:v21+s16+$0x0] =	vst.idx.msk $0xffff, v18  }
0x34d: {  	s30 =	sadd.s32 $0x20, s23;
	[tilespmem:v44+s16+$0x0] =	vst.idx.msk $0xffff, v1  }
0x34e: {  	v16 =	vor.u32 s30, v24;
	v1 =	vld.idx.msk [tilespmem:v56+s14+$0x0], $0xffff  }
0x34f: {  	v19 =	vor.u32 s30, v2;
	v15 =	vld.idx.msk [tilespmem:v15+s14+$0x0], $0xffff  }
0x350: {  	v21 =	vor.u32 s30, v3;
	v18 =	vld.idx.msk [tilespmem:v57+s14+$0x0], $0xffff  }
0x351: {  	v17 =	vld.idx.msk [tilespmem:v59+s14+$0x0], $0xffff;
	v56 =	vor.u32 s30, v4  }
0x352: {  	v44 =	vor.u32 v45, v42  }
0x353: {  	v57 =	vor.u32 v46, v42;
	[tilespmem:v16+s16+$0x0] =	vst.idx.msk $0xffff, v1  }
0x354: {  	v58 =	vor.u32 v47, v42;
	[tilespmem:v19+s16+$0x0] =	vst.idx.msk $0xffff, v15  }
0x355: {  	[tilespmem:v21+s16+$0x0] =	vst.idx.msk $0xffff, v18  }
0x356: {  	[tilespmem:v56+s16+$0x0] =	vst.idx.msk $0xffff, v17  }
0x357: {  	v16 =	vor.u32 s30, v20;
	v1 =	vld.idx.msk [tilespmem:v44+s14+$0x0], $0xffff  }
0x358: {  	v18 =	vor.u32 s30, v0;
	v15 =	vld.idx.msk [tilespmem:v57+s14+$0x0], $0xffff  }
0x359: {  	v21 =	vor.u32 s30, v5;
	v17 =	vld.idx.msk [tilespmem:v58+s14+$0x0], $0xffff  }
0x35a: {  	v19 =	vld.idx.msk [tilespmem:v43+s14+$0x0], $0xffff;
	v44 =	vor.u32 s30, v6  }
0x35b: {  	v43 =	vor.u32 v48, v42  }
0x35c: {  	v56 =	vor.u32 v49, v42;
	[tilespmem:v16+s16+$0x0] =	vst.idx.msk $0xffff, v1  }
0x35d: {  	v57 =	vor.u32 v50, v42;
	[tilespmem:v18+s16+$0x0] =	vst.idx.msk $0xffff, v15  }
0x35e: {  	v1 =	vor.u32 v51, v42;
	[tilespmem:v21+s16+$0x0] =	vst.idx.msk $0xffff, v17  }
0x35f: {  	[tilespmem:v44+s16+$0x0] =	vst.idx.msk $0xffff, v19  }
0x360: {  	v17 =	vor.u32 s30, v7;
	v15 =	vld.idx.msk [tilespmem:v43+s14+$0x0], $0xffff  }
0x361: {  	v19 =	vor.u32 s30, v8;
	v16 =	vld.idx.msk [tilespmem:v56+s14+$0x0], $0xffff  }
0x362: {  	v21 =	vor.u32 s30, v9;
	v18 =	vld.idx.msk [tilespmem:v57+s14+$0x0], $0xffff  }
0x363: {  	v44 =	vor.u32 s30, v10;
	v1 =	vld.idx.msk [tilespmem:v1+s14+$0x0], $0xffff  }
0x364: {  	v43 =	vor.u32 v52, v42  }
0x365: {  	v56 =	vor.u32 v53, v42;
	[tilespmem:v17+s16+$0x0] =	vst.idx.msk $0xffff, v15  }
0x366: {  	[tilespmem:v19+s16+$0x0] =	vst.idx.msk $0xffff, v16  }
0x367: {  	v57 =	vor.u32 v54, v42;
	[tilespmem:v21+s16+$0x0] =	vst.idx.msk $0xffff, v18  }
0x368: {  	v15 =	vor.u32 v55, v42;
	[tilespmem:v44+s16+$0x0] =	vst.idx.msk $0xffff, v1  }
0x369: {  	v1 =	vld.idx.msk [tilespmem:v43+s14+$0x0], $0xffff  }
0x36a: {  	v16 =	vld.idx.msk [tilespmem:v56+s14+$0x0], $0xffff;
	v56 =	vor.u32 s30, v11  }
0x36b: {  	v19 =	vor.u32 s30, v12  }
0x36c: {  	v21 =	vor.u32 s30, v13;
	v18 =	vld.idx.msk [tilespmem:v57+s14+$0x0], $0xffff  }
0x36d: {  	v57 =	vor.u32 s30, v14;
	v15 =	vld.idx.msk [tilespmem:v15+s14+$0x0], $0xffff  }
0x36e: {  	v59 =	vor.u32 v41, v36  }
0x36f: {  	v58 =	vor.u32 v40, v36;
	[tilespmem:v56+s16+$0x0] =	vst.idx.msk $0xffff, v1  }
0x370: {  	v44 =	vor.u32 v39, v36;
	[tilespmem:v19+s16+$0x0] =	vst.idx.msk $0xffff, v16  }
0x371: {  	v1 =	vor.u32 v38, v36;
	[tilespmem:v21+s16+$0x0] =	vst.idx.msk $0xffff, v18  }
0x372: {  	s31 =	sadd.s32 $0x30, s23;
	[tilespmem:v57+s16+$0x0] =	vst.idx.msk $0xffff, v15  }
0x373: {  	v56 =	vor.u32 s31, v24;
	v15 =	vld.idx.msk [tilespmem:v59+s14+$0x0], $0xffff  }
0x374: {  	v19 =	vor.u32 s31, v2;
	v16 =	vld.idx.msk [tilespmem:v58+s14+$0x0], $0xffff  }
0x375: {  	v21 =	vor.u32 s31, v3;
	v18 =	vld.idx.msk [tilespmem:v44+s14+$0x0], $0xffff  }
0x376: {  	v58 =	vor.u32 s31, v4;
	v1 =	vld.idx.msk [tilespmem:v1+s14+$0x0], $0xffff  }
0x377: {  	v57 =	vor.u32 v45, v36  }
0x378: {  	v59 =	vor.u32 v46, v36;
	[tilespmem:v56+s16+$0x0] =	vst.idx.msk $0xffff, v15  }
0x379: {  	v44 =	vor.u32 v47, v36;
	[tilespmem:v19+s16+$0x0] =	vst.idx.msk $0xffff, v16  }
0x37a: {  	v15 =	vor.u32 v37, v36;
	[tilespmem:v21+s16+$0x0] =	vst.idx.msk $0xffff, v18  }
0x37b: {  	[tilespmem:v58+s16+$0x0] =	vst.idx.msk $0xffff, v1  }
0x37c: {  	v45 =	vor.u32 s31, v20;
	v1 =	vld.idx.msk [tilespmem:v57+s14+$0x0], $0xffff  }
0x37d: {  	v19 =	vor.u32 s31, v0;
	v16 =	vld.idx.msk [tilespmem:v59+s14+$0x0], $0xffff  }
0x37e: {  	v21 =	vor.u32 s31, v5;
	v18 =	vld.idx.msk [tilespmem:v44+s14+$0x0], $0xffff  }
0x37f: {  	v47 =	vor.u32 s31, v6;
	v15 =	vld.idx.msk [tilespmem:v15+s14+$0x0], $0xffff  }
0x380: {  	v46 =	vor.u32 v48, v36  }
0x381: {  	v48 =	vor.u32 v49, v36;
	[tilespmem:v45+s16+$0x0] =	vst.idx.msk $0xffff, v1  }
0x382: {  	v49 =	vor.u32 v50, v36;
	[tilespmem:v19+s16+$0x0] =	vst.idx.msk $0xffff, v16  }
0x383: {  	v1 =	vor.u32 v51, v36;
	[tilespmem:v21+s16+$0x0] =	vst.idx.msk $0xffff, v18  }
0x384: {  	v58 =	vld [tilespmem:$0x1FFC0];
	[tilespmem:v47+s16+$0x0] =	vst.idx.msk $0xffff, v15  }
0x385: {  	v50 =	vor.u32 s31, v7;
	v15 =	vld.idx.msk [tilespmem:v46+s14+$0x0], $0xffff  }
0x386: {  	v19 =	vor.u32 s31, v8;
	v16 =	vld.idx.msk [tilespmem:v48+s14+$0x0], $0xffff  }
0x387: {  	s26 =	smov.u32 s25;
	v21 =	vor.u32 s31, v9;
	v18 =	vld.idx.msk [tilespmem:v49+s14+$0x0], $0xffff  }
0x388: {  	s24 =	smov.u32 s26;
	v51 =	vor.u32 v52, v36;
	v52 =	vor.u32 s31, v10;
	v1 =	vld.idx.msk [tilespmem:v1+s14+$0x0], $0xffff  }
0x389: {  	v61 =	vld [tilespmem:$0x1FF50];
	v59 =	vor.u32 s24, v34  }
0x38a: {  	v63 =	vld [tilespmem:$0x1FF70];
	v56 =	vor.u32 v53, v36;
	v57 =	vor.u32 v54, v36;
	v37 =	vand.u32 $0x7F, v59;
	[tilespmem:v50+s16+$0x0] =	vst.idx.msk $0xffff, v15  }
0x38b: {  	v62 =	vld [tilespmem:$0x1FF60];
	v45 =	vor.u32 s31, v14;
	v47 =	vor.u32 s31, v12;
	v46 =	vor.u32 s31, v13;
	[tilespmem:v19+s16+$0x0] =	vst.idx.msk $0xffff, v16  }
0x38c: {  	v15 =	vor.u32 v55, v36;
	v16 =	vor.u32 s24, v58;
	v19 =	vor.u32 s24, v30;
	[tilespmem:v21+s16+$0x0] =	vst.idx.msk $0xffff, v18;
	v21 =	vld [tilespmem:$0x1FFD0]  }
0x38d: {  	v18 =	vmov s24;
	v38 =	vand.u32 $0x7F, v19;
	v19 =	vlaneseq.u32;
	[tilespmem:v52+s16+$0x0] =	vst.idx.msk $0xffff, v1  }
0x38e: {  	p1 =	sne.s32 s25, $0x170;
	v1 =	vor.u32 s31, v11;
	v18 =	vshll.u32 v18, $0x3;
	v19 =	vor.u32 s24, v19;
	v17 =	vld.idx.msk [tilespmem:v51+s14+$0x0], $0xffff  }
.Ltmp7:
0x38f: {  	v40 =	vand.u32 $0x7F, v16;
	v18 =	vand.u32 $0xC00, v18;
	v41 =	vand.u32 $0x7F, v19;
	(pc) =	sbr.rel @p1 .LBB2_7-.Ltmp7, $4  }
0x390: {  	v49 =	vld.idx.msk [tilespmem:v57+s14+$0x0], $0xffff;
	v57 =	vadd.s32 v61, v18;
	v44 =	vadd.s32 v62, v18;
	v42 =	vadd.s32 v63, v18  }
0x391: {  	v36 =	vadd.s32 v29, v18;
	v50 =	vor.u32 v40, v57;
	v21 =	vor.u32 s24, v21  }
0x392: {  	v60 =	vmovc v26;
	v48 =	vld.idx.msk [tilespmem:v56+s14+$0x0], $0xffff;
	v54 =	vor.u32 v41, v57;
	v51 =	vor.u32 v38, v57;
	v39 =	vand.u32 $0x7F, v21  }
0x393: {  	s25 =	sadd.s32 $0x10, s25;
	v52 =	vld.idx.msk [tilespmem:v15+s14+$0x0], $0xffff;
	v43 =	vor.u32 v37, v42;
	v53 =	vor.u32 v39, v57;
	[tilespmem:v1+s16+$0x0] =	vst.idx.msk $0xffff, v17  }
0x394: {  	_ =	sdelay $0x3  }
0x395: {  	[tilespmem:v47+s16+$0x0] =	vst.idx.msk $0xffff, v48  }
0x396: {  	[tilespmem:v46+s16+$0x0] =	vst.idx.msk $0xffff, v49  }
0x397: {  	s23 =	sadd.s32 $0x400, s23;
	[tilespmem:v45+s16+$0x0] =	vst.idx.msk $0xffff, v52  }
0x398: {  	v15 =	vor.u32 s23, v24;
	v1 =	vld.idx.msk [tilespmem:v54+s14+$0x0], $0xffff  }
0x399: {  	v17 =	vor.u32 s23, v2;
	v16 =	vld.idx.msk [tilespmem:v50+s14+$0x0], $0xffff  }
0x39a: {  	v21 =	vor.u32 s24, v31;
	v19 =	vor.u32 s23, v3;
	v18 =	vld.idx.msk [tilespmem:v53+s14+$0x0], $0xffff  }
0x39b: {  	v45 =	vand.u32 $0x7F, v21;
	v21 =	vor.u32 s24, v32;
	v48 =	vld.idx.msk [tilespmem:v51+s14+$0x0], $0xffff;
	v54 =	vor.u32 s23, v4  }
0x39c: {  	v55 =	vor.u32 v45, v57;
	v46 =	vand.u32 $0x7F, v21;
	v21 =	vor.u32 s24, v33  }
0x39d: {  	v56 =	vor.u32 v46, v57;
	v47 =	vand.u32 $0x7F, v21;
	[tilespmem:v15+s16+$0x0] =	vst.idx.msk $0xffff, v1  }
0x39e: {  	v1 =	vor.u32 v47, v57;
	[tilespmem:v17+s16+$0x0] =	vst.idx.msk $0xffff, v16  }
0x39f: {  	v15 =	vor.u32 v37, v57;
	[tilespmem:v19+s16+$0x0] =	vst.idx.msk $0xffff, v18  }
0x3a0: {  	[tilespmem:v54+s16+$0x0] =	vst.idx.msk $0xffff, v48  }
0x3a1: {  	v17 =	vor.u32 s23, v20;
	v16 =	vld.idx.msk [tilespmem:v55+s14+$0x0], $0xffff  }
0x3a2: {  	v19 =	vor.u32 s23, v0;
	v18 =	vld.idx.msk [tilespmem:v56+s14+$0x0], $0xffff  }
0x3a3: {  	v52 =	vor.u32 s23, v5;
	v21 =	vor.u32 s24, v28;
	v1 =	vld.idx.msk [tilespmem:v1+s14+$0x0], $0xffff  }
0x3a4: {  	v53 =	vor.u32 s23, v6;
	v48 =	vand.u32 $0x7F, v21;
	v21 =	vor.u32 s24, v35;
	v15 =	vld.idx.msk [tilespmem:v15+s14+$0x0], $0xffff  }
0x3a5: {  	v58 =	vor.u32 s24, v22;
	v59 =	vor.u32 v48, v57;
	v49 =	vand.u32 $0x7F, v21  }
0x3a6: {  	v50 =	vand.u32 $0x7F, v58;
	v21 =	vor.u32 s24, v23;
	v55 =	vor.u32 v49, v57;
	[tilespmem:v17+s16+$0x0] =	vst.idx.msk $0xffff, v16  }
0x3a7: {  	v51 =	vand.u32 $0x7F, v21;
	v21 =	vor.u32 s24, v25;
	v16 =	vor.u32 v50, v57;
	[tilespmem:v19+s16+$0x0] =	vst.idx.msk $0xffff, v18  }
0x3a8: {  	v17 =	vor.u32 v51, v57;
	[tilespmem:v52+s16+$0x0] =	vst.idx.msk $0xffff, v1;
	v52 =	vand.u32 $0x7F, v21;
	v21 =	vld [tilespmem:$0x1FFB0]  }
0x3a9: {  	[tilespmem:v53+s16+$0x0] =	vst.idx.msk $0xffff, v15  }
0x3aa: {  	v15 =	vor.u32 s23, v7;
	v1 =	vld.idx.msk [tilespmem:v59+s14+$0x0], $0xffff  }
0x3ab: {  	v19 =	vor.u32 s23, v8;
	v18 =	vld.idx.msk [tilespmem:v55+s14+$0x0], $0xffff  }
0x3ac: {  	v56 =	vor.u32 s23, v9;
	v16 =	vld.idx.msk [tilespmem:v16+s14+$0x0], $0xffff  }
0x3ad: {  	v58 =	vor.u32 s23, v10;
	v17 =	vld.idx.msk [tilespmem:v17+s14+$0x0], $0xffff;
	v21 =	vor.u32 s24, v21  }
0x3ae: {  	v54 =	vor.u32 s24, v60;
	v59 =	vor.u32 v52, v57;
	v53 =	vand.u32 $0x7F, v21  }
0x3af: {  	v54 =	vand.u32 $0x7F, v54;
	v21 =	vor.u32 s24, v27;
	v60 =	vor.u32 v53, v57;
	[tilespmem:v15+s16+$0x0] =	vst.idx.msk $0xffff, v1  }
0x3b0: {  	v1 =	vor.u32 v54, v57;
	v55 =	vand.u32 $0x7F, v21;
	[tilespmem:v19+s16+$0x0] =	vst.idx.msk $0xffff, v18  }
0x3b1: {  	v15 =	vor.u32 v55, v57;
	[tilespmem:v56+s16+$0x0] =	vst.idx.msk $0xffff, v16  }
0x3b2: {  	[tilespmem:v58+s16+$0x0] =	vst.idx.msk $0xffff, v17  }
0x3b3: {  	v17 =	vor.u32 s23, v11;
	v16 =	vld.idx.msk [tilespmem:v59+s14+$0x0], $0xffff  }
0x3b4: {  	v19 =	vor.u32 s23, v12;
	v18 =	vld.idx.msk [tilespmem:v60+s14+$0x0], $0xffff  }
0x3b5: {  	v21 =	vor.u32 s23, v13;
	v1 =	vld.idx.msk [tilespmem:v1+s14+$0x0], $0xffff  }
0x3b6: {  	v56 =	vor.u32 s23, v14;
	v15 =	vld.idx.msk [tilespmem:v15+s14+$0x0], $0xffff  }
0x3b7: {  	v57 =	vor.u32 v41, v44  }
0x3b8: {  	v58 =	vor.u32 v40, v44;
	[tilespmem:v17+s16+$0x0] =	vst.idx.msk $0xffff, v16  }
0x3b9: {  	v16 =	vor.u32 v39, v44;
	[tilespmem:v19+s16+$0x0] =	vst.idx.msk $0xffff, v18  }
0x3ba: {  	v17 =	vor.u32 v38, v44;
	[tilespmem:v21+s16+$0x0] =	vst.idx.msk $0xffff, v1  }
0x3bb: {  	s29 =	sadd.s32 $0x10, s23;
	[tilespmem:v56+s16+$0x0] =	vst.idx.msk $0xffff, v15  }
0x3bc: {  	v15 =	vor.u32 s29, v24;
	v1 =	vld.idx.msk [tilespmem:v57+s14+$0x0], $0xffff  }
0x3bd: {  	v19 =	vor.u32 s29, v2;
	v18 =	vld.idx.msk [tilespmem:v58+s14+$0x0], $0xffff  }
0x3be: {  	v21 =	vor.u32 s29, v3;
	v16 =	vld.idx.msk [tilespmem:v16+s14+$0x0], $0xffff  }
0x3bf: {  	v56 =	vor.u32 s29, v4;
	v17 =	vld.idx.msk [tilespmem:v17+s14+$0x0], $0xffff  }
0x3c0: {  	v57 =	vor.u32 v45, v44  }
0x3c1: {  	v58 =	vor.u32 v46, v44;
	[tilespmem:v15+s16+$0x0] =	vst.idx.msk $0xffff, v1  }
0x3c2: {  	v1 =	vor.u32 v47, v44;
	[tilespmem:v19+s16+$0x0] =	vst.idx.msk $0xffff, v18  }
0x3c3: {  	v15 =	vor.u32 v37, v44;
	[tilespmem:v21+s16+$0x0] =	vst.idx.msk $0xffff, v16  }
0x3c4: {  	[tilespmem:v56+s16+$0x0] =	vst.idx.msk $0xffff, v17  }
0x3c5: {  	v17 =	vor.u32 s29, v20;
	v16 =	vld.idx.msk [tilespmem:v57+s14+$0x0], $0xffff  }
0x3c6: {  	v19 =	vor.u32 s29, v0;
	v18 =	vld.idx.msk [tilespmem:v58+s14+$0x0], $0xffff  }
0x3c7: {  	v21 =	vor.u32 s29, v5;
	v1 =	vld.idx.msk [tilespmem:v1+s14+$0x0], $0xffff  }
0x3c8: {  	v56 =	vor.u32 s29, v6;
	v15 =	vld.idx.msk [tilespmem:v15+s14+$0x0], $0xffff  }
0x3c9: {  	v57 =	vor.u32 v48, v44  }
0x3ca: {  	v58 =	vor.u32 v49, v44;
	[tilespmem:v17+s16+$0x0] =	vst.idx.msk $0xffff, v16  }
0x3cb: {  	v16 =	vor.u32 v50, v44;
	[tilespmem:v19+s16+$0x0] =	vst.idx.msk $0xffff, v18  }
0x3cc: {  	v17 =	vor.u32 v51, v44;
	[tilespmem:v21+s16+$0x0] =	vst.idx.msk $0xffff, v1  }
0x3cd: {  	[tilespmem:v56+s16+$0x0] =	vst.idx.msk $0xffff, v15  }
0x3ce: {  	v15 =	vor.u32 s29, v7;
	v1 =	vld.idx.msk [tilespmem:v57+s14+$0x0], $0xffff  }
0x3cf: {  	v19 =	vor.u32 s29, v8;
	v18 =	vld.idx.msk [tilespmem:v58+s14+$0x0], $0xffff  }
0x3d0: {  	v21 =	vor.u32 s29, v9;
	v16 =	vld.idx.msk [tilespmem:v16+s14+$0x0], $0xffff  }
0x3d1: {  	v56 =	vor.u32 s29, v10;
	v17 =	vld.idx.msk [tilespmem:v17+s14+$0x0], $0xffff  }
0x3d2: {  	v57 =	vor.u32 v52, v44  }
0x3d3: {  	v58 =	vor.u32 v53, v44;
	[tilespmem:v15+s16+$0x0] =	vst.idx.msk $0xffff, v1  }
0x3d4: {  	v1 =	vor.u32 v54, v44;
	[tilespmem:v19+s16+$0x0] =	vst.idx.msk $0xffff, v18  }
0x3d5: {  	v15 =	vor.u32 v55, v44;
	[tilespmem:v21+s16+$0x0] =	vst.idx.msk $0xffff, v16  }
0x3d6: {  	[tilespmem:v56+s16+$0x0] =	vst.idx.msk $0xffff, v17  }
0x3d7: {  	v17 =	vor.u32 s29, v11;
	v16 =	vld.idx.msk [tilespmem:v57+s14+$0x0], $0xffff  }
0x3d8: {  	v19 =	vor.u32 s29, v12;
	v18 =	vld.idx.msk [tilespmem:v58+s14+$0x0], $0xffff  }
0x3d9: {  	v21 =	vor.u32 s29, v13;
	v1 =	vld.idx.msk [tilespmem:v1+s14+$0x0], $0xffff  }
0x3da: {  	v44 =	vor.u32 s29, v14;
	v15 =	vld.idx.msk [tilespmem:v15+s14+$0x0], $0xffff  }
0x3db: {  	v56 =	vor.u32 v41, v42  }
0x3dc: {  	[tilespmem:v17+s16+$0x0] =	vst.idx.msk $0xffff, v16;
	v16 =	vor.u32 v40, v42  }
0x3dd: {  	v17 =	vor.u32 v39, v42;
	[tilespmem:v19+s16+$0x0] =	vst.idx.msk $0xffff, v18  }
0x3de: {  	v18 =	vor.u32 v38, v42;
	[tilespmem:v21+s16+$0x0] =	vst.idx.msk $0xffff, v1  }
0x3df: {  	s30 =	sadd.s32 $0x20, s23;
	[tilespmem:v44+s16+$0x0] =	vst.idx.msk $0xffff, v15  }
0x3e0: {  	v15 =	vor.u32 s30, v24;
	v1 =	vld.idx.msk [tilespmem:v56+s14+$0x0], $0xffff  }
0x3e1: {  	v19 =	vor.u32 s30, v2;
	v16 =	vld.idx.msk [tilespmem:v16+s14+$0x0], $0xffff  }
0x3e2: {  	v21 =	vor.u32 s30, v3;
	v17 =	vld.idx.msk [tilespmem:v17+s14+$0x0], $0xffff  }
0x3e3: {  	v44 =	vor.u32 s30, v4;
	v18 =	vld.idx.msk [tilespmem:v18+s14+$0x0], $0xffff  }
0x3e4: {  	v56 =	vor.u32 v45, v42  }
0x3e5: {  	v57 =	vor.u32 v46, v42;
	[tilespmem:v15+s16+$0x0] =	vst.idx.msk $0xffff, v1  }
0x3e6: {  	v1 =	vor.u32 v47, v42;
	[tilespmem:v19+s16+$0x0] =	vst.idx.msk $0xffff, v16  }
0x3e7: {  	[tilespmem:v21+s16+$0x0] =	vst.idx.msk $0xffff, v17  }
0x3e8: {  	[tilespmem:v44+s16+$0x0] =	vst.idx.msk $0xffff, v18  }
0x3e9: {  	v16 =	vor.u32 s30, v20;
	v15 =	vld.idx.msk [tilespmem:v56+s14+$0x0], $0xffff  }
0x3ea: {  	v18 =	vor.u32 s30, v0;
	v17 =	vld.idx.msk [tilespmem:v57+s14+$0x0], $0xffff  }
0x3eb: {  	v19 =	vor.u32 s30, v5;
	v1 =	vld.idx.msk [tilespmem:v1+s14+$0x0], $0xffff  }
0x3ec: {  	v21 =	vld.idx.msk [tilespmem:v43+s14+$0x0], $0xffff;
	v43 =	vor.u32 s30, v6  }
0x3ed: {  	v44 =	vor.u32 v48, v42  }
0x3ee: {  	v56 =	vor.u32 v49, v42;
	[tilespmem:v16+s16+$0x0] =	vst.idx.msk $0xffff, v15  }
0x3ef: {  	v15 =	vor.u32 v50, v42;
	[tilespmem:v18+s16+$0x0] =	vst.idx.msk $0xffff, v17  }
0x3f0: {  	v16 =	vor.u32 v51, v42;
	[tilespmem:v19+s16+$0x0] =	vst.idx.msk $0xffff, v1  }
0x3f1: {  	[tilespmem:v43+s16+$0x0] =	vst.idx.msk $0xffff, v21  }
0x3f2: {  	v17 =	vor.u32 s30, v7;
	v1 =	vld.idx.msk [tilespmem:v44+s14+$0x0], $0xffff  }
0x3f3: {  	v19 =	vor.u32 s30, v8;
	v18 =	vld.idx.msk [tilespmem:v56+s14+$0x0], $0xffff  }
0x3f4: {  	v21 =	vor.u32 s30, v9;
	v15 =	vld.idx.msk [tilespmem:v15+s14+$0x0], $0xffff  }
0x3f5: {  	v43 =	vor.u32 s30, v10;
	v16 =	vld.idx.msk [tilespmem:v16+s14+$0x0], $0xffff  }
0x3f6: {  	v44 =	vor.u32 v52, v42  }
0x3f7: {  	v56 =	vor.u32 v53, v42;
	[tilespmem:v17+s16+$0x0] =	vst.idx.msk $0xffff, v1  }
0x3f8: {  	v1 =	vor.u32 v54, v42;
	[tilespmem:v19+s16+$0x0] =	vst.idx.msk $0xffff, v18  }
0x3f9: {  	v17 =	vor.u32 v55, v42;
	[tilespmem:v21+s16+$0x0] =	vst.idx.msk $0xffff, v15  }
0x3fa: {  	[tilespmem:v43+s16+$0x0] =	vst.idx.msk $0xffff, v16  }
0x3fb: {  	v16 =	vor.u32 s30, v11;
	v15 =	vld.idx.msk [tilespmem:v44+s14+$0x0], $0xffff  }
0x3fc: {  	v19 =	vor.u32 s30, v12;
	v18 =	vld.idx.msk [tilespmem:v56+s14+$0x0], $0xffff  }
0x3fd: {  	v21 =	vor.u32 s30, v13;
	v1 =	vld.idx.msk [tilespmem:v1+s14+$0x0], $0xffff  }
0x3fe: {  	v57 =	vor.u32 s30, v14;
	v17 =	vld.idx.msk [tilespmem:v17+s14+$0x0], $0xffff  }
0x3ff: {  	v58 =	vor.u32 v41, v36  }
0x400: {  	v59 =	vor.u32 v40, v36;
	[tilespmem:v16+s16+$0x0] =	vst.idx.msk $0xffff, v15  }
0x401: {  	v15 =	vor.u32 v39, v36;
	[tilespmem:v19+s16+$0x0] =	vst.idx.msk $0xffff, v18  }
0x402: {  	v16 =	vor.u32 v38, v36;
	[tilespmem:v21+s16+$0x0] =	vst.idx.msk $0xffff, v1  }
0x403: {  	s23 =	sadd.s32 $0x30, s23;
	[tilespmem:v57+s16+$0x0] =	vst.idx.msk $0xffff, v17  }
0x404: {  	v17 =	vor.u32 s23, v24;
	v1 =	vld.idx.msk [tilespmem:v58+s14+$0x0], $0xffff  }
0x405: {  	v19 =	vor.u32 s23, v2;
	v18 =	vld.idx.msk [tilespmem:v59+s14+$0x0], $0xffff  }
0x406: {  	v21 =	vor.u32 s23, v3;
	v15 =	vld.idx.msk [tilespmem:v15+s14+$0x0], $0xffff  }
0x407: {  	v44 =	vor.u32 s23, v4;
	v16 =	vld.idx.msk [tilespmem:v16+s14+$0x0], $0xffff  }
0x408: {  	v45 =	vor.u32 v45, v36  }
0x409: {  	v46 =	vor.u32 v46, v36;
	[tilespmem:v17+s16+$0x0] =	vst.idx.msk $0xffff, v1  }
0x40a: {  	v1 =	vor.u32 v47, v36;
	[tilespmem:v19+s16+$0x0] =	vst.idx.msk $0xffff, v18  }
0x40b: {  	v17 =	vor.u32 v37, v36;
	[tilespmem:v21+s16+$0x0] =	vst.idx.msk $0xffff, v15  }
0x40c: {  	[tilespmem:v44+s16+$0x0] =	vst.idx.msk $0xffff, v16  }
0x40d: {  	v16 =	vor.u32 s23, v20;
	v15 =	vld.idx.msk [tilespmem:v45+s14+$0x0], $0xffff  }
0x40e: {  	v19 =	vor.u32 s23, v0;
	v18 =	vld.idx.msk [tilespmem:v46+s14+$0x0], $0xffff  }
0x40f: {  	v21 =	vor.u32 s23, v5;
	v1 =	vld.idx.msk [tilespmem:v1+s14+$0x0], $0xffff  }
0x410: {  	v47 =	vor.u32 s23, v6;
	v17 =	vld.idx.msk [tilespmem:v17+s14+$0x0], $0xffff  }
0x411: {  	v48 =	vor.u32 v48, v36  }
0x412: {  	v49 =	vor.u32 v49, v36;
	[tilespmem:v16+s16+$0x0] =	vst.idx.msk $0xffff, v15  }
0x413: {  	v15 =	vor.u32 v50, v36;
	[tilespmem:v19+s16+$0x0] =	vst.idx.msk $0xffff, v18  }
0x414: {  	v16 =	vor.u32 v51, v36;
	[tilespmem:v21+s16+$0x0] =	vst.idx.msk $0xffff, v1  }
0x415: {  	[tilespmem:v47+s16+$0x0] =	vst.idx.msk $0xffff, v17  }
0x416: {  	v17 =	vor.u32 s23, v7;
	v1 =	vld.idx.msk [tilespmem:v48+s14+$0x0], $0xffff  }
0x417: {  	v19 =	vor.u32 s23, v8;
	v18 =	vld.idx.msk [tilespmem:v49+s14+$0x0], $0xffff  }
0x418: {  	v21 =	vor.u32 s23, v9;
	v15 =	vld.idx.msk [tilespmem:v15+s14+$0x0], $0xffff  }
0x419: {  	v56 =	vor.u32 s23, v10;
	v16 =	vld.idx.msk [tilespmem:v16+s14+$0x0], $0xffff  }
0x41a: {  	v57 =	vor.u32 v52, v36  }
0x41b: {  	v58 =	vor.u32 v53, v36;
	[tilespmem:v17+s16+$0x0] =	vst.idx.msk $0xffff, v1  }
0x41c: {  	v1 =	vor.u32 v54, v36;
	[tilespmem:v19+s16+$0x0] =	vst.idx.msk $0xffff, v18  }
0x41d: {  	v17 =	vor.u32 v55, v36;
	[tilespmem:v21+s16+$0x0] =	vst.idx.msk $0xffff, v15  }
0x41e: {  	[tilespmem:v56+s16+$0x0] =	vst.idx.msk $0xffff, v16  }
0x41f: {  	v15 =	vor.u32 s23, v11;
	v16 =	vld.idx.msk [tilespmem:v57+s14+$0x0], $0xffff  }
0x420: {  	v18 =	vor.u32 s23, v12;
	v19 =	vld.idx.msk [tilespmem:v58+s14+$0x0], $0xffff  }
0x421: {  	v21 =	vor.u32 s23, v13;
	v1 =	vld.idx.msk [tilespmem:v1+s14+$0x0], $0xffff  }
0x422: {  	v59 =	vor.u32 s23, v14;
	v17 =	vld.idx.msk [tilespmem:v17+s14+$0x0], $0xffff;
	_ =	sdelay $0x1  }
0x423: {  	s31 =	sadd.s32 s4, s22;
	s24 =	sadd.s32 $0x2, s22;
	[tilespmem:v15+s16+$0x0] =	vst.idx.msk $0xffff, v16  }
0x424: {  	p1 =	sge.u32 s24, s7;
	s23 =	smul.u32 $0xC00, s31;
	[tilespmem:v18+s16+$0x0] =	vst.idx.msk $0xffff, v19  }
.Ltmp8:
0x425: {  	s24 =	sadd.s32 @!p1 s4, s24;
	[tilespmem:v21+s16+$0x0] =	vst.idx.msk $0xffff, v1;
	(pc) =	sbr.rel .LBB2_9-.Ltmp8, $4  }
0x426: {  	s25 =	simm.s32 @!p1 $0x7A1400;
	s24 =	smul.u32 @!p1 $0x180, s24;
	s23 =	sadd.s32 s6, s23;
	[tilespmem:v59+s16+$0x0] =	vst.idx.msk $0xffff, v17  }
0x427: {  	v54 =	vld [tilespmem:$0x1FFB0];
	[hbm4b:s23+s3] =	stream.linear.scatter [tilespmem:s16], [sflag:$0x4], $0x6000, $0x38  }
0x428: {  	s26 =	simm.s32 @!p1 $0x6000;
	v18 =	vld [tilespmem:$0x1FFC0];
	s23 =	sadd.s32 @!p1 s1, s24;
	s24 =	simm.s32 @!p1 $0xC00  }
0x429: {  	v60 =	vmovc v26;
	v26 =	vlaneseq.u32;
	v56 =	vmov v29;
	v19 =	vld [tilespmem:$0x1FFD0];
	v59 =	vmov v23;
	[tilespmem:s26], [sflag:$0x2] =	stream.strided.gather @!p1 [hbm4b:s23+s24], $0x6000, s25, s24, $0x38  }
.LBB2_11:
0x42a: {  	_ =	sfence.sel $0x180000  }
0x42b: {  	[bflag:$0x0] =	sbarrier.arrive $0xFFFF  }
0x42c: {  	p0 =	sne.s32 s0, $0x0;
	_ =	strace $0x90000047  }
0x42d: {  	s0 =	sadd.s32 @!p0 $0x100000, s2;
	[bflag:$0x2] =	sbarrier.arrive $0xFFFF  }
0x42e: {  	[sflag:s0] =	ssyncadd.tile.s32 @!p0 $0x1;
	_ =	shalt  }
.Lfunc_end2:
_tile_overlayer_lowered:
.L_overlay_start_2:
0x42f: {  	(tag) =	ssettag $0x2  }
0x430: {  	s0 =	rddreg [dreg:$0x0];
	s2 =	stileid.u32  }
0x431: {  	s1 =	rddreg [dreg:$0x1];
	p0 =	sne.s32 s2, $0x0  }
0x432: {  	s3 =	rddreg [dreg:$0x2];
	[bflag:$0x3] =	sbarrier.arrive $0xFFFF;
	s2 =	simm.s32 @!p0 $0x1C05  }
0x433: {  	[timem:s3], [sflag:s2] =	dma.local @!p0 [hbm:s0], s1  }
0x434: {  	s0 =	simm.s32 @!p0 $0x5  }
0x435: {  	_ =	swait.ge @!p0 [sflag:s0], s1  }
0x436: {  	s1 =	ssub.s32 @!p0 $0x0, s1;
	[sflag:s0] =	ssyncset.done @!p0 $0x0  }
0x437: {  	[sflag:s0] =	ssyncadd.s32 @!p0 s1  }
0x438: {  	[bflag:$0x3] =	sbarrier.arrive $0xFFFF  }
0x439: {  	_ =	shalt  }

// kernel: kernel.7.cloned.1.call-start
scs
__scs_entry_jumppad:
0x0: {  	(pc) =	sbr.rel $0x88, $3  }
0x1: {  	(tag) =	ssettag $0x0;
	lr =	simm.s32 $0x1  }
0x2: {  	[smem:$0x3F9F] =	sst lr;
	_ =	strace $0xD0000000  }
0x3: {  	_ = 	snop  }
0x4: {  	_ = 	snop  }
0x5: {  	_ = 	snop  }
0x6: {  	_ = 	snop  }
0x7: {  	_ = 	snop  }
__scs_overlays_trampoline_lowered:
0x8: {  	[smem:$0x3FAE] =	sst s0  }
0x9: {  	[smem:$0x3FAF] =	sst s1  }
0xa: {  	[smem:$0x3FB0] =	sst s2  }
0xb: {  	[smem:$0x3FB1] =	sst s3  }
0xc: {  	[smem:$0x3FB2] =	sst s4  }
0xd: {  	[smem:$0x3FB3] =	sst s5  }
0xe: {  	[smem:$0x3FB4] =	sst s6  }
0xf: {  	[smem:$0x3FB5] =	sst s7  }
0x10: {  	[smem:$0x3FB6] =	sst s8  }
0x11: {  	[smem:$0x3FB7] =	sst s9;
	s0 =	simm.s32 @!p0 $0x0  }
0x12: {  	s1 =	sld [smem:$0x3F9D];
	s0 =	simm.s32 @p0 $0x1  }
0x13: {  	[smem:$0x3FB8] =	sst s0;
	s0 =	simm.s32 @!p1 $0x0  }
0x14: {  	s2 =	sld [smem:$0x3F9C];
	s0 =	simm.s32 @p1 $0x1  }
0x15: {  	[smem:$0x3FB9] =	sst s0;
	s0 =	simm.s32 @!p2 $0x0  }
0x16: {  	s3 =	sld [smem:$0x3FDB];
	s0 =	simm.s32 @p2 $0x1  }
0x17: {  	s4 =	simm.s32 $0x1BF5;
	[smem:$0x3FBB] =	sst s0  }
0x18: {  	s0 =	sld [smem:$0x3F9E];
	_ =	swait.ge [sflag:s4], $0x0  }
0x19: {  	s7 =	sld [smem:$0x3F9F]  }
0x1a: {  	s8 =	sadd.s32 $0xFFFFE003, lr  }
0x1b: {  	s9 =	sadd.s32 $0xFFFFFEF7, lr;
	s5 =	simm.s32 $0xFFFFFFFF;
	p2 =	slt.u32 s8, $0xFFFFF086  }
0x1c: {  	p1 =	slt.u32 s9, $0xF7A;
	s5 =	simm.s32 @!p2 $0x0  }
0x1d: {  	s5 =	simm.s32 @p1 $0x1;
	p0 =	seq.s32 s7, s2  }
0x1e: {  	s7 =	smul.u32 @!p0 $0xF7A, s2;
	p2 =	seq.s32 @!p0 s5, $0x0  }
0x1f: {  	s9 =	smul.u32 $0xF7A, s1;
	s8 =	simm.s32 @!p0 $0x1BF5;
	p2 =	por !p2, p0  }
0x20: {  	[sflag:s8] =	ssyncset.s32 @!p0 $0xFFFFF086;
	s6 =	sadd.s32 @!p0 s3, s7;
	s7 =	simm.s32 @!p0 $0x108  }
0x21: {  	s3 =	sadd.s32 s3, s9;
	s6 =	sadd.s32 @!p0 $0x88, s6;
	s7 =	simm.s32 @p2 $0x1082  }
0x22: {  	[simem:s7], [sflag:s8] =	dma.local @!p0 [hbm:s6], $0xF7A  }
0x23: {  	s9 =	sor.u32 $0xD0000000, s2;
	s6 =	simm.s32 $0x108;
	_ =	swait.ge @!p0 [sflag:s8], $0x0  }
0x24: {  	s3 =	sadd.s32 $0x88, s3;
	s6 =	simm.s32 @!p1 $0x1082;
	[sflag:s4] =	ssyncset.s32 $0xFFFFF086  }
0x25: {  	[simem:s6], [sflag:s4] =	dma.local [hbm:s3], $0xF7A  }
0x26: {  	[smem:$0x3F9F] =	sst s1;
	(tag) =	ssettag s2;
	_ =	strace s9  }
0x27: {  	s1 =	sld [smem:$0x3FAF]  }
0x28: {  	s2 =	sld [smem:$0x3FB0]  }
0x29: {  	s4 =	sld [smem:$0x3FB2]  }
0x2a: {  	p0 =	seq.s32 s5, $0x0;
	s5 =	sld [smem:$0x3FB3]  }
0x2b: {  	s6 =	sld [smem:$0x3FB4]  }
0x2c: {  	s7 =	sld [smem:$0x3FB5]  }
0x2d: {  	s3 =	simm.s32 $0x108;
	s8 =	sld [smem:$0x3FB6]  }
0x2e: {  	s3 =	simm.s32 @!p0 $0x1082;
	s9 =	sld [smem:$0x3FB7]  }
0x2f: {  	lr =	sadd.s32 s0, s3;
	s0 =	sld [smem:$0x3FAE]  }
0x30: {  	s3 =	sld [smem:$0x3FB1]  }
0x31: {  	[smem:$0x3FBA] =	sst s10  }
0x32: {  	s10 =	sld [smem:$0x3FB8];
	_ =	sdelay $0x3  }
0x33: {  	p0 =	seq.s32 s10, $0x1;
	s10 =	sld [smem:$0x3FBA];
	_ =	sdelay $0x3  }
0x34: {  	[smem:$0x3FBA] =	sst s10  }
0x35: {  	s10 =	sld [smem:$0x3FB9];
	_ =	sdelay $0x3  }
0x36: {  	p1 =	seq.s32 s10, $0x1;
	s10 =	sld [smem:$0x3FBA];
	_ =	sdelay $0x3  }
0x37: {  	[smem:$0x3FBA] =	sst s10  }
0x38: {  	s10 =	sld [smem:$0x3FBB]  }
0x39: {  	_ = 	snop;
	(pc) =	sbr.ind lr, $3  }
0x3a: {  	_ = 	snop  }
0x3b: {  	_ = 	snop  }
0x3c: {  	p2 =	seq.s32 s10, $0x1;
	s10 =	sld [smem:$0x3FBA]  }
0x3d: {  	_ =	shalt  }
0x3e: {  	_ =	shalt  }
0x3f: {  	_ =	shalt  }
0x40: {  	_ =	shalt  }
0x41: {  	_ =	shalt  }
0x42: {  	_ =	shalt  }
0x43: {  	_ =	shalt  }
0x44: {  	_ =	shalt  }
0x45: {  	_ =	shalt  }
0x46: {  	_ =	shalt  }
0x47: {  	_ =	shalt  }
0x48: {  	_ =	shalt  }
0x49: {  	_ =	shalt  }
0x4a: {  	_ =	shalt  }
0x4b: {  	_ =	shalt  }
0x4c: {  	_ =	shalt  }
0x4d: {  	_ =	shalt  }
0x4e: {  	_ =	shalt  }
0x4f: {  	_ =	shalt  }
0x50: {  	_ =	shalt  }
0x51: {  	_ =	shalt  }
0x52: {  	_ =	shalt  }
0x53: {  	_ =	shalt  }
0x54: {  	_ =	shalt  }
0x55: {  	_ =	shalt  }
0x56: {  	_ =	shalt  }
0x57: {  	_ =	shalt  }
0x58: {  	_ =	shalt  }
0x59: {  	_ =	shalt  }
0x5a: {  	_ =	shalt  }
0x5b: {  	_ =	shalt  }
0x5c: {  	_ =	shalt  }
0x5d: {  	_ =	shalt  }
0x5e: {  	_ =	shalt  }
0x5f: {  	_ =	shalt  }
0x60: {  	_ =	shalt  }
0x61: {  	_ =	shalt  }
0x62: {  	_ =	shalt  }
0x63: {  	_ =	shalt  }
0x64: {  	_ =	shalt  }
0x65: {  	_ =	shalt  }
0x66: {  	_ =	shalt  }
0x67: {  	_ =	shalt  }
0x68: {  	_ =	shalt  }
0x69: {  	_ =	shalt  }
0x6a: {  	_ =	shalt  }
0x6b: {  	_ =	shalt  }
0x6c: {  	_ =	shalt  }
0x6d: {  	_ =	shalt  }
0x6e: {  	_ =	shalt  }
0x6f: {  	_ =	shalt  }
0x70: {  	_ =	shalt  }
0x71: {  	_ =	shalt  }
0x72: {  	_ =	shalt  }
0x73: {  	_ =	shalt  }
0x74: {  	_ =	shalt  }
0x75: {  	_ =	shalt  }
0x76: {  	_ =	shalt  }
0x77: {  	_ =	shalt  }
0x78: {  	_ =	shalt  }
0x79: {  	_ =	shalt  }
0x7a: {  	_ =	shalt  }
0x7b: {  	_ =	shalt  }
0x7c: {  	_ =	shalt  }
0x7d: {  	_ =	shalt  }
0x7e: {  	_ =	shalt  }
0x7f: {  	_ =	shalt  }
0x80: {  	_ =	shalt  }
0x81: {  	_ =	shalt  }
0x82: {  	_ =	shalt  }
0x83: {  	_ =	shalt  }
0x84: {  	_ =	shalt  }
0x85: {  	_ =	shalt  }
0x86: {  	_ =	shalt  }
0x87: {  	_ =	shalt  }
.Lfunc_end0:
.L_simem_size_0:
called_computation.2_lowered:
.L_overlay_start_0:
0x88: {  	s2 =	sld [smem:$0x3FD9]  }
0x89: {  	s3 =	sld [smem:$0x3FFE];
	_ =	sdelay $0x1  }
0x8a: {  	s1 =	srdreg.scid  }
0x8b: {  	s0 =	sand.u32 $0x1, s1  }
0x8c: {  	s17 =	sshll.u32 s0, $0xA;
	s2 =	sadd.s32 s3, s2  }
0x8d: {  	s2 =	sadd.s32 s2, s17  }
0x8e: {  	[smem:$0x3FC6] =	sst s2  }
0x8f: {  	_ = 	snop  }
0x90: {  	s2 =	sld [smem:$0x3FD0];
	(tm) =	ssettm $0x1  }
0x91: {  	s18 =	sld [smem:$0x3FFB];
	_ =	sdelay $0x3  }
0x92: {  	_ =	strace s18  }
0x93: {  	s3 =	sld [smem:$0x3FFC];
	_ =	sdelay $0x3  }
0x94: {  	_ =	strace s3  }
0x95: {  	s3 =	sld [smem:$0x3FFD];
	_ =	sdelay $0x3  }
0x96: {  	_ =	strace s3  }
0x97: {  	_ =	strace $0x8FFFFFFF  }
0x98: {  	s19 =	sld [smem:$0x3FDB];
	_ =	sdelay $0x1  }
0x99: {  	s4 =	simm.s32 $_scs_section_size  }
0x9a: {  	s5 =	simm.s32 $_size__tile_overlayer_lowered;
	s6 =	simm.s32 $_tile_overlayer_lowered  }
0x9b: {  	s22 =	simm.s32 $0x1BFF;
	s21 =	sshll.u32 s6, $0x1;
	s3 =	sadd.s32 s4, s19  }
0x9c: {  	s7 =	simm.s32 $0x0;
	s20 =	sshll.u32 s5, $0x1;
	s5 =	sadd.s32 s21, s3  }
0x9d: {  	[timem:s7], [sflag:s22] =	dma.local [hbm:s5], s20  }
0x9e: {  	_ =	swait.ge [sflag:s22], s20  }
0x9f: {  	s4 =	ssub.s32 $0x0, s20;
	[sflag:s22] =	ssyncset.done $0x0  }
0xa0: {  	[sflag:s22] =	ssyncadd.s32 s4;
	_ =	sdelay $0x1  }
0xa1: {  	s23 =	simm.s32 $0x1B8B  }
0xa2: {  	_ =	swait.ge [sflag:s23], $0x1  }
0xa3: {  	[sflag:s23] =	ssyncset.done $0x0  }
0xa4: {  	s25 =	simm.s32 $0x1B8E;
	s24 =	sld [smem:$0x3FFE];
	[sflag:s23] =	ssyncadd.s32 $0xFFFFFFFF  }
0xa5: {  	s26 =	simm.s32 $execute0_lowered;
	[smem:$0x3FD2] =	sst s25  }
0xa6: {  	s5 =	sshll.u32 s26, $0x1;
	_ =	strace $0x80000049;
	[dreg:$0x1] =	wrdreg $0xFFFFFFFF  }
0xa7: {  	s28 =	simm.s32 $_size_execute0_lowered;
	s3 =	sadd.s32 s3, s5;
	[dreg:$0x0] =	wrdreg $0x0  }
0xa8: {  	s5 =	sshll.u32 s28, $0x1;
	[dreg:$0x2] =	wrdreg s3  }
0xa9: {  	[dreg:$0x3] =	wrdreg s5  }
0xaa: {  	[dreg:$0x4] =	wrdreg $0xC0  }
0xab: {  	_ =	task [dreg:s7], $0x5FFFF  }
0xac: {  	[dreg:$0x1] =	wrdreg $0xFFFFFFFF  }
0xad: {  	[dreg:$0x0] =	wrdreg $0x60  }
0xae: {  	[dreg:$0x2] =	wrdreg s2  }
0xaf: {  	[dreg:$0x3] =	wrdreg s24  }
0xb0: {  	[dreg:$0x4] =	wrdreg $0x9  }
0xb1: {  	_ =	task.clear_ibuf [dreg:s7], $0x5FFFF;
	_ =	strace $0x90000049  }
0xb2: {  	s29 =	simm.s32 $0x9;
	_ =	strace $0x8000004B  }
0xb3: {  	_ =	swait.ge [sflag:s29], $0x1  }
0xb4: {  	[sflag:s29] =	ssyncadd.s32 $0xFFFFFFFF  }
0xb5: {  	_ =	strace $0x9000004B  }
0xb6: {  	_ =	sfence  }
0xb7: {  	s30 =	sld [smem:$0x0];
	_ =	sdelay $0x2  }
0xb8: {  	s31 =	sshll.u32 s1, $0xD;
	s1 =	sshrl.u32 s1, $0x2  }
0xb9: {  	s3 =	sand.u32 $0x4000, s31;
	s1 =	sadd.s32 s1, s30  }
0xba: {  	s0 =	sor.u32 s3, s0;
	s1 =	sshll.u32 s1, $0x11  }
0xbb: {  	s0 =	sor.u32 s1, s0  }
0xbc: {  	s0 =	sadd.s32 $0x8F2B, s0  }
0xbd: {  	[sflag:s0] =	ssyncadd.remote.s32 $0x1  }
0xbe: {  	_ =	sfence.sel $0xFFFF  }
0xbf: {  	[dreg:$0x0] =	wrdreg $0xFFFFFFFF;
	(pc) =	sbr.abs _section_cstart, $3  }
0xc0: {  	[dreg:$0x1] =	wrdreg $0xFFFFFFFF  }
0xc1: {  	_ =	task.clear_ibuf [dreg:s7], $0x2FFFF;
	_ =	strace $0x9FFFFFFF  }
0xc2: {  	(tm) =	ssettm $0x7FFFFFFF  }
0xc3: {  	_ =	shalt  }
tec
execute0_lowered:
.L_overlay_start_1:
0x0: {  	(tag) =	ssettag $0x1  }
0x1: {  	s1 =	srdreg.scid;
	s4 =	rddreg [dreg:$0x0]  }
0x2: {  	s0 =	stileid.u32;
	s5 =	rddreg [dreg:$0x1];
	s13 =	simm.s32 $0x6400  }
0x3: {  	s14 =	simm.s32 $0xE400;
	s15 =	simm.s32 $0x1;
	s16 =	simm.s32 $0x40  }
0x4: {  	s17 =	simm.s32 $0x1C00;
	s18 =	simm.s32 $0x3;
	s19 =	simm.s32 $0x2  }
0x5: {  	s20 =	simm.s32 $0x4;
	s21 =	simm.s32 $0x0;
	s3 =	sand.u32 $0x1, s1  }
0x6: {  	s26 =	sshll.u32 s0, $0xA;
	s1 =	rddreg [dreg:$0x2];
	s9 =	smul.u32 $0x700000, s0  }
0x7: {  	s12 =	sadd.s32 $0x7A2200, s5;
	s2 =	sshll.u32 s3, $0x9;
	s8 =	ssub.s32 $0x2, s3  }
0x8: {  	s11 =	smul.u32 $0x380000, s3;
	s3 =	sadd.s32 $0x1000, s5;
	s6 =	sor.u32 s2, s26  }
0x9: {  	s2 =	simm.s32 $0x0;
	s10 =	sshrl.u32 s8, $0x1;
	s7 =	smul.u32 $0x380, s6  }
0xa: {  	[smem:$0x7FF] =	sst s2;
	s8 =	ssub.s32 s8, s10;
	s28 =	sshrl.u32 s6, $0x3  }
0xb: {  	s30 =	sadd.s32 s11, s9;
	s10 =	simm.s32 $0x200;
	s11 =	simm.s32 $0x4000  }
0xc: {  	_ =	strace $0x8000004A;
	s4 =	sadd.s32 s4, s28;
	s9 =	sor.u32 $0x80, s30  }
0xd: {  	s31 =	sshrl.u32 s30, $0x3;
	s29 =	sadd.s32 s7, s12;
	s9 =	sshrl.u32 s9, $0x3  }
0xe: {  	s7 =	smax.u32 s8, $0x1;
	s5 =	sadd.s32 $0x300, s29;
	s6 =	sadd.s32 $0x310, s29  }
0xf: {  	s8 =	sadd.s32 s9, s12;
	s9 =	sadd.s32 s31, s12;
	s12 =	simm.s32 $0x5  }
.LBB2_1:
0x10: {  	[tilespmem:s2], [sflag:$0x5] =	stream.strided.gather [hbm4b:s4+s10], $0x6400, s11, s10, $0x38;
	[tilespmem:$0x16400] =	vst v63  }
0x11: {  	_ =	swait.ge [sflag:s12], $0x6400  }
0x12: {  	[sflag:s12] =	ssyncset.done $0x0  }
0x13: {  	[sflag:s12] =	ssyncadd.s32 $0xFFFF9C00  }
0x14: {  	[tilespmem:s13], [sflag:$0x1] =	stream.indirect.gather [hbm4b:s3+s10], $0x40, s2, s10, $0xb8;
	[tilespmem:$0x16400] =	vst v63  }
0x15: {  	_ = 	snop  }
0x16: {  	[tilespmem:s14], [sflag:$0x2] =	stream.indirect.gather [hbm4b:s3+s10], $0x40, s10, s10, $0xb8;
	[tilespmem:$0x16400] =	vst v63  }
0x17: {  	_ =	swait.ge [sflag:s15], $0x8000  }
0x18: {  	[sflag:s15] =	ssyncset.done $0x0  }
0x19: {  	s22 =	sadd.s32 $0x0, s9;
	[sflag:s15] =	ssyncadd.s32 $0xFFFF8000  }
0x1a: {  	[hbm4b:s22+s16] =	stream.strided.scatter [tilespmem:s13], [sflag:$0x3], $0x8000, s17, s16, $0x38;
	[tilespmem:$0x16400] =	vst v63  }
0x1b: {  	_ =	swait.ge [sflag:s18], $0x8000  }
0x1c: {  	[sflag:s18] =	ssyncset.done $0x0  }
0x1d: {  	s30 =	simm.s32 $0x400;
	[sflag:s18] =	ssyncadd.s32 $0xFFFF8000  }
0x1e: {  	[tilespmem:s13], [sflag:$0x1] =	stream.indirect.gather [hbm4b:s3+s10], $0x40, s30, s10, $0xb8;
	[tilespmem:$0x16400] =	vst v63  }
0x1f: {  	_ =	swait.ge [sflag:s19], $0x8000  }
0x20: {  	[sflag:s19] =	ssyncset.done $0x0  }
0x21: {  	s31 =	sadd.s32 $0x0, s8;
	[sflag:s19] =	ssyncadd.s32 $0xFFFF8000  }
0x22: {  	[hbm4b:s31+s16] =	stream.strided.scatter [tilespmem:s14], [sflag:$0x4], $0x8000, s17, s16, $0x38;
	[tilespmem:$0x16400] =	vst v63  }
0x23: {  	_ =	swait.ge [sflag:s20], $0x8000  }
0x24: {  	s23 =	simm.s32 $0x20;
	[sflag:s20] =	ssyncset.done $0x0  }
0x25: {  	s24 =	simm.s32 $0xA00;
	s22 =	simm.s32 $0x600;
	[sflag:s20] =	ssyncadd.s32 $0xFFFF8000  }
.LBB2_2:
0x26: {  	[tilespmem:s14], [sflag:$0x2] =	stream.indirect.gather [hbm4b:s3+s10], $0x40, s22, s10, $0xb8;
	[tilespmem:$0x16400] =	vst v63  }
0x27: {  	s25 =	smov.u32 s23;
	s22 =	smov.u32 s24  }
0x28: {  	p0 =	sne.s32 s23, $0x2E0;
	s23 =	sadd.s32 $0x20, s23;
	_ =	swait.ge [sflag:s15], $0x8000  }
0x29: {  	[sflag:s15] =	ssyncset.done $0x0  }
0x2a: {  	s26 =	sadd.s32 s25, s9;
	[sflag:s15] =	ssyncadd.s32 $0xFFFF8000  }
0x2b: {  	[hbm4b:s26+s16] =	stream.strided.scatter [tilespmem:s13], [sflag:$0x3], $0x8000, s17, s16, $0x38;
	[tilespmem:$0x16400] =	vst v63  }
0x2c: {  	_ =	swait.ge [sflag:s18], $0x8000  }
0x2d: {  	[sflag:s18] =	ssyncset.done $0x0  }
0x2e: {  	s26 =	sadd.s32 $0xFFFFFE00, s24;
	[sflag:s18] =	ssyncadd.s32 $0xFFFF8000  }
0x2f: {  	[tilespmem:s13], [sflag:$0x1] =	stream.indirect.gather [hbm4b:s3+s10], $0x40, s26, s10, $0xb8;
	[tilespmem:$0x16400] =	vst v63  }
0x30: {  	_ =	swait.ge [sflag:s19], $0x8000  }
0x31: {  	[sflag:s19] =	ssyncset.done $0x0  }
.Ltmp0:
0x32: {  	s25 =	sadd.s32 s25, s8;
	[sflag:s19] =	ssyncadd.s32 $0xFFFF8000;
	(pc) =	sbr.rel @p0 .LBB2_2-.Ltmp0, $4  }
0x33: {  	[hbm4b:s25+s16] =	stream.strided.scatter [tilespmem:s14], [sflag:$0x4], $0x8000, s17, s16, $0x38;
	[tilespmem:$0x16400] =	vst v63  }
0x34: {  	_ =	swait.ge [sflag:s20], $0x8000  }
0x35: {  	[sflag:s20] =	ssyncset.done $0x0  }
0x36: {  	s24 =	sadd.s32 $0x400, s24;
	[sflag:s20] =	ssyncadd.s32 $0xFFFF8000  }
0x37: {  	[tilespmem:s14], [sflag:$0x2] =	stream.indirect.gather [hbm4b:s3+s10], $0x40, s22, s10, $0xb8;
	[tilespmem:$0x16400] =	vst v63  }
0x38: {  	_ =	swait.ge [sflag:s15], $0x8000  }
0x39: {  	[sflag:s15] =	ssyncset.done $0x0  }
0x3a: {  	[sflag:s15] =	ssyncadd.s32 $0xFFFF8000  }
0x3b: {  	[hbm4b:s5+s16] =	stream.strided.scatter [tilespmem:s13], [sflag:$0x3], $0x8000, s17, s16, $0x38;
	[tilespmem:$0x16400] =	vst v63  }
0x3c: {  	_ =	swait.ge [sflag:s19], $0x8000  }
0x3d: {  	[sflag:s19] =	ssyncset.done $0x0  }
0x3e: {  	s21 =	sadd.s32 $0x1, s21;
	[sflag:s19] =	ssyncadd.s32 $0xFFFF8000  }
0x3f: {  	[hbm4b:s6+s16] =	stream.strided.scatter [tilespmem:s14], [sflag:$0x4], $0x8000, s17, s16, $0x38;
	[tilespmem:$0x16400] =	vst v63  }
0x40: {  	p0 =	sne.s32 s21, s7;
	_ =	swait.ge [sflag:s18], $0x8000  }
.Ltmp1:
0x41: {  	[sflag:s18] =	ssyncset.done $0x0;
	(pc) =	sbr.rel @p0 .LBB2_1-.Ltmp1, $4  }
0x42: {  	[sflag:s18] =	ssyncadd.s32 $0xFFFF8000  }
0x43: {  	_ =	swait.ge [sflag:s20], $0x8000  }
0x44: {  	[sflag:s20] =	ssyncset.done $0x0  }
0x45: {  	[sflag:s20] =	ssyncadd.s32 $0xFFFF8000  }
0x46: {  	_ =	sfence.sel $0x180000  }
0x47: {  	[bflag:$0x0] =	sbarrier.arrive $0xFFFF  }
0x48: {  	p0 =	sne.s32 s0, $0x0;
	_ =	strace $0x9000004A  }
0x49: {  	s0 =	sadd.s32 @!p0 $0x100000, s1;
	[bflag:$0x2] =	sbarrier.arrive $0xFFFF  }
0x4a: {  	[sflag:s0] =	ssyncadd.tile.s32 @!p0 $0x1;
	_ =	shalt  }
.Lfunc_end2:
_tile_overlayer_lowered:
.L_overlay_start_2:
0x4b: {  	(tag) =	ssettag $0x2  }
0x4c: {  	s0 =	rddreg [dreg:$0x0];
	s2 =	stileid.u32  }
0x4d: {  	s1 =	rddreg [dreg:$0x1];
	p0 =	sne.s32 s2, $0x0  }
0x4e: {  	s3 =	rddreg [dreg:$0x2];
	[bflag:$0x3] =	sbarrier.arrive $0xFFFF;
	s2 =	simm.s32 @!p0 $0x1C05  }
0x4f: {  	[timem:s3], [sflag:s2] =	dma.local @!p0 [hbm:s0], s1  }
0x50: {  	s0 =	simm.s32 @!p0 $0x5  }
0x51: {  	_ =	swait.ge @!p0 [sflag:s0], s1  }
0x52: {  	s1 =	ssub.s32 @!p0 $0x0, s1;
	[sflag:s0] =	ssyncset.done @!p0 $0x0  }
0x53: {  	[sflag:s0] =	ssyncadd.s32 @!p0 s1  }
0x54: {  	[bflag:$0x3] =	sbarrier.arrive $0xFFFF  }
0x55: {  	_ =	shalt  }

// kernel: sparse-core-data-format-call.cloned.1.call-start
scs
called_computation_lowered:
.L_overlay_start_0:
0x0: {  	s2 =	sld [smem:$0x3FD9]  }
0x1: {  	s3 =	sld [smem:$0x3FFE];
	_ =	sdelay $0x1  }
0x2: {  	s1 =	srdreg.scid  }
0x3: {  	s0 =	sand.u32 $0x1, s1  }
0x4: {  	s18 =	sshll.u32 s0, $0xA;
	s2 =	sadd.s32 s3, s2  }
0x5: {  	s2 =	sadd.s32 s2, s18  }
0x6: {  	[smem:$0x3FC6] =	sst s2  }
0x7: {  	_ = 	snop  }
0x8: {  	s2 =	sld [smem:$0x3FD0];
	(tm) =	ssettm $0x1  }
0x9: {  	s19 =	sld [smem:$0x3FFB];
	_ =	sdelay $0x3  }
0xa: {  	_ =	strace s19  }
0xb: {  	s3 =	sld [smem:$0x3FFC];
	_ =	sdelay $0x3  }
0xc: {  	_ =	strace s3  }
0xd: {  	s3 =	sld [smem:$0x3FFD];
	_ =	sdelay $0x3  }
0xe: {  	_ =	strace s3  }
0xf: {  	_ =	strace $0x8FFFFFFF  }
0x10: {  	s20 =	sld [smem:$0x3FDB];
	_ =	sdelay $0x1  }
0x11: {  	s4 =	simm.s32 $_scs_section_size  }
0x12: {  	s5 =	simm.s32 $_size__tile_overlayer_lowered;
	s6 =	simm.s32 $_tile_overlayer_lowered  }
0x13: {  	s23 =	simm.s32 $0x1BFF;
	s22 =	sshll.u32 s6, $0x1;
	s3 =	sadd.s32 s4, s20  }
0x14: {  	s7 =	simm.s32 $0x0;
	s21 =	sshll.u32 s5, $0x1;
	s5 =	sadd.s32 s22, s3  }
0x15: {  	[timem:s7], [sflag:s23] =	dma.local [hbm:s5], s21  }
0x16: {  	_ =	swait.ge [sflag:s23], s21  }
0x17: {  	s4 =	ssub.s32 $0x0, s21;
	[sflag:s23] =	ssyncset.done $0x0  }
0x18: {  	[sflag:s23] =	ssyncadd.s32 s4;
	_ =	sdelay $0x1  }
0x19: {  	s24 =	simm.s32 $0x1B8B  }
0x1a: {  	_ =	swait.ge [sflag:s24], $0x1  }
0x1b: {  	[sflag:s24] =	ssyncset.done $0x0  }
0x1c: {  	s26 =	simm.s32 $0x1B8E;
	s25 =	sld [smem:$0x3FFE];
	[sflag:s24] =	ssyncadd.s32 $0xFFFFFFFF  }
0x1d: {  	s27 =	simm.s32 $execute0_lowered;
	[smem:$0x3FD2] =	sst s26  }
0x1e: {  	s5 =	sshll.u32 s27, $0x1;
	_ =	strace $0x8000004C;
	[dreg:$0x1] =	wrdreg $0xFFFFFFFF  }
0x1f: {  	s28 =	simm.s32 $_size_execute0_lowered;
	s3 =	sadd.s32 s3, s5;
	[dreg:$0x0] =	wrdreg $0x0  }
0x20: {  	s5 =	sshll.u32 s28, $0x1;
	[dreg:$0x2] =	wrdreg s3  }
0x21: {  	[dreg:$0x3] =	wrdreg s5  }
0x22: {  	[dreg:$0x4] =	wrdreg $0xC0  }
0x23: {  	_ =	task [dreg:s7], $0x5FFFF  }
0x24: {  	[dreg:$0x1] =	wrdreg $0xFFFFFFFF  }
0x25: {  	[dreg:$0x0] =	wrdreg $0x60  }
0x26: {  	[dreg:$0x2] =	wrdreg s25  }
0x27: {  	[dreg:$0x3] =	wrdreg s2  }
0x28: {  	[dreg:$0x4] =	wrdreg $0x9  }
0x29: {  	_ =	task.clear_ibuf [dreg:s7], $0x5FFFF;
	_ =	strace $0x9000004C  }
0x2a: {  	s29 =	simm.s32 $0x9;
	_ =	strace $0x8000004E  }
0x2b: {  	_ =	swait.ge [sflag:s29], $0x1  }
0x2c: {  	[sflag:s29] =	ssyncadd.s32 $0xFFFFFFFF  }
0x2d: {  	_ =	strace $0x9000004E  }
0x2e: {  	_ =	sfence  }
0x2f: {  	s30 =	sld [smem:$0x0];
	_ =	sdelay $0x2  }
0x30: {  	s31 =	sshll.u32 s1, $0xD;
	s1 =	sshrl.u32 s1, $0x2  }
0x31: {  	s3 =	sand.u32 $0x4000, s31;
	s1 =	sadd.s32 s1, s30  }
0x32: {  	s0 =	sor.u32 s3, s0;
	s1 =	sshll.u32 s1, $0x11  }
0x33: {  	s0 =	sor.u32 s1, s0  }
0x34: {  	s0 =	sadd.s32 $0x8F2B, s0  }
0x35: {  	[sflag:s0] =	ssyncadd.remote.s32 $0x1  }
0x36: {  	_ =	sfence.sel $0xFFFF  }
0x37: {  	[dreg:$0x0] =	wrdreg $0xFFFFFFFF;
	(pc) =	sbr.abs _section_cstart, $3  }
0x38: {  	[dreg:$0x1] =	wrdreg $0xFFFFFFFF  }
0x39: {  	_ =	task.clear_ibuf [dreg:s7], $0x2FFFF;
	_ =	strace $0x9FFFFFFF  }
0x3a: {  	(tm) =	ssettm $0x7FFFFFFF  }
0x3b: {  	_ =	shalt  }
tec
execute0_lowered:
.L_overlay_start_1:
0x0: {  	(tag) =	ssettag $0x1  }
0x1: {  	s0 =	srdreg.scid  }
0x2: {  	s1 =	sshll.u32 s0, $0x4  }
0x3: {  	s0 =	stileid.u32;
	s1 =	sand.u32 $0x10, s1  }
0x4: {  	s1 =	sor.u32 s0, s1  }
0x5: {  	s6 =	rddreg [dreg:$0x0];
	s4 =	simm.s32 $0x1;
	s2 =	sshll.u32 s1, $0x7  }
0x6: {  	s7 =	simm.s32 $0x2;
	s12 =	simm.s32 $0x0;
	s1 =	ssub.s32 $0x4000, s2  }
0x7: {  	s8 =	simm.s32 $0x20000;
	s13 =	simm.s32 $0x0;
	s3 =	sand.u32 $0xF80, s1  }
0x8: {  	s9 =	simm.s32 $0x0;
	s5 =	sshrl.u32 s1, $0xC;
	p0 =	sne.s32 s3, $0x0  }
.Ltmp0:
0x9: {  	s1 =	rddreg [dreg:$0x2];
	s4 =	simm.s32 @!p0 $0x0;
	(pc) =	sbr.rel .LBB1_1-.Ltmp0, $4  }
0xa: {  	s11 =	simm.s32 $0x0;
	s3 =	rddreg [dreg:$0x1];
	s5 =	sadd.s32 s4, s5  }
0xb: {  	_ =	strace $0x8000004D;
	s4 =	simm.s32 $0x1;
	s5 =	smul.u32 $0x32, s5  }
0xc: {  	s6 =	sadd.s32 $0x7A2200, s6;
	s10 =	smov.u32 s2;
	[sflag:s4] =	ssyncpa.u1 $0x0  }
0xd: {  	p0 =	por $0x0, $0x0;
	[sflag:s7] =	ssyncpa.u1 $0x0;
	s7 =	sor.u32 $0x1, s5  }
.LBB1_4:
0xe: {  	s16 =	sshll.u32 s13, $0x3;
	s17 =	sand.u32 $0x78, s13  }
0xf: {  	s30 =	sand.u32 $0x1F800, s13;
	s12 =	sshll.u32 s12, $0x11;
	s16 =	sand.u32 $0x3C00, s16  }
0x10: {  	[tilespmem:s15+$0x810 ss:$0x81] =	vst.msk $0xffff, v2;
	s31 =	sand.u32 $0x7, s13;
	s16 =	sor.u32 s17, s16;
	s17 =	sadd.s32 s3, s30  }
0x11: {  	[tilespmem:s15+$0x1020 ss:$0x81] =	vst.msk $0xffff, v0;
	s13 =	sshll.u32 s31, $0x12;
	s12 =	sadd.s32 s12, s17;
	s16 =	sshrl.u32 s16, $0x3  }
0x12: {  	[tilespmem:s15+$0x0 ss:$0x81] =	vst.msk $0xffff, v1;
	s13 =	sor.u32 $0x400, s13;
	s12 =	sadd.s32 s16, s12  }
0x13: {  	[hbm4b:s12+s13] =	stream.strided.scatter [tilespmem:s14], [sflag:$0x2], $0x2000, s8, s13, $0x20;
	[tilespmem:$0x8080] =	vst v63  }
.LBB1_5:
0x14: {  	s14 =	sadd.s32 $0x1, s9  }
0x15: {  	s12 =	sadd.s32 $0x1000, s10;
	s16 =	smov.u32 s10;
	p2 =	sgt.s32 s14, $0x31  }
0x16: {  	s16 =	smov.u32 @p2 s12  }
0x17: {  	s14 =	simm.s32 @p2 $0x0;
	p2 =	sgt.s32 s16, $0x3FFF  }
0x18: {  	s16 =	smov.u32 @p2 s2;
	p2 =	sne.s32 s11, s7  }
.Ltmp1:
0x19: {  	p1 =	slt.u32 s11, $0x2;
	(pc) =	sbr.rel @!p2 .LBB1_6-.Ltmp1, $4  }
0x1a: {  	s15 =	simm.s32 @!p1 $0x2  }
0x1b: {  	s13 =	smov.u32 s10;
	p0 =	por !p0, !p0;
	_ =	swait.ge @!p1 [sflag:s15], $0x2000  }
0x1c: {  	s12 =	smov.u32 s9;
	[sflag:s15] =	ssyncset.done @!p1 $0x0;
	s9 =	smov.u32 s14  }
0x1d: {  	s11 =	sadd.s32 $0x1, s11;
	[sflag:s15] =	ssyncadd.s32 @!p1 $0xFFFFE000;
	s10 =	smov.u32 s16  }
.LBB1_1:
0x1e: {  	p1 =	sge.u32 s11, s5  }
0x1f: {  	s14 =	sand.u32 @!p1 $0x1FFFFFF, s9  }
0x20: {  	s15 =	smulhi.u32 @!p1 $0x4924925, s14;
	_ =	sdelay $0x1  }
0x21: {  	s15 =	smul.u32 @!p1 $0x38, s15  }
0x22: {  	s16 =	sxor.u32 @!p1 $0xFFFFFFFF, s11;
	s17 =	smul.u32 @!p1 $0x380, s10  }
0x23: {  	s31 =	sadd.s32 $0xFFFFFFFF, s11;
	s16 =	sshll.u32 @!p1 s16, $0xD;
	s14 =	ssub.s32 @!p1 s14, s15  }
0x24: {  	s15 =	sand.u32 @!p1 $0x2000, s16;
	s16 =	sadd.s32 @!p1 s6, s17;
	s14 =	sshll.u32 @!p1 s14, $0x4  }
0x25: {  	s17 =	simm.s32 @!p1 $0x1C00;
	s14 =	sadd.s32 @!p1 s14, s16;
	s16 =	simm.s32 @!p1 $0x40  }
0x26: {  	[tilespmem:s15], [sflag:$0x1] =	stream.strided.gather @!p1 [hbm4b:s14+s16], $0x2000, s17, s16, $0x38;
	[tilespmem:$0x8080] =	vst v63  }
0x27: {  	p1 =	sge.u32 s31, s5  }
.Ltmp2:
0x28: {  	_ = 	snop;
	(pc) =	sbr.rel @p1 .LBB1_5-.Ltmp2, $1  }
0x29: {  	_ =	sdelay $0x3  }
0x2a: {  	s14 =	simm.s32 $0x1  }
0x2b: {  	_ =	swait.ge [sflag:s4], $0x2000;
	s14 =	simm.s32 @!p0 $0x0  }
0x2c: {  	[sflag:s4] =	ssyncset.done $0x0;
	s15 =	sshll.u32 s14, $0xD  }
0x2d: {  	[sflag:s4] =	ssyncadd.s32 $0xFFFFE000;
	s18 =	sor.u32 $0x20, s15  }
0x2e: {  	s14 =	smul.u32 $0x8100, s14;
	v3 =	vld [tilespmem:s18+$0x10]  }
0x2f: {  	s30 =	sand.u32 $0x1, s11;
	v2 =	vld [tilespmem:s18+$0xFFFFFFF0]  }
0x30: {  	s15 =	smul.u32 $0x8100, s30;
	s14 =	sshrl.u32 s14, $0x2;
	v0 =	vld [tilespmem:s18+$0x0]  }
0x31: {  	v1 =	vld [tilespmem:s18+$0xFFFFFFE0];
	s16 =	sor.u32 $0x4000, s14  }
0x32: {  	s31 =	sshrl.u32 s15, $0x2;
	s15 =	sadd.s32 $0x0, s16  }
0x33: {  	s17 =	simm.s32 $0x4;
	s18 =	sadd.s32 $0x40, s18;
	s14 =	sor.u32 $0x4000, s31;
	[tilespmem:s15+$0x1830 ss:$0x81] =	vst.msk $0xffff, v3  }
.LBB1_3:
0x34: {  	v3 =	vld [tilespmem:s18+$0x10];
	p1 =	sne.s32 s17, $0x1FC;
	[tilespmem:s15+$0x810 ss:$0x81] =	vst.msk $0xffff, v2;
	s19 =	smov.u32 s17;
	s17 =	sadd.s32 $0x4, s17  }
.Ltmp3:
0x35: {  	v2 =	vld [tilespmem:s18+$0xFFFFFFF0];
	[tilespmem:s15+$0x1020 ss:$0x81] =	vst.msk $0xffff, v0;
	(pc) =	sbr.rel @p1 .LBB1_3-.Ltmp3, $4  }
0x36: {  	v0 =	vld [tilespmem:s18+$0x0];
	[tilespmem:s15+$0x0 ss:$0x81] =	vst.msk $0xffff, v1  }
0x37: {  	s15 =	sshra.s32 s19, $0x2;
	v1 =	vld [tilespmem:s18+$0xFFFFFFE0]  }
0x38: {  	s15 =	sadd.s32 s15, s16  }
0x39: {  	s18 =	sadd.s32 $0x40, s18;
	[tilespmem:s15+$0x1830 ss:$0x81] =	vst.msk $0xffff, v3  }
.Ltmp4:
0x3a: {  	_ = 	snop;
	(pc) =	sbr.rel .LBB1_4-.Ltmp4, $1  }
0x3b: {  	_ =	sdelay $0x3  }
.LBB1_6:
0x3c: {  	_ =	sfence.sel $0x180000  }
0x3d: {  	s2 =	simm.s32 $0x1;
	[bflag:$0x0] =	sbarrier.arrive $0xFFFF  }
0x3e: {  	s31 =	simm.s32 $0x2;
	[sflag:s2] =	ssyncpa.u1 $0x1  }
0x3f: {  	[sflag:s31] =	ssyncpa.u1 $0x1  }
0x40: {  	p0 =	sne.s32 s0, $0x0;
	_ =	strace $0x9000004D  }
0x41: {  	s0 =	sadd.s32 @!p0 $0x100000, s1;
	[bflag:$0x2] =	sbarrier.arrive $0xFFFF  }
0x42: {  	[sflag:s0] =	ssyncadd.tile.s32 @!p0 $0x1;
	_ =	shalt  }
.Lfunc_end1:
_tile_overlayer_lowered:
.L_overlay_start_2:
0x43: {  	(tag) =	ssettag $0x2  }
0x44: {  	s0 =	rddreg [dreg:$0x0];
	s2 =	stileid.u32  }
0x45: {  	s1 =	rddreg [dreg:$0x1];
	p0 =	sne.s32 s2, $0x0  }
0x46: {  	s3 =	rddreg [dreg:$0x2];
	[bflag:$0x3] =	sbarrier.arrive $0xFFFF;
	s2 =	simm.s32 @!p0 $0x1C01  }
0x47: {  	[timem:s3], [sflag:s2] =	dma.local @!p0 [hbm:s0], s1  }
0x48: {  	s0 =	simm.s32 @!p0 $0x1  }
0x49: {  	_ =	swait.ge @!p0 [sflag:s0], s1  }
0x4a: {  	s1 =	ssub.s32 @!p0 $0x0, s1;
	[sflag:s0] =	ssyncset.done @!p0 $0x0  }
0x4b: {  	[sflag:s0] =	ssyncadd.s32 @!p0 s1  }
0x4c: {  	[bflag:$0x3] =	sbarrier.arrive $0xFFFF  }
0x4d: {  	_ =	shalt  }

</sc_bundles>
